<compile_context>
chip_gen: v7x
topology: tpu7x:2x2x1
jax: 0.10.2.dev20260603
libtpu: 0.0.44.dev20260713+nightly
codegen_flags: <defaults>
</compile_context>

<pallas_src>
import functools

import jax
import jax.numpy as jnp
from jax import lax
from jax.experimental import pallas as pl
from jax.experimental.pallas import tpu as pltpu
from jax.experimental.pallas import tpu_sc as plsc

N = 10000
E = 320000
D = 128
NACC = 10240
NCORES = 2
NSUB = 16
CHUNK = 128
CHUNKS = 80
EPAD = NCORES * NSUB * CHUNKS * CHUNK
DW = 128
IBLK = 16
CH0 = 80
CH1 = 80
CHMAX = max(CH0, CH1)
ROWS_PER_TILE = NACC // NSUB

_mesh = plsc.VectorSubcoreMesh(core_axis_name="c", subcore_axis_name="s",
                               num_cores=NCORES, num_subcores=NSUB)


@functools.partial(
    pl.kernel,
    out_type=jax.ShapeDtypeStruct((NCORES, NACC, DW), jnp.float32),
    mesh=_mesh,
    scratch_types=[
        pltpu.VMEM((CHUNKS, CHUNK), jnp.int32),
        pltpu.VMEM((CHUNK, DW), jnp.float32),
        pltpu.VMEM_SHARED((NACC, DW), jnp.float32),
        pltpu.SemaphoreType.DMA,
    ],
)
def _deg_kernel(dst_hbm, ones_hbm, zeros_hbm, out_hbm, dst_v, ones_v, acc_sh, sem):
    c = lax.axis_index("c")
    s = lax.axis_index("s")
    pltpu.sync_copy(zeros_hbm.at[pl.ds(s * ROWS_PER_TILE, ROWS_PER_TILE)],
                    acc_sh.at[pl.ds(s * ROWS_PER_TILE, ROWS_PER_TILE)])
    pltpu.sync_copy(dst_hbm.at[c, s], dst_v)
    pltpu.sync_copy(ones_hbm, ones_v)
    plsc.subcore_barrier()

    def body(ch, carry):
        pltpu.sync_copy(ones_v, acc_sh.at[dst_v.at[ch]], add=True)
        return carry

    lax.fori_loop(0, CHUNKS, body, 0)
    plsc.subcore_barrier()
    pltpu.sync_copy(acc_sh.at[pl.ds(s * ROWS_PER_TILE, ROWS_PER_TILE)],
                    out_hbm.at[c, pl.ds(s * ROWS_PER_TILE, ROWS_PER_TILE)])


@functools.partial(
    pl.kernel,
    out_type=jax.ShapeDtypeStruct((NCORES, NACC, D), jnp.float32),
    mesh=_mesh,
    scratch_types=[
        pltpu.VMEM((IBLK, CHUNK), jnp.int32),
        pltpu.VMEM((IBLK, CHUNK), jnp.int32),
        pltpu.VMEM((2, CHUNK, D), jnp.float32),
        pltpu.VMEM_SHARED((NACC, D), jnp.float32),
        pltpu.SemaphoreType.DMA,
        pltpu.SemaphoreType.DMA,
        pltpu.SemaphoreType.DMA,
    ],
)
def _prop_kernel(b_hbm, src_hbm, dst_hbm, zeros_hbm, out_hbm,
                 src_v, dst_v, rows_v, acc_sh, gsem, ssem0, ssem1):
    c = lax.axis_index("c")
    s = lax.axis_index("s")
    ssems = (ssem0, ssem1)
    pltpu.sync_copy(zeros_hbm.at[pl.ds(s * ROWS_PER_TILE, ROWS_PER_TILE)],
                    acc_sh.at[pl.ds(s * ROWS_PER_TILE, ROWS_PER_TILE)])
    plsc.subcore_barrier()

    def block(k, carry):
        pltpu.sync_copy(src_hbm.at[c, s, pl.ds(k * IBLK, IBLK)], src_v)
        pltpu.sync_copy(dst_hbm.at[c, s, pl.ds(k * IBLK, IBLK)], dst_v)
        pltpu.async_copy(b_hbm.at[src_v.at[0]], rows_v.at[0], gsem)

        def body(i, carry2):
            for p in (0, 1):
                j = 2 * i + p
                pltpu.make_async_copy(b_hbm.at[src_v.at[j]], rows_v.at[p],
                                      gsem).wait()

                @pl.when(j > 0)
                def _():
                    jm = jnp.maximum(j - 1, 0)
                    pltpu.make_async_copy(rows_v.at[1 - p],
                                          acc_sh.at[dst_v.at[jm]],
                                          ssems[1 - p]).wait()

                @pl.when(j + 1 < IBLK)
                def _():
                    pltpu.async_copy(b_hbm.at[src_v.at[j + 1]],
                                     rows_v.at[1 - p], gsem)

                pltpu.async_copy(rows_v.at[p], acc_sh.at[dst_v.at[j]],
                                 ssems[p], add=True)
            return carry2

        lax.fori_loop(0, IBLK // 2, body, 0)
        pltpu.make_async_copy(rows_v.at[1], acc_sh.at[dst_v.at[IBLK - 1]],
                              ssems[1]).wait()
        return carry

    nblocks = jnp.where(c == 0, CH0 // IBLK, CH1 // IBLK)
    lax.fori_loop(0, nblocks, block, 0)
    plsc.subcore_barrier()
    pltpu.sync_copy(acc_sh.at[pl.ds(s * ROWS_PER_TILE, ROWS_PER_TILE)],
                    out_hbm.at[c, pl.ds(s * ROWS_PER_TILE, ROWS_PER_TILE)])


_BR = 1024


def _prep_body(degp_ref, x_ref, bnorm_ref, bnorm2_ref, b0_ref):
    d = degp_ref[0, :, 0] + degp_ref[1, :, 0]
    d = jnp.maximum(d, 1.0)
    norm = lax.rsqrt(d)[:, None]
    bnorm_ref[...] = jnp.broadcast_to(norm, bnorm_ref.shape)
    bnorm2_ref[...] = jnp.broadcast_to((1.0 / d)[:, None], bnorm2_ref.shape)
    b0_ref[...] = x_ref[...] * norm


def _prep(degp, x_pad):
    grid = (NACC // _BR,)
    return pl.pallas_call(
        _prep_body,
        grid=grid,
        in_specs=[
            pl.BlockSpec((NCORES, _BR, DW), lambda i: (0, i, 0)),
            pl.BlockSpec((_BR, D), lambda i: (i, 0)),
        ],
        out_specs=[
            pl.BlockSpec((_BR, D), lambda i: (i, 0)),
            pl.BlockSpec((_BR, D), lambda i: (i, 0)),
            pl.BlockSpec((_BR, D), lambda i: (i, 0)),
        ],
        out_shape=[
            jax.ShapeDtypeStruct((NACC, D), jnp.float32),
            jax.ShapeDtypeStruct((NACC, D), jnp.float32),
            jax.ShapeDtypeStruct((NACC, D), jnp.float32),
        ],
    )(degp, x_pad)


def _combine_body(p_ref, bnorm_ref, bnorm2_ref, g_ref, bnext_ref):
    ssum = p_ref[0] + p_ref[1]
    g_ref[...] = ssum * bnorm_ref[...]
    bnext_ref[...] = ssum * bnorm2_ref[...]


def _combine(partials, bnorm, bnorm2):
    grid = (NACC // _BR,)
    return pl.pallas_call(
        _combine_body,
        grid=grid,
        in_specs=[
            pl.BlockSpec((NCORES, _BR, D), lambda i: (0, i, 0)),
            pl.BlockSpec((_BR, D), lambda i: (i, 0)),
            pl.BlockSpec((_BR, D), lambda i: (i, 0)),
        ],
        out_specs=[
            pl.BlockSpec((_BR, D), lambda i: (i, 0)),
            pl.BlockSpec((_BR, D), lambda i: (i, 0)),
        ],
        out_shape=[
            jax.ShapeDtypeStruct((NACC, D), jnp.float32),
            jax.ShapeDtypeStruct((NACC, D), jnp.float32),
        ],
    )(partials, bnorm, bnorm2)


_MR = 128


def _fpart_body(g_ref, w_ref, b_ref, wfc_ref, f_ref):
    o = jnp.dot(g_ref[...], w_ref[...],
                preferred_element_type=jnp.float32,
                precision=lax.Precision.DEFAULT) + b_ref[...]
    f_ref[...] = jnp.dot(o, wfc_ref[...],
                         preferred_element_type=jnp.float32,
                         precision=lax.Precision.DEFAULT)


def _fpart(g, W, b, Wfc_k):
    grid = (NACC // _BR,)
    full = lambda shape: pl.BlockSpec(shape, lambda i: tuple(0 for _ in shape))
    return pl.pallas_call(
        _fpart_body,
        grid=grid,
        in_specs=[
            pl.BlockSpec((_BR, D), lambda i: (i, 0)),
            full((D, D)), full((1, D)), full((D, D)),
        ],
        out_specs=pl.BlockSpec((_BR, D), lambda i: (i, 0)),
        out_shape=jax.ShapeDtypeStruct((NACC, D), jnp.float32),
    )(g, W, b.reshape(1, D), Wfc_k)


def _fsum_body(f0_ref, f1_ref, f2_ref, bfc_ref, f_ref, s1_ref, s2_ref):
    i = pl.program_id(0)
    acc = f0_ref[...] + f1_ref[...] + f2_ref[...] + bfc_ref[...]
    f_ref[...] = acc
    rows = i * _BR + lax.broadcasted_iota(jnp.int32, (_BR, D), 0)
    masked = jnp.where(rows < N, acc, 0.0)

    @pl.when(i == 0)
    def _():
        s1_ref[...] = jnp.zeros_like(s1_ref)
        s2_ref[...] = jnp.zeros_like(s2_ref)

    s1_ref[...] += jnp.sum(masked, axis=0, keepdims=True)
    s2_ref[...] += jnp.sum(masked * masked, axis=0, keepdims=True)


def _fsum(f0, f1, f2, bfc):
    grid = (NACC // _BR,)
    full = lambda shape: pl.BlockSpec(shape, lambda i: tuple(0 for _ in shape))
    return pl.pallas_call(
        _fsum_body,
        grid=grid,
        in_specs=[
            pl.BlockSpec((_BR, D), lambda i: (i, 0)),
            pl.BlockSpec((_BR, D), lambda i: (i, 0)),
            pl.BlockSpec((_BR, D), lambda i: (i, 0)),
            full((1, D)),
        ],
        out_specs=[
            pl.BlockSpec((_BR, D), lambda i: (i, 0)),
            pl.BlockSpec((1, D), lambda i: (0, 0)),
            pl.BlockSpec((1, D), lambda i: (0, 0)),
        ],
        out_shape=[
            jax.ShapeDtypeStruct((NACC, D), jnp.float32),
            jax.ShapeDtypeStruct((1, D), jnp.float32),
            jax.ShapeDtypeStruct((1, D), jnp.float32),
        ],
    )(f0, f1, f2, bfc.reshape(1, D))


def _bn_body(f_ref, s1_ref, s2_ref, gamma_ref, beta_ref, qb_ref, out_ref):
    inv_n = 1.0 / N
    mean = s1_ref[...] * inv_n
    var = s2_ref[...] * inv_n - mean * mean
    inv = lax.rsqrt(var + 1e-5)
    y = (f_ref[...] - mean) * inv * gamma_ref[...] + beta_ref[...]
    z = y * qb_ref[...]
    out_ref[...] = z[:, :D // 2] + z[:, D // 2:]


def _bn(final, s1, s2, gamma, beta, qb):
    grid = (NACC // _MR,)
    full = lambda shape: pl.BlockSpec(shape, lambda i: tuple(0 for _ in shape))
    return pl.pallas_call(
        _bn_body,
        grid=grid,
        in_specs=[
            pl.BlockSpec((_MR, D), lambda i: (i, 0)),
            full((1, D)), full((1, D)), full((1, D)), full((1, D)), full((1, D)),
        ],
        out_specs=pl.BlockSpec((_MR, D // 2), lambda i: (i, 0)),
        out_shape=jax.ShapeDtypeStruct((NACC, D // 2), jnp.float32),
    )(final, s1, s2, gamma, beta, qb)


def kernel(x, edge_index, W0, b0, W1, b1, W2, b2, Wfc, bfc, gamma, beta, q):
    src = edge_index[0]
    dst = edge_index[1]
    pad = EPAD - E
    pad_vals = (N + (jnp.arange(pad, dtype=jnp.int32) % (NACC - N)))
    ecat_src = jnp.concatenate([src, pad_vals])
    dst_pad_vals = pad_vals
    ecat_dst = jnp.concatenate([dst, dst_pad_vals])
    dst_p = ecat_dst.reshape(NCORES, NSUB, CHUNKS, CHUNK)

    n0 = NSUB * CH0 * CHUNK

    def _slab(e):
        s0 = e[:n0].reshape(NSUB, CH0, CHUNK)
        s1 = e[n0:].reshape(NSUB, CH1, CHUNK)
        if CH0 < CHMAX:
            s0 = jnp.concatenate(
                [s0, jnp.full((NSUB, CHMAX - CH0, CHUNK), N, jnp.int32)], axis=1)
        if CH1 < CHMAX:
            s1 = jnp.concatenate(
                [s1, jnp.full((NSUB, CHMAX - CH1, CHUNK), N, jnp.int32)], axis=1)
        return jnp.stack([s0, s1])

    src_a = _slab(ecat_src)
    dst_a = _slab(ecat_dst)

    x_pad = jnp.pad(x, ((0, NACC - N), (0, 0)))
    ones_dw = jnp.ones((CHUNK, DW), jnp.float32)
    zeros_dw = jnp.zeros((NACC, DW), jnp.float32)
    zeros_d = jnp.zeros((NACC, D), jnp.float32)

    degp = _deg_kernel(dst_p, ones_dw, zeros_dw)
    bnorm, bnorm2, b0_feats = _prep(degp, x_pad)

    p0 = _prop_kernel(b0_feats, src_a, dst_a, zeros_d)
    g0, b1_feats = _combine(p0, bnorm, bnorm2)
    f0 = _fpart(g0, W0, b0, Wfc[0 * D:1 * D])
    p1 = _prop_kernel(b1_feats, src_a, dst_a, zeros_d)
    g1, b2_feats = _combine(p1, bnorm, bnorm2)
    f1 = _fpart(g1, W1, b1, Wfc[1 * D:2 * D])
    p2 = _prop_kernel(b2_feats, src_a, dst_a, zeros_d)
    g2, _ = _combine(p2, bnorm, bnorm2)
    f2 = _fpart(g2, W2, b2, Wfc[2 * D:3 * D])

    final, s1, s2 = _fsum(f0, f1, f2, bfc)

    qb = jnp.concatenate([jnp.full((D // 2,), q[0], jnp.float32),
                          jnp.full((D // 2,), q[1], jnp.float32)]).reshape(1, D)
    out_pad = _bn(final, s1, s2, gamma.reshape(1, D), beta.reshape(1, D), qb)
    return out_pad[:N]

# --- scband reference (transcript-rebuilt; emitter-appended) ---
"""Pipeline reference for scband-mix-hop-gcn-15221364097510 (READ-ONLY COPY).

The authoritative reference and input builder live on the scoring server;
editing this copy changes nothing except your own understanding.
"""

import jax, jax.numpy as jnp
import numpy as np

N = 10000
E = 320000
IN_DIM = 128
HID_DIM = 128
OUT_DIM = 64
P = [0, 1, 2]


def _lin_init(k, fan_in, fan_out):
    bound = 1.0 / np.sqrt(fan_in)
    kw, kb = jax.random.split(k)
    W = jax.random.uniform(kw, (fan_in, fan_out), minval=-bound, maxval=bound, dtype=jnp.float32)
    b = jax.random.uniform(kb, (fan_out,), minval=-bound, maxval=bound, dtype=jnp.float32)
    return W, b


def setup_inputs(seed: int = 0) -> dict:
    key = jax.random.key(seed)
    ks = jax.random.split(key, 8)
    x = jax.random.normal(ks[0], (N, IN_DIM), dtype=jnp.float32)
    edge_index = jax.random.randint(ks[1], (2, E), 0, N, dtype=jnp.int32)
    W0, b0 = _lin_init(ks[2], IN_DIM, HID_DIM)
    W1, b1 = _lin_init(ks[3], IN_DIM, HID_DIM)
    W2, b2 = _lin_init(ks[4], IN_DIM, HID_DIM)
    Wfc, bfc = _lin_init(ks[5], HID_DIM * len(P), HID_DIM)
    gamma = jnp.ones((HID_DIM,), dtype=jnp.float32)
    beta = jnp.zeros((HID_DIM,), dtype=jnp.float32)
    q = jax.random.uniform(ks[6], (HID_DIM // OUT_DIM,), dtype=jnp.float32)
    return {"x": x, "edge_index": edge_index, "W0": W0, "b0": b0, "W1": W1, "b1": b1,
            "W2": W2, "b2": b2, "Wfc": Wfc, "bfc": bfc, "gamma": gamma, "beta": beta, "q": q}


def _mixhop_layer(x, edge_index, Ws, bs, Wfc, bfc, gamma, beta):
    src = edge_index[0]
    dst = edge_index[1]
    n = x.shape[0]
    # in-degrees, clamped at 1 (graph.in_degrees().clamp(min=1))
    degs = jnp.clip(jax.ops.segment_sum(jnp.ones((dst.shape[0],), dtype=jnp.float32), dst, num_segments=n), 1.0, None)
    norm = (degs ** -0.5)[:, None]
    feats = x
    outputs = []
    for j in range(max(P) + 1):
        feats = feats * norm
        # update_all(copy_u, sum): scatter-add messages from src to dst
        feats = jax.ops.segment_sum(feats[src], dst, num_segments=n)
        feats = feats * norm
        if j in P:
            outputs.append(feats @ Ws[j] + bs[j])  # activation is None
    h = jnp.concatenate(outputs, axis=1)
    final = h @ Wfc + bfc
    # BatchNorm1d in training mode (biased variance, eps=1e-5)
    mean = jnp.mean(final, axis=0)
    var = jnp.var(final, axis=0)
    final = (final - mean) / jnp.sqrt(var + 1e-5) * gamma + beta
    # dropout=0.0 -> identity
    return final


def reference(x, edge_index, W0, b0, W1, b1, W2, b2, Wfc, bfc, gamma, beta, q):
    feats = _mixhop_layer(x, edge_index, [W0, W1, W2], [b0, b1, b2], Wfc, bfc, gamma, beta)
    n_segs = HID_DIM // OUT_DIM
    out = jnp.zeros((x.shape[0], OUT_DIM), dtype=feats.dtype)
    for k in range(n_segs):
        out = feats[:, k * OUT_DIM:(k + 1) * OUT_DIM] * q[k] + out
    return out

if __name__ == "__main__":
    import jax
    _d = setup_inputs()
    print(jax.jit(kernel)(*tuple(_d.values())))

</pallas_src>

<mosaic_0001>
#map = affine_map<(d0, d1) -> (0, 0, 0, 0)>
#map1 = affine_map<(d0, d1) -> (0, 0)>
#map2 = affine_map<(d0, d1) -> (0, 0, 0)>
module attributes {stable_mosaic.version = 14 : i64} {
  func.func @_deg_kernel(%arg0: i32, %arg1: i32, %arg2: memref<2x16x80x128xi32, #tpu.memory_space<hbm>>, %arg3: memref<128x128xf32, #tpu.memory_space<hbm>>, %arg4: memref<10240x128xf32, #tpu.memory_space<hbm>>, %arg5: memref<2x10240x128xf32, #tpu.memory_space<hbm>>, %arg6: memref<80x128xi32, #tpu.memory_space<vmem>>, %arg7: memref<128x128xf32, #tpu.memory_space<vmem>>, %arg8: memref<10240x128xf32, #tpu.memory_space<vmem_shared>>, %arg9: memref<!tpu.dma_semaphore, #tpu.memory_space<semaphore_mem>>) attributes {dimension_semantics = [#tpu.dimension_semantics<core_parallel>, #tpu.dimension_semantics<subcore_parallel>], iteration_bounds = array<i64: 2, 16>, scalar_prefetch = 0 : i64, scratch_operands = 4 : i64, tpu.core_type = #tpu.core_type<sc_vector_subcore>, window_params = [{transform_indices = #map}, {transform_indices = #map1}, {transform_indices = #map1}, {transform_indices = #map2}]} {
    %mul3A = arith.constant 640 : i32
    %mul3A_0 = arith.muli %arg1, %mul3A : i32
    %mul3A_1 = arith.constant 640 : i32
    %mul3A_2 = arith.muli %arg1, %mul3A_1 : i32
    "tpu.region"() ({
      %run_scoped3A = tpu.sem_alloc : memref<!tpu.dma_semaphore, #tpu.memory_space<semaphore_mem>>
      %dma_start3A = arith.constant 0 : i32
      %dma_start3A_13 = tpu.memref_slice %arg8[%mul3A_2, %dma_start3A] : memref<10240x128xf32, #tpu.memory_space<vmem_shared>> -> memref<640x128xf32, #tpu.memory_space<vmem_shared>>
      %dma_start3A_14 = arith.constant 0 : i32
      %dma_start3A_15 = tpu.memref_slice %arg4[%mul3A_0, %dma_start3A_14] : memref<10240x128xf32, #tpu.memory_space<hbm>> -> memref<640x128xf32, #tpu.memory_space<hbm>>
      tpu.enqueue_dma source(%dma_start3A_15 : memref<640x128xf32, #tpu.memory_space<hbm>>) target(%dma_start3A_13 : memref<640x128xf32, #tpu.memory_space<vmem_shared>>) target_semaphore(%run_scoped3A : memref<!tpu.dma_semaphore, #tpu.memory_space<semaphore_mem>>)
      %dma_wait3A = arith.constant 0 : i32
      %dma_wait3A_16 = tpu.memref_slice %arg8[%mul3A_2, %dma_wait3A] : memref<10240x128xf32, #tpu.memory_space<vmem_shared>> -> memref<640x128xf32, #tpu.memory_space<vmem_shared>>
      %dma_wait3A_17 = arith.constant 0 : i32
      %dma_wait3A_18 = tpu.memref_slice %arg4[%mul3A_0, %dma_wait3A_17] : memref<10240x128xf32, #tpu.memory_space<hbm>> -> memref<640x128xf32, #tpu.memory_space<hbm>>
      tpu.wait_dma2 semaphore(%run_scoped3A : memref<!tpu.dma_semaphore, #tpu.memory_space<semaphore_mem>>) src(%dma_wait3A_18 : memref<640x128xf32, #tpu.memory_space<hbm>>) dst(%dma_wait3A_16 : memref<640x128xf32, #tpu.memory_space<vmem_shared>>)
      tpu.yield
    }) : () -> ()
    "tpu.region"() ({
      %run_scoped3A = tpu.sem_alloc : memref<!tpu.dma_semaphore, #tpu.memory_space<semaphore_mem>>
      %dma_start3A = arith.constant 0 : i32
      %dma_start3A_13 = arith.constant 0 : i32
      %dma_start3A_14 = tpu.memref_slice %arg2[%arg0, %arg1, %dma_start3A, %dma_start3A_13] : memref<2x16x80x128xi32, #tpu.memory_space<hbm>> -> memref<1x1x80x128xi32, #tpu.memory_space<hbm>>
      %dma_start3A_15 = tpu.memref_squeeze %dma_start3A_14 : memref<1x1x80x128xi32, #tpu.memory_space<hbm>> -> memref<80x128xi32, #tpu.memory_space<hbm>>
      %dma_start3A_16 = arith.constant 0 : i32
      %dma_start3A_17 = arith.constant 0 : i32
      %dma_start3A_18 = tpu.memref_slice %arg2[%arg0, %arg1, %dma_start3A_16, %dma_start3A_17] : memref<2x16x80x128xi32, #tpu.memory_space<hbm>> -> memref<1x1x80x128xi32, #tpu.memory_space<hbm>>
      %dma_start3A_19 = tpu.memref_squeeze %dma_start3A_18 : memref<1x1x80x128xi32, #tpu.memory_space<hbm>> -> memref<80x128xi32, #tpu.memory_space<hbm>>
      tpu.enqueue_dma source(%dma_start3A_19 : memref<80x128xi32, #tpu.memory_space<hbm>>) target(%arg6 : memref<80x128xi32, #tpu.memory_space<vmem>>) target_semaphore(%run_scoped3A : memref<!tpu.dma_semaphore, #tpu.memory_space<semaphore_mem>>)
      %dma_wait3A = arith.constant 0 : i32
      %dma_wait3A_20 = arith.constant 0 : i32
      %dma_wait3A_21 = tpu.memref_slice %arg2[%arg0, %arg1, %dma_wait3A, %dma_wait3A_20] : memref<2x16x80x128xi32, #tpu.memory_space<hbm>> -> memref<1x1x80x128xi32, #tpu.memory_space<hbm>>
      %dma_wait3A_22 = tpu.memref_squeeze %dma_wait3A_21 : memref<1x1x80x128xi32, #tpu.memory_space<hbm>> -> memref<80x128xi32, #tpu.memory_space<hbm>>
      %dma_wait3A_23 = arith.constant 0 : i32
      %dma_wait3A_24 = arith.constant 0 : i32
      %dma_wait3A_25 = tpu.memref_slice %arg2[%arg0, %arg1, %dma_wait3A_23, %dma_wait3A_24] : memref<2x16x80x128xi32, #tpu.memory_space<hbm>> -> memref<1x1x80x128xi32, #tpu.memory_space<hbm>>
      %dma_wait3A_26 = tpu.memref_squeeze %dma_wait3A_25 : memref<1x1x80x128xi32, #tpu.memory_space<hbm>> -> memref<80x128xi32, #tpu.memory_space<hbm>>
      tpu.wait_dma2 semaphore(%run_scoped3A : memref<!tpu.dma_semaphore, #tpu.memory_space<semaphore_mem>>) src(%dma_wait3A_26 : memref<80x128xi32, #tpu.memory_space<hbm>>) dst(%arg6 : memref<80x128xi32, #tpu.memory_space<vmem>>)
      tpu.yield
    }) : () -> ()
    "tpu.region"() ({
      %run_scoped3A = tpu.sem_alloc : memref<!tpu.dma_semaphore, #tpu.memory_space<semaphore_mem>>
      tpu.enqueue_dma source(%arg3 : memref<128x128xf32, #tpu.memory_space<hbm>>) target(%arg7 : memref<128x128xf32, #tpu.memory_space<vmem>>) target_semaphore(%run_scoped3A : memref<!tpu.dma_semaphore, #tpu.memory_space<semaphore_mem>>)
      tpu.wait_dma2 semaphore(%run_scoped3A : memref<!tpu.dma_semaphore, #tpu.memory_space<semaphore_mem>>) src(%arg3 : memref<128x128xf32, #tpu.memory_space<hbm>>) dst(%arg7 : memref<128x128xf32, #tpu.memory_space<vmem>>)
      tpu.yield
    }) : () -> ()
    %barrier3A = arith.constant 0 : index
    tpu.barrier barrier_id(%barrier3A)
    %scan3A = arith.constant 0 : i32
    %scan3A_3 = arith.constant 0 : i32
    %scan3A_4 = arith.constant 80 : i32
    %scan3A_5 = arith.addi %scan3A_3, %scan3A_4 : i32
    %scan3A_6 = arith.constant 1 : i32
    scf.for %scan3A_13 = %scan3A_3 to %scan3A_5 step %scan3A_6  : i32 {
      "tpu.region"() ({
        %run_scoped3A = tpu.sem_alloc : memref<!tpu.dma_semaphore, #tpu.memory_space<semaphore_mem>>
        %dma_start3A = arith.constant 0 : i32
        %dma_start3A_14 = tpu.memref_slice %arg6[%scan3A_13, %dma_start3A] : memref<80x128xi32, #tpu.memory_space<vmem>> -> memref<1x128xi32, #tpu.memory_space<vmem>>
        %dma_start3A_15 = tpu.memref_squeeze %dma_start3A_14 : memref<1x128xi32, #tpu.memory_space<vmem>> -> memref<128xi32, #tpu.memory_space<vmem>>
        %dma_start3A_16 = arith.constant 0 : i32
        %dma_start3A_17 = arith.constant 0 : i32
        %dma_start3A_18 = tpu.memref_slice %arg8[%dma_start3A_16, %dma_start3A_17] : memref<10240x128xf32, #tpu.memory_space<vmem_shared>> -> memref<10240x128xf32, #tpu.memory_space<vmem_shared>>
        tpu.enqueue_indirect_dma source(%arg7 : memref<128x128xf32, #tpu.memory_space<vmem>>) target(%dma_start3A_18 : memref<10240x128xf32, #tpu.memory_space<vmem_shared>>) offsets(%dma_start3A_15 : memref<128xi32, #tpu.memory_space<vmem>>) semaphore(%run_scoped3A : memref<!tpu.dma_semaphore, #tpu.memory_space<semaphore_mem>>) {add = true}
        %dma_wait3A = arith.constant 0 : i32
        %dma_wait3A_19 = tpu.memref_slice %arg6[%scan3A_13, %dma_wait3A] : memref<80x128xi32, #tpu.memory_space<vmem>> -> memref<1x128xi32, #tpu.memory_space<vmem>>
        %dma_wait3A_20 = tpu.memref_squeeze %dma_wait3A_19 : memref<1x128xi32, #tpu.memory_space<vmem>> -> memref<128xi32, #tpu.memory_space<vmem>>
        %dma_wait3A_21 = arith.constant 0 : i32
        %dma_wait3A_22 = arith.constant 0 : i32
        %dma_wait3A_23 = tpu.memref_slice %arg8[%dma_wait3A_21, %dma_wait3A_22] : memref<10240x128xf32, #tpu.memory_space<vmem_shared>> -> memref<10240x128xf32, #tpu.memory_space<vmem_shared>>
        tpu.wait_indirect_dma semaphore(%run_scoped3A : memref<!tpu.dma_semaphore, #tpu.memory_space<semaphore_mem>>) src(%arg7 : memref<128x128xf32, #tpu.memory_space<vmem>>) dst(%dma_wait3A_23 : memref<10240x128xf32, #tpu.memory_space<vmem_shared>>)
        tpu.yield
      }) : () -> ()
    }
    %scan3A_7 = arith.constant 80 : i32
    %barrier3A_8 = arith.constant 0 : index
    tpu.barrier barrier_id(%barrier3A_8)
    %mul3A_9 = arith.constant 640 : i32
    %mul3A_10 = arith.muli %arg1, %mul3A_9 : i32
    %mul3A_11 = arith.constant 640 : i32
    %mul3A_12 = arith.muli %arg1, %mul3A_11 : i32
    "tpu.region"() ({
      %run_scoped3A = tpu.sem_alloc : memref<!tpu.dma_semaphore, #tpu.memory_space<semaphore_mem>>
      %dma_start3A = arith.constant 0 : i32
      %dma_start3A_13 = tpu.memref_slice %arg5[%arg0, %mul3A_12, %dma_start3A] : memref<2x10240x128xf32, #tpu.memory_space<hbm>> -> memref<1x640x128xf32, #tpu.memory_space<hbm>>
      %dma_start3A_14 = tpu.memref_squeeze %dma_start3A_13 : memref<1x640x128xf32, #tpu.memory_space<hbm>> -> memref<640x128xf32, #tpu.memory_space<hbm>>
      %dma_start3A_15 = arith.constant 0 : i32
      %dma_start3A_16 = tpu.memref_slice %arg8[%mul3A_10, %dma_start3A_15] : memref<10240x128xf32, #tpu.memory_space<vmem_shared>> -> memref<640x128xf32, #tpu.memory_space<vmem_shared>>
      tpu.enqueue_dma source(%dma_start3A_16 : memref<640x128xf32, #tpu.memory_space<vmem_shared>>) target(%dma_start3A_14 : memref<640x128xf32, #tpu.memory_space<hbm>>) target_semaphore(%run_scoped3A : memref<!tpu.dma_semaphore, #tpu.memory_space<semaphore_mem>>)
      %dma_wait3A = arith.constant 0 : i32
      %dma_wait3A_17 = tpu.memref_slice %arg5[%arg0, %mul3A_12, %dma_wait3A] : memref<2x10240x128xf32, #tpu.memory_space<hbm>> -> memref<1x640x128xf32, #tpu.memory_space<hbm>>
      %dma_wait3A_18 = tpu.memref_squeeze %dma_wait3A_17 : memref<1x640x128xf32, #tpu.memory_space<hbm>> -> memref<640x128xf32, #tpu.memory_space<hbm>>
      %dma_wait3A_19 = arith.constant 0 : i32
      %dma_wait3A_20 = tpu.memref_slice %arg8[%mul3A_10, %dma_wait3A_19] : memref<10240x128xf32, #tpu.memory_space<vmem_shared>> -> memref<640x128xf32, #tpu.memory_space<vmem_shared>>
      tpu.wait_dma2 semaphore(%run_scoped3A : memref<!tpu.dma_semaphore, #tpu.memory_space<semaphore_mem>>) src(%dma_wait3A_20 : memref<640x128xf32, #tpu.memory_space<vmem_shared>>) dst(%dma_wait3A_18 : memref<640x128xf32, #tpu.memory_space<hbm>>)
      tpu.yield
    }) : () -> ()
    return
  }
}

#map = affine_map<(d0, d1) -> (0, 0)>
#map1 = affine_map<(d0, d1) -> (0, 0, 0, 0)>
#map2 = affine_map<(d0, d1) -> (0, 0, 0)>
module attributes {stable_mosaic.version = 14 : i64} {
  func.func @_prop_kernel(%arg0: i32, %arg1: i32, %arg2: memref<10240x128xf32, #tpu.memory_space<hbm>>, %arg3: memref<2x16x80x128xi32, #tpu.memory_space<hbm>>, %arg4: memref<2x16x80x128xi32, #tpu.memory_space<hbm>>, %arg5: memref<10240x128xf32, #tpu.memory_space<hbm>>, %arg6: memref<2x10240x128xf32, #tpu.memory_space<hbm>>, %arg7: memref<16x128xi32, #tpu.memory_space<vmem>>, %arg8: memref<16x128xi32, #tpu.memory_space<vmem>>, %arg9: memref<2x128x128xf32, #tpu.memory_space<vmem>>, %arg10: memref<10240x128xf32, #tpu.memory_space<vmem_shared>>, %arg11: memref<!tpu.dma_semaphore, #tpu.memory_space<semaphore_mem>>, %arg12: memref<!tpu.dma_semaphore, #tpu.memory_space<semaphore_mem>>, %arg13: memref<!tpu.dma_semaphore, #tpu.memory_space<semaphore_mem>>) attributes {dimension_semantics = [#tpu.dimension_semantics<core_parallel>, #tpu.dimension_semantics<subcore_parallel>], iteration_bounds = array<i64: 2, 16>, scalar_prefetch = 0 : i64, scratch_operands = 7 : i64, tpu.core_type = #tpu.core_type<sc_vector_subcore>, window_params = [{transform_indices = #map}, {transform_indices = #map1}, {transform_indices = #map1}, {transform_indices = #map}, {transform_indices = #map2}]} {
    %mul3A = arith.constant 640 : i32
    %mul3A_0 = arith.muli %arg1, %mul3A : i32
    %mul3A_1 = arith.constant 640 : i32
    %mul3A_2 = arith.muli %arg1, %mul3A_1 : i32
    "tpu.region"() ({
      %run_scoped3A = tpu.sem_alloc : memref<!tpu.dma_semaphore, #tpu.memory_space<semaphore_mem>>
      %dma_start3A = arith.constant 0 : i32
      %dma_start3A_19 = tpu.memref_slice %arg10[%mul3A_2, %dma_start3A] : memref<10240x128xf32, #tpu.memory_space<vmem_shared>> -> memref<640x128xf32, #tpu.memory_space<vmem_shared>>
      %dma_start3A_20 = arith.constant 0 : i32
      %dma_start3A_21 = tpu.memref_slice %arg5[%mul3A_0, %dma_start3A_20] : memref<10240x128xf32, #tpu.memory_space<hbm>> -> memref<640x128xf32, #tpu.memory_space<hbm>>
      tpu.enqueue_dma source(%dma_start3A_21 : memref<640x128xf32, #tpu.memory_space<hbm>>) target(%dma_start3A_19 : memref<640x128xf32, #tpu.memory_space<vmem_shared>>) target_semaphore(%run_scoped3A : memref<!tpu.dma_semaphore, #tpu.memory_space<semaphore_mem>>)
      %dma_wait3A = arith.constant 0 : i32
      %dma_wait3A_22 = tpu.memref_slice %arg10[%mul3A_2, %dma_wait3A] : memref<10240x128xf32, #tpu.memory_space<vmem_shared>> -> memref<640x128xf32, #tpu.memory_space<vmem_shared>>
      %dma_wait3A_23 = arith.constant 0 : i32
      %dma_wait3A_24 = tpu.memref_slice %arg5[%mul3A_0, %dma_wait3A_23] : memref<10240x128xf32, #tpu.memory_space<hbm>> -> memref<640x128xf32, #tpu.memory_space<hbm>>
      tpu.wait_dma2 semaphore(%run_scoped3A : memref<!tpu.dma_semaphore, #tpu.memory_space<semaphore_mem>>) src(%dma_wait3A_24 : memref<640x128xf32, #tpu.memory_space<hbm>>) dst(%dma_wait3A_22 : memref<640x128xf32, #tpu.memory_space<vmem_shared>>)
      tpu.yield
    }) : () -> ()
    %barrier3A = arith.constant 0 : index
    tpu.barrier barrier_id(%barrier3A)
    %eq3A = arith.constant 0 : i32
    %eq3A_3 = arith.cmpi eq, %arg0, %eq3A : i32
    %jit3A = arith.constant 5 : i32
    %jit3A_4 = arith.constant 5 : i32
    %select_n3A = arith.select %eq3A_3, %jit3A, %jit3A_4 : i32
    %while3A = arith.constant 0 : i32
    %while3A_5 = arith.constant 0 : i32
    %while3A_6 = arith.subi %select_n3A, %while3A_5 : i32
    %while3A_7 = arith.addi %while3A_5, %while3A_6 : i32
    %while3A_8 = arith.constant 1 : i32
    %while3A_9 = arith.divsi %while3A_6, %while3A_8 : i32
    %while3A_10 = arith.muli %while3A_9, %while3A_8 : i32
    %while3A_11 = arith.addi %while3A_5, %while3A_10 : i32
    %while3A_12 = arith.constant 1 : i32
    scf.for %while3A_19 = %while3A_5 to %while3A_11 step %while3A_12  : i32 {
      %mul3A_20 = arith.constant 16 : i32
      %mul3A_21 = arith.muli %while3A_19, %mul3A_20 : i32
      "tpu.region"() ({
        %run_scoped3A = tpu.sem_alloc : memref<!tpu.dma_semaphore, #tpu.memory_space<semaphore_mem>>
        %dma_start3A_51 = arith.constant 0 : i32
        %dma_start3A_52 = tpu.memref_slice %arg3[%arg0, %arg1, %mul3A_21, %dma_start3A_51] : memref<2x16x80x128xi32, #tpu.memory_space<hbm>> -> memref<1x1x16x128xi32, #tpu.memory_space<hbm>>
        %dma_start3A_53 = tpu.memref_squeeze %dma_start3A_52 : memref<1x1x16x128xi32, #tpu.memory_space<hbm>> -> memref<16x128xi32, #tpu.memory_space<hbm>>
        %dma_start3A_54 = arith.constant 0 : i32
        %dma_start3A_55 = tpu.memref_slice %arg3[%arg0, %arg1, %mul3A_21, %dma_start3A_54] : memref<2x16x80x128xi32, #tpu.memory_space<hbm>> -> memref<1x1x16x128xi32, #tpu.memory_space<hbm>>
        %dma_start3A_56 = tpu.memref_squeeze %dma_start3A_55 : memref<1x1x16x128xi32, #tpu.memory_space<hbm>> -> memref<16x128xi32, #tpu.memory_space<hbm>>
        tpu.enqueue_dma source(%dma_start3A_56 : memref<16x128xi32, #tpu.memory_space<hbm>>) target(%arg7 : memref<16x128xi32, #tpu.memory_space<vmem>>) target_semaphore(%run_scoped3A : memref<!tpu.dma_semaphore, #tpu.memory_space<semaphore_mem>>)
        %dma_wait3A_57 = arith.constant 0 : i32
        %dma_wait3A_58 = tpu.memref_slice %arg3[%arg0, %arg1, %mul3A_21, %dma_wait3A_57] : memref<2x16x80x128xi32, #tpu.memory_space<hbm>> -> memref<1x1x16x128xi32, #tpu.memory_space<hbm>>
        %dma_wait3A_59 = tpu.memref_squeeze %dma_wait3A_58 : memref<1x1x16x128xi32, #tpu.memory_space<hbm>> -> memref<16x128xi32, #tpu.memory_space<hbm>>
        %dma_wait3A_60 = arith.constant 0 : i32
        %dma_wait3A_61 = tpu.memref_slice %arg3[%arg0, %arg1, %mul3A_21, %dma_wait3A_60] : memref<2x16x80x128xi32, #tpu.memory_space<hbm>> -> memref<1x1x16x128xi32, #tpu.memory_space<hbm>>
        %dma_wait3A_62 = tpu.memref_squeeze %dma_wait3A_61 : memref<1x1x16x128xi32, #tpu.memory_space<hbm>> -> memref<16x128xi32, #tpu.memory_space<hbm>>
        tpu.wait_dma2 semaphore(%run_scoped3A : memref<!tpu.dma_semaphore, #tpu.memory_space<semaphore_mem>>) src(%dma_wait3A_62 : memref<16x128xi32, #tpu.memory_space<hbm>>) dst(%arg7 : memref<16x128xi32, #tpu.memory_space<vmem>>)
        tpu.yield
      }) : () -> ()
      %mul3A_22 = arith.constant 16 : i32
      %mul3A_23 = arith.muli %while3A_19, %mul3A_22 : i32
      "tpu.region"() ({
        %run_scoped3A = tpu.sem_alloc : memref<!tpu.dma_semaphore, #tpu.memory_space<semaphore_mem>>
        %dma_start3A_51 = arith.constant 0 : i32
        %dma_start3A_52 = tpu.memref_slice %arg4[%arg0, %arg1, %mul3A_23, %dma_start3A_51] : memref<2x16x80x128xi32, #tpu.memory_space<hbm>> -> memref<1x1x16x128xi32, #tpu.memory_space<hbm>>
        %dma_start3A_53 = tpu.memref_squeeze %dma_start3A_52 : memref<1x1x16x128xi32, #tpu.memory_space<hbm>> -> memref<16x128xi32, #tpu.memory_space<hbm>>
        %dma_start3A_54 = arith.constant 0 : i32
        %dma_start3A_55 = tpu.memref_slice %arg4[%arg0, %arg1, %mul3A_23, %dma_start3A_54] : memref<2x16x80x128xi32, #tpu.memory_space<hbm>> -> memref<1x1x16x128xi32, #tpu.memory_space<hbm>>
        %dma_start3A_56 = tpu.memref_squeeze %dma_start3A_55 : memref<1x1x16x128xi32, #tpu.memory_space<hbm>> -> memref<16x128xi32, #tpu.memory_space<hbm>>
        tpu.enqueue_dma source(%dma_start3A_56 : memref<16x128xi32, #tpu.memory_space<hbm>>) target(%arg8 : memref<16x128xi32, #tpu.memory_space<vmem>>) target_semaphore(%run_scoped3A : memref<!tpu.dma_semaphore, #tpu.memory_space<semaphore_mem>>)
        %dma_wait3A_57 = arith.constant 0 : i32
        %dma_wait3A_58 = tpu.memref_slice %arg4[%arg0, %arg1, %mul3A_23, %dma_wait3A_57] : memref<2x16x80x128xi32, #tpu.memory_space<hbm>> -> memref<1x1x16x128xi32, #tpu.memory_space<hbm>>
        %dma_wait3A_59 = tpu.memref_squeeze %dma_wait3A_58 : memref<1x1x16x128xi32, #tpu.memory_space<hbm>> -> memref<16x128xi32, #tpu.memory_space<hbm>>
        %dma_wait3A_60 = arith.constant 0 : i32
        %dma_wait3A_61 = tpu.memref_slice %arg4[%arg0, %arg1, %mul3A_23, %dma_wait3A_60] : memref<2x16x80x128xi32, #tpu.memory_space<hbm>> -> memref<1x1x16x128xi32, #tpu.memory_space<hbm>>
        %dma_wait3A_62 = tpu.memref_squeeze %dma_wait3A_61 : memref<1x1x16x128xi32, #tpu.memory_space<hbm>> -> memref<16x128xi32, #tpu.memory_space<hbm>>
        tpu.wait_dma2 semaphore(%run_scoped3A : memref<!tpu.dma_semaphore, #tpu.memory_space<semaphore_mem>>) src(%dma_wait3A_62 : memref<16x128xi32, #tpu.memory_space<hbm>>) dst(%arg8 : memref<16x128xi32, #tpu.memory_space<vmem>>)
        tpu.yield
      }) : () -> ()
      %dma_start3A = arith.constant 0 : i32
      %dma_start3A_24 = arith.constant 0 : i32
      %dma_start3A_25 = arith.constant 0 : i32
      %dma_start3A_26 = arith.constant 0 : i32
      %dma_start3A_27 = tpu.memref_slice %arg9[%dma_start3A_24, %dma_start3A_25, %dma_start3A_26] : memref<2x128x128xf32, #tpu.memory_space<vmem>> -> memref<1x128x128xf32, #tpu.memory_space<vmem>>
      %dma_start3A_28 = tpu.memref_squeeze %dma_start3A_27 : memref<1x128x128xf32, #tpu.memory_space<vmem>> -> memref<128x128xf32, #tpu.memory_space<vmem>>
      %dma_start3A_29 = arith.constant 0 : i32
      %dma_start3A_30 = tpu.memref_slice %arg7[%dma_start3A, %dma_start3A_29] : memref<16x128xi32, #tpu.memory_space<vmem>> -> memref<1x128xi32, #tpu.memory_space<vmem>>
      %dma_start3A_31 = tpu.memref_squeeze %dma_start3A_30 : memref<1x128xi32, #tpu.memory_space<vmem>> -> memref<128xi32, #tpu.memory_space<vmem>>
      %dma_start3A_32 = arith.constant 0 : i32
      %dma_start3A_33 = arith.constant 0 : i32
      %dma_start3A_34 = tpu.memref_slice %arg2[%dma_start3A_32, %dma_start3A_33] : memref<10240x128xf32, #tpu.memory_space<hbm>> -> memref<10240x128xf32, #tpu.memory_space<hbm>>
      tpu.enqueue_indirect_dma source(%dma_start3A_34 : memref<10240x128xf32, #tpu.memory_space<hbm>>) target(%dma_start3A_28 : memref<128x128xf32, #tpu.memory_space<vmem>>) offsets(%dma_start3A_31 : memref<128xi32, #tpu.memory_space<vmem>>) semaphore(%arg11 : memref<!tpu.dma_semaphore, #tpu.memory_space<semaphore_mem>>)
      %scan3A = arith.constant 0 : i32
      %scan3A_35 = arith.constant 0 : i32
      %scan3A_36 = arith.constant 8 : i32
      %scan3A_37 = arith.addi %scan3A_35, %scan3A_36 : i32
      %scan3A_38 = arith.constant 1 : i32
      scf.for %scan3A_51 = %scan3A_35 to %scan3A_37 step %scan3A_38  : i32 {
        %mul3A_52 = arith.constant 2 : i32
        %mul3A_53 = arith.muli %mul3A_52, %scan3A_51 : i32
        %add3A = arith.constant 0 : i32
        %add3A_54 = arith.addi %mul3A_53, %add3A : i32
        %dma_wait3A_55 = arith.constant 0 : i32
        %dma_wait3A_56 = arith.constant 0 : i32
        %dma_wait3A_57 = arith.constant 0 : i32
        %dma_wait3A_58 = tpu.memref_slice %arg9[%dma_wait3A_55, %dma_wait3A_56, %dma_wait3A_57] : memref<2x128x128xf32, #tpu.memory_space<vmem>> -> memref<1x128x128xf32, #tpu.memory_space<vmem>>
        %dma_wait3A_59 = tpu.memref_squeeze %dma_wait3A_58 : memref<1x128x128xf32, #tpu.memory_space<vmem>> -> memref<128x128xf32, #tpu.memory_space<vmem>>
        %dma_wait3A_60 = arith.constant 0 : i32
        %dma_wait3A_61 = tpu.memref_slice %arg7[%add3A_54, %dma_wait3A_60] : memref<16x128xi32, #tpu.memory_space<vmem>> -> memref<1x128xi32, #tpu.memory_space<vmem>>
        %dma_wait3A_62 = tpu.memref_squeeze %dma_wait3A_61 : memref<1x128xi32, #tpu.memory_space<vmem>> -> memref<128xi32, #tpu.memory_space<vmem>>
        %dma_wait3A_63 = arith.constant 0 : i32
        %dma_wait3A_64 = arith.constant 0 : i32
        %dma_wait3A_65 = tpu.memref_slice %arg2[%dma_wait3A_63, %dma_wait3A_64] : memref<10240x128xf32, #tpu.memory_space<hbm>> -> memref<10240x128xf32, #tpu.memory_space<hbm>>
        tpu.wait_indirect_dma semaphore(%arg11 : memref<!tpu.dma_semaphore, #tpu.memory_space<semaphore_mem>>) src(%dma_wait3A_65 : memref<10240x128xf32, #tpu.memory_space<hbm>>) dst(%dma_wait3A_59 : memref<128x128xf32, #tpu.memory_space<vmem>>)
        %gt3A = arith.constant 0 : i32
        %gt3A_66 = arith.cmpi sgt, %add3A_54, %gt3A : i32
        %convert_element_type3A = arith.extui %gt3A_66 : i1 to i32
        %cond3A = arith.constant 0 : i32
        %cond3A_67 = arith.cmpi ne, %convert_element_type3A, %cond3A : i32
        scf.if %cond3A_67 {
          %sub3A = arith.constant 1 : i32
          %sub3A_123 = arith.subi %add3A_54, %sub3A : i32
          %max3A = arith.constant 0 : i32
          %max3A_124 = arith.maxsi %sub3A_123, %max3A : i32
          %dma_wait3A_125 = arith.constant 1 : i32
          %dma_wait3A_126 = arith.constant 0 : i32
          %dma_wait3A_127 = arith.constant 0 : i32
          %dma_wait3A_128 = tpu.memref_slice %arg9[%dma_wait3A_125, %dma_wait3A_126, %dma_wait3A_127] : memref<2x128x128xf32, #tpu.memory_space<vmem>> -> memref<1x128x128xf32, #tpu.memory_space<vmem>>
          %dma_wait3A_129 = tpu.memref_squeeze %dma_wait3A_128 : memref<1x128x128xf32, #tpu.memory_space<vmem>> -> memref<128x128xf32, #tpu.memory_space<vmem>>
          %dma_wait3A_130 = arith.constant 0 : i32
          %dma_wait3A_131 = tpu.memref_slice %arg8[%max3A_124, %dma_wait3A_130] : memref<16x128xi32, #tpu.memory_space<vmem>> -> memref<1x128xi32, #tpu.memory_space<vmem>>
          %dma_wait3A_132 = tpu.memref_squeeze %dma_wait3A_131 : memref<1x128xi32, #tpu.memory_space<vmem>> -> memref<128xi32, #tpu.memory_space<vmem>>
          %dma_wait3A_133 = arith.constant 0 : i32
          %dma_wait3A_134 = arith.constant 0 : i32
          %dma_wait3A_135 = tpu.memref_slice %arg10[%dma_wait3A_133, %dma_wait3A_134] : memref<10240x128xf32, #tpu.memory_space<vmem_shared>> -> memref<10240x128xf32, #tpu.memory_space<vmem_shared>>
          tpu.wait_indirect_dma semaphore(%arg13 : memref<!tpu.dma_semaphore, #tpu.memory_space<semaphore_mem>>) src(%dma_wait3A_129 : memref<128x128xf32, #tpu.memory_space<vmem>>) dst(%dma_wait3A_135 : memref<10240x128xf32, #tpu.memory_space<vmem_shared>>)
        } else {
        }
        %add3A_68 = arith.constant 1 : i32
        %add3A_69 = arith.addi %add3A_54, %add3A_68 : i32
        %lt3A = arith.constant 16 : i32
        %lt3A_70 = arith.cmpi slt, %add3A_69, %lt3A : i32
        %convert_element_type3A_71 = arith.extui %lt3A_70 : i1 to i32
        %cond3A_72 = arith.constant 0 : i32
        %cond3A_73 = arith.cmpi ne, %convert_element_type3A_71, %cond3A_72 : i32
        scf.if %cond3A_73 {
          %add3A_123 = arith.constant 1 : i32
          %add3A_124 = arith.addi %add3A_54, %add3A_123 : i32
          %dma_start3A_125 = arith.constant 1 : i32
          %dma_start3A_126 = arith.constant 0 : i32
          %dma_start3A_127 = arith.constant 0 : i32
          %dma_start3A_128 = tpu.memref_slice %arg9[%dma_start3A_125, %dma_start3A_126, %dma_start3A_127] : memref<2x128x128xf32, #tpu.memory_space<vmem>> -> memref<1x128x128xf32, #tpu.memory_space<vmem>>
          %dma_start3A_129 = tpu.memref_squeeze %dma_start3A_128 : memref<1x128x128xf32, #tpu.memory_space<vmem>> -> memref<128x128xf32, #tpu.memory_space<vmem>>
          %dma_start3A_130 = arith.constant 0 : i32
          %dma_start3A_131 = tpu.memref_slice %arg7[%add3A_124, %dma_start3A_130] : memref<16x128xi32, #tpu.memory_space<vmem>> -> memref<1x128xi32, #tpu.memory_space<vmem>>
          %dma_start3A_132 = tpu.memref_squeeze %dma_start3A_131 : memref<1x128xi32, #tpu.memory_space<vmem>> -> memref<128xi32, #tpu.memory_space<vmem>>
          %dma_start3A_133 = arith.constant 0 : i32
          %dma_start3A_134 = arith.constant 0 : i32
          %dma_start3A_135 = tpu.memref_slice %arg2[%dma_start3A_133, %dma_start3A_134] : memref<10240x128xf32, #tpu.memory_space<hbm>> -> memref<10240x128xf32, #tpu.memory_space<hbm>>
          tpu.enqueue_indirect_dma source(%dma_start3A_135 : memref<10240x128xf32, #tpu.memory_space<hbm>>) target(%dma_start3A_129 : memref<128x128xf32, #tpu.memory_space<vmem>>) offsets(%dma_start3A_132 : memref<128xi32, #tpu.memory_space<vmem>>) semaphore(%arg11 : memref<!tpu.dma_semaphore, #tpu.memory_space<semaphore_mem>>)
        } else {
        }
        %dma_start3A_74 = arith.constant 0 : i32
        %dma_start3A_75 = arith.constant 0 : i32
        %dma_start3A_76 = arith.constant 0 : i32
        %dma_start3A_77 = tpu.memref_slice %arg9[%dma_start3A_74, %dma_start3A_75, %dma_start3A_76] : memref<2x128x128xf32, #tpu.memory_space<vmem>> -> memref<1x128x128xf32, #tpu.memory_space<vmem>>
        %dma_start3A_78 = tpu.memref_squeeze %dma_start3A_77 : memref<1x128x128xf32, #tpu.memory_space<vmem>> -> memref<128x128xf32, #tpu.memory_space<vmem>>
        %dma_start3A_79 = arith.constant 0 : i32
        %dma_start3A_80 = tpu.memref_slice %arg8[%add3A_54, %dma_start3A_79] : memref<16x128xi32, #tpu.memory_space<vmem>> -> memref<1x128xi32, #tpu.memory_space<vmem>>
        %dma_start3A_81 = tpu.memref_squeeze %dma_start3A_80 : memref<1x128xi32, #tpu.memory_space<vmem>> -> memref<128xi32, #tpu.memory_space<vmem>>
        %dma_start3A_82 = arith.constant 0 : i32
        %dma_start3A_83 = arith.constant 0 : i32
        %dma_start3A_84 = tpu.memref_slice %arg10[%dma_start3A_82, %dma_start3A_83] : memref<10240x128xf32, #tpu.memory_space<vmem_shared>> -> memref<10240x128xf32, #tpu.memory_space<vmem_shared>>
        tpu.enqueue_indirect_dma source(%dma_start3A_78 : memref<128x128xf32, #tpu.memory_space<vmem>>) target(%dma_start3A_84 : memref<10240x128xf32, #tpu.memory_space<vmem_shared>>) offsets(%dma_start3A_81 : memref<128xi32, #tpu.memory_space<vmem>>) semaphore(%arg12 : memref<!tpu.dma_semaphore, #tpu.memory_space<semaphore_mem>>) {add = true}
        %mul3A_85 = arith.constant 2 : i32
        %mul3A_86 = arith.muli %mul3A_85, %scan3A_51 : i32
        %add3A_87 = arith.constant 1 : i32
        %add3A_88 = arith.addi %mul3A_86, %add3A_87 : i32
        %dma_wait3A_89 = arith.constant 1 : i32
        %dma_wait3A_90 = arith.constant 0 : i32
        %dma_wait3A_91 = arith.constant 0 : i32
        %dma_wait3A_92 = tpu.memref_slice %arg9[%dma_wait3A_89, %dma_wait3A_90, %dma_wait3A_91] : memref<2x128x128xf32, #tpu.memory_space<vmem>> -> memref<1x128x128xf32, #tpu.memory_space<vmem>>
        %dma_wait3A_93 = tpu.memref_squeeze %dma_wait3A_92 : memref<1x128x128xf32, #tpu.memory_space<vmem>> -> memref<128x128xf32, #tpu.memory_space<vmem>>
        %dma_wait3A_94 = arith.constant 0 : i32
        %dma_wait3A_95 = tpu.memref_slice %arg7[%add3A_88, %dma_wait3A_94] : memref<16x128xi32, #tpu.memory_space<vmem>> -> memref<1x128xi32, #tpu.memory_space<vmem>>
        %dma_wait3A_96 = tpu.memref_squeeze %dma_wait3A_95 : memref<1x128xi32, #tpu.memory_space<vmem>> -> memref<128xi32, #tpu.memory_space<vmem>>
        %dma_wait3A_97 = arith.constant 0 : i32
        %dma_wait3A_98 = arith.constant 0 : i32
        %dma_wait3A_99 = tpu.memref_slice %arg2[%dma_wait3A_97, %dma_wait3A_98] : memref<10240x128xf32, #tpu.memory_space<hbm>> -> memref<10240x128xf32, #tpu.memory_space<hbm>>
        tpu.wait_indirect_dma semaphore(%arg11 : memref<!tpu.dma_semaphore, #tpu.memory_space<semaphore_mem>>) src(%dma_wait3A_99 : memref<10240x128xf32, #tpu.memory_space<hbm>>) dst(%dma_wait3A_93 : memref<128x128xf32, #tpu.memory_space<vmem>>)
        %gt3A_100 = arith.constant 0 : i32
        %gt3A_101 = arith.cmpi sgt, %add3A_88, %gt3A_100 : i32
        %convert_element_type3A_102 = arith.extui %gt3A_101 : i1 to i32
        %cond3A_103 = arith.constant 0 : i32
        %cond3A_104 = arith.cmpi ne, %convert_element_type3A_102, %cond3A_103 : i32
        scf.if %cond3A_104 {
          %sub3A = arith.constant 1 : i32
          %sub3A_123 = arith.subi %add3A_88, %sub3A : i32
          %max3A = arith.constant 0 : i32
          %max3A_124 = arith.maxsi %sub3A_123, %max3A : i32
          %dma_wait3A_125 = arith.constant 0 : i32
          %dma_wait3A_126 = arith.constant 0 : i32
          %dma_wait3A_127 = arith.constant 0 : i32
          %dma_wait3A_128 = tpu.memref_slice %arg9[%dma_wait3A_125, %dma_wait3A_126, %dma_wait3A_127] : memref<2x128x128xf32, #tpu.memory_space<vmem>> -> memref<1x128x128xf32, #tpu.memory_space<vmem>>
          %dma_wait3A_129 = tpu.memref_squeeze %dma_wait3A_128 : memref<1x128x128xf32, #tpu.memory_space<vmem>> -> memref<128x128xf32, #tpu.memory_space<vmem>>
          %dma_wait3A_130 = arith.constant 0 : i32
          %dma_wait3A_131 = tpu.memref_slice %arg8[%max3A_124, %dma_wait3A_130] : memref<16x128xi32, #tpu.memory_space<vmem>> -> memref<1x128xi32, #tpu.memory_space<vmem>>
          %dma_wait3A_132 = tpu.memref_squeeze %dma_wait3A_131 : memref<1x128xi32, #tpu.memory_space<vmem>> -> memref<128xi32, #tpu.memory_space<vmem>>
          %dma_wait3A_133 = arith.constant 0 : i32
          %dma_wait3A_134 = arith.constant 0 : i32
          %dma_wait3A_135 = tpu.memref_slice %arg10[%dma_wait3A_133, %dma_wait3A_134] : memref<10240x128xf32, #tpu.memory_space<vmem_shared>> -> memref<10240x128xf32, #tpu.memory_space<vmem_shared>>
          tpu.wait_indirect_dma semaphore(%arg12 : memref<!tpu.dma_semaphore, #tpu.memory_space<semaphore_mem>>) src(%dma_wait3A_129 : memref<128x128xf32, #tpu.memory_space<vmem>>) dst(%dma_wait3A_135 : memref<10240x128xf32, #tpu.memory_space<vmem_shared>>)
        } else {
        }
        %add3A_105 = arith.constant 1 : i32
        %add3A_106 = arith.addi %add3A_88, %add3A_105 : i32
        %lt3A_107 = arith.constant 16 : i32
        %lt3A_108 = arith.cmpi slt, %add3A_106, %lt3A_107 : i32
        %convert_element_type3A_109 = arith.extui %lt3A_108 : i1 to i32
        %cond3A_110 = arith.constant 0 : i32
        %cond3A_111 = arith.cmpi ne, %convert_element_type3A_109, %cond3A_110 : i32
        scf.if %cond3A_111 {
          %add3A_123 = arith.constant 1 : i32
          %add3A_124 = arith.addi %add3A_88, %add3A_123 : i32
          %dma_start3A_125 = arith.constant 0 : i32
          %dma_start3A_126 = arith.constant 0 : i32
          %dma_start3A_127 = arith.constant 0 : i32
          %dma_start3A_128 = tpu.memref_slice %arg9[%dma_start3A_125, %dma_start3A_126, %dma_start3A_127] : memref<2x128x128xf32, #tpu.memory_space<vmem>> -> memref<1x128x128xf32, #tpu.memory_space<vmem>>
          %dma_start3A_129 = tpu.memref_squeeze %dma_start3A_128 : memref<1x128x128xf32, #tpu.memory_space<vmem>> -> memref<128x128xf32, #tpu.memory_space<vmem>>
          %dma_start3A_130 = arith.constant 0 : i32
          %dma_start3A_131 = tpu.memref_slice %arg7[%add3A_124, %dma_start3A_130] : memref<16x128xi32, #tpu.memory_space<vmem>> -> memref<1x128xi32, #tpu.memory_space<vmem>>
          %dma_start3A_132 = tpu.memref_squeeze %dma_start3A_131 : memref<1x128xi32, #tpu.memory_space<vmem>> -> memref<128xi32, #tpu.memory_space<vmem>>
          %dma_start3A_133 = arith.constant 0 : i32
          %dma_start3A_134 = arith.constant 0 : i32
          %dma_start3A_135 = tpu.memref_slice %arg2[%dma_start3A_133, %dma_start3A_134] : memref<10240x128xf32, #tpu.memory_space<hbm>> -> memref<10240x128xf32, #tpu.memory_space<hbm>>
          tpu.enqueue_indirect_dma source(%dma_start3A_135 : memref<10240x128xf32, #tpu.memory_space<hbm>>) target(%dma_start3A_129 : memref<128x128xf32, #tpu.memory_space<vmem>>) offsets(%dma_start3A_132 : memref<128xi32, #tpu.memory_space<vmem>>) semaphore(%arg11 : memref<!tpu.dma_semaphore, #tpu.memory_space<semaphore_mem>>)
        } else {
        }
        %dma_start3A_112 = arith.constant 1 : i32
        %dma_start3A_113 = arith.constant 0 : i32
        %dma_start3A_114 = arith.constant 0 : i32
        %dma_start3A_115 = tpu.memref_slice %arg9[%dma_start3A_112, %dma_start3A_113, %dma_start3A_114] : memref<2x128x128xf32, #tpu.memory_space<vmem>> -> memref<1x128x128xf32, #tpu.memory_space<vmem>>
        %dma_start3A_116 = tpu.memref_squeeze %dma_start3A_115 : memref<1x128x128xf32, #tpu.memory_space<vmem>> -> memref<128x128xf32, #tpu.memory_space<vmem>>
        %dma_start3A_117 = arith.constant 0 : i32
        %dma_start3A_118 = tpu.memref_slice %arg8[%add3A_88, %dma_start3A_117] : memref<16x128xi32, #tpu.memory_space<vmem>> -> memref<1x128xi32, #tpu.memory_space<vmem>>
        %dma_start3A_119 = tpu.memref_squeeze %dma_start3A_118 : memref<1x128xi32, #tpu.memory_space<vmem>> -> memref<128xi32, #tpu.memory_space<vmem>>
        %dma_start3A_120 = arith.constant 0 : i32
        %dma_start3A_121 = arith.constant 0 : i32
        %dma_start3A_122 = tpu.memref_slice %arg10[%dma_start3A_120, %dma_start3A_121] : memref<10240x128xf32, #tpu.memory_space<vmem_shared>> -> memref<10240x128xf32, #tpu.memory_space<vmem_shared>>
        tpu.enqueue_indirect_dma source(%dma_start3A_116 : memref<128x128xf32, #tpu.memory_space<vmem>>) target(%dma_start3A_122 : memref<10240x128xf32, #tpu.memory_space<vmem_shared>>) offsets(%dma_start3A_119 : memref<128xi32, #tpu.memory_space<vmem>>) semaphore(%arg13 : memref<!tpu.dma_semaphore, #tpu.memory_space<semaphore_mem>>) {add = true}
      }
      %scan3A_39 = arith.constant 8 : i32
      %dma_wait3A = arith.constant 1 : i32
      %dma_wait3A_40 = arith.constant 15 : i32
      %dma_wait3A_41 = arith.constant 0 : i32
      %dma_wait3A_42 = arith.constant 0 : i32
      %dma_wait3A_43 = tpu.memref_slice %arg9[%dma_wait3A, %dma_wait3A_41, %dma_wait3A_42] : memref<2x128x128xf32, #tpu.memory_space<vmem>> -> memref<1x128x128xf32, #tpu.memory_space<vmem>>
      %dma_wait3A_44 = tpu.memref_squeeze %dma_wait3A_43 : memref<1x128x128xf32, #tpu.memory_space<vmem>> -> memref<128x128xf32, #tpu.memory_space<vmem>>
      %dma_wait3A_45 = arith.constant 0 : i32
      %dma_wait3A_46 = tpu.memref_slice %arg8[%dma_wait3A_40, %dma_wait3A_45] : memref<16x128xi32, #tpu.memory_space<vmem>> -> memref<1x128xi32, #tpu.memory_space<vmem>>
      %dma_wait3A_47 = tpu.memref_squeeze %dma_wait3A_46 : memref<1x128xi32, #tpu.memory_space<vmem>> -> memref<128xi32, #tpu.memory_space<vmem>>
      %dma_wait3A_48 = arith.constant 0 : i32
      %dma_wait3A_49 = arith.constant 0 : i32
      %dma_wait3A_50 = tpu.memref_slice %arg10[%dma_wait3A_48, %dma_wait3A_49] : memref<10240x128xf32, #tpu.memory_space<vmem_shared>> -> memref<10240x128xf32, #tpu.memory_space<vmem_shared>>
      tpu.wait_indirect_dma semaphore(%arg13 : memref<!tpu.dma_semaphore, #tpu.memory_space<semaphore_mem>>) src(%dma_wait3A_44 : memref<128x128xf32, #tpu.memory_space<vmem>>) dst(%dma_wait3A_50 : memref<10240x128xf32, #tpu.memory_space<vmem_shared>>)
    }
    %while3A_13 = arith.constant 1 : i32
    scf.for %while3A_19 = %while3A_11 to %while3A_7 step %while3A_13  : i32 {
      %mul3A_20 = arith.constant 16 : i32
      %mul3A_21 = arith.muli %while3A_19, %mul3A_20 : i32
      "tpu.region"() ({
        %run_scoped3A = tpu.sem_alloc : memref<!tpu.dma_semaphore, #tpu.memory_space<semaphore_mem>>
        %dma_start3A_51 = arith.constant 0 : i32
        %dma_start3A_52 = tpu.memref_slice %arg3[%arg0, %arg1, %mul3A_21, %dma_start3A_51] : memref<2x16x80x128xi32, #tpu.memory_space<hbm>> -> memref<1x1x16x128xi32, #tpu.memory_space<hbm>>
        %dma_start3A_53 = tpu.memref_squeeze %dma_start3A_52 : memref<1x1x16x128xi32, #tpu.memory_space<hbm>> -> memref<16x128xi32, #tpu.memory_space<hbm>>
        %dma_start3A_54 = arith.constant 0 : i32
        %dma_start3A_55 = tpu.memref_slice %arg3[%arg0, %arg1, %mul3A_21, %dma_start3A_54] : memref<2x16x80x128xi32, #tpu.memory_space<hbm>> -> memref<1x1x16x128xi32, #tpu.memory_space<hbm>>
        %dma_start3A_56 = tpu.memref_squeeze %dma_start3A_55 : memref<1x1x16x128xi32, #tpu.memory_space<hbm>> -> memref<16x128xi32, #tpu.memory_space<hbm>>
        tpu.enqueue_dma source(%dma_start3A_56 : memref<16x128xi32, #tpu.memory_space<hbm>>) target(%arg7 : memref<16x128xi32, #tpu.memory_space<vmem>>) target_semaphore(%run_scoped3A : memref<!tpu.dma_semaphore, #tpu.memory_space<semaphore_mem>>)
        %dma_wait3A_57 = arith.constant 0 : i32
        %dma_wait3A_58 = tpu.memref_slice %arg3[%arg0, %arg1, %mul3A_21, %dma_wait3A_57] : memref<2x16x80x128xi32, #tpu.memory_space<hbm>> -> memref<1x1x16x128xi32, #tpu.memory_space<hbm>>
        %dma_wait3A_59 = tpu.memref_squeeze %dma_wait3A_58 : memref<1x1x16x128xi32, #tpu.memory_space<hbm>> -> memref<16x128xi32, #tpu.memory_space<hbm>>
        %dma_wait3A_60 = arith.constant 0 : i32
        %dma_wait3A_61 = tpu.memref_slice %arg3[%arg0, %arg1, %mul3A_21, %dma_wait3A_60] : memref<2x16x80x128xi32, #tpu.memory_space<hbm>> -> memref<1x1x16x128xi32, #tpu.memory_space<hbm>>
        %dma_wait3A_62 = tpu.memref_squeeze %dma_wait3A_61 : memref<1x1x16x128xi32, #tpu.memory_space<hbm>> -> memref<16x128xi32, #tpu.memory_space<hbm>>
        tpu.wait_dma2 semaphore(%run_scoped3A : memref<!tpu.dma_semaphore, #tpu.memory_space<semaphore_mem>>) src(%dma_wait3A_62 : memref<16x128xi32, #tpu.memory_space<hbm>>) dst(%arg7 : memref<16x128xi32, #tpu.memory_space<vmem>>)
        tpu.yield
      }) : () -> ()
      %mul3A_22 = arith.constant 16 : i32
      %mul3A_23 = arith.muli %while3A_19, %mul3A_22 : i32
      "tpu.region"() ({
        %run_scoped3A = tpu.sem_alloc : memref<!tpu.dma_semaphore, #tpu.memory_space<semaphore_mem>>
        %dma_start3A_51 = arith.constant 0 : i32
        %dma_start3A_52 = tpu.memref_slice %arg4[%arg0, %arg1, %mul3A_23, %dma_start3A_51] : memref<2x16x80x128xi32, #tpu.memory_space<hbm>> -> memref<1x1x16x128xi32, #tpu.memory_space<hbm>>
        %dma_start3A_53 = tpu.memref_squeeze %dma_start3A_52 : memref<1x1x16x128xi32, #tpu.memory_space<hbm>> -> memref<16x128xi32, #tpu.memory_space<hbm>>
        %dma_start3A_54 = arith.constant 0 : i32
        %dma_start3A_55 = tpu.memref_slice %arg4[%arg0, %arg1, %mul3A_23, %dma_start3A_54] : memref<2x16x80x128xi32, #tpu.memory_space<hbm>> -> memref<1x1x16x128xi32, #tpu.memory_space<hbm>>
        %dma_start3A_56 = tpu.memref_squeeze %dma_start3A_55 : memref<1x1x16x128xi32, #tpu.memory_space<hbm>> -> memref<16x128xi32, #tpu.memory_space<hbm>>
        tpu.enqueue_dma source(%dma_start3A_56 : memref<16x128xi32, #tpu.memory_space<hbm>>) target(%arg8 : memref<16x128xi32, #tpu.memory_space<vmem>>) target_semaphore(%run_scoped3A : memref<!tpu.dma_semaphore, #tpu.memory_space<semaphore_mem>>)
        %dma_wait3A_57 = arith.constant 0 : i32
        %dma_wait3A_58 = tpu.memref_slice %arg4[%arg0, %arg1, %mul3A_23, %dma_wait3A_57] : memref<2x16x80x128xi32, #tpu.memory_space<hbm>> -> memref<1x1x16x128xi32, #tpu.memory_space<hbm>>
        %dma_wait3A_59 = tpu.memref_squeeze %dma_wait3A_58 : memref<1x1x16x128xi32, #tpu.memory_space<hbm>> -> memref<16x128xi32, #tpu.memory_space<hbm>>
        %dma_wait3A_60 = arith.constant 0 : i32
        %dma_wait3A_61 = tpu.memref_slice %arg4[%arg0, %arg1, %mul3A_23, %dma_wait3A_60] : memref<2x16x80x128xi32, #tpu.memory_space<hbm>> -> memref<1x1x16x128xi32, #tpu.memory_space<hbm>>
        %dma_wait3A_62 = tpu.memref_squeeze %dma_wait3A_61 : memref<1x1x16x128xi32, #tpu.memory_space<hbm>> -> memref<16x128xi32, #tpu.memory_space<hbm>>
        tpu.wait_dma2 semaphore(%run_scoped3A : memref<!tpu.dma_semaphore, #tpu.memory_space<semaphore_mem>>) src(%dma_wait3A_62 : memref<16x128xi32, #tpu.memory_space<hbm>>) dst(%arg8 : memref<16x128xi32, #tpu.memory_space<vmem>>)
        tpu.yield
      }) : () -> ()
      %dma_start3A = arith.constant 0 : i32
      %dma_start3A_24 = arith.constant 0 : i32
      %dma_start3A_25 = arith.constant 0 : i32
      %dma_start3A_26 = arith.constant 0 : i32
      %dma_start3A_27 = tpu.memref_slice %arg9[%dma_start3A_24, %dma_start3A_25, %dma_start3A_26] : memref<2x128x128xf32, #tpu.memory_space<vmem>> -> memref<1x128x128xf32, #tpu.memory_space<vmem>>
      %dma_start3A_28 = tpu.memref_squeeze %dma_start3A_27 : memref<1x128x128xf32, #tpu.memory_space<vmem>> -> memref<128x128xf32, #tpu.memory_space<vmem>>
      %dma_start3A_29 = arith.constant 0 : i32
      %dma_start3A_30 = tpu.memref_slice %arg7[%dma_start3A, %dma_start3A_29] : memref<16x128xi32, #tpu.memory_space<vmem>> -> memref<1x128xi32, #tpu.memory_space<vmem>>
      %dma_start3A_31 = tpu.memref_squeeze %dma_start3A_30 : memref<1x128xi32, #tpu.memory_space<vmem>> -> memref<128xi32, #tpu.memory_space<vmem>>
      %dma_start3A_32 = arith.constant 0 : i32
      %dma_start3A_33 = arith.constant 0 : i32
      %dma_start3A_34 = tpu.memref_slice %arg2[%dma_start3A_32, %dma_start3A_33] : memref<10240x128xf32, #tpu.memory_space<hbm>> -> memref<10240x128xf32, #tpu.memory_space<hbm>>
      tpu.enqueue_indirect_dma source(%dma_start3A_34 : memref<10240x128xf32, #tpu.memory_space<hbm>>) target(%dma_start3A_28 : memref<128x128xf32, #tpu.memory_space<vmem>>) offsets(%dma_start3A_31 : memref<128xi32, #tpu.memory_space<vmem>>) semaphore(%arg11 : memref<!tpu.dma_semaphore, #tpu.memory_space<semaphore_mem>>)
      %scan3A = arith.constant 0 : i32
      %scan3A_35 = arith.constant 0 : i32
      %scan3A_36 = arith.constant 8 : i32
      %scan3A_37 = arith.addi %scan3A_35, %scan3A_36 : i32
      %scan3A_38 = arith.constant 1 : i32
      scf.for %scan3A_51 = %scan3A_35 to %scan3A_37 step %scan3A_38  : i32 {
        %mul3A_52 = arith.constant 2 : i32
        %mul3A_53 = arith.muli %mul3A_52, %scan3A_51 : i32
        %add3A = arith.constant 0 : i32
        %add3A_54 = arith.addi %mul3A_53, %add3A : i32
        %dma_wait3A_55 = arith.constant 0 : i32
        %dma_wait3A_56 = arith.constant 0 : i32
        %dma_wait3A_57 = arith.constant 0 : i32
        %dma_wait3A_58 = tpu.memref_slice %arg9[%dma_wait3A_55, %dma_wait3A_56, %dma_wait3A_57] : memref<2x128x128xf32, #tpu.memory_space<vmem>> -> memref<1x128x128xf32, #tpu.memory_space<vmem>>
        %dma_wait3A_59 = tpu.memref_squeeze %dma_wait3A_58 : memref<1x128x128xf32, #tpu.memory_space<vmem>> -> memref<128x128xf32, #tpu.memory_space<vmem>>
        %dma_wait3A_60 = arith.constant 0 : i32
        %dma_wait3A_61 = tpu.memref_slice %arg7[%add3A_54, %dma_wait3A_60] : memref<16x128xi32, #tpu.memory_space<vmem>> -> memref<1x128xi32, #tpu.memory_space<vmem>>
        %dma_wait3A_62 = tpu.memref_squeeze %dma_wait3A_61 : memref<1x128xi32, #tpu.memory_space<vmem>> -> memref<128xi32, #tpu.memory_space<vmem>>
        %dma_wait3A_63 = arith.constant 0 : i32
        %dma_wait3A_64 = arith.constant 0 : i32
        %dma_wait3A_65 = tpu.memref_slice %arg2[%dma_wait3A_63, %dma_wait3A_64] : memref<10240x128xf32, #tpu.memory_space<hbm>> -> memref<10240x128xf32, #tpu.memory_space<hbm>>
        tpu.wait_indirect_dma semaphore(%arg11 : memref<!tpu.dma_semaphore, #tpu.memory_space<semaphore_mem>>) src(%dma_wait3A_65 : memref<10240x128xf32, #tpu.memory_space<hbm>>) dst(%dma_wait3A_59 : memref<128x128xf32, #tpu.memory_space<vmem>>)
        %gt3A = arith.constant 0 : i32
        %gt3A_66 = arith.cmpi sgt, %add3A_54, %gt3A : i32
        %convert_element_type3A = arith.extui %gt3A_66 : i1 to i32
        %cond3A = arith.constant 0 : i32
        %cond3A_67 = arith.cmpi ne, %convert_element_type3A, %cond3A : i32
        scf.if %cond3A_67 {
          %sub3A = arith.constant 1 : i32
          %sub3A_123 = arith.subi %add3A_54, %sub3A : i32
          %max3A = arith.constant 0 : i32
          %max3A_124 = arith.maxsi %sub3A_123, %max3A : i32
          %dma_wait3A_125 = arith.constant 1 : i32
          %dma_wait3A_126 = arith.constant 0 : i32
          %dma_wait3A_127 = arith.constant 0 : i32
          %dma_wait3A_128 = tpu.memref_slice %arg9[%dma_wait3A_125, %dma_wait3A_126, %dma_wait3A_127] : memref<2x128x128xf32, #tpu.memory_space<vmem>> -> memref<1x128x128xf32, #tpu.memory_space<vmem>>
          %dma_wait3A_129 = tpu.memref_squeeze %dma_wait3A_128 : memref<1x128x128xf32, #tpu.memory_space<vmem>> -> memref<128x128xf32, #tpu.memory_space<vmem>>
          %dma_wait3A_130 = arith.constant 0 : i32
          %dma_wait3A_131 = tpu.memref_slice %arg8[%max3A_124, %dma_wait3A_130] : memref<16x128xi32, #tpu.memory_space<vmem>> -> memref<1x128xi32, #tpu.memory_space<vmem>>
          %dma_wait3A_132 = tpu.memref_squeeze %dma_wait3A_131 : memref<1x128xi32, #tpu.memory_space<vmem>> -> memref<128xi32, #tpu.memory_space<vmem>>
          %dma_wait3A_133 = arith.constant 0 : i32
          %dma_wait3A_134 = arith.constant 0 : i32
          %dma_wait3A_135 = tpu.memref_slice %arg10[%dma_wait3A_133, %dma_wait3A_134] : memref<10240x128xf32, #tpu.memory_space<vmem_shared>> -> memref<10240x128xf32, #tpu.memory_space<vmem_shared>>
          tpu.wait_indirect_dma semaphore(%arg13 : memref<!tpu.dma_semaphore, #tpu.memory_space<semaphore_mem>>) src(%dma_wait3A_129 : memref<128x128xf32, #tpu.memory_space<vmem>>) dst(%dma_wait3A_135 : memref<10240x128xf32, #tpu.memory_space<vmem_shared>>)
        } else {
        }
        %add3A_68 = arith.constant 1 : i32
        %add3A_69 = arith.addi %add3A_54, %add3A_68 : i32
        %lt3A = arith.constant 16 : i32
        %lt3A_70 = arith.cmpi slt, %add3A_69, %lt3A : i32
        %convert_element_type3A_71 = arith.extui %lt3A_70 : i1 to i32
        %cond3A_72 = arith.constant 0 : i32
        %cond3A_73 = arith.cmpi ne, %convert_element_type3A_71, %cond3A_72 : i32
        scf.if %cond3A_73 {
          %add3A_123 = arith.constant 1 : i32
          %add3A_124 = arith.addi %add3A_54, %add3A_123 : i32
          %dma_start3A_125 = arith.constant 1 : i32
          %dma_start3A_126 = arith.constant 0 : i32
          %dma_start3A_127 = arith.constant 0 : i32
          %dma_start3A_128 = tpu.memref_slice %arg9[%dma_start3A_125, %dma_start3A_126, %dma_start3A_127] : memref<2x128x128xf32, #tpu.memory_space<vmem>> -> memref<1x128x128xf32, #tpu.memory_space<vmem>>
          %dma_start3A_129 = tpu.memref_squeeze %dma_start3A_128 : memref<1x128x128xf32, #tpu.memory_space<vmem>> -> memref<128x128xf32, #tpu.memory_space<vmem>>
          %dma_start3A_130 = arith.constant 0 : i32
          %dma_start3A_131 = tpu.memref_slice %arg7[%add3A_124, %dma_start3A_130] : memref<16x128xi32, #tpu.memory_space<vmem>> -> memref<1x128xi32, #tpu.memory_space<vmem>>
          %dma_start3A_132 = tpu.memref_squeeze %dma_start3A_131 : memref<1x128xi32, #tpu.memory_space<vmem>> -> memref<128xi32, #tpu.memory_space<vmem>>
          %dma_start3A_133 = arith.constant 0 : i32
          %dma_start3A_134 = arith.constant 0 : i32
          %dma_start3A_135 = tpu.memref_slice %arg2[%dma_start3A_133, %dma_start3A_134] : memref<10240x128xf32, #tpu.memory_space<hbm>> -> memref<10240x128xf32, #tpu.memory_space<hbm>>
          tpu.enqueue_indirect_dma source(%dma_start3A_135 : memref<10240x128xf32, #tpu.memory_space<hbm>>) target(%dma_start3A_129 : memref<128x128xf32, #tpu.memory_space<vmem>>) offsets(%dma_start3A_132 : memref<128xi32, #tpu.memory_space<vmem>>) semaphore(%arg11 : memref<!tpu.dma_semaphore, #tpu.memory_space<semaphore_mem>>)
        } else {
        }
        %dma_start3A_74 = arith.constant 0 : i32
        %dma_start3A_75 = arith.constant 0 : i32
        %dma_start3A_76 = arith.constant 0 : i32
        %dma_start3A_77 = tpu.memref_slice %arg9[%dma_start3A_74, %dma_start3A_75, %dma_start3A_76] : memref<2x128x128xf32, #tpu.memory_space<vmem>> -> memref<1x128x128xf32, #tpu.memory_space<vmem>>
        %dma_start3A_78 = tpu.memref_squeeze %dma_start3A_77 : memref<1x128x128xf32, #tpu.memory_space<vmem>> -> memref<128x128xf32, #tpu.memory_space<vmem>>
        %dma_start3A_79 = arith.constant 0 : i32
        %dma_start3A_80 = tpu.memref_slice %arg8[%add3A_54, %dma_start3A_79] : memref<16x128xi32, #tpu.memory_space<vmem>> -> memref<1x128xi32, #tpu.memory_space<vmem>>
        %dma_start3A_81 = tpu.memref_squeeze %dma_start3A_80 : memref<1x128xi32, #tpu.memory_space<vmem>> -> memref<128xi32, #tpu.memory_space<vmem>>
        %dma_start3A_82 = arith.constant 0 : i32
        %dma_start3A_83 = arith.constant 0 : i32
        %dma_start3A_84 = tpu.memref_slice %arg10[%dma_start3A_82, %dma_start3A_83] : memref<10240x128xf32, #tpu.memory_space<vmem_shared>> -> memref<10240x128xf32, #tpu.memory_space<vmem_shared>>
        tpu.enqueue_indirect_dma source(%dma_start3A_78 : memref<128x128xf32, #tpu.memory_space<vmem>>) target(%dma_start3A_84 : memref<10240x128xf32, #tpu.memory_space<vmem_shared>>) offsets(%dma_start3A_81 : memref<128xi32, #tpu.memory_space<vmem>>) semaphore(%arg12 : memref<!tpu.dma_semaphore, #tpu.memory_space<semaphore_mem>>) {add = true}
        %mul3A_85 = arith.constant 2 : i32
        %mul3A_86 = arith.muli %mul3A_85, %scan3A_51 : i32
        %add3A_87 = arith.constant 1 : i32
        %add3A_88 = arith.addi %mul3A_86, %add3A_87 : i32
        %dma_wait3A_89 = arith.constant 1 : i32
        %dma_wait3A_90 = arith.constant 0 : i32
        %dma_wait3A_91 = arith.constant 0 : i32
        %dma_wait3A_92 = tpu.memref_slice %arg9[%dma_wait3A_89, %dma_wait3A_90, %dma_wait3A_91] : memref<2x128x128xf32, #tpu.memory_space<vmem>> -> memref<1x128x128xf32, #tpu.memory_space<vmem>>
        %dma_wait3A_93 = tpu.memref_squeeze %dma_wait3A_92 : memref<1x128x128xf32, #tpu.memory_space<vmem>> -> memref<128x128xf32, #tpu.memory_space<vmem>>
        %dma_wait3A_94 = arith.constant 0 : i32
        %dma_wait3A_95 = tpu.memref_slice %arg7[%add3A_88, %dma_wait3A_94] : memref<16x128xi32, #tpu.memory_space<vmem>> -> memref<1x128xi32, #tpu.memory_space<vmem>>
        %dma_wait3A_96 = tpu.memref_squeeze %dma_wait3A_95 : memref<1x128xi32, #tpu.memory_space<vmem>> -> memref<128xi32, #tpu.memory_space<vmem>>
        %dma_wait3A_97 = arith.constant 0 : i32
        %dma_wait3A_98 = arith.constant 0 : i32
        %dma_wait3A_99 = tpu.memref_slice %arg2[%dma_wait3A_97, %dma_wait3A_98] : memref<10240x128xf32, #tpu.memory_space<hbm>> -> memref<10240x128xf32, #tpu.memory_space<hbm>>
        tpu.wait_indirect_dma semaphore(%arg11 : memref<!tpu.dma_semaphore, #tpu.memory_space<semaphore_mem>>) src(%dma_wait3A_99 : memref<10240x128xf32, #tpu.memory_space<hbm>>) dst(%dma_wait3A_93 : memref<128x128xf32, #tpu.memory_space<vmem>>)
        %gt3A_100 = arith.constant 0 : i32
        %gt3A_101 = arith.cmpi sgt, %add3A_88, %gt3A_100 : i32
        %convert_element_type3A_102 = arith.extui %gt3A_101 : i1 to i32
        %cond3A_103 = arith.constant 0 : i32
        %cond3A_104 = arith.cmpi ne, %convert_element_type3A_102, %cond3A_103 : i32
        scf.if %cond3A_104 {
          %sub3A = arith.constant 1 : i32
          %sub3A_123 = arith.subi %add3A_88, %sub3A : i32
          %max3A = arith.constant 0 : i32
          %max3A_124 = arith.maxsi %sub3A_123, %max3A : i32
          %dma_wait3A_125 = arith.constant 0 : i32
          %dma_wait3A_126 = arith.constant 0 : i32
          %dma_wait3A_127 = arith.constant 0 : i32
          %dma_wait3A_128 = tpu.memref_slice %arg9[%dma_wait3A_125, %dma_wait3A_126, %dma_wait3A_127] : memref<2x128x128xf32, #tpu.memory_space<vmem>> -> memref<1x128x128xf32, #tpu.memory_space<vmem>>
          %dma_wait3A_129 = tpu.memref_squeeze %dma_wait3A_128 : memref<1x128x128xf32, #tpu.memory_space<vmem>> -> memref<128x128xf32, #tpu.memory_space<vmem>>
          %dma_wait3A_130 = arith.constant 0 : i32
          %dma_wait3A_131 = tpu.memref_slice %arg8[%max3A_124, %dma_wait3A_130] : memref<16x128xi32, #tpu.memory_space<vmem>> -> memref<1x128xi32, #tpu.memory_space<vmem>>
          %dma_wait3A_132 = tpu.memref_squeeze %dma_wait3A_131 : memref<1x128xi32, #tpu.memory_space<vmem>> -> memref<128xi32, #tpu.memory_space<vmem>>
          %dma_wait3A_133 = arith.constant 0 : i32
          %dma_wait3A_134 = arith.constant 0 : i32
          %dma_wait3A_135 = tpu.memref_slice %arg10[%dma_wait3A_133, %dma_wait3A_134] : memref<10240x128xf32, #tpu.memory_space<vmem_shared>> -> memref<10240x128xf32, #tpu.memory_space<vmem_shared>>
          tpu.wait_indirect_dma semaphore(%arg12 : memref<!tpu.dma_semaphore, #tpu.memory_space<semaphore_mem>>) src(%dma_wait3A_129 : memref<128x128xf32, #tpu.memory_space<vmem>>) dst(%dma_wait3A_135 : memref<10240x128xf32, #tpu.memory_space<vmem_shared>>)
        } else {
        }
        %add3A_105 = arith.constant 1 : i32
        %add3A_106 = arith.addi %add3A_88, %add3A_105 : i32
        %lt3A_107 = arith.constant 16 : i32
        %lt3A_108 = arith.cmpi slt, %add3A_106, %lt3A_107 : i32
        %convert_element_type3A_109 = arith.extui %lt3A_108 : i1 to i32
        %cond3A_110 = arith.constant 0 : i32
        %cond3A_111 = arith.cmpi ne, %convert_element_type3A_109, %cond3A_110 : i32
        scf.if %cond3A_111 {
          %add3A_123 = arith.constant 1 : i32
          %add3A_124 = arith.addi %add3A_88, %add3A_123 : i32
          %dma_start3A_125 = arith.constant 0 : i32
          %dma_start3A_126 = arith.constant 0 : i32
          %dma_start3A_127 = arith.constant 0 : i32
          %dma_start3A_128 = tpu.memref_slice %arg9[%dma_start3A_125, %dma_start3A_126, %dma_start3A_127] : memref<2x128x128xf32, #tpu.memory_space<vmem>> -> memref<1x128x128xf32, #tpu.memory_space<vmem>>
          %dma_start3A_129 = tpu.memref_squeeze %dma_start3A_128 : memref<1x128x128xf32, #tpu.memory_space<vmem>> -> memref<128x128xf32, #tpu.memory_space<vmem>>
          %dma_start3A_130 = arith.constant 0 : i32
          %dma_start3A_131 = tpu.memref_slice %arg7[%add3A_124, %dma_start3A_130] : memref<16x128xi32, #tpu.memory_space<vmem>> -> memref<1x128xi32, #tpu.memory_space<vmem>>
          %dma_start3A_132 = tpu.memref_squeeze %dma_start3A_131 : memref<1x128xi32, #tpu.memory_space<vmem>> -> memref<128xi32, #tpu.memory_space<vmem>>
          %dma_start3A_133 = arith.constant 0 : i32
          %dma_start3A_134 = arith.constant 0 : i32
          %dma_start3A_135 = tpu.memref_slice %arg2[%dma_start3A_133, %dma_start3A_134] : memref<10240x128xf32, #tpu.memory_space<hbm>> -> memref<10240x128xf32, #tpu.memory_space<hbm>>
          tpu.enqueue_indirect_dma source(%dma_start3A_135 : memref<10240x128xf32, #tpu.memory_space<hbm>>) target(%dma_start3A_129 : memref<128x128xf32, #tpu.memory_space<vmem>>) offsets(%dma_start3A_132 : memref<128xi32, #tpu.memory_space<vmem>>) semaphore(%arg11 : memref<!tpu.dma_semaphore, #tpu.memory_space<semaphore_mem>>)
        } else {
        }
        %dma_start3A_112 = arith.constant 1 : i32
        %dma_start3A_113 = arith.constant 0 : i32
        %dma_start3A_114 = arith.constant 0 : i32
        %dma_start3A_115 = tpu.memref_slice %arg9[%dma_start3A_112, %dma_start3A_113, %dma_start3A_114] : memref<2x128x128xf32, #tpu.memory_space<vmem>> -> memref<1x128x128xf32, #tpu.memory_space<vmem>>
        %dma_start3A_116 = tpu.memref_squeeze %dma_start3A_115 : memref<1x128x128xf32, #tpu.memory_space<vmem>> -> memref<128x128xf32, #tpu.memory_space<vmem>>
        %dma_start3A_117 = arith.constant 0 : i32
        %dma_start3A_118 = tpu.memref_slice %arg8[%add3A_88, %dma_start3A_117] : memref<16x128xi32, #tpu.memory_space<vmem>> -> memref<1x128xi32, #tpu.memory_space<vmem>>
        %dma_start3A_119 = tpu.memref_squeeze %dma_start3A_118 : memref<1x128xi32, #tpu.memory_space<vmem>> -> memref<128xi32, #tpu.memory_space<vmem>>
        %dma_start3A_120 = arith.constant 0 : i32
        %dma_start3A_121 = arith.constant 0 : i32
        %dma_start3A_122 = tpu.memref_slice %arg10[%dma_start3A_120, %dma_start3A_121] : memref<10240x128xf32, #tpu.memory_space<vmem_shared>> -> memref<10240x128xf32, #tpu.memory_space<vmem_shared>>
        tpu.enqueue_indirect_dma source(%dma_start3A_116 : memref<128x128xf32, #tpu.memory_space<vmem>>) target(%dma_start3A_122 : memref<10240x128xf32, #tpu.memory_space<vmem_shared>>) offsets(%dma_start3A_119 : memref<128xi32, #tpu.memory_space<vmem>>) semaphore(%arg13 : memref<!tpu.dma_semaphore, #tpu.memory_space<semaphore_mem>>) {add = true}
      }
      %scan3A_39 = arith.constant 8 : i32
      %dma_wait3A = arith.constant 1 : i32
      %dma_wait3A_40 = arith.constant 15 : i32
      %dma_wait3A_41 = arith.constant 0 : i32
      %dma_wait3A_42 = arith.constant 0 : i32
      %dma_wait3A_43 = tpu.memref_slice %arg9[%dma_wait3A, %dma_wait3A_41, %dma_wait3A_42] : memref<2x128x128xf32, #tpu.memory_space<vmem>> -> memref<1x128x128xf32, #tpu.memory_space<vmem>>
      %dma_wait3A_44 = tpu.memref_squeeze %dma_wait3A_43 : memref<1x128x128xf32, #tpu.memory_space<vmem>> -> memref<128x128xf32, #tpu.memory_space<vmem>>
      %dma_wait3A_45 = arith.constant 0 : i32
      %dma_wait3A_46 = tpu.memref_slice %arg8[%dma_wait3A_40, %dma_wait3A_45] : memref<16x128xi32, #tpu.memory_space<vmem>> -> memref<1x128xi32, #tpu.memory_space<vmem>>
      %dma_wait3A_47 = tpu.memref_squeeze %dma_wait3A_46 : memref<1x128xi32, #tpu.memory_space<vmem>> -> memref<128xi32, #tpu.memory_space<vmem>>
      %dma_wait3A_48 = arith.constant 0 : i32
      %dma_wait3A_49 = arith.constant 0 : i32
      %dma_wait3A_50 = tpu.memref_slice %arg10[%dma_wait3A_48, %dma_wait3A_49] : memref<10240x128xf32, #tpu.memory_space<vmem_shared>> -> memref<10240x128xf32, #tpu.memory_space<vmem_shared>>
      tpu.wait_indirect_dma semaphore(%arg13 : memref<!tpu.dma_semaphore, #tpu.memory_space<semaphore_mem>>) src(%dma_wait3A_44 : memref<128x128xf32, #tpu.memory_space<vmem>>) dst(%dma_wait3A_50 : memref<10240x128xf32, #tpu.memory_space<vmem_shared>>)
    }
    %barrier3A_14 = arith.constant 0 : index
    tpu.barrier barrier_id(%barrier3A_14)
    %mul3A_15 = arith.constant 640 : i32
    %mul3A_16 = arith.muli %arg1, %mul3A_15 : i32
    %mul3A_17 = arith.constant 640 : i32
    %mul3A_18 = arith.muli %arg1, %mul3A_17 : i32
    "tpu.region"() ({
      %run_scoped3A = tpu.sem_alloc : memref<!tpu.dma_semaphore, #tpu.memory_space<semaphore_mem>>
      %dma_start3A = arith.constant 0 : i32
      %dma_start3A_19 = tpu.memref_slice %arg6[%arg0, %mul3A_18, %dma_start3A] : memref<2x10240x128xf32, #tpu.memory_space<hbm>> -> memref<1x640x128xf32, #tpu.memory_space<hbm>>
      %dma_start3A_20 = tpu.memref_squeeze %dma_start3A_19 : memref<1x640x128xf32, #tpu.memory_space<hbm>> -> memref<640x128xf32, #tpu.memory_space<hbm>>
      %dma_start3A_21 = arith.constant 0 : i32
      %dma_start3A_22 = tpu.memref_slice %arg10[%mul3A_16, %dma_start3A_21] : memref<10240x128xf32, #tpu.memory_space<vmem_shared>> -> memref<640x128xf32, #tpu.memory_space<vmem_shared>>
      tpu.enqueue_dma source(%dma_start3A_22 : memref<640x128xf32, #tpu.memory_space<vmem_shared>>) target(%dma_start3A_20 : memref<640x128xf32, #tpu.memory_space<hbm>>) target_semaphore(%run_scoped3A : memref<!tpu.dma_semaphore, #tpu.memory_space<semaphore_mem>>)
      %dma_wait3A = arith.constant 0 : i32
      %dma_wait3A_23 = tpu.memref_slice %arg6[%arg0, %mul3A_18, %dma_wait3A] : memref<2x10240x128xf32, #tpu.memory_space<hbm>> -> memref<1x640x128xf32, #tpu.memory_space<hbm>>
      %dma_wait3A_24 = tpu.memref_squeeze %dma_wait3A_23 : memref<1x640x128xf32, #tpu.memory_space<hbm>> -> memref<640x128xf32, #tpu.memory_space<hbm>>
      %dma_wait3A_25 = arith.constant 0 : i32
      %dma_wait3A_26 = tpu.memref_slice %arg10[%mul3A_16, %dma_wait3A_25] : memref<10240x128xf32, #tpu.memory_space<vmem_shared>> -> memref<640x128xf32, #tpu.memory_space<vmem_shared>>
      tpu.wait_dma2 semaphore(%run_scoped3A : memref<!tpu.dma_semaphore, #tpu.memory_space<semaphore_mem>>) src(%dma_wait3A_26 : memref<640x128xf32, #tpu.memory_space<vmem_shared>>) dst(%dma_wait3A_24 : memref<640x128xf32, #tpu.memory_space<hbm>>)
      tpu.yield
    }) : () -> ()
    return
  }
}

#map = affine_map<(d0, d1) -> (0, 0)>
#map1 = affine_map<(d0, d1) -> (0, 0, 0, 0)>
#map2 = affine_map<(d0, d1) -> (0, 0, 0)>
module attributes {stable_mosaic.version = 14 : i64} {
  func.func @_prop_kernel(%arg0: i32, %arg1: i32, %arg2: memref<10240x128xf32, #tpu.memory_space<hbm>>, %arg3: memref<2x16x80x128xi32, #tpu.memory_space<hbm>>, %arg4: memref<2x16x80x128xi32, #tpu.memory_space<hbm>>, %arg5: memref<10240x128xf32, #tpu.memory_space<hbm>>, %arg6: memref<2x10240x128xf32, #tpu.memory_space<hbm>>, %arg7: memref<16x128xi32, #tpu.memory_space<vmem>>, %arg8: memref<16x128xi32, #tpu.memory_space<vmem>>, %arg9: memref<2x128x128xf32, #tpu.memory_space<vmem>>, %arg10: memref<10240x128xf32, #tpu.memory_space<vmem_shared>>, %arg11: memref<!tpu.dma_semaphore, #tpu.memory_space<semaphore_mem>>, %arg12: memref<!tpu.dma_semaphore, #tpu.memory_space<semaphore_mem>>, %arg13: memref<!tpu.dma_semaphore, #tpu.memory_space<semaphore_mem>>) attributes {dimension_semantics = [#tpu.dimension_semantics<core_parallel>, #tpu.dimension_semantics<subcore_parallel>], iteration_bounds = array<i64: 2, 16>, scalar_prefetch = 0 : i64, scratch_operands = 7 : i64, tpu.core_type = #tpu.core_type<sc_vector_subcore>, window_params = [{transform_indices = #map}, {transform_indices = #map1}, {transform_indices = #map1}, {transform_indices = #map}, {transform_indices = #map2}]} {
    %mul3A = arith.constant 640 : i32
    %mul3A_0 = arith.muli %arg1, %mul3A : i32
    %mul3A_1 = arith.constant 640 : i32
    %mul3A_2 = arith.muli %arg1, %mul3A_1 : i32
    "tpu.region"() ({
      %run_scoped3A = tpu.sem_alloc : memref<!tpu.dma_semaphore, #tpu.memory_space<semaphore_mem>>
      %dma_start3A = arith.constant 0 : i32
      %dma_start3A_19 = tpu.memref_slice %arg10[%mul3A_2, %dma_start3A] : memref<10240x128xf32, #tpu.memory_space<vmem_shared>> -> memref<640x128xf32, #tpu.memory_space<vmem_shared>>
      %dma_start3A_20 = arith.constant 0 : i32
      %dma_start3A_21 = tpu.memref_slice %arg5[%mul3A_0, %dma_start3A_20] : memref<10240x128xf32, #tpu.memory_space<hbm>> -> memref<640x128xf32, #tpu.memory_space<hbm>>
      tpu.enqueue_dma source(%dma_start3A_21 : memref<640x128xf32, #tpu.memory_space<hbm>>) target(%dma_start3A_19 : memref<640x128xf32, #tpu.memory_space<vmem_shared>>) target_semaphore(%run_scoped3A : memref<!tpu.dma_semaphore, #tpu.memory_space<semaphore_mem>>)
      %dma_wait3A = arith.constant 0 : i32
      %dma_wait3A_22 = tpu.memref_slice %arg10[%mul3A_2, %dma_wait3A] : memref<10240x128xf32, #tpu.memory_space<vmem_shared>> -> memref<640x128xf32, #tpu.memory_space<vmem_shared>>
      %dma_wait3A_23 = arith.constant 0 : i32
      %dma_wait3A_24 = tpu.memref_slice %arg5[%mul3A_0, %dma_wait3A_23] : memref<10240x128xf32, #tpu.memory_space<hbm>> -> memref<640x128xf32, #tpu.memory_space<hbm>>
      tpu.wait_dma2 semaphore(%run_scoped3A : memref<!tpu.dma_semaphore, #tpu.memory_space<semaphore_mem>>) src(%dma_wait3A_24 : memref<640x128xf32, #tpu.memory_space<hbm>>) dst(%dma_wait3A_22 : memref<640x128xf32, #tpu.memory_space<vmem_shared>>)
      tpu.yield
    }) : () -> ()
    %barrier3A = arith.constant 0 : index
    tpu.barrier barrier_id(%barrier3A)
    %eq3A = arith.constant 0 : i32
    %eq3A_3 = arith.cmpi eq, %arg0, %eq3A : i32
    %jit3A = arith.constant 5 : i32
    %jit3A_4 = arith.constant 5 : i32
    %select_n3A = arith.select %eq3A_3, %jit3A, %jit3A_4 : i32
    %while3A = arith.constant 0 : i32
    %while3A_5 = arith.constant 0 : i32
    %while3A_6 = arith.subi %select_n3A, %while3A_5 : i32
    %while3A_7 = arith.addi %while3A_5, %while3A_6 : i32
    %while3A_8 = arith.constant 1 : i32
    %while3A_9 = arith.divsi %while3A_6, %while3A_8 : i32
    %while3A_10 = arith.muli %while3A_9, %while3A_8 : i32
    %while3A_11 = arith.addi %while3A_5, %while3A_10 : i32
    %while3A_12 = arith.constant 1 : i32
    scf.for %while3A_19 = %while3A_5 to %while3A_11 step %while3A_12  : i32 {
      %mul3A_20 = arith.constant 16 : i32
      %mul3A_21 = arith.muli %while3A_19, %mul3A_20 : i32
      "tpu.region"() ({
        %run_scoped3A = tpu.sem_alloc : memref<!tpu.dma_semaphore, #tpu.memory_space<semaphore_mem>>
        %dma_start3A_51 = arith.constant 0 : i32
        %dma_start3A_52 = tpu.memref_slice %arg3[%arg0, %arg1, %mul3A_21, %dma_start3A_51] : memref<2x16x80x128xi32, #tpu.memory_space<hbm>> -> memref<1x1x16x128xi32, #tpu.memory_space<hbm>>
        %dma_start3A_53 = tpu.memref_squeeze %dma_start3A_52 : memref<1x1x16x128xi32, #tpu.memory_space<hbm>> -> memref<16x128xi32, #tpu.memory_space<hbm>>
        %dma_start3A_54 = arith.constant 0 : i32
        %dma_start3A_55 = tpu.memref_slice %arg3[%arg0, %arg1, %mul3A_21, %dma_start3A_54] : memref<2x16x80x128xi32, #tpu.memory_space<hbm>> -> memref<1x1x16x128xi32, #tpu.memory_space<hbm>>
        %dma_start3A_56 = tpu.memref_squeeze %dma_start3A_55 : memref<1x1x16x128xi32, #tpu.memory_space<hbm>> -> memref<16x128xi32, #tpu.memory_space<hbm>>
        tpu.enqueue_dma source(%dma_start3A_56 : memref<16x128xi32, #tpu.memory_space<hbm>>) target(%arg7 : memref<16x128xi32, #tpu.memory_space<vmem>>) target_semaphore(%run_scoped3A : memref<!tpu.dma_semaphore, #tpu.memory_space<semaphore_mem>>)
        %dma_wait3A_57 = arith.constant 0 : i32
        %dma_wait3A_58 = tpu.memref_slice %arg3[%arg0, %arg1, %mul3A_21, %dma_wait3A_57] : memref<2x16x80x128xi32, #tpu.memory_space<hbm>> -> memref<1x1x16x128xi32, #tpu.memory_space<hbm>>
        %dma_wait3A_59 = tpu.memref_squeeze %dma_wait3A_58 : memref<1x1x16x128xi32, #tpu.memory_space<hbm>> -> memref<16x128xi32, #tpu.memory_space<hbm>>
        %dma_wait3A_60 = arith.constant 0 : i32
        %dma_wait3A_61 = tpu.memref_slice %arg3[%arg0, %arg1, %mul3A_21, %dma_wait3A_60] : memref<2x16x80x128xi32, #tpu.memory_space<hbm>> -> memref<1x1x16x128xi32, #tpu.memory_space<hbm>>
        %dma_wait3A_62 = tpu.memref_squeeze %dma_wait3A_61 : memref<1x1x16x128xi32, #tpu.memory_space<hbm>> -> memref<16x128xi32, #tpu.memory_space<hbm>>
        tpu.wait_dma2 semaphore(%run_scoped3A : memref<!tpu.dma_semaphore, #tpu.memory_space<semaphore_mem>>) src(%dma_wait3A_62 : memref<16x128xi32, #tpu.memory_space<hbm>>) dst(%arg7 : memref<16x128xi32, #tpu.memory_space<vmem>>)
        tpu.yield
      }) : () -> ()
      %mul3A_22 = arith.constant 16 : i32
      %mul3A_23 = arith.muli %while3A_19, %mul3A_22 : i32
      "tpu.region"() ({
        %run_scoped3A = tpu.sem_alloc : memref<!tpu.dma_semaphore, #tpu.memory_space<semaphore_mem>>
        %dma_start3A_51 = arith.constant 0 : i32
        %dma_start3A_52 = tpu.memref_slice %arg4[%arg0, %arg1, %mul3A_23, %dma_start3A_51] : memref<2x16x80x128xi32, #tpu.memory_space<hbm>> -> memref<1x1x16x128xi32, #tpu.memory_space<hbm>>
        %dma_start3A_53 = tpu.memref_squeeze %dma_start3A_52 : memref<1x1x16x128xi32, #tpu.memory_space<hbm>> -> memref<16x128xi32, #tpu.memory_space<hbm>>
        %dma_start3A_54 = arith.constant 0 : i32
        %dma_start3A_55 = tpu.memref_slice %arg4[%arg0, %arg1, %mul3A_23, %dma_start3A_54] : memref<2x16x80x128xi32, #tpu.memory_space<hbm>> -> memref<1x1x16x128xi32, #tpu.memory_space<hbm>>
        %dma_start3A_56 = tpu.memref_squeeze %dma_start3A_55 : memref<1x1x16x128xi32, #tpu.memory_space<hbm>> -> memref<16x128xi32, #tpu.memory_space<hbm>>
        tpu.enqueue_dma source(%dma_start3A_56 : memref<16x128xi32, #tpu.memory_space<hbm>>) target(%arg8 : memref<16x128xi32, #tpu.memory_space<vmem>>) target_semaphore(%run_scoped3A : memref<!tpu.dma_semaphore, #tpu.memory_space<semaphore_mem>>)
        %dma_wait3A_57 = arith.constant 0 : i32
        %dma_wait3A_58 = tpu.memref_slice %arg4[%arg0, %arg1, %mul3A_23, %dma_wait3A_57] : memref<2x16x80x128xi32, #tpu.memory_space<hbm>> -> memref<1x1x16x128xi32, #tpu.memory_space<hbm>>
        %dma_wait3A_59 = tpu.memref_squeeze %dma_wait3A_58 : memref<1x1x16x128xi32, #tpu.memory_space<hbm>> -> memref<16x128xi32, #tpu.memory_space<hbm>>
        %dma_wait3A_60 = arith.constant 0 : i32
        %dma_wait3A_61 = tpu.memref_slice %arg4[%arg0, %arg1, %mul3A_23, %dma_wait3A_60] : memref<2x16x80x128xi32, #tpu.memory_space<hbm>> -> memref<1x1x16x128xi32, #tpu.memory_space<hbm>>
        %dma_wait3A_62 = tpu.memref_squeeze %dma_wait3A_61 : memref<1x1x16x128xi32, #tpu.memory_space<hbm>> -> memref<16x128xi32, #tpu.memory_space<hbm>>
        tpu.wait_dma2 semaphore(%run_scoped3A : memref<!tpu.dma_semaphore, #tpu.memory_space<semaphore_mem>>) src(%dma_wait3A_62 : memref<16x128xi32, #tpu.memory_space<hbm>>) dst(%arg8 : memref<16x128xi32, #tpu.memory_space<vmem>>)
        tpu.yield
      }) : () -> ()
      %dma_start3A = arith.constant 0 : i32
      %dma_start3A_24 = arith.constant 0 : i32
      %dma_start3A_25 = arith.constant 0 : i32
      %dma_start3A_26 = arith.constant 0 : i32
      %dma_start3A_27 = tpu.memref_slice %arg9[%dma_start3A_24, %dma_start3A_25, %dma_start3A_26] : memref<2x128x128xf32, #tpu.memory_space<vmem>> -> memref<1x128x128xf32, #tpu.memory_space<vmem>>
      %dma_start3A_28 = tpu.memref_squeeze %dma_start3A_27 : memref<1x128x128xf32, #tpu.memory_space<vmem>> -> memref<128x128xf32, #tpu.memory_space<vmem>>
      %dma_start3A_29 = arith.constant 0 : i32
      %dma_start3A_30 = tpu.memref_slice %arg7[%dma_start3A, %dma_start3A_29] : memref<16x128xi32, #tpu.memory_space<vmem>> -> memref<1x128xi32, #tpu.memory_space<vmem>>
      %dma_start3A_31 = tpu.memref_squeeze %dma_start3A_30 : memref<1x128xi32, #tpu.memory_space<vmem>> -> memref<128xi32, #tpu.memory_space<vmem>>
      %dma_start3A_32 = arith.constant 0 : i32
      %dma_start3A_33 = arith.constant 0 : i32
      %dma_start3A_34 = tpu.memref_slice %arg2[%dma_start3A_32, %dma_start3A_33] : memref<10240x128xf32, #tpu.memory_space<hbm>> -> memref<10240x128xf32, #tpu.memory_space<hbm>>
      tpu.enqueue_indirect_dma source(%dma_start3A_34 : memref<10240x128xf32, #tpu.memory_space<hbm>>) target(%dma_start3A_28 : memref<128x128xf32, #tpu.memory_space<vmem>>) offsets(%dma_start3A_31 : memref<128xi32, #tpu.memory_space<vmem>>) semaphore(%arg11 : memref<!tpu.dma_semaphore, #tpu.memory_space<semaphore_mem>>)
      %scan3A = arith.constant 0 : i32
      %scan3A_35 = arith.constant 0 : i32
      %scan3A_36 = arith.constant 8 : i32
      %scan3A_37 = arith.addi %scan3A_35, %scan3A_36 : i32
      %scan3A_38 = arith.constant 1 : i32
      scf.for %scan3A_51 = %scan3A_35 to %scan3A_37 step %scan3A_38  : i32 {
        %mul3A_52 = arith.constant 2 : i32
        %mul3A_53 = arith.muli %mul3A_52, %scan3A_51 : i32
        %add3A = arith.constant 0 : i32
        %add3A_54 = arith.addi %mul3A_53, %add3A : i32
        %dma_wait3A_55 = arith.constant 0 : i32
        %dma_wait3A_56 = arith.constant 0 : i32
        %dma_wait3A_57 = arith.constant 0 : i32
        %dma_wait3A_58 = tpu.memref_slice %arg9[%dma_wait3A_55, %dma_wait3A_56, %dma_wait3A_57] : memref<2x128x128xf32, #tpu.memory_space<vmem>> -> memref<1x128x128xf32, #tpu.memory_space<vmem>>
        %dma_wait3A_59 = tpu.memref_squeeze %dma_wait3A_58 : memref<1x128x128xf32, #tpu.memory_space<vmem>> -> memref<128x128xf32, #tpu.memory_space<vmem>>
        %dma_wait3A_60 = arith.constant 0 : i32
        %dma_wait3A_61 = tpu.memref_slice %arg7[%add3A_54, %dma_wait3A_60] : memref<16x128xi32, #tpu.memory_space<vmem>> -> memref<1x128xi32, #tpu.memory_space<vmem>>
        %dma_wait3A_62 = tpu.memref_squeeze %dma_wait3A_61 : memref<1x128xi32, #tpu.memory_space<vmem>> -> memref<128xi32, #tpu.memory_space<vmem>>
        %dma_wait3A_63 = arith.constant 0 : i32
        %dma_wait3A_64 = arith.constant 0 : i32
        %dma_wait3A_65 = tpu.memref_slice %arg2[%dma_wait3A_63, %dma_wait3A_64] : memref<10240x128xf32, #tpu.memory_space<hbm>> -> memref<10240x128xf32, #tpu.memory_space<hbm>>
        tpu.wait_indirect_dma semaphore(%arg11 : memref<!tpu.dma_semaphore, #tpu.memory_space<semaphore_mem>>) src(%dma_wait3A_65 : memref<10240x128xf32, #tpu.memory_space<hbm>>) dst(%dma_wait3A_59 : memref<128x128xf32, #tpu.memory_space<vmem>>)
        %gt3A = arith.constant 0 : i32
        %gt3A_66 = arith.cmpi sgt, %add3A_54, %gt3A : i32
        %convert_element_type3A = arith.extui %gt3A_66 : i1 to i32
        %cond3A = arith.constant 0 : i32
        %cond3A_67 = arith.cmpi ne, %convert_element_type3A, %cond3A : i32
        scf.if %cond3A_67 {
          %sub3A = arith.constant 1 : i32
          %sub3A_123 = arith.subi %add3A_54, %sub3A : i32
          %max3A = arith.constant 0 : i32
          %max3A_124 = arith.maxsi %sub3A_123, %max3A : i32
          %dma_wait3A_125 = arith.constant 1 : i32
          %dma_wait3A_126 = arith.constant 0 : i32
          %dma_wait3A_127 = arith.constant 0 : i32
          %dma_wait3A_128 = tpu.memref_slice %arg9[%dma_wait3A_125, %dma_wait3A_126, %dma_wait3A_127] : memref<2x128x128xf32, #tpu.memory_space<vmem>> -> memref<1x128x128xf32, #tpu.memory_space<vmem>>
          %dma_wait3A_129 = tpu.memref_squeeze %dma_wait3A_128 : memref<1x128x128xf32, #tpu.memory_space<vmem>> -> memref<128x128xf32, #tpu.memory_space<vmem>>
          %dma_wait3A_130 = arith.constant 0 : i32
          %dma_wait3A_131 = tpu.memref_slice %arg8[%max3A_124, %dma_wait3A_130] : memref<16x128xi32, #tpu.memory_space<vmem>> -> memref<1x128xi32, #tpu.memory_space<vmem>>
          %dma_wait3A_132 = tpu.memref_squeeze %dma_wait3A_131 : memref<1x128xi32, #tpu.memory_space<vmem>> -> memref<128xi32, #tpu.memory_space<vmem>>
          %dma_wait3A_133 = arith.constant 0 : i32
          %dma_wait3A_134 = arith.constant 0 : i32
          %dma_wait3A_135 = tpu.memref_slice %arg10[%dma_wait3A_133, %dma_wait3A_134] : memref<10240x128xf32, #tpu.memory_space<vmem_shared>> -> memref<10240x128xf32, #tpu.memory_space<vmem_shared>>
          tpu.wait_indirect_dma semaphore(%arg13 : memref<!tpu.dma_semaphore, #tpu.memory_space<semaphore_mem>>) src(%dma_wait3A_129 : memref<128x128xf32, #tpu.memory_space<vmem>>) dst(%dma_wait3A_135 : memref<10240x128xf32, #tpu.memory_space<vmem_shared>>)
        } else {
        }
        %add3A_68 = arith.constant 1 : i32
        %add3A_69 = arith.addi %add3A_54, %add3A_68 : i32
        %lt3A = arith.constant 16 : i32
        %lt3A_70 = arith.cmpi slt, %add3A_69, %lt3A : i32
        %convert_element_type3A_71 = arith.extui %lt3A_70 : i1 to i32
        %cond3A_72 = arith.constant 0 : i32
        %cond3A_73 = arith.cmpi ne, %convert_element_type3A_71, %cond3A_72 : i32
        scf.if %cond3A_73 {
          %add3A_123 = arith.constant 1 : i32
          %add3A_124 = arith.addi %add3A_54, %add3A_123 : i32
          %dma_start3A_125 = arith.constant 1 : i32
          %dma_start3A_126 = arith.constant 0 : i32
          %dma_start3A_127 = arith.constant 0 : i32
          %dma_start3A_128 = tpu.memref_slice %arg9[%dma_start3A_125, %dma_start3A_126, %dma_start3A_127] : memref<2x128x128xf32, #tpu.memory_space<vmem>> -> memref<1x128x128xf32, #tpu.memory_space<vmem>>
          %dma_start3A_129 = tpu.memref_squeeze %dma_start3A_128 : memref<1x128x128xf32, #tpu.memory_space<vmem>> -> memref<128x128xf32, #tpu.memory_space<vmem>>
          %dma_start3A_130 = arith.constant 0 : i32
          %dma_start3A_131 = tpu.memref_slice %arg7[%add3A_124, %dma_start3A_130] : memref<16x128xi32, #tpu.memory_space<vmem>> -> memref<1x128xi32, #tpu.memory_space<vmem>>
          %dma_start3A_132 = tpu.memref_squeeze %dma_start3A_131 : memref<1x128xi32, #tpu.memory_space<vmem>> -> memref<128xi32, #tpu.memory_space<vmem>>
          %dma_start3A_133 = arith.constant 0 : i32
          %dma_start3A_134 = arith.constant 0 : i32
          %dma_start3A_135 = tpu.memref_slice %arg2[%dma_start3A_133, %dma_start3A_134] : memref<10240x128xf32, #tpu.memory_space<hbm>> -> memref<10240x128xf32, #tpu.memory_space<hbm>>
          tpu.enqueue_indirect_dma source(%dma_start3A_135 : memref<10240x128xf32, #tpu.memory_space<hbm>>) target(%dma_start3A_129 : memref<128x128xf32, #tpu.memory_space<vmem>>) offsets(%dma_start3A_132 : memref<128xi32, #tpu.memory_space<vmem>>) semaphore(%arg11 : memref<!tpu.dma_semaphore, #tpu.memory_space<semaphore_mem>>)
        } else {
        }
        %dma_start3A_74 = arith.constant 0 : i32
        %dma_start3A_75 = arith.constant 0 : i32
        %dma_start3A_76 = arith.constant 0 : i32
        %dma_start3A_77 = tpu.memref_slice %arg9[%dma_start3A_74, %dma_start3A_75, %dma_start3A_76] : memref<2x128x128xf32, #tpu.memory_space<vmem>> -> memref<1x128x128xf32, #tpu.memory_space<vmem>>
        %dma_start3A_78 = tpu.memref_squeeze %dma_start3A_77 : memref<1x128x128xf32, #tpu.memory_space<vmem>> -> memref<128x128xf32, #tpu.memory_space<vmem>>
        %dma_start3A_79 = arith.constant 0 : i32
        %dma_start3A_80 = tpu.memref_slice %arg8[%add3A_54, %dma_start3A_79] : memref<16x128xi32, #tpu.memory_space<vmem>> -> memref<1x128xi32, #tpu.memory_space<vmem>>
        %dma_start3A_81 = tpu.memref_squeeze %dma_start3A_80 : memref<1x128xi32, #tpu.memory_space<vmem>> -> memref<128xi32, #tpu.memory_space<vmem>>
        %dma_start3A_82 = arith.constant 0 : i32
        %dma_start3A_83 = arith.constant 0 : i32
        %dma_start3A_84 = tpu.memref_slice %arg10[%dma_start3A_82, %dma_start3A_83] : memref<10240x128xf32, #tpu.memory_space<vmem_shared>> -> memref<10240x128xf32, #tpu.memory_space<vmem_shared>>
        tpu.enqueue_indirect_dma source(%dma_start3A_78 : memref<128x128xf32, #tpu.memory_space<vmem>>) target(%dma_start3A_84 : memref<10240x128xf32, #tpu.memory_space<vmem_shared>>) offsets(%dma_start3A_81 : memref<128xi32, #tpu.memory_space<vmem>>) semaphore(%arg12 : memref<!tpu.dma_semaphore, #tpu.memory_space<semaphore_mem>>) {add = true}
        %mul3A_85 = arith.constant 2 : i32
        %mul3A_86 = arith.muli %mul3A_85, %scan3A_51 : i32
        %add3A_87 = arith.constant 1 : i32
        %add3A_88 = arith.addi %mul3A_86, %add3A_87 : i32
        %dma_wait3A_89 = arith.constant 1 : i32
        %dma_wait3A_90 = arith.constant 0 : i32
        %dma_wait3A_91 = arith.constant 0 : i32
        %dma_wait3A_92 = tpu.memref_slice %arg9[%dma_wait3A_89, %dma_wait3A_90, %dma_wait3A_91] : memref<2x128x128xf32, #tpu.memory_space<vmem>> -> memref<1x128x128xf32, #tpu.memory_space<vmem>>
        %dma_wait3A_93 = tpu.memref_squeeze %dma_wait3A_92 : memref<1x128x128xf32, #tpu.memory_space<vmem>> -> memref<128x128xf32, #tpu.memory_space<vmem>>
        %dma_wait3A_94 = arith.constant 0 : i32
        %dma_wait3A_95 = tpu.memref_slice %arg7[%add3A_88, %dma_wait3A_94] : memref<16x128xi32, #tpu.memory_space<vmem>> -> memref<1x128xi32, #tpu.memory_space<vmem>>
        %dma_wait3A_96 = tpu.memref_squeeze %dma_wait3A_95 : memref<1x128xi32, #tpu.memory_space<vmem>> -> memref<128xi32, #tpu.memory_space<vmem>>
        %dma_wait3A_97 = arith.constant 0 : i32
        %dma_wait3A_98 = arith.constant 0 : i32
        %dma_wait3A_99 = tpu.memref_slice %arg2[%dma_wait3A_97, %dma_wait3A_98] : memref<10240x128xf32, #tpu.memory_space<hbm>> -> memref<10240x128xf32, #tpu.memory_space<hbm>>
        tpu.wait_indirect_dma semaphore(%arg11 : memref<!tpu.dma_semaphore, #tpu.memory_space<semaphore_mem>>) src(%dma_wait3A_99 : memref<10240x128xf32, #tpu.memory_space<hbm>>) dst(%dma_wait3A_93 : memref<128x128xf32, #tpu.memory_space<vmem>>)
        %gt3A_100 = arith.constant 0 : i32
        %gt3A_101 = arith.cmpi sgt, %add3A_88, %gt3A_100 : i32
        %convert_element_type3A_102 = arith.extui %gt3A_101 : i1 to i32
        %cond3A_103 = arith.constant 0 : i32
        %cond3A_104 = arith.cmpi ne, %convert_element_type3A_102, %cond3A_103 : i32
        scf.if %cond3A_104 {
          %sub3A = arith.constant 1 : i32
          %sub3A_123 = arith.subi %add3A_88, %sub3A : i32
          %max3A = arith.constant 0 : i32
          %max3A_124 = arith.maxsi %sub3A_123, %max3A : i32
          %dma_wait3A_125 = arith.constant 0 : i32
          %dma_wait3A_126 = arith.constant 0 : i32
          %dma_wait3A_127 = arith.constant 0 : i32
          %dma_wait3A_128 = tpu.memref_slice %arg9[%dma_wait3A_125, %dma_wait3A_126, %dma_wait3A_127] : memref<2x128x128xf32, #tpu.memory_space<vmem>> -> memref<1x128x128xf32, #tpu.memory_space<vmem>>
          %dma_wait3A_129 = tpu.memref_squeeze %dma_wait3A_128 : memref<1x128x128xf32, #tpu.memory_space<vmem>> -> memref<128x128xf32, #tpu.memory_space<vmem>>
          %dma_wait3A_130 = arith.constant 0 : i32
          %dma_wait3A_131 = tpu.memref_slice %arg8[%max3A_124, %dma_wait3A_130] : memref<16x128xi32, #tpu.memory_space<vmem>> -> memref<1x128xi32, #tpu.memory_space<vmem>>
          %dma_wait3A_132 = tpu.memref_squeeze %dma_wait3A_131 : memref<1x128xi32, #tpu.memory_space<vmem>> -> memref<128xi32, #tpu.memory_space<vmem>>
          %dma_wait3A_133 = arith.constant 0 : i32
          %dma_wait3A_134 = arith.constant 0 : i32
          %dma_wait3A_135 = tpu.memref_slice %arg10[%dma_wait3A_133, %dma_wait3A_134] : memref<10240x128xf32, #tpu.memory_space<vmem_shared>> -> memref<10240x128xf32, #tpu.memory_space<vmem_shared>>
          tpu.wait_indirect_dma semaphore(%arg12 : memref<!tpu.dma_semaphore, #tpu.memory_space<semaphore_mem>>) src(%dma_wait3A_129 : memref<128x128xf32, #tpu.memory_space<vmem>>) dst(%dma_wait3A_135 : memref<10240x128xf32, #tpu.memory_space<vmem_shared>>)
        } else {
        }
        %add3A_105 = arith.constant 1 : i32
        %add3A_106 = arith.addi %add3A_88, %add3A_105 : i32
        %lt3A_107 = arith.constant 16 : i32
        %lt3A_108 = arith.cmpi slt, %add3A_106, %lt3A_107 : i32
        %convert_element_type3A_109 = arith.extui %lt3A_108 : i1 to i32
        %cond3A_110 = arith.constant 0 : i32
        %cond3A_111 = arith.cmpi ne, %convert_element_type3A_109, %cond3A_110 : i32
        scf.if %cond3A_111 {
          %add3A_123 = arith.constant 1 : i32
          %add3A_124 = arith.addi %add3A_88, %add3A_123 : i32
          %dma_start3A_125 = arith.constant 0 : i32
          %dma_start3A_126 = arith.constant 0 : i32
          %dma_start3A_127 = arith.constant 0 : i32
          %dma_start3A_128 = tpu.memref_slice %arg9[%dma_start3A_125, %dma_start3A_126, %dma_start3A_127] : memref<2x128x128xf32, #tpu.memory_space<vmem>> -> memref<1x128x128xf32, #tpu.memory_space<vmem>>
          %dma_start3A_129 = tpu.memref_squeeze %dma_start3A_128 : memref<1x128x128xf32, #tpu.memory_space<vmem>> -> memref<128x128xf32, #tpu.memory_space<vmem>>
          %dma_start3A_130 = arith.constant 0 : i32
          %dma_start3A_131 = tpu.memref_slice %arg7[%add3A_124, %dma_start3A_130] : memref<16x128xi32, #tpu.memory_space<vmem>> -> memref<1x128xi32, #tpu.memory_space<vmem>>
          %dma_start3A_132 = tpu.memref_squeeze %dma_start3A_131 : memref<1x128xi32, #tpu.memory_space<vmem>> -> memref<128xi32, #tpu.memory_space<vmem>>
          %dma_start3A_133 = arith.constant 0 : i32
          %dma_start3A_134 = arith.constant 0 : i32
          %dma_start3A_135 = tpu.memref_slice %arg2[%dma_start3A_133, %dma_start3A_134] : memref<10240x128xf32, #tpu.memory_space<hbm>> -> memref<10240x128xf32, #tpu.memory_space<hbm>>
          tpu.enqueue_indirect_dma source(%dma_start3A_135 : memref<10240x128xf32, #tpu.memory_space<hbm>>) target(%dma_start3A_129 : memref<128x128xf32, #tpu.memory_space<vmem>>) offsets(%dma_start3A_132 : memref<128xi32, #tpu.memory_space<vmem>>) semaphore(%arg11 : memref<!tpu.dma_semaphore, #tpu.memory_space<semaphore_mem>>)
        } else {
        }
        %dma_start3A_112 = arith.constant 1 : i32
        %dma_start3A_113 = arith.constant 0 : i32
        %dma_start3A_114 = arith.constant 0 : i32
        %dma_start3A_115 = tpu.memref_slice %arg9[%dma_start3A_112, %dma_start3A_113, %dma_start3A_114] : memref<2x128x128xf32, #tpu.memory_space<vmem>> -> memref<1x128x128xf32, #tpu.memory_space<vmem>>
        %dma_start3A_116 = tpu.memref_squeeze %dma_start3A_115 : memref<1x128x128xf32, #tpu.memory_space<vmem>> -> memref<128x128xf32, #tpu.memory_space<vmem>>
        %dma_start3A_117 = arith.constant 0 : i32
        %dma_start3A_118 = tpu.memref_slice %arg8[%add3A_88, %dma_start3A_117] : memref<16x128xi32, #tpu.memory_space<vmem>> -> memref<1x128xi32, #tpu.memory_space<vmem>>
        %dma_start3A_119 = tpu.memref_squeeze %dma_start3A_118 : memref<1x128xi32, #tpu.memory_space<vmem>> -> memref<128xi32, #tpu.memory_space<vmem>>
        %dma_start3A_120 = arith.constant 0 : i32
        %dma_start3A_121 = arith.constant 0 : i32
        %dma_start3A_122 = tpu.memref_slice %arg10[%dma_start3A_120, %dma_start3A_121] : memref<10240x128xf32, #tpu.memory_space<vmem_shared>> -> memref<10240x128xf32, #tpu.memory_space<vmem_shared>>
        tpu.enqueue_indirect_dma source(%dma_start3A_116 : memref<128x128xf32, #tpu.memory_space<vmem>>) target(%dma_start3A_122 : memref<10240x128xf32, #tpu.memory_space<vmem_shared>>) offsets(%dma_start3A_119 : memref<128xi32, #tpu.memory_space<vmem>>) semaphore(%arg13 : memref<!tpu.dma_semaphore, #tpu.memory_space<semaphore_mem>>) {add = true}
      }
      %scan3A_39 = arith.constant 8 : i32
      %dma_wait3A = arith.constant 1 : i32
      %dma_wait3A_40 = arith.constant 15 : i32
      %dma_wait3A_41 = arith.constant 0 : i32
      %dma_wait3A_42 = arith.constant 0 : i32
      %dma_wait3A_43 = tpu.memref_slice %arg9[%dma_wait3A, %dma_wait3A_41, %dma_wait3A_42] : memref<2x128x128xf32, #tpu.memory_space<vmem>> -> memref<1x128x128xf32, #tpu.memory_space<vmem>>
      %dma_wait3A_44 = tpu.memref_squeeze %dma_wait3A_43 : memref<1x128x128xf32, #tpu.memory_space<vmem>> -> memref<128x128xf32, #tpu.memory_space<vmem>>
      %dma_wait3A_45 = arith.constant 0 : i32
      %dma_wait3A_46 = tpu.memref_slice %arg8[%dma_wait3A_40, %dma_wait3A_45] : memref<16x128xi32, #tpu.memory_space<vmem>> -> memref<1x128xi32, #tpu.memory_space<vmem>>
      %dma_wait3A_47 = tpu.memref_squeeze %dma_wait3A_46 : memref<1x128xi32, #tpu.memory_space<vmem>> -> memref<128xi32, #tpu.memory_space<vmem>>
      %dma_wait3A_48 = arith.constant 0 : i32
      %dma_wait3A_49 = arith.constant 0 : i32
      %dma_wait3A_50 = tpu.memref_slice %arg10[%dma_wait3A_48, %dma_wait3A_49] : memref<10240x128xf32, #tpu.memory_space<vmem_shared>> -> memref<10240x128xf32, #tpu.memory_space<vmem_shared>>
      tpu.wait_indirect_dma semaphore(%arg13 : memref<!tpu.dma_semaphore, #tpu.memory_space<semaphore_mem>>) src(%dma_wait3A_44 : memref<128x128xf32, #tpu.memory_space<vmem>>) dst(%dma_wait3A_50 : memref<10240x128xf32, #tpu.memory_space<vmem_shared>>)
    }
    %while3A_13 = arith.constant 1 : i32
    scf.for %while3A_19 = %while3A_11 to %while3A_7 step %while3A_13  : i32 {
      %mul3A_20 = arith.constant 16 : i32
      %mul3A_21 = arith.muli %while3A_19, %mul3A_20 : i32
      "tpu.region"() ({
        %run_scoped3A = tpu.sem_alloc : memref<!tpu.dma_semaphore, #tpu.memory_space<semaphore_mem>>
        %dma_start3A_51 = arith.constant 0 : i32
        %dma_start3A_52 = tpu.memref_slice %arg3[%arg0, %arg1, %mul3A_21, %dma_start3A_51] : memref<2x16x80x128xi32, #tpu.memory_space<hbm>> -> memref<1x1x16x128xi32, #tpu.memory_space<hbm>>
        %dma_start3A_53 = tpu.memref_squeeze %dma_start3A_52 : memref<1x1x16x128xi32, #tpu.memory_space<hbm>> -> memref<16x128xi32, #tpu.memory_space<hbm>>
        %dma_start3A_54 = arith.constant 0 : i32
        %dma_start3A_55 = tpu.memref_slice %arg3[%arg0, %arg1, %mul3A_21, %dma_start3A_54] : memref<2x16x80x128xi32, #tpu.memory_space<hbm>> -> memref<1x1x16x128xi32, #tpu.memory_space<hbm>>
        %dma_start3A_56 = tpu.memref_squeeze %dma_start3A_55 : memref<1x1x16x128xi32, #tpu.memory_space<hbm>> -> memref<16x128xi32, #tpu.memory_space<hbm>>
        tpu.enqueue_dma source(%dma_start3A_56 : memref<16x128xi32, #tpu.memory_space<hbm>>) target(%arg7 : memref<16x128xi32, #tpu.memory_space<vmem>>) target_semaphore(%run_scoped3A : memref<!tpu.dma_semaphore, #tpu.memory_space<semaphore_mem>>)
        %dma_wait3A_57 = arith.constant 0 : i32
        %dma_wait3A_58 = tpu.memref_slice %arg3[%arg0, %arg1, %mul3A_21, %dma_wait3A_57] : memref<2x16x80x128xi32, #tpu.memory_space<hbm>> -> memref<1x1x16x128xi32, #tpu.memory_space<hbm>>
        %dma_wait3A_59 = tpu.memref_squeeze %dma_wait3A_58 : memref<1x1x16x128xi32, #tpu.memory_space<hbm>> -> memref<16x128xi32, #tpu.memory_space<hbm>>
        %dma_wait3A_60 = arith.constant 0 : i32
        %dma_wait3A_61 = tpu.memref_slice %arg3[%arg0, %arg1, %mul3A_21, %dma_wait3A_60] : memref<2x16x80x128xi32, #tpu.memory_space<hbm>> -> memref<1x1x16x128xi32, #tpu.memory_space<hbm>>
        %dma_wait3A_62 = tpu.memref_squeeze %dma_wait3A_61 : memref<1x1x16x128xi32, #tpu.memory_space<hbm>> -> memref<16x128xi32, #tpu.memory_space<hbm>>
        tpu.wait_dma2 semaphore(%run_scoped3A : memref<!tpu.dma_semaphore, #tpu.memory_space<semaphore_mem>>) src(%dma_wait3A_62 : memref<16x128xi32, #tpu.memory_space<hbm>>) dst(%arg7 : memref<16x128xi32, #tpu.memory_space<vmem>>)
        tpu.yield
      }) : () -> ()
      %mul3A_22 = arith.constant 16 : i32
      %mul3A_23 = arith.muli %while3A_19, %mul3A_22 : i32
      "tpu.region"() ({
        %run_scoped3A = tpu.sem_alloc : memref<!tpu.dma_semaphore, #tpu.memory_space<semaphore_mem>>
        %dma_start3A_51 = arith.constant 0 : i32
        %dma_start3A_52 = tpu.memref_slice %arg4[%arg0, %arg1, %mul3A_23, %dma_start3A_51] : memref<2x16x80x128xi32, #tpu.memory_space<hbm>> -> memref<1x1x16x128xi32, #tpu.memory_space<hbm>>
        %dma_start3A_53 = tpu.memref_squeeze %dma_start3A_52 : memref<1x1x16x128xi32, #tpu.memory_space<hbm>> -> memref<16x128xi32, #tpu.memory_space<hbm>>
        %dma_start3A_54 = arith.constant 0 : i32
        %dma_start3A_55 = tpu.memref_slice %arg4[%arg0, %arg1, %mul3A_23, %dma_start3A_54] : memref<2x16x80x128xi32, #tpu.memory_space<hbm>> -> memref<1x1x16x128xi32, #tpu.memory_space<hbm>>
        %dma_start3A_56 = tpu.memref_squeeze %dma_start3A_55 : memref<1x1x16x128xi32, #tpu.memory_space<hbm>> -> memref<16x128xi32, #tpu.memory_space<hbm>>
        tpu.enqueue_dma source(%dma_start3A_56 : memref<16x128xi32, #tpu.memory_space<hbm>>) target(%arg8 : memref<16x128xi32, #tpu.memory_space<vmem>>) target_semaphore(%run_scoped3A : memref<!tpu.dma_semaphore, #tpu.memory_space<semaphore_mem>>)
        %dma_wait3A_57 = arith.constant 0 : i32
        %dma_wait3A_58 = tpu.memref_slice %arg4[%arg0, %arg1, %mul3A_23, %dma_wait3A_57] : memref<2x16x80x128xi32, #tpu.memory_space<hbm>> -> memref<1x1x16x128xi32, #tpu.memory_space<hbm>>
        %dma_wait3A_59 = tpu.memref_squeeze %dma_wait3A_58 : memref<1x1x16x128xi32, #tpu.memory_space<hbm>> -> memref<16x128xi32, #tpu.memory_space<hbm>>
        %dma_wait3A_60 = arith.constant 0 : i32
        %dma_wait3A_61 = tpu.memref_slice %arg4[%arg0, %arg1, %mul3A_23, %dma_wait3A_60] : memref<2x16x80x128xi32, #tpu.memory_space<hbm>> -> memref<1x1x16x128xi32, #tpu.memory_space<hbm>>
        %dma_wait3A_62 = tpu.memref_squeeze %dma_wait3A_61 : memref<1x1x16x128xi32, #tpu.memory_space<hbm>> -> memref<16x128xi32, #tpu.memory_space<hbm>>
        tpu.wait_dma2 semaphore(%run_scoped3A : memref<!tpu.dma_semaphore, #tpu.memory_space<semaphore_mem>>) src(%dma_wait3A_62 : memref<16x128xi32, #tpu.memory_space<hbm>>) dst(%arg8 : memref<16x128xi32, #tpu.memory_space<vmem>>)
        tpu.yield
      }) : () -> ()
      %dma_start3A = arith.constant 0 : i32
      %dma_start3A_24 = arith.constant 0 : i32
      %dma_start3A_25 = arith.constant 0 : i32
      %dma_start3A_26 = arith.constant 0 : i32
      %dma_start3A_27 = tpu.memref_slice %arg9[%dma_start3A_24, %dma_start3A_25, %dma_start3A_26] : memref<2x128x128xf32, #tpu.memory_space<vmem>> -> memref<1x128x128xf32, #tpu.memory_space<vmem>>
      %dma_start3A_28 = tpu.memref_squeeze %dma_start3A_27 : memref<1x128x128xf32, #tpu.memory_space<vmem>> -> memref<128x128xf32, #tpu.memory_space<vmem>>
      %dma_start3A_29 = arith.constant 0 : i32
      %dma_start3A_30 = tpu.memref_slice %arg7[%dma_start3A, %dma_start3A_29] : memref<16x128xi32, #tpu.memory_space<vmem>> -> memref<1x128xi32, #tpu.memory_space<vmem>>
      %dma_start3A_31 = tpu.memref_squeeze %dma_start3A_30 : memref<1x128xi32, #tpu.memory_space<vmem>> -> memref<128xi32, #tpu.memory_space<vmem>>
      %dma_start3A_32 = arith.constant 0 : i32
      %dma_start3A_33 = arith.constant 0 : i32
      %dma_start3A_34 = tpu.memref_slice %arg2[%dma_start3A_32, %dma_start3A_33] : memref<10240x128xf32, #tpu.memory_space<hbm>> -> memref<10240x128xf32, #tpu.memory_space<hbm>>
      tpu.enqueue_indirect_dma source(%dma_start3A_34 : memref<10240x128xf32, #tpu.memory_space<hbm>>) target(%dma_start3A_28 : memref<128x128xf32, #tpu.memory_space<vmem>>) offsets(%dma_start3A_31 : memref<128xi32, #tpu.memory_space<vmem>>) semaphore(%arg11 : memref<!tpu.dma_semaphore, #tpu.memory_space<semaphore_mem>>)
      %scan3A = arith.constant 0 : i32
      %scan3A_35 = arith.constant 0 : i32
      %scan3A_36 = arith.constant 8 : i32
      %scan3A_37 = arith.addi %scan3A_35, %scan3A_36 : i32
      %scan3A_38 = arith.constant 1 : i32
      scf.for %scan3A_51 = %scan3A_35 to %scan3A_37 step %scan3A_38  : i32 {
        %mul3A_52 = arith.constant 2 : i32
        %mul3A_53 = arith.muli %mul3A_52, %scan3A_51 : i32
        %add3A = arith.constant 0 : i32
        %add3A_54 = arith.addi %mul3A_53, %add3A : i32
        %dma_wait3A_55 = arith.constant 0 : i32
        %dma_wait3A_56 = arith.constant 0 : i32
        %dma_wait3A_57 = arith.constant 0 : i32
        %dma_wait3A_58 = tpu.memref_slice %arg9[%dma_wait3A_55, %dma_wait3A_56, %dma_wait3A_57] : memref<2x128x128xf32, #tpu.memory_space<vmem>> -> memref<1x128x128xf32, #tpu.memory_space<vmem>>
        %dma_wait3A_59 = tpu.memref_squeeze %dma_wait3A_58 : memref<1x128x128xf32, #tpu.memory_space<vmem>> -> memref<128x128xf32, #tpu.memory_space<vmem>>
        %dma_wait3A_60 = arith.constant 0 : i32
        %dma_wait3A_61 = tpu.memref_slice %arg7[%add3A_54, %dma_wait3A_60] : memref<16x128xi32, #tpu.memory_space<vmem>> -> memref<1x128xi32, #tpu.memory_space<vmem>>
        %dma_wait3A_62 = tpu.memref_squeeze %dma_wait3A_61 : memref<1x128xi32, #tpu.memory_space<vmem>> -> memref<128xi32, #tpu.memory_space<vmem>>
        %dma_wait3A_63 = arith.constant 0 : i32
        %dma_wait3A_64 = arith.constant 0 : i32
        %dma_wait3A_65 = tpu.memref_slice %arg2[%dma_wait3A_63, %dma_wait3A_64] : memref<10240x128xf32, #tpu.memory_space<hbm>> -> memref<10240x128xf32, #tpu.memory_space<hbm>>
        tpu.wait_indirect_dma semaphore(%arg11 : memref<!tpu.dma_semaphore, #tpu.memory_space<semaphore_mem>>) src(%dma_wait3A_65 : memref<10240x128xf32, #tpu.memory_space<hbm>>) dst(%dma_wait3A_59 : memref<128x128xf32, #tpu.memory_space<vmem>>)
        %gt3A = arith.constant 0 : i32
        %gt3A_66 = arith.cmpi sgt, %add3A_54, %gt3A : i32
        %convert_element_type3A = arith.extui %gt3A_66 : i1 to i32
        %cond3A = arith.constant 0 : i32
        %cond3A_67 = arith.cmpi ne, %convert_element_type3A, %cond3A : i32
        scf.if %cond3A_67 {
          %sub3A = arith.constant 1 : i32
          %sub3A_123 = arith.subi %add3A_54, %sub3A : i32
          %max3A = arith.constant 0 : i32
          %max3A_124 = arith.maxsi %sub3A_123, %max3A : i32
          %dma_wait3A_125 = arith.constant 1 : i32
          %dma_wait3A_126 = arith.constant 0 : i32
          %dma_wait3A_127 = arith.constant 0 : i32
          %dma_wait3A_128 = tpu.memref_slice %arg9[%dma_wait3A_125, %dma_wait3A_126, %dma_wait3A_127] : memref<2x128x128xf32, #tpu.memory_space<vmem>> -> memref<1x128x128xf32, #tpu.memory_space<vmem>>
          %dma_wait3A_129 = tpu.memref_squeeze %dma_wait3A_128 : memref<1x128x128xf32, #tpu.memory_space<vmem>> -> memref<128x128xf32, #tpu.memory_space<vmem>>
          %dma_wait3A_130 = arith.constant 0 : i32
          %dma_wait3A_131 = tpu.memref_slice %arg8[%max3A_124, %dma_wait3A_130] : memref<16x128xi32, #tpu.memory_space<vmem>> -> memref<1x128xi32, #tpu.memory_space<vmem>>
          %dma_wait3A_132 = tpu.memref_squeeze %dma_wait3A_131 : memref<1x128xi32, #tpu.memory_space<vmem>> -> memref<128xi32, #tpu.memory_space<vmem>>
          %dma_wait3A_133 = arith.constant 0 : i32
          %dma_wait3A_134 = arith.constant 0 : i32
          %dma_wait3A_135 = tpu.memref_slice %arg10[%dma_wait3A_133, %dma_wait3A_134] : memref<10240x128xf32, #tpu.memory_space<vmem_shared>> -> memref<10240x128xf32, #tpu.memory_space<vmem_shared>>
          tpu.wait_indirect_dma semaphore(%arg13 : memref<!tpu.dma_semaphore, #tpu.memory_space<semaphore_mem>>) src(%dma_wait3A_129 : memref<128x128xf32, #tpu.memory_space<vmem>>) dst(%dma_wait3A_135 : memref<10240x128xf32, #tpu.memory_space<vmem_shared>>)
        } else {
        }
        %add3A_68 = arith.constant 1 : i32
        %add3A_69 = arith.addi %add3A_54, %add3A_68 : i32
        %lt3A = arith.constant 16 : i32
        %lt3A_70 = arith.cmpi slt, %add3A_69, %lt3A : i32
        %convert_element_type3A_71 = arith.extui %lt3A_70 : i1 to i32
        %cond3A_72 = arith.constant 0 : i32
        %cond3A_73 = arith.cmpi ne, %convert_element_type3A_71, %cond3A_72 : i32
        scf.if %cond3A_73 {
          %add3A_123 = arith.constant 1 : i32
          %add3A_124 = arith.addi %add3A_54, %add3A_123 : i32
          %dma_start3A_125 = arith.constant 1 : i32
          %dma_start3A_126 = arith.constant 0 : i32
          %dma_start3A_127 = arith.constant 0 : i32
          %dma_start3A_128 = tpu.memref_slice %arg9[%dma_start3A_125, %dma_start3A_126, %dma_start3A_127] : memref<2x128x128xf32, #tpu.memory_space<vmem>> -> memref<1x128x128xf32, #tpu.memory_space<vmem>>
          %dma_start3A_129 = tpu.memref_squeeze %dma_start3A_128 : memref<1x128x128xf32, #tpu.memory_space<vmem>> -> memref<128x128xf32, #tpu.memory_space<vmem>>
          %dma_start3A_130 = arith.constant 0 : i32
          %dma_start3A_131 = tpu.memref_slice %arg7[%add3A_124, %dma_start3A_130] : memref<16x128xi32, #tpu.memory_space<vmem>> -> memref<1x128xi32, #tpu.memory_space<vmem>>
          %dma_start3A_132 = tpu.memref_squeeze %dma_start3A_131 : memref<1x128xi32, #tpu.memory_space<vmem>> -> memref<128xi32, #tpu.memory_space<vmem>>
          %dma_start3A_133 = arith.constant 0 : i32
          %dma_start3A_134 = arith.constant 0 : i32
          %dma_start3A_135 = tpu.memref_slice %arg2[%dma_start3A_133, %dma_start3A_134] : memref<10240x128xf32, #tpu.memory_space<hbm>> -> memref<10240x128xf32, #tpu.memory_space<hbm>>
          tpu.enqueue_indirect_dma source(%dma_start3A_135 : memref<10240x128xf32, #tpu.memory_space<hbm>>) target(%dma_start3A_129 : memref<128x128xf32, #tpu.memory_space<vmem>>) offsets(%dma_start3A_132 : memref<128xi32, #tpu.memory_space<vmem>>) semaphore(%arg11 : memref<!tpu.dma_semaphore, #tpu.memory_space<semaphore_mem>>)
        } else {
        }
        %dma_start3A_74 = arith.constant 0 : i32
        %dma_start3A_75 = arith.constant 0 : i32
        %dma_start3A_76 = arith.constant 0 : i32
        %dma_start3A_77 = tpu.memref_slice %arg9[%dma_start3A_74, %dma_start3A_75, %dma_start3A_76] : memref<2x128x128xf32, #tpu.memory_space<vmem>> -> memref<1x128x128xf32, #tpu.memory_space<vmem>>
        %dma_start3A_78 = tpu.memref_squeeze %dma_start3A_77 : memref<1x128x128xf32, #tpu.memory_space<vmem>> -> memref<128x128xf32, #tpu.memory_space<vmem>>
        %dma_start3A_79 = arith.constant 0 : i32
        %dma_start3A_80 = tpu.memref_slice %arg8[%add3A_54, %dma_start3A_79] : memref<16x128xi32, #tpu.memory_space<vmem>> -> memref<1x128xi32, #tpu.memory_space<vmem>>
        %dma_start3A_81 = tpu.memref_squeeze %dma_start3A_80 : memref<1x128xi32, #tpu.memory_space<vmem>> -> memref<128xi32, #tpu.memory_space<vmem>>
        %dma_start3A_82 = arith.constant 0 : i32
        %dma_start3A_83 = arith.constant 0 : i32
        %dma_start3A_84 = tpu.memref_slice %arg10[%dma_start3A_82, %dma_start3A_83] : memref<10240x128xf32, #tpu.memory_space<vmem_shared>> -> memref<10240x128xf32, #tpu.memory_space<vmem_shared>>
        tpu.enqueue_indirect_dma source(%dma_start3A_78 : memref<128x128xf32, #tpu.memory_space<vmem>>) target(%dma_start3A_84 : memref<10240x128xf32, #tpu.memory_space<vmem_shared>>) offsets(%dma_start3A_81 : memref<128xi32, #tpu.memory_space<vmem>>) semaphore(%arg12 : memref<!tpu.dma_semaphore, #tpu.memory_space<semaphore_mem>>) {add = true}
        %mul3A_85 = arith.constant 2 : i32
        %mul3A_86 = arith.muli %mul3A_85, %scan3A_51 : i32
        %add3A_87 = arith.constant 1 : i32
        %add3A_88 = arith.addi %mul3A_86, %add3A_87 : i32
        %dma_wait3A_89 = arith.constant 1 : i32
        %dma_wait3A_90 = arith.constant 0 : i32
        %dma_wait3A_91 = arith.constant 0 : i32
        %dma_wait3A_92 = tpu.memref_slice %arg9[%dma_wait3A_89, %dma_wait3A_90, %dma_wait3A_91] : memref<2x128x128xf32, #tpu.memory_space<vmem>> -> memref<1x128x128xf32, #tpu.memory_space<vmem>>
        %dma_wait3A_93 = tpu.memref_squeeze %dma_wait3A_92 : memref<1x128x128xf32, #tpu.memory_space<vmem>> -> memref<128x128xf32, #tpu.memory_space<vmem>>
        %dma_wait3A_94 = arith.constant 0 : i32
        %dma_wait3A_95 = tpu.memref_slice %arg7[%add3A_88, %dma_wait3A_94] : memref<16x128xi32, #tpu.memory_space<vmem>> -> memref<1x128xi32, #tpu.memory_space<vmem>>
        %dma_wait3A_96 = tpu.memref_squeeze %dma_wait3A_95 : memref<1x128xi32, #tpu.memory_space<vmem>> -> memref<128xi32, #tpu.memory_space<vmem>>
        %dma_wait3A_97 = arith.constant 0 : i32
        %dma_wait3A_98 = arith.constant 0 : i32
        %dma_wait3A_99 = tpu.memref_slice %arg2[%dma_wait3A_97, %dma_wait3A_98] : memref<10240x128xf32, #tpu.memory_space<hbm>> -> memref<10240x128xf32, #tpu.memory_space<hbm>>
        tpu.wait_indirect_dma semaphore(%arg11 : memref<!tpu.dma_semaphore, #tpu.memory_space<semaphore_mem>>) src(%dma_wait3A_99 : memref<10240x128xf32, #tpu.memory_space<hbm>>) dst(%dma_wait3A_93 : memref<128x128xf32, #tpu.memory_space<vmem>>)
        %gt3A_100 = arith.constant 0 : i32
        %gt3A_101 = arith.cmpi sgt, %add3A_88, %gt3A_100 : i32
        %convert_element_type3A_102 = arith.extui %gt3A_101 : i1 to i32
        %cond3A_103 = arith.constant 0 : i32
        %cond3A_104 = arith.cmpi ne, %convert_element_type3A_102, %cond3A_103 : i32
        scf.if %cond3A_104 {
          %sub3A = arith.constant 1 : i32
          %sub3A_123 = arith.subi %add3A_88, %sub3A : i32
          %max3A = arith.constant 0 : i32
          %max3A_124 = arith.maxsi %sub3A_123, %max3A : i32
          %dma_wait3A_125 = arith.constant 0 : i32
          %dma_wait3A_126 = arith.constant 0 : i32
          %dma_wait3A_127 = arith.constant 0 : i32
          %dma_wait3A_128 = tpu.memref_slice %arg9[%dma_wait3A_125, %dma_wait3A_126, %dma_wait3A_127] : memref<2x128x128xf32, #tpu.memory_space<vmem>> -> memref<1x128x128xf32, #tpu.memory_space<vmem>>
          %dma_wait3A_129 = tpu.memref_squeeze %dma_wait3A_128 : memref<1x128x128xf32, #tpu.memory_space<vmem>> -> memref<128x128xf32, #tpu.memory_space<vmem>>
          %dma_wait3A_130 = arith.constant 0 : i32
          %dma_wait3A_131 = tpu.memref_slice %arg8[%max3A_124, %dma_wait3A_130] : memref<16x128xi32, #tpu.memory_space<vmem>> -> memref<1x128xi32, #tpu.memory_space<vmem>>
          %dma_wait3A_132 = tpu.memref_squeeze %dma_wait3A_131 : memref<1x128xi32, #tpu.memory_space<vmem>> -> memref<128xi32, #tpu.memory_space<vmem>>
          %dma_wait3A_133 = arith.constant 0 : i32
          %dma_wait3A_134 = arith.constant 0 : i32
          %dma_wait3A_135 = tpu.memref_slice %arg10[%dma_wait3A_133, %dma_wait3A_134] : memref<10240x128xf32, #tpu.memory_space<vmem_shared>> -> memref<10240x128xf32, #tpu.memory_space<vmem_shared>>
          tpu.wait_indirect_dma semaphore(%arg12 : memref<!tpu.dma_semaphore, #tpu.memory_space<semaphore_mem>>) src(%dma_wait3A_129 : memref<128x128xf32, #tpu.memory_space<vmem>>) dst(%dma_wait3A_135 : memref<10240x128xf32, #tpu.memory_space<vmem_shared>>)
        } else {
        }
        %add3A_105 = arith.constant 1 : i32
        %add3A_106 = arith.addi %add3A_88, %add3A_105 : i32
        %lt3A_107 = arith.constant 16 : i32
        %lt3A_108 = arith.cmpi slt, %add3A_106, %lt3A_107 : i32
        %convert_element_type3A_109 = arith.extui %lt3A_108 : i1 to i32
        %cond3A_110 = arith.constant 0 : i32
        %cond3A_111 = arith.cmpi ne, %convert_element_type3A_109, %cond3A_110 : i32
        scf.if %cond3A_111 {
          %add3A_123 = arith.constant 1 : i32
          %add3A_124 = arith.addi %add3A_88, %add3A_123 : i32
          %dma_start3A_125 = arith.constant 0 : i32
          %dma_start3A_126 = arith.constant 0 : i32
          %dma_start3A_127 = arith.constant 0 : i32
          %dma_start3A_128 = tpu.memref_slice %arg9[%dma_start3A_125, %dma_start3A_126, %dma_start3A_127] : memref<2x128x128xf32, #tpu.memory_space<vmem>> -> memref<1x128x128xf32, #tpu.memory_space<vmem>>
          %dma_start3A_129 = tpu.memref_squeeze %dma_start3A_128 : memref<1x128x128xf32, #tpu.memory_space<vmem>> -> memref<128x128xf32, #tpu.memory_space<vmem>>
          %dma_start3A_130 = arith.constant 0 : i32
          %dma_start3A_131 = tpu.memref_slice %arg7[%add3A_124, %dma_start3A_130] : memref<16x128xi32, #tpu.memory_space<vmem>> -> memref<1x128xi32, #tpu.memory_space<vmem>>
          %dma_start3A_132 = tpu.memref_squeeze %dma_start3A_131 : memref<1x128xi32, #tpu.memory_space<vmem>> -> memref<128xi32, #tpu.memory_space<vmem>>
          %dma_start3A_133 = arith.constant 0 : i32
          %dma_start3A_134 = arith.constant 0 : i32
          %dma_start3A_135 = tpu.memref_slice %arg2[%dma_start3A_133, %dma_start3A_134] : memref<10240x128xf32, #tpu.memory_space<hbm>> -> memref<10240x128xf32, #tpu.memory_space<hbm>>
          tpu.enqueue_indirect_dma source(%dma_start3A_135 : memref<10240x128xf32, #tpu.memory_space<hbm>>) target(%dma_start3A_129 : memref<128x128xf32, #tpu.memory_space<vmem>>) offsets(%dma_start3A_132 : memref<128xi32, #tpu.memory_space<vmem>>) semaphore(%arg11 : memref<!tpu.dma_semaphore, #tpu.memory_space<semaphore_mem>>)
        } else {
        }
        %dma_start3A_112 = arith.constant 1 : i32
        %dma_start3A_113 = arith.constant 0 : i32
        %dma_start3A_114 = arith.constant 0 : i32
        %dma_start3A_115 = tpu.memref_slice %arg9[%dma_start3A_112, %dma_start3A_113, %dma_start3A_114] : memref<2x128x128xf32, #tpu.memory_space<vmem>> -> memref<1x128x128xf32, #tpu.memory_space<vmem>>
        %dma_start3A_116 = tpu.memref_squeeze %dma_start3A_115 : memref<1x128x128xf32, #tpu.memory_space<vmem>> -> memref<128x128xf32, #tpu.memory_space<vmem>>
        %dma_start3A_117 = arith.constant 0 : i32
        %dma_start3A_118 = tpu.memref_slice %arg8[%add3A_88, %dma_start3A_117] : memref<16x128xi32, #tpu.memory_space<vmem>> -> memref<1x128xi32, #tpu.memory_space<vmem>>
        %dma_start3A_119 = tpu.memref_squeeze %dma_start3A_118 : memref<1x128xi32, #tpu.memory_space<vmem>> -> memref<128xi32, #tpu.memory_space<vmem>>
        %dma_start3A_120 = arith.constant 0 : i32
        %dma_start3A_121 = arith.constant 0 : i32
        %dma_start3A_122 = tpu.memref_slice %arg10[%dma_start3A_120, %dma_start3A_121] : memref<10240x128xf32, #tpu.memory_space<vmem_shared>> -> memref<10240x128xf32, #tpu.memory_space<vmem_shared>>
        tpu.enqueue_indirect_dma source(%dma_start3A_116 : memref<128x128xf32, #tpu.memory_space<vmem>>) target(%dma_start3A_122 : memref<10240x128xf32, #tpu.memory_space<vmem_shared>>) offsets(%dma_start3A_119 : memref<128xi32, #tpu.memory_space<vmem>>) semaphore(%arg13 : memref<!tpu.dma_semaphore, #tpu.memory_space<semaphore_mem>>) {add = true}
      }
      %scan3A_39 = arith.constant 8 : i32
      %dma_wait3A = arith.constant 1 : i32
      %dma_wait3A_40 = arith.constant 15 : i32
      %dma_wait3A_41 = arith.constant 0 : i32
      %dma_wait3A_42 = arith.constant 0 : i32
      %dma_wait3A_43 = tpu.memref_slice %arg9[%dma_wait3A, %dma_wait3A_41, %dma_wait3A_42] : memref<2x128x128xf32, #tpu.memory_space<vmem>> -> memref<1x128x128xf32, #tpu.memory_space<vmem>>
      %dma_wait3A_44 = tpu.memref_squeeze %dma_wait3A_43 : memref<1x128x128xf32, #tpu.memory_space<vmem>> -> memref<128x128xf32, #tpu.memory_space<vmem>>
      %dma_wait3A_45 = arith.constant 0 : i32
      %dma_wait3A_46 = tpu.memref_slice %arg8[%dma_wait3A_40, %dma_wait3A_45] : memref<16x128xi32, #tpu.memory_space<vmem>> -> memref<1x128xi32, #tpu.memory_space<vmem>>
      %dma_wait3A_47 = tpu.memref_squeeze %dma_wait3A_46 : memref<1x128xi32, #tpu.memory_space<vmem>> -> memref<128xi32, #tpu.memory_space<vmem>>
      %dma_wait3A_48 = arith.constant 0 : i32
      %dma_wait3A_49 = arith.constant 0 : i32
      %dma_wait3A_50 = tpu.memref_slice %arg10[%dma_wait3A_48, %dma_wait3A_49] : memref<10240x128xf32, #tpu.memory_space<vmem_shared>> -> memref<10240x128xf32, #tpu.memory_space<vmem_shared>>
      tpu.wait_indirect_dma semaphore(%arg13 : memref<!tpu.dma_semaphore, #tpu.memory_space<semaphore_mem>>) src(%dma_wait3A_44 : memref<128x128xf32, #tpu.memory_space<vmem>>) dst(%dma_wait3A_50 : memref<10240x128xf32, #tpu.memory_space<vmem_shared>>)
    }
    %barrier3A_14 = arith.constant 0 : index
    tpu.barrier barrier_id(%barrier3A_14)
    %mul3A_15 = arith.constant 640 : i32
    %mul3A_16 = arith.muli %arg1, %mul3A_15 : i32
    %mul3A_17 = arith.constant 640 : i32
    %mul3A_18 = arith.muli %arg1, %mul3A_17 : i32
    "tpu.region"() ({
      %run_scoped3A = tpu.sem_alloc : memref<!tpu.dma_semaphore, #tpu.memory_space<semaphore_mem>>
      %dma_start3A = arith.constant 0 : i32
      %dma_start3A_19 = tpu.memref_slice %arg6[%arg0, %mul3A_18, %dma_start3A] : memref<2x10240x128xf32, #tpu.memory_space<hbm>> -> memref<1x640x128xf32, #tpu.memory_space<hbm>>
      %dma_start3A_20 = tpu.memref_squeeze %dma_start3A_19 : memref<1x640x128xf32, #tpu.memory_space<hbm>> -> memref<640x128xf32, #tpu.memory_space<hbm>>
      %dma_start3A_21 = arith.constant 0 : i32
      %dma_start3A_22 = tpu.memref_slice %arg10[%mul3A_16, %dma_start3A_21] : memref<10240x128xf32, #tpu.memory_space<vmem_shared>> -> memref<640x128xf32, #tpu.memory_space<vmem_shared>>
      tpu.enqueue_dma source(%dma_start3A_22 : memref<640x128xf32, #tpu.memory_space<vmem_shared>>) target(%dma_start3A_20 : memref<640x128xf32, #tpu.memory_space<hbm>>) target_semaphore(%run_scoped3A : memref<!tpu.dma_semaphore, #tpu.memory_space<semaphore_mem>>)
      %dma_wait3A = arith.constant 0 : i32
      %dma_wait3A_23 = tpu.memref_slice %arg6[%arg0, %mul3A_18, %dma_wait3A] : memref<2x10240x128xf32, #tpu.memory_space<hbm>> -> memref<1x640x128xf32, #tpu.memory_space<hbm>>
      %dma_wait3A_24 = tpu.memref_squeeze %dma_wait3A_23 : memref<1x640x128xf32, #tpu.memory_space<hbm>> -> memref<640x128xf32, #tpu.memory_space<hbm>>
      %dma_wait3A_25 = arith.constant 0 : i32
      %dma_wait3A_26 = tpu.memref_slice %arg10[%mul3A_16, %dma_wait3A_25] : memref<10240x128xf32, #tpu.memory_space<vmem_shared>> -> memref<640x128xf32, #tpu.memory_space<vmem_shared>>
      tpu.wait_dma2 semaphore(%run_scoped3A : memref<!tpu.dma_semaphore, #tpu.memory_space<semaphore_mem>>) src(%dma_wait3A_26 : memref<640x128xf32, #tpu.memory_space<vmem_shared>>) dst(%dma_wait3A_24 : memref<640x128xf32, #tpu.memory_space<hbm>>)
      tpu.yield
    }) : () -> ()
    return
  }
}

#map = affine_map<(d0, d1) -> (0, 0)>
#map1 = affine_map<(d0, d1) -> (0, 0, 0, 0)>
#map2 = affine_map<(d0, d1) -> (0, 0, 0)>
module attributes {stable_mosaic.version = 14 : i64} {
  func.func @_prop_kernel(%arg0: i32, %arg1: i32, %arg2: memref<10240x128xf32, #tpu.memory_space<hbm>>, %arg3: memref<2x16x80x128xi32, #tpu.memory_space<hbm>>, %arg4: memref<2x16x80x128xi32, #tpu.memory_space<hbm>>, %arg5: memref<10240x128xf32, #tpu.memory_space<hbm>>, %arg6: memref<2x10240x128xf32, #tpu.memory_space<hbm>>, %arg7: memref<16x128xi32, #tpu.memory_space<vmem>>, %arg8: memref<16x128xi32, #tpu.memory_space<vmem>>, %arg9: memref<2x128x128xf32, #tpu.memory_space<vmem>>, %arg10: memref<10240x128xf32, #tpu.memory_space<vmem_shared>>, %arg11: memref<!tpu.dma_semaphore, #tpu.memory_space<semaphore_mem>>, %arg12: memref<!tpu.dma_semaphore, #tpu.memory_space<semaphore_mem>>, %arg13: memref<!tpu.dma_semaphore, #tpu.memory_space<semaphore_mem>>) attributes {dimension_semantics = [#tpu.dimension_semantics<core_parallel>, #tpu.dimension_semantics<subcore_parallel>], iteration_bounds = array<i64: 2, 16>, scalar_prefetch = 0 : i64, scratch_operands = 7 : i64, tpu.core_type = #tpu.core_type<sc_vector_subcore>, window_params = [{transform_indices = #map}, {transform_indices = #map1}, {transform_indices = #map1}, {transform_indices = #map}, {transform_indices = #map2}]} {
    %mul3A = arith.constant 640 : i32
    %mul3A_0 = arith.muli %arg1, %mul3A : i32
    %mul3A_1 = arith.constant 640 : i32
    %mul3A_2 = arith.muli %arg1, %mul3A_1 : i32
    "tpu.region"() ({
      %run_scoped3A = tpu.sem_alloc : memref<!tpu.dma_semaphore, #tpu.memory_space<semaphore_mem>>
      %dma_start3A = arith.constant 0 : i32
      %dma_start3A_19 = tpu.memref_slice %arg10[%mul3A_2, %dma_start3A] : memref<10240x128xf32, #tpu.memory_space<vmem_shared>> -> memref<640x128xf32, #tpu.memory_space<vmem_shared>>
      %dma_start3A_20 = arith.constant 0 : i32
      %dma_start3A_21 = tpu.memref_slice %arg5[%mul3A_0, %dma_start3A_20] : memref<10240x128xf32, #tpu.memory_space<hbm>> -> memref<640x128xf32, #tpu.memory_space<hbm>>
      tpu.enqueue_dma source(%dma_start3A_21 : memref<640x128xf32, #tpu.memory_space<hbm>>) target(%dma_start3A_19 : memref<640x128xf32, #tpu.memory_space<vmem_shared>>) target_semaphore(%run_scoped3A : memref<!tpu.dma_semaphore, #tpu.memory_space<semaphore_mem>>)
      %dma_wait3A = arith.constant 0 : i32
      %dma_wait3A_22 = tpu.memref_slice %arg10[%mul3A_2, %dma_wait3A] : memref<10240x128xf32, #tpu.memory_space<vmem_shared>> -> memref<640x128xf32, #tpu.memory_space<vmem_shared>>
      %dma_wait3A_23 = arith.constant 0 : i32
      %dma_wait3A_24 = tpu.memref_slice %arg5[%mul3A_0, %dma_wait3A_23] : memref<10240x128xf32, #tpu.memory_space<hbm>> -> memref<640x128xf32, #tpu.memory_space<hbm>>
      tpu.wait_dma2 semaphore(%run_scoped3A : memref<!tpu.dma_semaphore, #tpu.memory_space<semaphore_mem>>) src(%dma_wait3A_24 : memref<640x128xf32, #tpu.memory_space<hbm>>) dst(%dma_wait3A_22 : memref<640x128xf32, #tpu.memory_space<vmem_shared>>)
      tpu.yield
    }) : () -> ()
    %barrier3A = arith.constant 0 : index
    tpu.barrier barrier_id(%barrier3A)
    %eq3A = arith.constant 0 : i32
    %eq3A_3 = arith.cmpi eq, %arg0, %eq3A : i32
    %jit3A = arith.constant 5 : i32
    %jit3A_4 = arith.constant 5 : i32
    %select_n3A = arith.select %eq3A_3, %jit3A, %jit3A_4 : i32
    %while3A = arith.constant 0 : i32
    %while3A_5 = arith.constant 0 : i32
    %while3A_6 = arith.subi %select_n3A, %while3A_5 : i32
    %while3A_7 = arith.addi %while3A_5, %while3A_6 : i32
    %while3A_8 = arith.constant 1 : i32
    %while3A_9 = arith.divsi %while3A_6, %while3A_8 : i32
    %while3A_10 = arith.muli %while3A_9, %while3A_8 : i32
    %while3A_11 = arith.addi %while3A_5, %while3A_10 : i32
    %while3A_12 = arith.constant 1 : i32
    scf.for %while3A_19 = %while3A_5 to %while3A_11 step %while3A_12  : i32 {
      %mul3A_20 = arith.constant 16 : i32
      %mul3A_21 = arith.muli %while3A_19, %mul3A_20 : i32
      "tpu.region"() ({
        %run_scoped3A = tpu.sem_alloc : memref<!tpu.dma_semaphore, #tpu.memory_space<semaphore_mem>>
        %dma_start3A_51 = arith.constant 0 : i32
        %dma_start3A_52 = tpu.memref_slice %arg3[%arg0, %arg1, %mul3A_21, %dma_start3A_51] : memref<2x16x80x128xi32, #tpu.memory_space<hbm>> -> memref<1x1x16x128xi32, #tpu.memory_space<hbm>>
        %dma_start3A_53 = tpu.memref_squeeze %dma_start3A_52 : memref<1x1x16x128xi32, #tpu.memory_space<hbm>> -> memref<16x128xi32, #tpu.memory_space<hbm>>
        %dma_start3A_54 = arith.constant 0 : i32
        %dma_start3A_55 = tpu.memref_slice %arg3[%arg0, %arg1, %mul3A_21, %dma_start3A_54] : memref<2x16x80x128xi32, #tpu.memory_space<hbm>> -> memref<1x1x16x128xi32, #tpu.memory_space<hbm>>
        %dma_start3A_56 = tpu.memref_squeeze %dma_start3A_55 : memref<1x1x16x128xi32, #tpu.memory_space<hbm>> -> memref<16x128xi32, #tpu.memory_space<hbm>>
        tpu.enqueue_dma source(%dma_start3A_56 : memref<16x128xi32, #tpu.memory_space<hbm>>) target(%arg7 : memref<16x128xi32, #tpu.memory_space<vmem>>) target_semaphore(%run_scoped3A : memref<!tpu.dma_semaphore, #tpu.memory_space<semaphore_mem>>)
        %dma_wait3A_57 = arith.constant 0 : i32
        %dma_wait3A_58 = tpu.memref_slice %arg3[%arg0, %arg1, %mul3A_21, %dma_wait3A_57] : memref<2x16x80x128xi32, #tpu.memory_space<hbm>> -> memref<1x1x16x128xi32, #tpu.memory_space<hbm>>
        %dma_wait3A_59 = tpu.memref_squeeze %dma_wait3A_58 : memref<1x1x16x128xi32, #tpu.memory_space<hbm>> -> memref<16x128xi32, #tpu.memory_space<hbm>>
        %dma_wait3A_60 = arith.constant 0 : i32
        %dma_wait3A_61 = tpu.memref_slice %arg3[%arg0, %arg1, %mul3A_21, %dma_wait3A_60] : memref<2x16x80x128xi32, #tpu.memory_space<hbm>> -> memref<1x1x16x128xi32, #tpu.memory_space<hbm>>
        %dma_wait3A_62 = tpu.memref_squeeze %dma_wait3A_61 : memref<1x1x16x128xi32, #tpu.memory_space<hbm>> -> memref<16x128xi32, #tpu.memory_space<hbm>>
        tpu.wait_dma2 semaphore(%run_scoped3A : memref<!tpu.dma_semaphore, #tpu.memory_space<semaphore_mem>>) src(%dma_wait3A_62 : memref<16x128xi32, #tpu.memory_space<hbm>>) dst(%arg7 : memref<16x128xi32, #tpu.memory_space<vmem>>)
        tpu.yield
      }) : () -> ()
      %mul3A_22 = arith.constant 16 : i32
      %mul3A_23 = arith.muli %while3A_19, %mul3A_22 : i32
      "tpu.region"() ({
        %run_scoped3A = tpu.sem_alloc : memref<!tpu.dma_semaphore, #tpu.memory_space<semaphore_mem>>
        %dma_start3A_51 = arith.constant 0 : i32
        %dma_start3A_52 = tpu.memref_slice %arg4[%arg0, %arg1, %mul3A_23, %dma_start3A_51] : memref<2x16x80x128xi32, #tpu.memory_space<hbm>> -> memref<1x1x16x128xi32, #tpu.memory_space<hbm>>
        %dma_start3A_53 = tpu.memref_squeeze %dma_start3A_52 : memref<1x1x16x128xi32, #tpu.memory_space<hbm>> -> memref<16x128xi32, #tpu.memory_space<hbm>>
        %dma_start3A_54 = arith.constant 0 : i32
        %dma_start3A_55 = tpu.memref_slice %arg4[%arg0, %arg1, %mul3A_23, %dma_start3A_54] : memref<2x16x80x128xi32, #tpu.memory_space<hbm>> -> memref<1x1x16x128xi32, #tpu.memory_space<hbm>>
        %dma_start3A_56 = tpu.memref_squeeze %dma_start3A_55 : memref<1x1x16x128xi32, #tpu.memory_space<hbm>> -> memref<16x128xi32, #tpu.memory_space<hbm>>
        tpu.enqueue_dma source(%dma_start3A_56 : memref<16x128xi32, #tpu.memory_space<hbm>>) target(%arg8 : memref<16x128xi32, #tpu.memory_space<vmem>>) target_semaphore(%run_scoped3A : memref<!tpu.dma_semaphore, #tpu.memory_space<semaphore_mem>>)
        %dma_wait3A_57 = arith.constant 0 : i32
        %dma_wait3A_58 = tpu.memref_slice %arg4[%arg0, %arg1, %mul3A_23, %dma_wait3A_57] : memref<2x16x80x128xi32, #tpu.memory_space<hbm>> -> memref<1x1x16x128xi32, #tpu.memory_space<hbm>>
        %dma_wait3A_59 = tpu.memref_squeeze %dma_wait3A_58 : memref<1x1x16x128xi32, #tpu.memory_space<hbm>> -> memref<16x128xi32, #tpu.memory_space<hbm>>
        %dma_wait3A_60 = arith.constant 0 : i32
        %dma_wait3A_61 = tpu.memref_slice %arg4[%arg0, %arg1, %mul3A_23, %dma_wait3A_60] : memref<2x16x80x128xi32, #tpu.memory_space<hbm>> -> memref<1x1x16x128xi32, #tpu.memory_space<hbm>>
        %dma_wait3A_62 = tpu.memref_squeeze %dma_wait3A_61 : memref<1x1x16x128xi32, #tpu.memory_space<hbm>> -> memref<16x128xi32, #tpu.memory_space<hbm>>
        tpu.wait_dma2 semaphore(%run_scoped3A : memref<!tpu.dma_semaphore, #tpu.memory_space<semaphore_mem>>) src(%dma_wait3A_62 : memref<16x128xi32, #tpu.memory_space<hbm>>) dst(%arg8 : memref<16x128xi32, #tpu.memory_space<vmem>>)
        tpu.yield
      }) : () -> ()
      %dma_start3A = arith.constant 0 : i32
      %dma_start3A_24 = arith.constant 0 : i32
      %dma_start3A_25 = arith.constant 0 : i32
      %dma_start3A_26 = arith.constant 0 : i32
      %dma_start3A_27 = tpu.memref_slice %arg9[%dma_start3A_24, %dma_start3A_25, %dma_start3A_26] : memref<2x128x128xf32, #tpu.memory_space<vmem>> -> memref<1x128x128xf32, #tpu.memory_space<vmem>>
      %dma_start3A_28 = tpu.memref_squeeze %dma_start3A_27 : memref<1x128x128xf32, #tpu.memory_space<vmem>> -> memref<128x128xf32, #tpu.memory_space<vmem>>
      %dma_start3A_29 = arith.constant 0 : i32
      %dma_start3A_30 = tpu.memref_slice %arg7[%dma_start3A, %dma_start3A_29] : memref<16x128xi32, #tpu.memory_space<vmem>> -> memref<1x128xi32, #tpu.memory_space<vmem>>
      %dma_start3A_31 = tpu.memref_squeeze %dma_start3A_30 : memref<1x128xi32, #tpu.memory_space<vmem>> -> memref<128xi32, #tpu.memory_space<vmem>>
      %dma_start3A_32 = arith.constant 0 : i32
      %dma_start3A_33 = arith.constant 0 : i32
      %dma_start3A_34 = tpu.memref_slice %arg2[%dma_start3A_32, %dma_start3A_33] : memref<10240x128xf32, #tpu.memory_space<hbm>> -> memref<10240x128xf32, #tpu.memory_space<hbm>>
      tpu.enqueue_indirect_dma source(%dma_start3A_34 : memref<10240x128xf32, #tpu.memory_space<hbm>>) target(%dma_start3A_28 : memref<128x128xf32, #tpu.memory_space<vmem>>) offsets(%dma_start3A_31 : memref<128xi32, #tpu.memory_space<vmem>>) semaphore(%arg11 : memref<!tpu.dma_semaphore, #tpu.memory_space<semaphore_mem>>)
      %scan3A = arith.constant 0 : i32
      %scan3A_35 = arith.constant 0 : i32
      %scan3A_36 = arith.constant 8 : i32
      %scan3A_37 = arith.addi %scan3A_35, %scan3A_36 : i32
      %scan3A_38 = arith.constant 1 : i32
      scf.for %scan3A_51 = %scan3A_35 to %scan3A_37 step %scan3A_38  : i32 {
        %mul3A_52 = arith.constant 2 : i32
        %mul3A_53 = arith.muli %mul3A_52, %scan3A_51 : i32
        %add3A = arith.constant 0 : i32
        %add3A_54 = arith.addi %mul3A_53, %add3A : i32
        %dma_wait3A_55 = arith.constant 0 : i32
        %dma_wait3A_56 = arith.constant 0 : i32
        %dma_wait3A_57 = arith.constant 0 : i32
        %dma_wait3A_58 = tpu.memref_slice %arg9[%dma_wait3A_55, %dma_wait3A_56, %dma_wait3A_57] : memref<2x128x128xf32, #tpu.memory_space<vmem>> -> memref<1x128x128xf32, #tpu.memory_space<vmem>>
        %dma_wait3A_59 = tpu.memref_squeeze %dma_wait3A_58 : memref<1x128x128xf32, #tpu.memory_space<vmem>> -> memref<128x128xf32, #tpu.memory_space<vmem>>
        %dma_wait3A_60 = arith.constant 0 : i32
        %dma_wait3A_61 = tpu.memref_slice %arg7[%add3A_54, %dma_wait3A_60] : memref<16x128xi32, #tpu.memory_space<vmem>> -> memref<1x128xi32, #tpu.memory_space<vmem>>
        %dma_wait3A_62 = tpu.memref_squeeze %dma_wait3A_61 : memref<1x128xi32, #tpu.memory_space<vmem>> -> memref<128xi32, #tpu.memory_space<vmem>>
        %dma_wait3A_63 = arith.constant 0 : i32
        %dma_wait3A_64 = arith.constant 0 : i32
        %dma_wait3A_65 = tpu.memref_slice %arg2[%dma_wait3A_63, %dma_wait3A_64] : memref<10240x128xf32, #tpu.memory_space<hbm>> -> memref<10240x128xf32, #tpu.memory_space<hbm>>
        tpu.wait_indirect_dma semaphore(%arg11 : memref<!tpu.dma_semaphore, #tpu.memory_space<semaphore_mem>>) src(%dma_wait3A_65 : memref<10240x128xf32, #tpu.memory_space<hbm>>) dst(%dma_wait3A_59 : memref<128x128xf32, #tpu.memory_space<vmem>>)
        %gt3A = arith.constant 0 : i32
        %gt3A_66 = arith.cmpi sgt, %add3A_54, %gt3A : i32
        %convert_element_type3A = arith.extui %gt3A_66 : i1 to i32
        %cond3A = arith.constant 0 : i32
        %cond3A_67 = arith.cmpi ne, %convert_element_type3A, %cond3A : i32
        scf.if %cond3A_67 {
          %sub3A = arith.constant 1 : i32
          %sub3A_123 = arith.subi %add3A_54, %sub3A : i32
          %max3A = arith.constant 0 : i32
          %max3A_124 = arith.maxsi %sub3A_123, %max3A : i32
          %dma_wait3A_125 = arith.constant 1 : i32
          %dma_wait3A_126 = arith.constant 0 : i32
          %dma_wait3A_127 = arith.constant 0 : i32
          %dma_wait3A_128 = tpu.memref_slice %arg9[%dma_wait3A_125, %dma_wait3A_126, %dma_wait3A_127] : memref<2x128x128xf32, #tpu.memory_space<vmem>> -> memref<1x128x128xf32, #tpu.memory_space<vmem>>
          %dma_wait3A_129 = tpu.memref_squeeze %dma_wait3A_128 : memref<1x128x128xf32, #tpu.memory_space<vmem>> -> memref<128x128xf32, #tpu.memory_space<vmem>>
          %dma_wait3A_130 = arith.constant 0 : i32
          %dma_wait3A_131 = tpu.memref_slice %arg8[%max3A_124, %dma_wait3A_130] : memref<16x128xi32, #tpu.memory_space<vmem>> -> memref<1x128xi32, #tpu.memory_space<vmem>>
          %dma_wait3A_132 = tpu.memref_squeeze %dma_wait3A_131 : memref<1x128xi32, #tpu.memory_space<vmem>> -> memref<128xi32, #tpu.memory_space<vmem>>
          %dma_wait3A_133 = arith.constant 0 : i32
          %dma_wait3A_134 = arith.constant 0 : i32
          %dma_wait3A_135 = tpu.memref_slice %arg10[%dma_wait3A_133, %dma_wait3A_134] : memref<10240x128xf32, #tpu.memory_space<vmem_shared>> -> memref<10240x128xf32, #tpu.memory_space<vmem_shared>>
          tpu.wait_indirect_dma semaphore(%arg13 : memref<!tpu.dma_semaphore, #tpu.memory_space<semaphore_mem>>) src(%dma_wait3A_129 : memref<128x128xf32, #tpu.memory_space<vmem>>) dst(%dma_wait3A_135 : memref<10240x128xf32, #tpu.memory_space<vmem_shared>>)
        } else {
        }
        %add3A_68 = arith.constant 1 : i32
        %add3A_69 = arith.addi %add3A_54, %add3A_68 : i32
        %lt3A = arith.constant 16 : i32
        %lt3A_70 = arith.cmpi slt, %add3A_69, %lt3A : i32
        %convert_element_type3A_71 = arith.extui %lt3A_70 : i1 to i32
        %cond3A_72 = arith.constant 0 : i32
        %cond3A_73 = arith.cmpi ne, %convert_element_type3A_71, %cond3A_72 : i32
        scf.if %cond3A_73 {
          %add3A_123 = arith.constant 1 : i32
          %add3A_124 = arith.addi %add3A_54, %add3A_123 : i32
          %dma_start3A_125 = arith.constant 1 : i32
          %dma_start3A_126 = arith.constant 0 : i32
          %dma_start3A_127 = arith.constant 0 : i32
          %dma_start3A_128 = tpu.memref_slice %arg9[%dma_start3A_125, %dma_start3A_126, %dma_start3A_127] : memref<2x128x128xf32, #tpu.memory_space<vmem>> -> memref<1x128x128xf32, #tpu.memory_space<vmem>>
          %dma_start3A_129 = tpu.memref_squeeze %dma_start3A_128 : memref<1x128x128xf32, #tpu.memory_space<vmem>> -> memref<128x128xf32, #tpu.memory_space<vmem>>
          %dma_start3A_130 = arith.constant 0 : i32
          %dma_start3A_131 = tpu.memref_slice %arg7[%add3A_124, %dma_start3A_130] : memref<16x128xi32, #tpu.memory_space<vmem>> -> memref<1x128xi32, #tpu.memory_space<vmem>>
          %dma_start3A_132 = tpu.memref_squeeze %dma_start3A_131 : memref<1x128xi32, #tpu.memory_space<vmem>> -> memref<128xi32, #tpu.memory_space<vmem>>
          %dma_start3A_133 = arith.constant 0 : i32
          %dma_start3A_134 = arith.constant 0 : i32
          %dma_start3A_135 = tpu.memref_slice %arg2[%dma_start3A_133, %dma_start3A_134] : memref<10240x128xf32, #tpu.memory_space<hbm>> -> memref<10240x128xf32, #tpu.memory_space<hbm>>
          tpu.enqueue_indirect_dma source(%dma_start3A_135 : memref<10240x128xf32, #tpu.memory_space<hbm>>) target(%dma_start3A_129 : memref<128x128xf32, #tpu.memory_space<vmem>>) offsets(%dma_start3A_132 : memref<128xi32, #tpu.memory_space<vmem>>) semaphore(%arg11 : memref<!tpu.dma_semaphore, #tpu.memory_space<semaphore_mem>>)
        } else {
        }
        %dma_start3A_74 = arith.constant 0 : i32
        %dma_start3A_75 = arith.constant 0 : i32
        %dma_start3A_76 = arith.constant 0 : i32
        %dma_start3A_77 = tpu.memref_slice %arg9[%dma_start3A_74, %dma_start3A_75, %dma_start3A_76] : memref<2x128x128xf32, #tpu.memory_space<vmem>> -> memref<1x128x128xf32, #tpu.memory_space<vmem>>
        %dma_start3A_78 = tpu.memref_squeeze %dma_start3A_77 : memref<1x128x128xf32, #tpu.memory_space<vmem>> -> memref<128x128xf32, #tpu.memory_space<vmem>>
        %dma_start3A_79 = arith.constant 0 : i32
        %dma_start3A_80 = tpu.memref_slice %arg8[%add3A_54, %dma_start3A_79] : memref<16x128xi32, #tpu.memory_space<vmem>> -> memref<1x128xi32, #tpu.memory_space<vmem>>
        %dma_start3A_81 = tpu.memref_squeeze %dma_start3A_80 : memref<1x128xi32, #tpu.memory_space<vmem>> -> memref<128xi32, #tpu.memory_space<vmem>>
        %dma_start3A_82 = arith.constant 0 : i32
        %dma_start3A_83 = arith.constant 0 : i32
        %dma_start3A_84 = tpu.memref_slice %arg10[%dma_start3A_82, %dma_start3A_83] : memref<10240x128xf32, #tpu.memory_space<vmem_shared>> -> memref<10240x128xf32, #tpu.memory_space<vmem_shared>>
        tpu.enqueue_indirect_dma source(%dma_start3A_78 : memref<128x128xf32, #tpu.memory_space<vmem>>) target(%dma_start3A_84 : memref<10240x128xf32, #tpu.memory_space<vmem_shared>>) offsets(%dma_start3A_81 : memref<128xi32, #tpu.memory_space<vmem>>) semaphore(%arg12 : memref<!tpu.dma_semaphore, #tpu.memory_space<semaphore_mem>>) {add = true}
        %mul3A_85 = arith.constant 2 : i32
        %mul3A_86 = arith.muli %mul3A_85, %scan3A_51 : i32
        %add3A_87 = arith.constant 1 : i32
        %add3A_88 = arith.addi %mul3A_86, %add3A_87 : i32
        %dma_wait3A_89 = arith.constant 1 : i32
        %dma_wait3A_90 = arith.constant 0 : i32
        %dma_wait3A_91 = arith.constant 0 : i32
        %dma_wait3A_92 = tpu.memref_slice %arg9[%dma_wait3A_89, %dma_wait3A_90, %dma_wait3A_91] : memref<2x128x128xf32, #tpu.memory_space<vmem>> -> memref<1x128x128xf32, #tpu.memory_space<vmem>>
        %dma_wait3A_93 = tpu.memref_squeeze %dma_wait3A_92 : memref<1x128x128xf32, #tpu.memory_space<vmem>> -> memref<128x128xf32, #tpu.memory_space<vmem>>
        %dma_wait3A_94 = arith.constant 0 : i32
        %dma_wait3A_95 = tpu.memref_slice %arg7[%add3A_88, %dma_wait3A_94] : memref<16x128xi32, #tpu.memory_space<vmem>> -> memref<1x128xi32, #tpu.memory_space<vmem>>
        %dma_wait3A_96 = tpu.memref_squeeze %dma_wait3A_95 : memref<1x128xi32, #tpu.memory_space<vmem>> -> memref<128xi32, #tpu.memory_space<vmem>>
        %dma_wait3A_97 = arith.constant 0 : i32
        %dma_wait3A_98 = arith.constant 0 : i32
        %dma_wait3A_99 = tpu.memref_slice %arg2[%dma_wait3A_97, %dma_wait3A_98] : memref<10240x128xf32, #tpu.memory_space<hbm>> -> memref<10240x128xf32, #tpu.memory_space<hbm>>
        tpu.wait_indirect_dma semaphore(%arg11 : memref<!tpu.dma_semaphore, #tpu.memory_space<semaphore_mem>>) src(%dma_wait3A_99 : memref<10240x128xf32, #tpu.memory_space<hbm>>) dst(%dma_wait3A_93 : memref<128x128xf32, #tpu.memory_space<vmem>>)
        %gt3A_100 = arith.constant 0 : i32
        %gt3A_101 = arith.cmpi sgt, %add3A_88, %gt3A_100 : i32
        %convert_element_type3A_102 = arith.extui %gt3A_101 : i1 to i32
        %cond3A_103 = arith.constant 0 : i32
        %cond3A_104 = arith.cmpi ne, %convert_element_type3A_102, %cond3A_103 : i32
        scf.if %cond3A_104 {
          %sub3A = arith.constant 1 : i32
          %sub3A_123 = arith.subi %add3A_88, %sub3A : i32
          %max3A = arith.constant 0 : i32
          %max3A_124 = arith.maxsi %sub3A_123, %max3A : i32
          %dma_wait3A_125 = arith.constant 0 : i32
          %dma_wait3A_126 = arith.constant 0 : i32
          %dma_wait3A_127 = arith.constant 0 : i32
          %dma_wait3A_128 = tpu.memref_slice %arg9[%dma_wait3A_125, %dma_wait3A_126, %dma_wait3A_127] : memref<2x128x128xf32, #tpu.memory_space<vmem>> -> memref<1x128x128xf32, #tpu.memory_space<vmem>>
          %dma_wait3A_129 = tpu.memref_squeeze %dma_wait3A_128 : memref<1x128x128xf32, #tpu.memory_space<vmem>> -> memref<128x128xf32, #tpu.memory_space<vmem>>
          %dma_wait3A_130 = arith.constant 0 : i32
          %dma_wait3A_131 = tpu.memref_slice %arg8[%max3A_124, %dma_wait3A_130] : memref<16x128xi32, #tpu.memory_space<vmem>> -> memref<1x128xi32, #tpu.memory_space<vmem>>
          %dma_wait3A_132 = tpu.memref_squeeze %dma_wait3A_131 : memref<1x128xi32, #tpu.memory_space<vmem>> -> memref<128xi32, #tpu.memory_space<vmem>>
          %dma_wait3A_133 = arith.constant 0 : i32
          %dma_wait3A_134 = arith.constant 0 : i32
          %dma_wait3A_135 = tpu.memref_slice %arg10[%dma_wait3A_133, %dma_wait3A_134] : memref<10240x128xf32, #tpu.memory_space<vmem_shared>> -> memref<10240x128xf32, #tpu.memory_space<vmem_shared>>
          tpu.wait_indirect_dma semaphore(%arg12 : memref<!tpu.dma_semaphore, #tpu.memory_space<semaphore_mem>>) src(%dma_wait3A_129 : memref<128x128xf32, #tpu.memory_space<vmem>>) dst(%dma_wait3A_135 : memref<10240x128xf32, #tpu.memory_space<vmem_shared>>)
        } else {
        }
        %add3A_105 = arith.constant 1 : i32
        %add3A_106 = arith.addi %add3A_88, %add3A_105 : i32
        %lt3A_107 = arith.constant 16 : i32
        %lt3A_108 = arith.cmpi slt, %add3A_106, %lt3A_107 : i32
        %convert_element_type3A_109 = arith.extui %lt3A_108 : i1 to i32
        %cond3A_110 = arith.constant 0 : i32
        %cond3A_111 = arith.cmpi ne, %convert_element_type3A_109, %cond3A_110 : i32
        scf.if %cond3A_111 {
          %add3A_123 = arith.constant 1 : i32
          %add3A_124 = arith.addi %add3A_88, %add3A_123 : i32
          %dma_start3A_125 = arith.constant 0 : i32
          %dma_start3A_126 = arith.constant 0 : i32
          %dma_start3A_127 = arith.constant 0 : i32
          %dma_start3A_128 = tpu.memref_slice %arg9[%dma_start3A_125, %dma_start3A_126, %dma_start3A_127] : memref<2x128x128xf32, #tpu.memory_space<vmem>> -> memref<1x128x128xf32, #tpu.memory_space<vmem>>
          %dma_start3A_129 = tpu.memref_squeeze %dma_start3A_128 : memref<1x128x128xf32, #tpu.memory_space<vmem>> -> memref<128x128xf32, #tpu.memory_space<vmem>>
          %dma_start3A_130 = arith.constant 0 : i32
          %dma_start3A_131 = tpu.memref_slice %arg7[%add3A_124, %dma_start3A_130] : memref<16x128xi32, #tpu.memory_space<vmem>> -> memref<1x128xi32, #tpu.memory_space<vmem>>
          %dma_start3A_132 = tpu.memref_squeeze %dma_start3A_131 : memref<1x128xi32, #tpu.memory_space<vmem>> -> memref<128xi32, #tpu.memory_space<vmem>>
          %dma_start3A_133 = arith.constant 0 : i32
          %dma_start3A_134 = arith.constant 0 : i32
          %dma_start3A_135 = tpu.memref_slice %arg2[%dma_start3A_133, %dma_start3A_134] : memref<10240x128xf32, #tpu.memory_space<hbm>> -> memref<10240x128xf32, #tpu.memory_space<hbm>>
          tpu.enqueue_indirect_dma source(%dma_start3A_135 : memref<10240x128xf32, #tpu.memory_space<hbm>>) target(%dma_start3A_129 : memref<128x128xf32, #tpu.memory_space<vmem>>) offsets(%dma_start3A_132 : memref<128xi32, #tpu.memory_space<vmem>>) semaphore(%arg11 : memref<!tpu.dma_semaphore, #tpu.memory_space<semaphore_mem>>)
        } else {
        }
        %dma_start3A_112 = arith.constant 1 : i32
        %dma_start3A_113 = arith.constant 0 : i32
        %dma_start3A_114 = arith.constant 0 : i32
        %dma_start3A_115 = tpu.memref_slice %arg9[%dma_start3A_112, %dma_start3A_113, %dma_start3A_114] : memref<2x128x128xf32, #tpu.memory_space<vmem>> -> memref<1x128x128xf32, #tpu.memory_space<vmem>>
        %dma_start3A_116 = tpu.memref_squeeze %dma_start3A_115 : memref<1x128x128xf32, #tpu.memory_space<vmem>> -> memref<128x128xf32, #tpu.memory_space<vmem>>
        %dma_start3A_117 = arith.constant 0 : i32
        %dma_start3A_118 = tpu.memref_slice %arg8[%add3A_88, %dma_start3A_117] : memref<16x128xi32, #tpu.memory_space<vmem>> -> memref<1x128xi32, #tpu.memory_space<vmem>>
        %dma_start3A_119 = tpu.memref_squeeze %dma_start3A_118 : memref<1x128xi32, #tpu.memory_space<vmem>> -> memref<128xi32, #tpu.memory_space<vmem>>
        %dma_start3A_120 = arith.constant 0 : i32
        %dma_start3A_121 = arith.constant 0 : i32
        %dma_start3A_122 = tpu.memref_slice %arg10[%dma_start3A_120, %dma_start3A_121] : memref<10240x128xf32, #tpu.memory_space<vmem_shared>> -> memref<10240x128xf32, #tpu.memory_space<vmem_shared>>
        tpu.enqueue_indirect_dma source(%dma_start3A_116 : memref<128x128xf32, #tpu.memory_space<vmem>>) target(%dma_start3A_122 : memref<10240x128xf32, #tpu.memory_space<vmem_shared>>) offsets(%dma_start3A_119 : memref<128xi32, #tpu.memory_space<vmem>>) semaphore(%arg13 : memref<!tpu.dma_semaphore, #tpu.memory_space<semaphore_mem>>) {add = true}
      }
      %scan3A_39 = arith.constant 8 : i32
      %dma_wait3A = arith.constant 1 : i32
      %dma_wait3A_40 = arith.constant 15 : i32
      %dma_wait3A_41 = arith.constant 0 : i32
      %dma_wait3A_42 = arith.constant 0 : i32
      %dma_wait3A_43 = tpu.memref_slice %arg9[%dma_wait3A, %dma_wait3A_41, %dma_wait3A_42] : memref<2x128x128xf32, #tpu.memory_space<vmem>> -> memref<1x128x128xf32, #tpu.memory_space<vmem>>
      %dma_wait3A_44 = tpu.memref_squeeze %dma_wait3A_43 : memref<1x128x128xf32, #tpu.memory_space<vmem>> -> memref<128x128xf32, #tpu.memory_space<vmem>>
      %dma_wait3A_45 = arith.constant 0 : i32
      %dma_wait3A_46 = tpu.memref_slice %arg8[%dma_wait3A_40, %dma_wait3A_45] : memref<16x128xi32, #tpu.memory_space<vmem>> -> memref<1x128xi32, #tpu.memory_space<vmem>>
      %dma_wait3A_47 = tpu.memref_squeeze %dma_wait3A_46 : memref<1x128xi32, #tpu.memory_space<vmem>> -> memref<128xi32, #tpu.memory_space<vmem>>
      %dma_wait3A_48 = arith.constant 0 : i32
      %dma_wait3A_49 = arith.constant 0 : i32
      %dma_wait3A_50 = tpu.memref_slice %arg10[%dma_wait3A_48, %dma_wait3A_49] : memref<10240x128xf32, #tpu.memory_space<vmem_shared>> -> memref<10240x128xf32, #tpu.memory_space<vmem_shared>>
      tpu.wait_indirect_dma semaphore(%arg13 : memref<!tpu.dma_semaphore, #tpu.memory_space<semaphore_mem>>) src(%dma_wait3A_44 : memref<128x128xf32, #tpu.memory_space<vmem>>) dst(%dma_wait3A_50 : memref<10240x128xf32, #tpu.memory_space<vmem_shared>>)
    }
    %while3A_13 = arith.constant 1 : i32
    scf.for %while3A_19 = %while3A_11 to %while3A_7 step %while3A_13  : i32 {
      %mul3A_20 = arith.constant 16 : i32
      %mul3A_21 = arith.muli %while3A_19, %mul3A_20 : i32
      "tpu.region"() ({
        %run_scoped3A = tpu.sem_alloc : memref<!tpu.dma_semaphore, #tpu.memory_space<semaphore_mem>>
        %dma_start3A_51 = arith.constant 0 : i32
        %dma_start3A_52 = tpu.memref_slice %arg3[%arg0, %arg1, %mul3A_21, %dma_start3A_51] : memref<2x16x80x128xi32, #tpu.memory_space<hbm>> -> memref<1x1x16x128xi32, #tpu.memory_space<hbm>>
        %dma_start3A_53 = tpu.memref_squeeze %dma_start3A_52 : memref<1x1x16x128xi32, #tpu.memory_space<hbm>> -> memref<16x128xi32, #tpu.memory_space<hbm>>
        %dma_start3A_54 = arith.constant 0 : i32
        %dma_start3A_55 = tpu.memref_slice %arg3[%arg0, %arg1, %mul3A_21, %dma_start3A_54] : memref<2x16x80x128xi32, #tpu.memory_space<hbm>> -> memref<1x1x16x128xi32, #tpu.memory_space<hbm>>
        %dma_start3A_56 = tpu.memref_squeeze %dma_start3A_55 : memref<1x1x16x128xi32, #tpu.memory_space<hbm>> -> memref<16x128xi32, #tpu.memory_space<hbm>>
        tpu.enqueue_dma source(%dma_start3A_56 : memref<16x128xi32, #tpu.memory_space<hbm>>) target(%arg7 : memref<16x128xi32, #tpu.memory_space<vmem>>) target_semaphore(%run_scoped3A : memref<!tpu.dma_semaphore, #tpu.memory_space<semaphore_mem>>)
        %dma_wait3A_57 = arith.constant 0 : i32
        %dma_wait3A_58 = tpu.memref_slice %arg3[%arg0, %arg1, %mul3A_21, %dma_wait3A_57] : memref<2x16x80x128xi32, #tpu.memory_space<hbm>> -> memref<1x1x16x128xi32, #tpu.memory_space<hbm>>
        %dma_wait3A_59 = tpu.memref_squeeze %dma_wait3A_58 : memref<1x1x16x128xi32, #tpu.memory_space<hbm>> -> memref<16x128xi32, #tpu.memory_space<hbm>>
        %dma_wait3A_60 = arith.constant 0 : i32
        %dma_wait3A_61 = tpu.memref_slice %arg3[%arg0, %arg1, %mul3A_21, %dma_wait3A_60] : memref<2x16x80x128xi32, #tpu.memory_space<hbm>> -> memref<1x1x16x128xi32, #tpu.memory_space<hbm>>
        %dma_wait3A_62 = tpu.memref_squeeze %dma_wait3A_61 : memref<1x1x16x128xi32, #tpu.memory_space<hbm>> -> memref<16x128xi32, #tpu.memory_space<hbm>>
        tpu.wait_dma2 semaphore(%run_scoped3A : memref<!tpu.dma_semaphore, #tpu.memory_space<semaphore_mem>>) src(%dma_wait3A_62 : memref<16x128xi32, #tpu.memory_space<hbm>>) dst(%arg7 : memref<16x128xi32, #tpu.memory_space<vmem>>)
        tpu.yield
      }) : () -> ()
      %mul3A_22 = arith.constant 16 : i32
      %mul3A_23 = arith.muli %while3A_19, %mul3A_22 : i32
      "tpu.region"() ({
        %run_scoped3A = tpu.sem_alloc : memref<!tpu.dma_semaphore, #tpu.memory_space<semaphore_mem>>
        %dma_start3A_51 = arith.constant 0 : i32
        %dma_start3A_52 = tpu.memref_slice %arg4[%arg0, %arg1, %mul3A_23, %dma_start3A_51] : memref<2x16x80x128xi32, #tpu.memory_space<hbm>> -> memref<1x1x16x128xi32, #tpu.memory_space<hbm>>
        %dma_start3A_53 = tpu.memref_squeeze %dma_start3A_52 : memref<1x1x16x128xi32, #tpu.memory_space<hbm>> -> memref<16x128xi32, #tpu.memory_space<hbm>>
        %dma_start3A_54 = arith.constant 0 : i32
        %dma_start3A_55 = tpu.memref_slice %arg4[%arg0, %arg1, %mul3A_23, %dma_start3A_54] : memref<2x16x80x128xi32, #tpu.memory_space<hbm>> -> memref<1x1x16x128xi32, #tpu.memory_space<hbm>>
        %dma_start3A_56 = tpu.memref_squeeze %dma_start3A_55 : memref<1x1x16x128xi32, #tpu.memory_space<hbm>> -> memref<16x128xi32, #tpu.memory_space<hbm>>
        tpu.enqueue_dma source(%dma_start3A_56 : memref<16x128xi32, #tpu.memory_space<hbm>>) target(%arg8 : memref<16x128xi32, #tpu.memory_space<vmem>>) target_semaphore(%run_scoped3A : memref<!tpu.dma_semaphore, #tpu.memory_space<semaphore_mem>>)
        %dma_wait3A_57 = arith.constant 0 : i32
        %dma_wait3A_58 = tpu.memref_slice %arg4[%arg0, %arg1, %mul3A_23, %dma_wait3A_57] : memref<2x16x80x128xi32, #tpu.memory_space<hbm>> -> memref<1x1x16x128xi32, #tpu.memory_space<hbm>>
        %dma_wait3A_59 = tpu.memref_squeeze %dma_wait3A_58 : memref<1x1x16x128xi32, #tpu.memory_space<hbm>> -> memref<16x128xi32, #tpu.memory_space<hbm>>
        %dma_wait3A_60 = arith.constant 0 : i32
        %dma_wait3A_61 = tpu.memref_slice %arg4[%arg0, %arg1, %mul3A_23, %dma_wait3A_60] : memref<2x16x80x128xi32, #tpu.memory_space<hbm>> -> memref<1x1x16x128xi32, #tpu.memory_space<hbm>>
        %dma_wait3A_62 = tpu.memref_squeeze %dma_wait3A_61 : memref<1x1x16x128xi32, #tpu.memory_space<hbm>> -> memref<16x128xi32, #tpu.memory_space<hbm>>
        tpu.wait_dma2 semaphore(%run_scoped3A : memref<!tpu.dma_semaphore, #tpu.memory_space<semaphore_mem>>) src(%dma_wait3A_62 : memref<16x128xi32, #tpu.memory_space<hbm>>) dst(%arg8 : memref<16x128xi32, #tpu.memory_space<vmem>>)
        tpu.yield
      }) : () -> ()
      %dma_start3A = arith.constant 0 : i32
      %dma_start3A_24 = arith.constant 0 : i32
      %dma_start3A_25 = arith.constant 0 : i32
      %dma_start3A_26 = arith.constant 0 : i32
      %dma_start3A_27 = tpu.memref_slice %arg9[%dma_start3A_24, %dma_start3A_25, %dma_start3A_26] : memref<2x128x128xf32, #tpu.memory_space<vmem>> -> memref<1x128x128xf32, #tpu.memory_space<vmem>>
      %dma_start3A_28 = tpu.memref_squeeze %dma_start3A_27 : memref<1x128x128xf32, #tpu.memory_space<vmem>> -> memref<128x128xf32, #tpu.memory_space<vmem>>
      %dma_start3A_29 = arith.constant 0 : i32
      %dma_start3A_30 = tpu.memref_slice %arg7[%dma_start3A, %dma_start3A_29] : memref<16x128xi32, #tpu.memory_space<vmem>> -> memref<1x128xi32, #tpu.memory_space<vmem>>
      %dma_start3A_31 = tpu.memref_squeeze %dma_start3A_30 : memref<1x128xi32, #tpu.memory_space<vmem>> -> memref<128xi32, #tpu.memory_space<vmem>>
      %dma_start3A_32 = arith.constant 0 : i32
      %dma_start3A_33 = arith.constant 0 : i32
      %dma_start3A_34 = tpu.memref_slice %arg2[%dma_start3A_32, %dma_start3A_33] : memref<10240x128xf32, #tpu.memory_space<hbm>> -> memref<10240x128xf32, #tpu.memory_space<hbm>>
      tpu.enqueue_indirect_dma source(%dma_start3A_34 : memref<10240x128xf32, #tpu.memory_space<hbm>>) target(%dma_start3A_28 : memref<128x128xf32, #tpu.memory_space<vmem>>) offsets(%dma_start3A_31 : memref<128xi32, #tpu.memory_space<vmem>>) semaphore(%arg11 : memref<!tpu.dma_semaphore, #tpu.memory_space<semaphore_mem>>)
      %scan3A = arith.constant 0 : i32
      %scan3A_35 = arith.constant 0 : i32
      %scan3A_36 = arith.constant 8 : i32
      %scan3A_37 = arith.addi %scan3A_35, %scan3A_36 : i32
      %scan3A_38 = arith.constant 1 : i32
      scf.for %scan3A_51 = %scan3A_35 to %scan3A_37 step %scan3A_38  : i32 {
        %mul3A_52 = arith.constant 2 : i32
        %mul3A_53 = arith.muli %mul3A_52, %scan3A_51 : i32
        %add3A = arith.constant 0 : i32
        %add3A_54 = arith.addi %mul3A_53, %add3A : i32
        %dma_wait3A_55 = arith.constant 0 : i32
        %dma_wait3A_56 = arith.constant 0 : i32
        %dma_wait3A_57 = arith.constant 0 : i32
        %dma_wait3A_58 = tpu.memref_slice %arg9[%dma_wait3A_55, %dma_wait3A_56, %dma_wait3A_57] : memref<2x128x128xf32, #tpu.memory_space<vmem>> -> memref<1x128x128xf32, #tpu.memory_space<vmem>>
        %dma_wait3A_59 = tpu.memref_squeeze %dma_wait3A_58 : memref<1x128x128xf32, #tpu.memory_space<vmem>> -> memref<128x128xf32, #tpu.memory_space<vmem>>
        %dma_wait3A_60 = arith.constant 0 : i32
        %dma_wait3A_61 = tpu.memref_slice %arg7[%add3A_54, %dma_wait3A_60] : memref<16x128xi32, #tpu.memory_space<vmem>> -> memref<1x128xi32, #tpu.memory_space<vmem>>
        %dma_wait3A_62 = tpu.memref_squeeze %dma_wait3A_61 : memref<1x128xi32, #tpu.memory_space<vmem>> -> memref<128xi32, #tpu.memory_space<vmem>>
        %dma_wait3A_63 = arith.constant 0 : i32
        %dma_wait3A_64 = arith.constant 0 : i32
        %dma_wait3A_65 = tpu.memref_slice %arg2[%dma_wait3A_63, %dma_wait3A_64] : memref<10240x128xf32, #tpu.memory_space<hbm>> -> memref<10240x128xf32, #tpu.memory_space<hbm>>
        tpu.wait_indirect_dma semaphore(%arg11 : memref<!tpu.dma_semaphore, #tpu.memory_space<semaphore_mem>>) src(%dma_wait3A_65 : memref<10240x128xf32, #tpu.memory_space<hbm>>) dst(%dma_wait3A_59 : memref<128x128xf32, #tpu.memory_space<vmem>>)
        %gt3A = arith.constant 0 : i32
        %gt3A_66 = arith.cmpi sgt, %add3A_54, %gt3A : i32
        %convert_element_type3A = arith.extui %gt3A_66 : i1 to i32
        %cond3A = arith.constant 0 : i32
        %cond3A_67 = arith.cmpi ne, %convert_element_type3A, %cond3A : i32
        scf.if %cond3A_67 {
          %sub3A = arith.constant 1 : i32
          %sub3A_123 = arith.subi %add3A_54, %sub3A : i32
          %max3A = arith.constant 0 : i32
          %max3A_124 = arith.maxsi %sub3A_123, %max3A : i32
          %dma_wait3A_125 = arith.constant 1 : i32
          %dma_wait3A_126 = arith.constant 0 : i32
          %dma_wait3A_127 = arith.constant 0 : i32
          %dma_wait3A_128 = tpu.memref_slice %arg9[%dma_wait3A_125, %dma_wait3A_126, %dma_wait3A_127] : memref<2x128x128xf32, #tpu.memory_space<vmem>> -> memref<1x128x128xf32, #tpu.memory_space<vmem>>
          %dma_wait3A_129 = tpu.memref_squeeze %dma_wait3A_128 : memref<1x128x128xf32, #tpu.memory_space<vmem>> -> memref<128x128xf32, #tpu.memory_space<vmem>>
          %dma_wait3A_130 = arith.constant 0 : i32
          %dma_wait3A_131 = tpu.memref_slice %arg8[%max3A_124, %dma_wait3A_130] : memref<16x128xi32, #tpu.memory_space<vmem>> -> memref<1x128xi32, #tpu.memory_space<vmem>>
          %dma_wait3A_132 = tpu.memref_squeeze %dma_wait3A_131 : memref<1x128xi32, #tpu.memory_space<vmem>> -> memref<128xi32, #tpu.memory_space<vmem>>
          %dma_wait3A_133 = arith.constant 0 : i32
          %dma_wait3A_134 = arith.constant 0 : i32
          %dma_wait3A_135 = tpu.memref_slice %arg10[%dma_wait3A_133, %dma_wait3A_134] : memref<10240x128xf32, #tpu.memory_space<vmem_shared>> -> memref<10240x128xf32, #tpu.memory_space<vmem_shared>>
          tpu.wait_indirect_dma semaphore(%arg13 : memref<!tpu.dma_semaphore, #tpu.memory_space<semaphore_mem>>) src(%dma_wait3A_129 : memref<128x128xf32, #tpu.memory_space<vmem>>) dst(%dma_wait3A_135 : memref<10240x128xf32, #tpu.memory_space<vmem_shared>>)
        } else {
        }
        %add3A_68 = arith.constant 1 : i32
        %add3A_69 = arith.addi %add3A_54, %add3A_68 : i32
        %lt3A = arith.constant 16 : i32
        %lt3A_70 = arith.cmpi slt, %add3A_69, %lt3A : i32
        %convert_element_type3A_71 = arith.extui %lt3A_70 : i1 to i32
        %cond3A_72 = arith.constant 0 : i32
        %cond3A_73 = arith.cmpi ne, %convert_element_type3A_71, %cond3A_72 : i32
        scf.if %cond3A_73 {
          %add3A_123 = arith.constant 1 : i32
          %add3A_124 = arith.addi %add3A_54, %add3A_123 : i32
          %dma_start3A_125 = arith.constant 1 : i32
          %dma_start3A_126 = arith.constant 0 : i32
          %dma_start3A_127 = arith.constant 0 : i32
          %dma_start3A_128 = tpu.memref_slice %arg9[%dma_start3A_125, %dma_start3A_126, %dma_start3A_127] : memref<2x128x128xf32, #tpu.memory_space<vmem>> -> memref<1x128x128xf32, #tpu.memory_space<vmem>>
          %dma_start3A_129 = tpu.memref_squeeze %dma_start3A_128 : memref<1x128x128xf32, #tpu.memory_space<vmem>> -> memref<128x128xf32, #tpu.memory_space<vmem>>
          %dma_start3A_130 = arith.constant 0 : i32
          %dma_start3A_131 = tpu.memref_slice %arg7[%add3A_124, %dma_start3A_130] : memref<16x128xi32, #tpu.memory_space<vmem>> -> memref<1x128xi32, #tpu.memory_space<vmem>>
          %dma_start3A_132 = tpu.memref_squeeze %dma_start3A_131 : memref<1x128xi32, #tpu.memory_space<vmem>> -> memref<128xi32, #tpu.memory_space<vmem>>
          %dma_start3A_133 = arith.constant 0 : i32
          %dma_start3A_134 = arith.constant 0 : i32
          %dma_start3A_135 = tpu.memref_slice %arg2[%dma_start3A_133, %dma_start3A_134] : memref<10240x128xf32, #tpu.memory_space<hbm>> -> memref<10240x128xf32, #tpu.memory_space<hbm>>
          tpu.enqueue_indirect_dma source(%dma_start3A_135 : memref<10240x128xf32, #tpu.memory_space<hbm>>) target(%dma_start3A_129 : memref<128x128xf32, #tpu.memory_space<vmem>>) offsets(%dma_start3A_132 : memref<128xi32, #tpu.memory_space<vmem>>) semaphore(%arg11 : memref<!tpu.dma_semaphore, #tpu.memory_space<semaphore_mem>>)
        } else {
        }
        %dma_start3A_74 = arith.constant 0 : i32
        %dma_start3A_75 = arith.constant 0 : i32
        %dma_start3A_76 = arith.constant 0 : i32
        %dma_start3A_77 = tpu.memref_slice %arg9[%dma_start3A_74, %dma_start3A_75, %dma_start3A_76] : memref<2x128x128xf32, #tpu.memory_space<vmem>> -> memref<1x128x128xf32, #tpu.memory_space<vmem>>
        %dma_start3A_78 = tpu.memref_squeeze %dma_start3A_77 : memref<1x128x128xf32, #tpu.memory_space<vmem>> -> memref<128x128xf32, #tpu.memory_space<vmem>>
        %dma_start3A_79 = arith.constant 0 : i32
        %dma_start3A_80 = tpu.memref_slice %arg8[%add3A_54, %dma_start3A_79] : memref<16x128xi32, #tpu.memory_space<vmem>> -> memref<1x128xi32, #tpu.memory_space<vmem>>
        %dma_start3A_81 = tpu.memref_squeeze %dma_start3A_80 : memref<1x128xi32, #tpu.memory_space<vmem>> -> memref<128xi32, #tpu.memory_space<vmem>>
        %dma_start3A_82 = arith.constant 0 : i32
        %dma_start3A_83 = arith.constant 0 : i32
        %dma_start3A_84 = tpu.memref_slice %arg10[%dma_start3A_82, %dma_start3A_83] : memref<10240x128xf32, #tpu.memory_space<vmem_shared>> -> memref<10240x128xf32, #tpu.memory_space<vmem_shared>>
        tpu.enqueue_indirect_dma source(%dma_start3A_78 : memref<128x128xf32, #tpu.memory_space<vmem>>) target(%dma_start3A_84 : memref<10240x128xf32, #tpu.memory_space<vmem_shared>>) offsets(%dma_start3A_81 : memref<128xi32, #tpu.memory_space<vmem>>) semaphore(%arg12 : memref<!tpu.dma_semaphore, #tpu.memory_space<semaphore_mem>>) {add = true}
        %mul3A_85 = arith.constant 2 : i32
        %mul3A_86 = arith.muli %mul3A_85, %scan3A_51 : i32
        %add3A_87 = arith.constant 1 : i32
        %add3A_88 = arith.addi %mul3A_86, %add3A_87 : i32
        %dma_wait3A_89 = arith.constant 1 : i32
        %dma_wait3A_90 = arith.constant 0 : i32
        %dma_wait3A_91 = arith.constant 0 : i32
        %dma_wait3A_92 = tpu.memref_slice %arg9[%dma_wait3A_89, %dma_wait3A_90, %dma_wait3A_91] : memref<2x128x128xf32, #tpu.memory_space<vmem>> -> memref<1x128x128xf32, #tpu.memory_space<vmem>>
        %dma_wait3A_93 = tpu.memref_squeeze %dma_wait3A_92 : memref<1x128x128xf32, #tpu.memory_space<vmem>> -> memref<128x128xf32, #tpu.memory_space<vmem>>
        %dma_wait3A_94 = arith.constant 0 : i32
        %dma_wait3A_95 = tpu.memref_slice %arg7[%add3A_88, %dma_wait3A_94] : memref<16x128xi32, #tpu.memory_space<vmem>> -> memref<1x128xi32, #tpu.memory_space<vmem>>
        %dma_wait3A_96 = tpu.memref_squeeze %dma_wait3A_95 : memref<1x128xi32, #tpu.memory_space<vmem>> -> memref<128xi32, #tpu.memory_space<vmem>>
        %dma_wait3A_97 = arith.constant 0 : i32
        %dma_wait3A_98 = arith.constant 0 : i32
        %dma_wait3A_99 = tpu.memref_slice %arg2[%dma_wait3A_97, %dma_wait3A_98] : memref<10240x128xf32, #tpu.memory_space<hbm>> -> memref<10240x128xf32, #tpu.memory_space<hbm>>
        tpu.wait_indirect_dma semaphore(%arg11 : memref<!tpu.dma_semaphore, #tpu.memory_space<semaphore_mem>>) src(%dma_wait3A_99 : memref<10240x128xf32, #tpu.memory_space<hbm>>) dst(%dma_wait3A_93 : memref<128x128xf32, #tpu.memory_space<vmem>>)
        %gt3A_100 = arith.constant 0 : i32
        %gt3A_101 = arith.cmpi sgt, %add3A_88, %gt3A_100 : i32
        %convert_element_type3A_102 = arith.extui %gt3A_101 : i1 to i32
        %cond3A_103 = arith.constant 0 : i32
        %cond3A_104 = arith.cmpi ne, %convert_element_type3A_102, %cond3A_103 : i32
        scf.if %cond3A_104 {
          %sub3A = arith.constant 1 : i32
          %sub3A_123 = arith.subi %add3A_88, %sub3A : i32
          %max3A = arith.constant 0 : i32
          %max3A_124 = arith.maxsi %sub3A_123, %max3A : i32
          %dma_wait3A_125 = arith.constant 0 : i32
          %dma_wait3A_126 = arith.constant 0 : i32
          %dma_wait3A_127 = arith.constant 0 : i32
          %dma_wait3A_128 = tpu.memref_slice %arg9[%dma_wait3A_125, %dma_wait3A_126, %dma_wait3A_127] : memref<2x128x128xf32, #tpu.memory_space<vmem>> -> memref<1x128x128xf32, #tpu.memory_space<vmem>>
          %dma_wait3A_129 = tpu.memref_squeeze %dma_wait3A_128 : memref<1x128x128xf32, #tpu.memory_space<vmem>> -> memref<128x128xf32, #tpu.memory_space<vmem>>
          %dma_wait3A_130 = arith.constant 0 : i32
          %dma_wait3A_131 = tpu.memref_slice %arg8[%max3A_124, %dma_wait3A_130] : memref<16x128xi32, #tpu.memory_space<vmem>> -> memref<1x128xi32, #tpu.memory_space<vmem>>
          %dma_wait3A_132 = tpu.memref_squeeze %dma_wait3A_131 : memref<1x128xi32, #tpu.memory_space<vmem>> -> memref<128xi32, #tpu.memory_space<vmem>>
          %dma_wait3A_133 = arith.constant 0 : i32
          %dma_wait3A_134 = arith.constant 0 : i32
          %dma_wait3A_135 = tpu.memref_slice %arg10[%dma_wait3A_133, %dma_wait3A_134] : memref<10240x128xf32, #tpu.memory_space<vmem_shared>> -> memref<10240x128xf32, #tpu.memory_space<vmem_shared>>
          tpu.wait_indirect_dma semaphore(%arg12 : memref<!tpu.dma_semaphore, #tpu.memory_space<semaphore_mem>>) src(%dma_wait3A_129 : memref<128x128xf32, #tpu.memory_space<vmem>>) dst(%dma_wait3A_135 : memref<10240x128xf32, #tpu.memory_space<vmem_shared>>)
        } else {
        }
        %add3A_105 = arith.constant 1 : i32
        %add3A_106 = arith.addi %add3A_88, %add3A_105 : i32
        %lt3A_107 = arith.constant 16 : i32
        %lt3A_108 = arith.cmpi slt, %add3A_106, %lt3A_107 : i32
        %convert_element_type3A_109 = arith.extui %lt3A_108 : i1 to i32
        %cond3A_110 = arith.constant 0 : i32
        %cond3A_111 = arith.cmpi ne, %convert_element_type3A_109, %cond3A_110 : i32
        scf.if %cond3A_111 {
          %add3A_123 = arith.constant 1 : i32
          %add3A_124 = arith.addi %add3A_88, %add3A_123 : i32
          %dma_start3A_125 = arith.constant 0 : i32
          %dma_start3A_126 = arith.constant 0 : i32
          %dma_start3A_127 = arith.constant 0 : i32
          %dma_start3A_128 = tpu.memref_slice %arg9[%dma_start3A_125, %dma_start3A_126, %dma_start3A_127] : memref<2x128x128xf32, #tpu.memory_space<vmem>> -> memref<1x128x128xf32, #tpu.memory_space<vmem>>
          %dma_start3A_129 = tpu.memref_squeeze %dma_start3A_128 : memref<1x128x128xf32, #tpu.memory_space<vmem>> -> memref<128x128xf32, #tpu.memory_space<vmem>>
          %dma_start3A_130 = arith.constant 0 : i32
          %dma_start3A_131 = tpu.memref_slice %arg7[%add3A_124, %dma_start3A_130] : memref<16x128xi32, #tpu.memory_space<vmem>> -> memref<1x128xi32, #tpu.memory_space<vmem>>
          %dma_start3A_132 = tpu.memref_squeeze %dma_start3A_131 : memref<1x128xi32, #tpu.memory_space<vmem>> -> memref<128xi32, #tpu.memory_space<vmem>>
          %dma_start3A_133 = arith.constant 0 : i32
          %dma_start3A_134 = arith.constant 0 : i32
          %dma_start3A_135 = tpu.memref_slice %arg2[%dma_start3A_133, %dma_start3A_134] : memref<10240x128xf32, #tpu.memory_space<hbm>> -> memref<10240x128xf32, #tpu.memory_space<hbm>>
          tpu.enqueue_indirect_dma source(%dma_start3A_135 : memref<10240x128xf32, #tpu.memory_space<hbm>>) target(%dma_start3A_129 : memref<128x128xf32, #tpu.memory_space<vmem>>) offsets(%dma_start3A_132 : memref<128xi32, #tpu.memory_space<vmem>>) semaphore(%arg11 : memref<!tpu.dma_semaphore, #tpu.memory_space<semaphore_mem>>)
        } else {
        }
        %dma_start3A_112 = arith.constant 1 : i32
        %dma_start3A_113 = arith.constant 0 : i32
        %dma_start3A_114 = arith.constant 0 : i32
        %dma_start3A_115 = tpu.memref_slice %arg9[%dma_start3A_112, %dma_start3A_113, %dma_start3A_114] : memref<2x128x128xf32, #tpu.memory_space<vmem>> -> memref<1x128x128xf32, #tpu.memory_space<vmem>>
        %dma_start3A_116 = tpu.memref_squeeze %dma_start3A_115 : memref<1x128x128xf32, #tpu.memory_space<vmem>> -> memref<128x128xf32, #tpu.memory_space<vmem>>
        %dma_start3A_117 = arith.constant 0 : i32
        %dma_start3A_118 = tpu.memref_slice %arg8[%add3A_88, %dma_start3A_117] : memref<16x128xi32, #tpu.memory_space<vmem>> -> memref<1x128xi32, #tpu.memory_space<vmem>>
        %dma_start3A_119 = tpu.memref_squeeze %dma_start3A_118 : memref<1x128xi32, #tpu.memory_space<vmem>> -> memref<128xi32, #tpu.memory_space<vmem>>
        %dma_start3A_120 = arith.constant 0 : i32
        %dma_start3A_121 = arith.constant 0 : i32
        %dma_start3A_122 = tpu.memref_slice %arg10[%dma_start3A_120, %dma_start3A_121] : memref<10240x128xf32, #tpu.memory_space<vmem_shared>> -> memref<10240x128xf32, #tpu.memory_space<vmem_shared>>
        tpu.enqueue_indirect_dma source(%dma_start3A_116 : memref<128x128xf32, #tpu.memory_space<vmem>>) target(%dma_start3A_122 : memref<10240x128xf32, #tpu.memory_space<vmem_shared>>) offsets(%dma_start3A_119 : memref<128xi32, #tpu.memory_space<vmem>>) semaphore(%arg13 : memref<!tpu.dma_semaphore, #tpu.memory_space<semaphore_mem>>) {add = true}
      }
      %scan3A_39 = arith.constant 8 : i32
      %dma_wait3A = arith.constant 1 : i32
      %dma_wait3A_40 = arith.constant 15 : i32
      %dma_wait3A_41 = arith.constant 0 : i32
      %dma_wait3A_42 = arith.constant 0 : i32
      %dma_wait3A_43 = tpu.memref_slice %arg9[%dma_wait3A, %dma_wait3A_41, %dma_wait3A_42] : memref<2x128x128xf32, #tpu.memory_space<vmem>> -> memref<1x128x128xf32, #tpu.memory_space<vmem>>
      %dma_wait3A_44 = tpu.memref_squeeze %dma_wait3A_43 : memref<1x128x128xf32, #tpu.memory_space<vmem>> -> memref<128x128xf32, #tpu.memory_space<vmem>>
      %dma_wait3A_45 = arith.constant 0 : i32
      %dma_wait3A_46 = tpu.memref_slice %arg8[%dma_wait3A_40, %dma_wait3A_45] : memref<16x128xi32, #tpu.memory_space<vmem>> -> memref<1x128xi32, #tpu.memory_space<vmem>>
      %dma_wait3A_47 = tpu.memref_squeeze %dma_wait3A_46 : memref<1x128xi32, #tpu.memory_space<vmem>> -> memref<128xi32, #tpu.memory_space<vmem>>
      %dma_wait3A_48 = arith.constant 0 : i32
      %dma_wait3A_49 = arith.constant 0 : i32
      %dma_wait3A_50 = tpu.memref_slice %arg10[%dma_wait3A_48, %dma_wait3A_49] : memref<10240x128xf32, #tpu.memory_space<vmem_shared>> -> memref<10240x128xf32, #tpu.memory_space<vmem_shared>>
      tpu.wait_indirect_dma semaphore(%arg13 : memref<!tpu.dma_semaphore, #tpu.memory_space<semaphore_mem>>) src(%dma_wait3A_44 : memref<128x128xf32, #tpu.memory_space<vmem>>) dst(%dma_wait3A_50 : memref<10240x128xf32, #tpu.memory_space<vmem_shared>>)
    }
    %barrier3A_14 = arith.constant 0 : index
    tpu.barrier barrier_id(%barrier3A_14)
    %mul3A_15 = arith.constant 640 : i32
    %mul3A_16 = arith.muli %arg1, %mul3A_15 : i32
    %mul3A_17 = arith.constant 640 : i32
    %mul3A_18 = arith.muli %arg1, %mul3A_17 : i32
    "tpu.region"() ({
      %run_scoped3A = tpu.sem_alloc : memref<!tpu.dma_semaphore, #tpu.memory_space<semaphore_mem>>
      %dma_start3A = arith.constant 0 : i32
      %dma_start3A_19 = tpu.memref_slice %arg6[%arg0, %mul3A_18, %dma_start3A] : memref<2x10240x128xf32, #tpu.memory_space<hbm>> -> memref<1x640x128xf32, #tpu.memory_space<hbm>>
      %dma_start3A_20 = tpu.memref_squeeze %dma_start3A_19 : memref<1x640x128xf32, #tpu.memory_space<hbm>> -> memref<640x128xf32, #tpu.memory_space<hbm>>
      %dma_start3A_21 = arith.constant 0 : i32
      %dma_start3A_22 = tpu.memref_slice %arg10[%mul3A_16, %dma_start3A_21] : memref<10240x128xf32, #tpu.memory_space<vmem_shared>> -> memref<640x128xf32, #tpu.memory_space<vmem_shared>>
      tpu.enqueue_dma source(%dma_start3A_22 : memref<640x128xf32, #tpu.memory_space<vmem_shared>>) target(%dma_start3A_20 : memref<640x128xf32, #tpu.memory_space<hbm>>) target_semaphore(%run_scoped3A : memref<!tpu.dma_semaphore, #tpu.memory_space<semaphore_mem>>)
      %dma_wait3A = arith.constant 0 : i32
      %dma_wait3A_23 = tpu.memref_slice %arg6[%arg0, %mul3A_18, %dma_wait3A] : memref<2x10240x128xf32, #tpu.memory_space<hbm>> -> memref<1x640x128xf32, #tpu.memory_space<hbm>>
      %dma_wait3A_24 = tpu.memref_squeeze %dma_wait3A_23 : memref<1x640x128xf32, #tpu.memory_space<hbm>> -> memref<640x128xf32, #tpu.memory_space<hbm>>
      %dma_wait3A_25 = arith.constant 0 : i32
      %dma_wait3A_26 = tpu.memref_slice %arg10[%mul3A_16, %dma_wait3A_25] : memref<10240x128xf32, #tpu.memory_space<vmem_shared>> -> memref<640x128xf32, #tpu.memory_space<vmem_shared>>
      tpu.wait_dma2 semaphore(%run_scoped3A : memref<!tpu.dma_semaphore, #tpu.memory_space<semaphore_mem>>) src(%dma_wait3A_26 : memref<640x128xf32, #tpu.memory_space<vmem_shared>>) dst(%dma_wait3A_24 : memref<640x128xf32, #tpu.memory_space<hbm>>)
      tpu.yield
    }) : () -> ()
    return
  }
}

module attributes {stable_mosaic.version = 14 : i64} {
  func.func @_prep_body(%arg0: i32, %arg1: memref<2x1024x128xf32, #tpu.memory_space<vmem>>, %arg2: memref<1024x128xf32, #tpu.memory_space<vmem>>, %arg3: memref<1024x128xf32, #tpu.memory_space<vmem>>, %arg4: memref<1024x128xf32, #tpu.memory_space<vmem>>, %arg5: memref<1024x128xf32, #tpu.memory_space<vmem>>) attributes {dimension_semantics = [#tpu.dimension_semantics<arbitrary>], iteration_bounds = array<i64: 10>, scalar_prefetch = 0 : i64, scratch_operands = 0 : i64, tpu.core_type = #tpu.core_type<tc>, window_params = [{transform_indices = @transform_0, window_bounds = array<i64: 2, 1024, 128>}, {transform_indices = @transform_1, window_bounds = array<i64: 1024, 128>}, {transform_indices = @transform_2, window_bounds = array<i64: 1024, 128>}, {transform_indices = @transform_3, window_bounds = array<i64: 1024, 128>}, {transform_indices = @transform_4, window_bounds = array<i64: 1024, 128>}]} {
    %get3A = arith.constant 0 : index
    %get3A_0 = arith.constant 0 : index
    %get3A_1 = arith.constant 0 : index
    %get3A_2 = vector.load %arg1[%get3A, %get3A_0, %get3A_1] : memref<2x1024x128xf32, #tpu.memory_space<vmem>>, vector<1x1024x1xf32>
    %get3A_3 = vector.shape_cast %get3A_2 : vector<1x1024x1xf32> to vector<1024xf32>
    %get3A_4 = arith.constant 1 : index
    %get3A_5 = arith.constant 0 : index
    %get3A_6 = arith.constant 0 : index
    %get3A_7 = vector.load %arg1[%get3A_4, %get3A_5, %get3A_6] : memref<2x1024x128xf32, #tpu.memory_space<vmem>>, vector<1x1024x1xf32>
    %get3A_8 = vector.shape_cast %get3A_7 : vector<1x1024x1xf32> to vector<1024xf32>
    %add3A = arith.addf %get3A_3, %get3A_8 : vector<1024xf32>
    %max3A = arith.constant 1.000000e+00 : f32
    %max3A_9 = vector.broadcast %max3A : f32 to vector<1024xf32>
    %max3A_10 = arith.maximumf %add3A, %max3A_9 : vector<1024xf32>
    %rsqrt3A = math.rsqrt %max3A_10 : vector<1024xf32>
    %broadcast_in_dim3A = vector.shape_cast %rsqrt3A : vector<1024xf32> to vector<1024x1xf32>
    %broadcast_in_dim3A_11 = vector.shape_cast %broadcast_in_dim3A : vector<1024x1xf32> to vector<1024x1xf32>
    %broadcast_in_dim3A_12 = vector.broadcast %broadcast_in_dim3A_11 : vector<1024x1xf32> to vector<1024x128xf32>
    %swap3A = arith.constant 0 : index
    %swap3A_13 = arith.constant 0 : index
    %swap3A_14 = vector.load %arg3[%swap3A, %swap3A_13] : memref<1024x128xf32, #tpu.memory_space<vmem>>, vector<1024x128xf32>
    tpu.vector_store %arg3[%swap3A, %swap3A_13], %broadcast_in_dim3A_12 {strides = array<i32>} : memref<1024x128xf32, #tpu.memory_space<vmem>>, vector<1024x128xf32>,
    %div3A = arith.constant 1.000000e+00 : f32
    %div3A_15 = vector.broadcast %div3A : f32 to vector<1024xf32>
    %div3A_16 = arith.divf %div3A_15, %max3A_10 : vector<1024xf32>
    %broadcast_in_dim3A_17 = vector.shape_cast %div3A_16 : vector<1024xf32> to vector<1024x1xf32>
    %broadcast_in_dim3A_18 = vector.shape_cast %broadcast_in_dim3A_17 : vector<1024x1xf32> to vector<1024x1xf32>
    %broadcast_in_dim3A_19 = vector.broadcast %broadcast_in_dim3A_18 : vector<1024x1xf32> to vector<1024x128xf32>
    %swap3A_20 = arith.constant 0 : index
    %swap3A_21 = arith.constant 0 : index
    %swap3A_22 = vector.load %arg4[%swap3A_20, %swap3A_21] : memref<1024x128xf32, #tpu.memory_space<vmem>>, vector<1024x128xf32>
    tpu.vector_store %arg4[%swap3A_20, %swap3A_21], %broadcast_in_dim3A_19 {strides = array<i32>} : memref<1024x128xf32, #tpu.memory_space<vmem>>, vector<1024x128xf32>,
    %get3A_23 = arith.constant 0 : index
    %get3A_24 = arith.constant 0 : index
    %get3A_25 = vector.load %arg2[%get3A_23, %get3A_24] : memref<1024x128xf32, #tpu.memory_space<vmem>>, vector<1024x128xf32>
    %mul3A = vector.broadcast %broadcast_in_dim3A : vector<1024x1xf32> to vector<1024x128xf32>
    %mul3A_26 = arith.mulf %get3A_25, %mul3A : vector<1024x128xf32>
    %swap3A_27 = arith.constant 0 : index
    %swap3A_28 = arith.constant 0 : index
    %swap3A_29 = vector.load %arg5[%swap3A_27, %swap3A_28] : memref<1024x128xf32, #tpu.memory_space<vmem>>, vector<1024x128xf32>
    tpu.vector_store %arg5[%swap3A_27, %swap3A_28], %mul3A_26 {strides = array<i32>} : memref<1024x128xf32, #tpu.memory_space<vmem>>, vector<1024x128xf32>,
    return
  }
  func.func @transform_0(%arg0: i32) -> (i32, i32, i32) {
    %c0_i32 = arith.constant 0 : i32
    %c0_i32_0 = arith.constant 0 : i32
    %c0_i32_1 = arith.constant 0 : i32
    return %c0_i32, %arg0, %c0_i32_0 : i32, i32, i32
  }
  func.func @transform_1(%arg0: i32) -> (i32, i32) {
    %c0_i32 = arith.constant 0 : i32
    %c0_i32_0 = arith.constant 0 : i32
    return %arg0, %c0_i32 : i32, i32
  }
  func.func @transform_2(%arg0: i32) -> (i32, i32) {
    %c0_i32 = arith.constant 0 : i32
    %c0_i32_0 = arith.constant 0 : i32
    return %arg0, %c0_i32 : i32, i32
  }
  func.func @transform_3(%arg0: i32) -> (i32, i32) {
    %c0_i32 = arith.constant 0 : i32
    %c0_i32_0 = arith.constant 0 : i32
    return %arg0, %c0_i32 : i32, i32
  }
  func.func @transform_4(%arg0: i32) -> (i32, i32) {
    %c0_i32 = arith.constant 0 : i32
    %c0_i32_0 = arith.constant 0 : i32
    return %arg0, %c0_i32 : i32, i32
  }
}

module attributes {stable_mosaic.version = 14 : i64} {
  func.func @_combine_body(%arg0: i32, %arg1: memref<2x1024x128xf32, #tpu.memory_space<vmem>>, %arg2: memref<1024x128xf32, #tpu.memory_space<vmem>>, %arg3: memref<1024x128xf32, #tpu.memory_space<vmem>>, %arg4: memref<1024x128xf32, #tpu.memory_space<vmem>>, %arg5: memref<1024x128xf32, #tpu.memory_space<vmem>>) attributes {dimension_semantics = [#tpu.dimension_semantics<arbitrary>], iteration_bounds = array<i64: 10>, scalar_prefetch = 0 : i64, scratch_operands = 0 : i64, tpu.core_type = #tpu.core_type<tc>, window_params = [{transform_indices = @transform_0, window_bounds = array<i64: 2, 1024, 128>}, {transform_indices = @transform_1, window_bounds = array<i64: 1024, 128>}, {transform_indices = @transform_2, window_bounds = array<i64: 1024, 128>}, {transform_indices = @transform_3, window_bounds = array<i64: 1024, 128>}, {transform_indices = @transform_4, window_bounds = array<i64: 1024, 128>}]} {
    %get3A = arith.constant 0 : index
    %get3A_0 = arith.constant 0 : index
    %get3A_1 = arith.constant 0 : index
    %get3A_2 = vector.load %arg1[%get3A, %get3A_0, %get3A_1] : memref<2x1024x128xf32, #tpu.memory_space<vmem>>, vector<1x1024x128xf32>
    %get3A_3 = vector.shape_cast %get3A_2 : vector<1x1024x128xf32> to vector<1024x128xf32>
    %get3A_4 = arith.constant 1 : index
    %get3A_5 = arith.constant 0 : index
    %get3A_6 = arith.constant 0 : index
    %get3A_7 = vector.load %arg1[%get3A_4, %get3A_5, %get3A_6] : memref<2x1024x128xf32, #tpu.memory_space<vmem>>, vector<1x1024x128xf32>
    %get3A_8 = vector.shape_cast %get3A_7 : vector<1x1024x128xf32> to vector<1024x128xf32>
    %add3A = arith.addf %get3A_3, %get3A_8 : vector<1024x128xf32>
    %get3A_9 = arith.constant 0 : index
    %get3A_10 = arith.constant 0 : index
    %get3A_11 = vector.load %arg2[%get3A_9, %get3A_10] : memref<1024x128xf32, #tpu.memory_space<vmem>>, vector<1024x128xf32>
    %mul3A = arith.mulf %add3A, %get3A_11 : vector<1024x128xf32>
    %swap3A = arith.constant 0 : index
    %swap3A_12 = arith.constant 0 : index
    %swap3A_13 = vector.load %arg4[%swap3A, %swap3A_12] : memref<1024x128xf32, #tpu.memory_space<vmem>>, vector<1024x128xf32>
    tpu.vector_store %arg4[%swap3A, %swap3A_12], %mul3A {strides = array<i32>} : memref<1024x128xf32, #tpu.memory_space<vmem>>, vector<1024x128xf32>,
    %get3A_14 = arith.constant 0 : index
    %get3A_15 = arith.constant 0 : index
    %get3A_16 = vector.load %arg3[%get3A_14, %get3A_15] : memref<1024x128xf32, #tpu.memory_space<vmem>>, vector<1024x128xf32>
    %mul3A_17 = arith.mulf %add3A, %get3A_16 : vector<1024x128xf32>
    %swap3A_18 = arith.constant 0 : index
    %swap3A_19 = arith.constant 0 : index
    %swap3A_20 = vector.load %arg5[%swap3A_18, %swap3A_19] : memref<1024x128xf32, #tpu.memory_space<vmem>>, vector<1024x128xf32>
    tpu.vector_store %arg5[%swap3A_18, %swap3A_19], %mul3A_17 {strides = array<i32>} : memref<1024x128xf32, #tpu.memory_space<vmem>>, vector<1024x128xf32>,
    return
  }
  func.func @transform_0(%arg0: i32) -> (i32, i32, i32) {
    %c0_i32 = arith.constant 0 : i32
    %c0_i32_0 = arith.constant 0 : i32
    %c0_i32_1 = arith.constant 0 : i32
    return %c0_i32, %arg0, %c0_i32_0 : i32, i32, i32
  }
  func.func @transform_1(%arg0: i32) -> (i32, i32) {
    %c0_i32 = arith.constant 0 : i32
    %c0_i32_0 = arith.constant 0 : i32
    return %arg0, %c0_i32 : i32, i32
  }
  func.func @transform_2(%arg0: i32) -> (i32, i32) {
    %c0_i32 = arith.constant 0 : i32
    %c0_i32_0 = arith.constant 0 : i32
    return %arg0, %c0_i32 : i32, i32
  }
  func.func @transform_3(%arg0: i32) -> (i32, i32) {
    %c0_i32 = arith.constant 0 : i32
    %c0_i32_0 = arith.constant 0 : i32
    return %arg0, %c0_i32 : i32, i32
  }
  func.func @transform_4(%arg0: i32) -> (i32, i32) {
    %c0_i32 = arith.constant 0 : i32
    %c0_i32_0 = arith.constant 0 : i32
    return %arg0, %c0_i32 : i32, i32
  }
}

module attributes {stable_mosaic.version = 14 : i64} {
  func.func @_fpart_body(%arg0: i32, %arg1: memref<1024x128xf32, #tpu.memory_space<vmem>>, %arg2: memref<128x128xf32, #tpu.memory_space<vmem>>, %arg3: memref<1x128xf32, #tpu.memory_space<vmem>>, %arg4: memref<128x128xf32, #tpu.memory_space<vmem>>, %arg5: memref<1024x128xf32, #tpu.memory_space<vmem>>) attributes {dimension_semantics = [#tpu.dimension_semantics<arbitrary>], iteration_bounds = array<i64: 10>, scalar_prefetch = 0 : i64, scratch_operands = 0 : i64, tpu.core_type = #tpu.core_type<tc>, window_params = [{transform_indices = @transform_0, window_bounds = array<i64: 1024, 128>}, {pipeline_mode = #tpu.pipeline_mode<synchronous>, transform_indices = @transform_1, window_bounds = array<i64: 128, 128>}, {pipeline_mode = #tpu.pipeline_mode<synchronous>, transform_indices = @transform_2, window_bounds = array<i64: 1, 128>}, {pipeline_mode = #tpu.pipeline_mode<synchronous>, transform_indices = @transform_3, window_bounds = array<i64: 128, 128>}, {transform_indices = @transform_4, window_bounds = array<i64: 1024, 128>}]} {
    %get3A = arith.constant 0 : index
    %get3A_0 = arith.constant 0 : index
    %get3A_1 = vector.load %arg1[%get3A, %get3A_0] : memref<1024x128xf32, #tpu.memory_space<vmem>>, vector<1024x128xf32>
    %get3A_2 = arith.constant 0 : index
    %get3A_3 = arith.constant 0 : index
    %get3A_4 = vector.load %arg2[%get3A_2, %get3A_3] : memref<128x128xf32, #tpu.memory_space<vmem>>, vector<128x128xf32>
    %dot_general3A = arith.constant dense<0.000000e+00> : vector<1024x128xf32>
    %dot_general3A_5 = tpu.matmul %get3A_1, %get3A_4, %dot_general3A {dimension_numbers = #tpu.dot_dimension_numbers<[1], [0], [0], [1], [0, 0, 1, 1], [], []>, transpose_lhs_hint = false} : vector<1024x128xf32>, vector<128x128xf32>, vector<1024x128xf32> -> vector<1024x128xf32>
    %get3A_6 = arith.constant 0 : index
    %get3A_7 = arith.constant 0 : index
    %get3A_8 = vector.load %arg3[%get3A_6, %get3A_7] : memref<1x128xf32, #tpu.memory_space<vmem>>, vector<1x128xf32>
    %add3A = vector.broadcast %get3A_8 : vector<1x128xf32> to vector<1024x128xf32>
    %add3A_9 = arith.addf %dot_general3A_5, %add3A : vector<1024x128xf32>
    %get3A_10 = arith.constant 0 : index
    %get3A_11 = arith.constant 0 : index
    %get3A_12 = vector.load %arg4[%get3A_10, %get3A_11] : memref<128x128xf32, #tpu.memory_space<vmem>>, vector<128x128xf32>
    %dot_general3A_13 = arith.constant dense<0.000000e+00> : vector<1024x128xf32>
    %dot_general3A_14 = tpu.matmul %add3A_9, %get3A_12, %dot_general3A_13 {dimension_numbers = #tpu.dot_dimension_numbers<[1], [0], [0], [1], [0, 0, 1, 1], [], []>, transpose_lhs_hint = false} : vector<1024x128xf32>, vector<128x128xf32>, vector<1024x128xf32> -> vector<1024x128xf32>
    %swap3A = arith.constant 0 : index
    %swap3A_15 = arith.constant 0 : index
    %swap3A_16 = vector.load %arg5[%swap3A, %swap3A_15] : memref<1024x128xf32, #tpu.memory_space<vmem>>, vector<1024x128xf32>
    tpu.vector_store %arg5[%swap3A, %swap3A_15], %dot_general3A_14 {strides = array<i32>} : memref<1024x128xf32, #tpu.memory_space<vmem>>, vector<1024x128xf32>,
    return
  }
  func.func @transform_0(%arg0: i32) -> (i32, i32) {
    %c0_i32 = arith.constant 0 : i32
    %c0_i32_0 = arith.constant 0 : i32
    return %arg0, %c0_i32 : i32, i32
  }
  func.func @transform_1(%arg0: i32) -> (i32, i32) {
    %c0_i32 = arith.constant 0 : i32
    %c0_i32_0 = arith.constant 0 : i32
    %c0_i32_1 = arith.constant 0 : i32
    return %c0_i32, %c0_i32_0 : i32, i32
  }
  func.func @transform_2(%arg0: i32) -> (i32, i32) {
    %c0_i32 = arith.constant 0 : i32
    %c0_i32_0 = arith.constant 0 : i32
    %c0_i32_1 = arith.constant 0 : i32
    return %c0_i32, %c0_i32_0 : i32, i32
  }
  func.func @transform_3(%arg0: i32) -> (i32, i32) {
    %c0_i32 = arith.constant 0 : i32
    %c0_i32_0 = arith.constant 0 : i32
    %c0_i32_1 = arith.constant 0 : i32
    return %c0_i32, %c0_i32_0 : i32, i32
  }
  func.func @transform_4(%arg0: i32) -> (i32, i32) {
    %c0_i32 = arith.constant 0 : i32
    %c0_i32_0 = arith.constant 0 : i32
    return %arg0, %c0_i32 : i32, i32
  }
}

module attributes {stable_mosaic.version = 14 : i64} {
  func.func @_combine_body(%arg0: i32, %arg1: memref<2x1024x128xf32, #tpu.memory_space<vmem>>, %arg2: memref<1024x128xf32, #tpu.memory_space<vmem>>, %arg3: memref<1024x128xf32, #tpu.memory_space<vmem>>, %arg4: memref<1024x128xf32, #tpu.memory_space<vmem>>, %arg5: memref<1024x128xf32, #tpu.memory_space<vmem>>) attributes {dimension_semantics = [#tpu.dimension_semantics<arbitrary>], iteration_bounds = array<i64: 10>, scalar_prefetch = 0 : i64, scratch_operands = 0 : i64, tpu.core_type = #tpu.core_type<tc>, window_params = [{transform_indices = @transform_0, window_bounds = array<i64: 2, 1024, 128>}, {transform_indices = @transform_1, window_bounds = array<i64: 1024, 128>}, {transform_indices = @transform_2, window_bounds = array<i64: 1024, 128>}, {transform_indices = @transform_3, window_bounds = array<i64: 1024, 128>}, {transform_indices = @transform_4, window_bounds = array<i64: 1024, 128>}]} {
    %get3A = arith.constant 0 : index
    %get3A_0 = arith.constant 0 : index
    %get3A_1 = arith.constant 0 : index
    %get3A_2 = vector.load %arg1[%get3A, %get3A_0, %get3A_1] : memref<2x1024x128xf32, #tpu.memory_space<vmem>>, vector<1x1024x128xf32>
    %get3A_3 = vector.shape_cast %get3A_2 : vector<1x1024x128xf32> to vector<1024x128xf32>
    %get3A_4 = arith.constant 1 : index
    %get3A_5 = arith.constant 0 : index
    %get3A_6 = arith.constant 0 : index
    %get3A_7 = vector.load %arg1[%get3A_4, %get3A_5, %get3A_6] : memref<2x1024x128xf32, #tpu.memory_space<vmem>>, vector<1x1024x128xf32>
    %get3A_8 = vector.shape_cast %get3A_7 : vector<1x1024x128xf32> to vector<1024x128xf32>
    %add3A = arith.addf %get3A_3, %get3A_8 : vector<1024x128xf32>
    %get3A_9 = arith.constant 0 : index
    %get3A_10 = arith.constant 0 : index
    %get3A_11 = vector.load %arg2[%get3A_9, %get3A_10] : memref<1024x128xf32, #tpu.memory_space<vmem>>, vector<1024x128xf32>
    %mul3A = arith.mulf %add3A, %get3A_11 : vector<1024x128xf32>
    %swap3A = arith.constant 0 : index
    %swap3A_12 = arith.constant 0 : index
    %swap3A_13 = vector.load %arg4[%swap3A, %swap3A_12] : memref<1024x128xf32, #tpu.memory_space<vmem>>, vector<1024x128xf32>
    tpu.vector_store %arg4[%swap3A, %swap3A_12], %mul3A {strides = array<i32>} : memref<1024x128xf32, #tpu.memory_space<vmem>>, vector<1024x128xf32>,
    %get3A_14 = arith.constant 0 : index
    %get3A_15 = arith.constant 0 : index
    %get3A_16 = vector.load %arg3[%get3A_14, %get3A_15] : memref<1024x128xf32, #tpu.memory_space<vmem>>, vector<1024x128xf32>
    %mul3A_17 = arith.mulf %add3A, %get3A_16 : vector<1024x128xf32>
    %swap3A_18 = arith.constant 0 : index
    %swap3A_19 = arith.constant 0 : index
    %swap3A_20 = vector.load %arg5[%swap3A_18, %swap3A_19] : memref<1024x128xf32, #tpu.memory_space<vmem>>, vector<1024x128xf32>
    tpu.vector_store %arg5[%swap3A_18, %swap3A_19], %mul3A_17 {strides = array<i32>} : memref<1024x128xf32, #tpu.memory_space<vmem>>, vector<1024x128xf32>,
    return
  }
  func.func @transform_0(%arg0: i32) -> (i32, i32, i32) {
    %c0_i32 = arith.constant 0 : i32
    %c0_i32_0 = arith.constant 0 : i32
    %c0_i32_1 = arith.constant 0 : i32
    return %c0_i32, %arg0, %c0_i32_0 : i32, i32, i32
  }
  func.func @transform_1(%arg0: i32) -> (i32, i32) {
    %c0_i32 = arith.constant 0 : i32
    %c0_i32_0 = arith.constant 0 : i32
    return %arg0, %c0_i32 : i32, i32
  }
  func.func @transform_2(%arg0: i32) -> (i32, i32) {
    %c0_i32 = arith.constant 0 : i32
    %c0_i32_0 = arith.constant 0 : i32
    return %arg0, %c0_i32 : i32, i32
  }
  func.func @transform_3(%arg0: i32) -> (i32, i32) {
    %c0_i32 = arith.constant 0 : i32
    %c0_i32_0 = arith.constant 0 : i32
    return %arg0, %c0_i32 : i32, i32
  }
  func.func @transform_4(%arg0: i32) -> (i32, i32) {
    %c0_i32 = arith.constant 0 : i32
    %c0_i32_0 = arith.constant 0 : i32
    return %arg0, %c0_i32 : i32, i32
  }
}

module attributes {stable_mosaic.version = 14 : i64} {
  func.func @_fsum_body(%arg0: i32, %arg1: memref<1024x128xf32, #tpu.memory_space<vmem>>, %arg2: memref<1024x128xf32, #tpu.memory_space<vmem>>, %arg3: memref<1024x128xf32, #tpu.memory_space<vmem>>, %arg4: memref<1x128xf32, #tpu.memory_space<vmem>>, %arg5: memref<1024x128xf32, #tpu.memory_space<vmem>>, %arg6: memref<1x128xf32, #tpu.memory_space<vmem>>, %arg7: memref<1x128xf32, #tpu.memory_space<vmem>>) attributes {dimension_semantics = [#tpu.dimension_semantics<arbitrary>], iteration_bounds = array<i64: 10>, scalar_prefetch = 0 : i64, scratch_operands = 0 : i64, tpu.core_type = #tpu.core_type<tc>, window_params = [{transform_indices = @transform_0, window_bounds = array<i64: 1024, 128>}, {transform_indices = @transform_1, window_bounds = array<i64: 1024, 128>}, {transform_indices = @transform_2, window_bounds = array<i64: 1024, 128>}, {pipeline_mode = #tpu.pipeline_mode<synchronous>, transform_indices = @transform_3, window_bounds = array<i64: 1, 128>}, {transform_indices = @transform_4, window_bounds = array<i64: 1024, 128>}, {pipeline_mode = #tpu.pipeline_mode<synchronous>, transform_indices = @transform_5, window_bounds = array<i64: 1, 128>}, {pipeline_mode = #tpu.pipeline_mode<synchronous>, transform_indices = @transform_6, window_bounds = array<i64: 1, 128>}]} {
    %get3A = arith.constant 0 : index
    %get3A_0 = arith.constant 0 : index
    %get3A_1 = vector.load %arg1[%get3A, %get3A_0] : memref<1024x128xf32, #tpu.memory_space<vmem>>, vector<1024x128xf32>
    %get3A_2 = arith.constant 0 : index
    %get3A_3 = arith.constant 0 : index
    %get3A_4 = vector.load %arg2[%get3A_2, %get3A_3] : memref<1024x128xf32, #tpu.memory_space<vmem>>, vector<1024x128xf32>
    %add3A = arith.addf %get3A_1, %get3A_4 : vector<1024x128xf32>
    %get3A_5 = arith.constant 0 : index
    %get3A_6 = arith.constant 0 : index
    %get3A_7 = vector.load %arg3[%get3A_5, %get3A_6] : memref<1024x128xf32, #tpu.memory_space<vmem>>, vector<1024x128xf32>
    %add3A_8 = arith.addf %add3A, %get3A_7 : vector<1024x128xf32>
    %get3A_9 = arith.constant 0 : index
    %get3A_10 = arith.constant 0 : index
    %get3A_11 = vector.load %arg4[%get3A_9, %get3A_10] : memref<1x128xf32, #tpu.memory_space<vmem>>, vector<1x128xf32>
    %add3A_12 = vector.broadcast %get3A_11 : vector<1x128xf32> to vector<1024x128xf32>
    %add3A_13 = arith.addf %add3A_8, %add3A_12 : vector<1024x128xf32>
    %swap3A = arith.constant 0 : index
    %swap3A_14 = arith.constant 0 : index
    %swap3A_15 = vector.load %arg5[%swap3A, %swap3A_14] : memref<1024x128xf32, #tpu.memory_space<vmem>>, vector<1024x128xf32>
    tpu.vector_store %arg5[%swap3A, %swap3A_14], %add3A_13 {strides = array<i32>} : memref<1024x128xf32, #tpu.memory_space<vmem>>, vector<1024x128xf32>,
    %mul3A = arith.constant 1024 : i32
    %mul3A_16 = arith.muli %arg0, %mul3A : i32
    %iota3A = tpu.iota {dimensions = array<i32: 0>} : vector<1024x128xi32>
    %add3A_17 = vector.broadcast %mul3A_16 : i32 to vector<1024x128xi32>
    %add3A_18 = arith.addi %add3A_17, %iota3A : vector<1024x128xi32>
    %lt3A = arith.constant 10000 : i32
    %lt3A_19 = vector.broadcast %lt3A : i32 to vector<1024x128xi32>
    %lt3A_20 = arith.cmpi slt, %add3A_18, %lt3A_19 : vector<1024x128xi32>
    %jit3A = arith.constant 0.000000e+00 : f32
    %broadcast_in_dim3A = vector.broadcast %jit3A : f32 to vector<1024x128xf32>
    %select_n3A = arith.select %lt3A_20, %add3A_13, %broadcast_in_dim3A : vector<1024x128xi1>, vector<1024x128xf32>
    %eq3A = arith.constant 0 : i32
    %eq3A_21 = arith.cmpi eq, %arg0, %eq3A : i32
    %convert_element_type3A = arith.extui %eq3A_21 : i1 to i32
    %cond3A = arith.constant 0 : i32
    %cond3A_22 = arith.cmpi ne, %convert_element_type3A, %cond3A : i32
    scf.if %cond3A_22 {
      %broadcast_in_dim3A_43 = arith.constant 0.000000e+00 : f32
      %broadcast_in_dim3A_44 = vector.broadcast %broadcast_in_dim3A_43 : f32 to vector<1x128xf32>
      %swap3A_45 = arith.constant 0 : index
      %swap3A_46 = arith.constant 0 : index
      %swap3A_47 = vector.load %arg6[%swap3A_45, %swap3A_46] : memref<1x128xf32, #tpu.memory_space<vmem>>, vector<1x128xf32>
      tpu.vector_store %arg6[%swap3A_45, %swap3A_46], %broadcast_in_dim3A_44 {strides = array<i32>} : memref<1x128xf32, #tpu.memory_space<vmem>>, vector<1x128xf32>,
      %broadcast_in_dim3A_48 = arith.constant 0.000000e+00 : f32
      %broadcast_in_dim3A_49 = vector.broadcast %broadcast_in_dim3A_48 : f32 to vector<1x128xf32>
      %swap3A_50 = arith.constant 0 : index
      %swap3A_51 = arith.constant 0 : index
      %swap3A_52 = vector.load %arg7[%swap3A_50, %swap3A_51] : memref<1x128xf32, #tpu.memory_space<vmem>>, vector<1x128xf32>
      tpu.vector_store %arg7[%swap3A_50, %swap3A_51], %broadcast_in_dim3A_49 {strides = array<i32>} : memref<1x128xf32, #tpu.memory_space<vmem>>, vector<1x128xf32>,
    } else {
    }
    %get3A_23 = arith.constant 0 : index
    %get3A_24 = arith.constant 0 : index
    %get3A_25 = vector.load %arg6[%get3A_23, %get3A_24] : memref<1x128xf32, #tpu.memory_space<vmem>>, vector<1x128xf32>
    %reduce_sum3A = arith.constant dense<0.000000e+00> : vector<128xf32>
    %reduce_sum3A_26 = vector.multi_reduction <add>, %select_n3A, %reduce_sum3A [0] : vector<1024x128xf32> to vector<128xf32>
    %broadcast_in_dim3A_27 = vector.shape_cast %reduce_sum3A_26 : vector<128xf32> to vector<1x128xf32>
    %add3A_28 = arith.addf %get3A_25, %broadcast_in_dim3A_27 : vector<1x128xf32>
    %swap3A_29 = arith.constant 0 : index
    %swap3A_30 = arith.constant 0 : index
    %swap3A_31 = vector.load %arg6[%swap3A_29, %swap3A_30] : memref<1x128xf32, #tpu.memory_space<vmem>>, vector<1x128xf32>
    tpu.vector_store %arg6[%swap3A_29, %swap3A_30], %add3A_28 {strides = array<i32>} : memref<1x128xf32, #tpu.memory_space<vmem>>, vector<1x128xf32>,
    %get3A_32 = arith.constant 0 : index
    %get3A_33 = arith.constant 0 : index
    %get3A_34 = vector.load %arg7[%get3A_32, %get3A_33] : memref<1x128xf32, #tpu.memory_space<vmem>>, vector<1x128xf32>
    %mul3A_35 = arith.mulf %select_n3A, %select_n3A : vector<1024x128xf32>
    %reduce_sum3A_36 = arith.constant dense<0.000000e+00> : vector<128xf32>
    %reduce_sum3A_37 = vector.multi_reduction <add>, %mul3A_35, %reduce_sum3A_36 [0] : vector<1024x128xf32> to vector<128xf32>
    %broadcast_in_dim3A_38 = vector.shape_cast %reduce_sum3A_37 : vector<128xf32> to vector<1x128xf32>
    %add3A_39 = arith.addf %get3A_34, %broadcast_in_dim3A_38 : vector<1x128xf32>
    %swap3A_40 = arith.constant 0 : index
    %swap3A_41 = arith.constant 0 : index
    %swap3A_42 = vector.load %arg7[%swap3A_40, %swap3A_41] : memref<1x128xf32, #tpu.memory_space<vmem>>, vector<1x128xf32>
    tpu.vector_store %arg7[%swap3A_40, %swap3A_41], %add3A_39 {strides = array<i32>} : memref<1x128xf32, #tpu.memory_space<vmem>>, vector<1x128xf32>,
    return
  }
  func.func @transform_0(%arg0: i32) -> (i32, i32) {
    %c0_i32 = arith.constant 0 : i32
    %c0_i32_0 = arith.constant 0 : i32
    return %arg0, %c0_i32 : i32, i32
  }
  func.func @transform_1(%arg0: i32) -> (i32, i32) {
    %c0_i32 = arith.constant 0 : i32
    %c0_i32_0 = arith.constant 0 : i32
    return %arg0, %c0_i32 : i32, i32
  }
  func.func @transform_2(%arg0: i32) -> (i32, i32) {
    %c0_i32 = arith.constant 0 : i32
    %c0_i32_0 = arith.constant 0 : i32
    return %arg0, %c0_i32 : i32, i32
  }
  func.func @transform_3(%arg0: i32) -> (i32, i32) {
    %c0_i32 = arith.constant 0 : i32
    %c0_i32_0 = arith.constant 0 : i32
    %c0_i32_1 = arith.constant 0 : i32
    return %c0_i32, %c0_i32_0 : i32, i32
  }
  func.func @transform_4(%arg0: i32) -> (i32, i32) {
    %c0_i32 = arith.constant 0 : i32
    %c0_i32_0 = arith.constant 0 : i32
    return %arg0, %c0_i32 : i32, i32
  }
  func.func @transform_5(%arg0: i32) -> (i32, i32) {
    %c0_i32 = arith.constant 0 : i32
    %c0_i32_0 = arith.constant 0 : i32
    %c0_i32_1 = arith.constant 0 : i32
    return %c0_i32, %c0_i32_0 : i32, i32
  }
  func.func @transform_6(%arg0: i32) -> (i32, i32) {
    %c0_i32 = arith.constant 0 : i32
    %c0_i32_0 = arith.constant 0 : i32
    %c0_i32_1 = arith.constant 0 : i32
    return %c0_i32, %c0_i32_0 : i32, i32
  }
}

module attributes {stable_mosaic.version = 14 : i64} {
  func.func @_bn_body(%arg0: i32, %arg1: memref<128x128xf32, #tpu.memory_space<vmem>>, %arg2: memref<1x128xf32, #tpu.memory_space<vmem>>, %arg3: memref<1x128xf32, #tpu.memory_space<vmem>>, %arg4: memref<1x128xf32, #tpu.memory_space<vmem>>, %arg5: memref<1x128xf32, #tpu.memory_space<vmem>>, %arg6: memref<1x128xf32, #tpu.memory_space<vmem>>, %arg7: memref<128x64xf32, #tpu.memory_space<vmem>>) attributes {dimension_semantics = [#tpu.dimension_semantics<arbitrary>], iteration_bounds = array<i64: 80>, scalar_prefetch = 0 : i64, scratch_operands = 0 : i64, tpu.core_type = #tpu.core_type<tc>, window_params = [{transform_indices = @transform_0, window_bounds = array<i64: 128, 128>}, {pipeline_mode = #tpu.pipeline_mode<synchronous>, transform_indices = @transform_1, window_bounds = array<i64: 1, 128>}, {pipeline_mode = #tpu.pipeline_mode<synchronous>, transform_indices = @transform_2, window_bounds = array<i64: 1, 128>}, {pipeline_mode = #tpu.pipeline_mode<synchronous>, transform_indices = @transform_3, window_bounds = array<i64: 1, 128>}, {pipeline_mode = #tpu.pipeline_mode<synchronous>, transform_indices = @transform_4, window_bounds = array<i64: 1, 128>}, {pipeline_mode = #tpu.pipeline_mode<synchronous>, transform_indices = @transform_5, window_bounds = array<i64: 1, 128>}, {transform_indices = @transform_6, window_bounds = array<i64: 128, 64>}]} {
    %get3A = arith.constant 0 : index
    %get3A_0 = arith.constant 0 : index
    %get3A_1 = vector.load %arg2[%get3A, %get3A_0] : memref<1x128xf32, #tpu.memory_space<vmem>>, vector<1x128xf32>
    %mul3A = arith.constant 9.99999974E-5 : f32
    %mul3A_2 = vector.broadcast %mul3A : f32 to vector<1x128xf32>
    %mul3A_3 = arith.mulf %get3A_1, %mul3A_2 : vector<1x128xf32>
    %get3A_4 = arith.constant 0 : index
    %get3A_5 = arith.constant 0 : index
    %get3A_6 = vector.load %arg3[%get3A_4, %get3A_5] : memref<1x128xf32, #tpu.memory_space<vmem>>, vector<1x128xf32>
    %mul3A_7 = arith.constant 9.99999974E-5 : f32
    %mul3A_8 = vector.broadcast %mul3A_7 : f32 to vector<1x128xf32>
    %mul3A_9 = arith.mulf %get3A_6, %mul3A_8 : vector<1x128xf32>
    %mul3A_10 = arith.mulf %mul3A_3, %mul3A_3 : vector<1x128xf32>
    %sub3A = arith.subf %mul3A_9, %mul3A_10 : vector<1x128xf32>
    %add3A = arith.constant 9.99999974E-6 : f32
    %add3A_11 = vector.broadcast %add3A : f32 to vector<1x128xf32>
    %add3A_12 = arith.addf %sub3A, %add3A_11 : vector<1x128xf32>
    %rsqrt3A = math.rsqrt %add3A_12 : vector<1x128xf32>
    %get3A_13 = arith.constant 0 : index
    %get3A_14 = arith.constant 0 : index
    %get3A_15 = vector.load %arg1[%get3A_13, %get3A_14] : memref<128x128xf32, #tpu.memory_space<vmem>>, vector<128x128xf32>
    %sub3A_16 = vector.broadcast %mul3A_3 : vector<1x128xf32> to vector<128x128xf32>
    %sub3A_17 = arith.subf %get3A_15, %sub3A_16 : vector<128x128xf32>
    %mul3A_18 = vector.broadcast %rsqrt3A : vector<1x128xf32> to vector<128x128xf32>
    %mul3A_19 = arith.mulf %sub3A_17, %mul3A_18 : vector<128x128xf32>
    %get3A_20 = arith.constant 0 : index
    %get3A_21 = arith.constant 0 : index
    %get3A_22 = vector.load %arg4[%get3A_20, %get3A_21] : memref<1x128xf32, #tpu.memory_space<vmem>>, vector<1x128xf32>
    %mul3A_23 = vector.broadcast %get3A_22 : vector<1x128xf32> to vector<128x128xf32>
    %mul3A_24 = arith.mulf %mul3A_19, %mul3A_23 : vector<128x128xf32>
    %get3A_25 = arith.constant 0 : index
    %get3A_26 = arith.constant 0 : index
    %get3A_27 = vector.load %arg5[%get3A_25, %get3A_26] : memref<1x128xf32, #tpu.memory_space<vmem>>, vector<1x128xf32>
    %add3A_28 = vector.broadcast %get3A_27 : vector<1x128xf32> to vector<128x128xf32>
    %add3A_29 = arith.addf %mul3A_24, %add3A_28 : vector<128x128xf32>
    %get3A_30 = arith.constant 0 : index
    %get3A_31 = arith.constant 0 : index
    %get3A_32 = vector.load %arg6[%get3A_30, %get3A_31] : memref<1x128xf32, #tpu.memory_space<vmem>>, vector<1x128xf32>
    %mul3A_33 = vector.broadcast %get3A_32 : vector<1x128xf32> to vector<128x128xf32>
    %mul3A_34 = arith.mulf %add3A_29, %mul3A_33 : vector<128x128xf32>
    %slice3A = vector.extract_strided_slice %mul3A_34 {offsets = [0, 0], sizes = [128, 64], strides = [1, 1]} : vector<128x128xf32> to vector<128x64xf32>
    %slice3A_35 = vector.extract_strided_slice %mul3A_34 {offsets = [0, 64], sizes = [128, 64], strides = [1, 1]} : vector<128x128xf32> to vector<128x64xf32>
    %add3A_36 = arith.addf %slice3A, %slice3A_35 : vector<128x64xf32>
    %swap3A = arith.constant 0 : index
    %swap3A_37 = arith.constant 0 : index
    %swap3A_38 = vector.load %arg7[%swap3A, %swap3A_37] : memref<128x64xf32, #tpu.memory_space<vmem>>, vector<128x64xf32>
    tpu.vector_store %arg7[%swap3A, %swap3A_37], %add3A_36 {strides = array<i32>} : memref<128x64xf32, #tpu.memory_space<vmem>>, vector<128x64xf32>,
    return
  }
  func.func @transform_0(%arg0: i32) -> (i32, i32) {
    %c0_i32 = arith.constant 0 : i32
    %c0_i32_0 = arith.constant 0 : i32
    return %arg0, %c0_i32 : i32, i32
  }
  func.func @transform_1(%arg0: i32) -> (i32, i32) {
    %c0_i32 = arith.constant 0 : i32
    %c0_i32_0 = arith.constant 0 : i32
    %c0_i32_1 = arith.constant 0 : i32
    return %c0_i32, %c0_i32_0 : i32, i32
  }
  func.func @transform_2(%arg0: i32) -> (i32, i32) {
    %c0_i32 = arith.constant 0 : i32
    %c0_i32_0 = arith.constant 0 : i32
    %c0_i32_1 = arith.constant 0 : i32
    return %c0_i32, %c0_i32_0 : i32, i32
  }
  func.func @transform_3(%arg0: i32) -> (i32, i32) {
    %c0_i32 = arith.constant 0 : i32
    %c0_i32_0 = arith.constant 0 : i32
    %c0_i32_1 = arith.constant 0 : i32
    return %c0_i32, %c0_i32_0 : i32, i32
  }
  func.func @transform_4(%arg0: i32) -> (i32, i32) {
    %c0_i32 = arith.constant 0 : i32
    %c0_i32_0 = arith.constant 0 : i32
    %c0_i32_1 = arith.constant 0 : i32
    return %c0_i32, %c0_i32_0 : i32, i32
  }
  func.func @transform_5(%arg0: i32) -> (i32, i32) {
    %c0_i32 = arith.constant 0 : i32
    %c0_i32_0 = arith.constant 0 : i32
    %c0_i32_1 = arith.constant 0 : i32
    return %c0_i32, %c0_i32_0 : i32, i32
  }
  func.func @transform_6(%arg0: i32) -> (i32, i32) {
    %c0_i32 = arith.constant 0 : i32
    %c0_i32_0 = arith.constant 0 : i32
    return %arg0, %c0_i32 : i32, i32
  }
}

</mosaic_0001>

<sc_bundles>
// kernel: kernel.15.cloned.1.call-start
scs
__scs_entry_jumppad:
0x0: {  	(pc) =	sbr.rel $0x88, $3  }
0x1: {  	(tag) =	ssettag $0x0;
	lr =	simm.s32 $0x1  }
0x2: {  	[smem:$0x3F94] =	sst lr;
	_ =	strace $0xD0000000  }
0x3: {  	_ = 	snop  }
0x4: {  	_ = 	snop  }
0x5: {  	_ = 	snop  }
0x6: {  	_ = 	snop  }
0x7: {  	_ = 	snop  }
__scs_overlays_trampoline_lowered:
0x8: {  	[smem:$0x3FA3] =	sst s0  }
0x9: {  	[smem:$0x3FA4] =	sst s1  }
0xa: {  	[smem:$0x3FA5] =	sst s2  }
0xb: {  	[smem:$0x3FA6] =	sst s3  }
0xc: {  	[smem:$0x3FA7] =	sst s4  }
0xd: {  	[smem:$0x3FA8] =	sst s5  }
0xe: {  	[smem:$0x3FA9] =	sst s6  }
0xf: {  	[smem:$0x3FAA] =	sst s7  }
0x10: {  	[smem:$0x3FAB] =	sst s8  }
0x11: {  	[smem:$0x3FAC] =	sst s9;
	s0 =	simm.s32 @!p0 $0x0  }
0x12: {  	s1 =	sld [smem:$0x3F92];
	s0 =	simm.s32 @p0 $0x1  }
0x13: {  	[smem:$0x3FAD] =	sst s0;
	s0 =	simm.s32 @!p1 $0x0  }
0x14: {  	s2 =	sld [smem:$0x3F91];
	s0 =	simm.s32 @p1 $0x1  }
0x15: {  	[smem:$0x3FAE] =	sst s0;
	s0 =	simm.s32 @!p2 $0x0  }
0x16: {  	s3 =	sld [smem:$0x3FDB];
	s0 =	simm.s32 @p2 $0x1  }
0x17: {  	s4 =	simm.s32 $0x1BF5;
	[smem:$0x3FB0] =	sst s0  }
0x18: {  	s0 =	sld [smem:$0x3F93];
	_ =	swait.ge [sflag:s4], $0x0  }
0x19: {  	s7 =	sld [smem:$0x3F94]  }
0x1a: {  	s8 =	sadd.s32 $0xFFFFE003, lr  }
0x1b: {  	s9 =	sadd.s32 $0xFFFFFEF7, lr;
	s5 =	simm.s32 $0xFFFFFFFF;
	p2 =	slt.u32 s8, $0xFFFFF086  }
0x1c: {  	p1 =	slt.u32 s9, $0xF7A;
	s5 =	simm.s32 @!p2 $0x0  }
0x1d: {  	s5 =	simm.s32 @p1 $0x1;
	p0 =	seq.s32 s7, s2  }
0x1e: {  	s7 =	smul.u32 @!p0 $0xF7A, s2;
	p2 =	seq.s32 @!p0 s5, $0x0  }
0x1f: {  	s9 =	smul.u32 $0xF7A, s1;
	s8 =	simm.s32 @!p0 $0x1BF5;
	p2 =	por !p2, p0  }
0x20: {  	[sflag:s8] =	ssyncset.s32 @!p0 $0xFFFFF086;
	s6 =	sadd.s32 @!p0 s3, s7;
	s7 =	simm.s32 @!p0 $0x108  }
0x21: {  	s3 =	sadd.s32 s3, s9;
	s6 =	sadd.s32 @!p0 $0x88, s6;
	s7 =	simm.s32 @p2 $0x1082  }
0x22: {  	[simem:s7], [sflag:s8] =	dma.local @!p0 [hbm:s6], $0xF7A  }
0x23: {  	s9 =	sor.u32 $0xD0000000, s2;
	s6 =	simm.s32 $0x108;
	_ =	swait.ge @!p0 [sflag:s8], $0x0  }
0x24: {  	s3 =	sadd.s32 $0x88, s3;
	s6 =	simm.s32 @!p1 $0x1082;
	[sflag:s4] =	ssyncset.s32 $0xFFFFF086  }
0x25: {  	[simem:s6], [sflag:s4] =	dma.local [hbm:s3], $0xF7A  }
0x26: {  	[smem:$0x3F94] =	sst s1;
	(tag) =	ssettag s2;
	_ =	strace s9  }
0x27: {  	s1 =	sld [smem:$0x3FA4]  }
0x28: {  	s2 =	sld [smem:$0x3FA5]  }
0x29: {  	s4 =	sld [smem:$0x3FA7]  }
0x2a: {  	p0 =	seq.s32 s5, $0x0;
	s5 =	sld [smem:$0x3FA8]  }
0x2b: {  	s6 =	sld [smem:$0x3FA9]  }
0x2c: {  	s7 =	sld [smem:$0x3FAA]  }
0x2d: {  	s3 =	simm.s32 $0x108;
	s8 =	sld [smem:$0x3FAB]  }
0x2e: {  	s3 =	simm.s32 @!p0 $0x1082;
	s9 =	sld [smem:$0x3FAC]  }
0x2f: {  	lr =	sadd.s32 s0, s3;
	s0 =	sld [smem:$0x3FA3]  }
0x30: {  	s3 =	sld [smem:$0x3FA6]  }
0x31: {  	[smem:$0x3FAF] =	sst s10  }
0x32: {  	s10 =	sld [smem:$0x3FAD];
	_ =	sdelay $0x3  }
0x33: {  	p0 =	seq.s32 s10, $0x1;
	s10 =	sld [smem:$0x3FAF];
	_ =	sdelay $0x3  }
0x34: {  	[smem:$0x3FAF] =	sst s10  }
0x35: {  	s10 =	sld [smem:$0x3FAE];
	_ =	sdelay $0x3  }
0x36: {  	p1 =	seq.s32 s10, $0x1;
	s10 =	sld [smem:$0x3FAF];
	_ =	sdelay $0x3  }
0x37: {  	[smem:$0x3FAF] =	sst s10  }
0x38: {  	s10 =	sld [smem:$0x3FB0]  }
0x39: {  	_ = 	snop;
	(pc) =	sbr.ind lr, $3  }
0x3a: {  	_ = 	snop  }
0x3b: {  	_ = 	snop  }
0x3c: {  	p2 =	seq.s32 s10, $0x1;
	s10 =	sld [smem:$0x3FAF]  }
0x3d: {  	_ =	shalt  }
0x3e: {  	_ =	shalt  }
0x3f: {  	_ =	shalt  }
0x40: {  	_ =	shalt  }
0x41: {  	_ =	shalt  }
0x42: {  	_ =	shalt  }
0x43: {  	_ =	shalt  }
0x44: {  	_ =	shalt  }
0x45: {  	_ =	shalt  }
0x46: {  	_ =	shalt  }
0x47: {  	_ =	shalt  }
0x48: {  	_ =	shalt  }
0x49: {  	_ =	shalt  }
0x4a: {  	_ =	shalt  }
0x4b: {  	_ =	shalt  }
0x4c: {  	_ =	shalt  }
0x4d: {  	_ =	shalt  }
0x4e: {  	_ =	shalt  }
0x4f: {  	_ =	shalt  }
0x50: {  	_ =	shalt  }
0x51: {  	_ =	shalt  }
0x52: {  	_ =	shalt  }
0x53: {  	_ =	shalt  }
0x54: {  	_ =	shalt  }
0x55: {  	_ =	shalt  }
0x56: {  	_ =	shalt  }
0x57: {  	_ =	shalt  }
0x58: {  	_ =	shalt  }
0x59: {  	_ =	shalt  }
0x5a: {  	_ =	shalt  }
0x5b: {  	_ =	shalt  }
0x5c: {  	_ =	shalt  }
0x5d: {  	_ =	shalt  }
0x5e: {  	_ =	shalt  }
0x5f: {  	_ =	shalt  }
0x60: {  	_ =	shalt  }
0x61: {  	_ =	shalt  }
0x62: {  	_ =	shalt  }
0x63: {  	_ =	shalt  }
0x64: {  	_ =	shalt  }
0x65: {  	_ =	shalt  }
0x66: {  	_ =	shalt  }
0x67: {  	_ =	shalt  }
0x68: {  	_ =	shalt  }
0x69: {  	_ =	shalt  }
0x6a: {  	_ =	shalt  }
0x6b: {  	_ =	shalt  }
0x6c: {  	_ =	shalt  }
0x6d: {  	_ =	shalt  }
0x6e: {  	_ =	shalt  }
0x6f: {  	_ =	shalt  }
0x70: {  	_ =	shalt  }
0x71: {  	_ =	shalt  }
0x72: {  	_ =	shalt  }
0x73: {  	_ =	shalt  }
0x74: {  	_ =	shalt  }
0x75: {  	_ =	shalt  }
0x76: {  	_ =	shalt  }
0x77: {  	_ =	shalt  }
0x78: {  	_ =	shalt  }
0x79: {  	_ =	shalt  }
0x7a: {  	_ =	shalt  }
0x7b: {  	_ =	shalt  }
0x7c: {  	_ =	shalt  }
0x7d: {  	_ =	shalt  }
0x7e: {  	_ =	shalt  }
0x7f: {  	_ =	shalt  }
0x80: {  	_ =	shalt  }
0x81: {  	_ =	shalt  }
0x82: {  	_ =	shalt  }
0x83: {  	_ =	shalt  }
0x84: {  	_ =	shalt  }
0x85: {  	_ =	shalt  }
0x86: {  	_ =	shalt  }
0x87: {  	_ =	shalt  }
.Lfunc_end0:
.L_simem_size_0:
called_computation_lowered:
.L_overlay_start_0:
0x88: {  	s2 =	sld [smem:$0x3FD9]  }
0x89: {  	s3 =	sld [smem:$0x3FFE];
	_ =	sdelay $0x1  }
0x8a: {  	s1 =	srdreg.scid  }
0x8b: {  	s0 =	sand.u32 $0x1, s1  }
0x8c: {  	s17 =	sshll.u32 s0, $0xA;
	s2 =	sadd.s32 s3, s2  }
0x8d: {  	s2 =	sadd.s32 s2, s17  }
0x8e: {  	[smem:$0x3FBB] =	sst s2  }
0x8f: {  	_ = 	snop  }
0x90: {  	s2 =	sld [smem:$0x3FD0];
	(tm) =	ssettm $0x1  }
0x91: {  	s18 =	sld [smem:$0x3FFB];
	_ =	sdelay $0x3  }
0x92: {  	_ =	strace s18  }
0x93: {  	s3 =	sld [smem:$0x3FFC];
	_ =	sdelay $0x3  }
0x94: {  	_ =	strace s3  }
0x95: {  	s3 =	sld [smem:$0x3FFD];
	_ =	sdelay $0x3  }
0x96: {  	_ =	strace s3  }
0x97: {  	_ =	strace $0x8FFFFFFF  }
0x98: {  	s19 =	sld [smem:$0x3FDB];
	_ =	sdelay $0x1  }
0x99: {  	s4 =	simm.s32 $_scs_section_size  }
0x9a: {  	s5 =	simm.s32 $_size__tile_overlayer_lowered;
	s6 =	simm.s32 $_tile_overlayer_lowered  }
0x9b: {  	s22 =	simm.s32 $0x1BFF;
	s21 =	sshll.u32 s6, $0x1;
	s3 =	sadd.s32 s4, s19  }
0x9c: {  	s7 =	simm.s32 $0x0;
	s20 =	sshll.u32 s5, $0x1;
	s5 =	sadd.s32 s21, s3  }
0x9d: {  	[timem:s7], [sflag:s22] =	dma.local [hbm:s5], s20  }
0x9e: {  	_ =	swait.ge [sflag:s22], s20  }
0x9f: {  	s4 =	ssub.s32 $0x0, s20;
	[sflag:s22] =	ssyncset.done $0x0  }
0xa0: {  	[sflag:s22] =	ssyncadd.s32 s4;
	_ =	sdelay $0x1  }
0xa1: {  	s23 =	simm.s32 $0x1B8B  }
0xa2: {  	_ =	swait.ge [sflag:s23], $0x1  }
0xa3: {  	[sflag:s23] =	ssyncset.done $0x0  }
0xa4: {  	s25 =	simm.s32 $0x1B8E;
	s24 =	sld [smem:$0x3FFE];
	[sflag:s23] =	ssyncadd.s32 $0xFFFFFFFF  }
0xa5: {  	s26 =	simm.s32 $execute0_lowered;
	[smem:$0x3FD2] =	sst s25  }
0xa6: {  	s5 =	sshll.u32 s26, $0x1;
	_ =	strace $0x80000046;
	[dreg:$0x1] =	wrdreg $0xFFFFFFFF  }
0xa7: {  	s28 =	simm.s32 $_size_execute0_lowered;
	s3 =	sadd.s32 s3, s5;
	[dreg:$0x0] =	wrdreg $0x0  }
0xa8: {  	s5 =	sshll.u32 s28, $0x1;
	[dreg:$0x2] =	wrdreg s3  }
0xa9: {  	[dreg:$0x3] =	wrdreg s5  }
0xaa: {  	[dreg:$0x4] =	wrdreg $0xC0  }
0xab: {  	_ =	task [dreg:s7], $0x5FFFF  }
0xac: {  	[dreg:$0x1] =	wrdreg $0xFFFFFFFF  }
0xad: {  	[dreg:$0x0] =	wrdreg $0x60  }
0xae: {  	[dreg:$0x2] =	wrdreg s2  }
0xaf: {  	[dreg:$0x3] =	wrdreg s24  }
0xb0: {  	[dreg:$0x4] =	wrdreg $0x68000  }
0xb1: {  	[dreg:$0x5] =	wrdreg $0x9  }
0xb2: {  	_ =	task.clear_ibuf [dreg:s7], $0x6FFFF;
	_ =	strace $0x90000046  }
0xb3: {  	s29 =	simm.s32 $0x9;
	_ =	strace $0x80000048  }
0xb4: {  	_ =	swait.ge [sflag:s29], $0x1  }
0xb5: {  	[sflag:s29] =	ssyncadd.s32 $0xFFFFFFFF  }
0xb6: {  	_ =	strace $0x90000048  }
0xb7: {  	_ =	sfence  }
0xb8: {  	s30 =	sld [smem:$0x0];
	_ =	sdelay $0x2  }
0xb9: {  	s31 =	sshll.u32 s1, $0xD;
	s1 =	sshrl.u32 s1, $0x2  }
0xba: {  	s3 =	sand.u32 $0x4000, s31;
	s1 =	sadd.s32 s1, s30  }
0xbb: {  	s0 =	sor.u32 s3, s0;
	s1 =	sshll.u32 s1, $0x11  }
0xbc: {  	s0 =	sor.u32 s1, s0  }
0xbd: {  	s0 =	sadd.s32 $0x8F2B, s0  }
0xbe: {  	[sflag:s0] =	ssyncadd.remote.s32 $0x1  }
0xbf: {  	_ =	sfence.sel $0xFFFF  }
0xc0: {  	[dreg:$0x0] =	wrdreg $0xFFFFFFFF;
	(pc) =	sbr.abs _section_cstart, $3  }
0xc1: {  	[dreg:$0x1] =	wrdreg $0xFFFFFFFF  }
0xc2: {  	_ =	task.clear_ibuf [dreg:s7], $0x2FFFF;
	_ =	strace $0x9FFFFFFF  }
0xc3: {  	(tm) =	ssettm $0x7FFFFFFF  }
tec
execute0_lowered:
.L_overlay_start_1:
0x0: {  	(tag) =	ssettag $0x1  }
0x1: {  	s7 =	rddreg [dreg:$0x0]  }
0x2: {  	s5 =	rddreg [dreg:$0x1]  }
0x3: {  	s2 =	rddreg [dreg:$0x2];
	s1 =	stileid.u32  }
0x4: {  	s0 =	rddreg [dreg:$0x3];
	s6 =	smul.u32 $0x14000, s1  }
0x5: {  	s3 =	simm.s32 $0x0;
	s4 =	srdreg.scid;
	s11 =	smul.u32 $0x50000, s1  }
0x6: {  	[smem:$0x7FF] =	sst s3;
	s8 =	sand.u32 $0x1, s4;
	s12 =	smul.u32 $0x2800, s1  }
0x7: {  	s4 =	sadd.s32 $0x2D600, s5;
	s31 =	sshll.u32 s1, $0x6;
	s9 =	smul.u32 $0x140000, s8  }
0x8: {  	_ =	strace $0x80000047;
	s25 =	smul.u32 $0x28000, s8;
	s8 =	ssub.s32 $0x2, s8  }
0x9: {  	s10 =	sshrl.u32 s6, $0x3;
	s26 =	sshrl.u32 s8, $0x1;
	s28 =	sshrl.u32 s11, $0x2  }
0xa: {  	s11 =	simm.s32 $0x1;
	s10 =	sadd.s32 s10, s5;
	s6 =	sadd.s32 s6, s9  }
0xb: {  	s29 =	ssub.s32 s8, s26;
	s14 =	sadd.s32 s28, s2;
	s30 =	sadd.s32 s12, s25  }
0xc: {  	s12 =	simm.s32 $0x2800;
	s6 =	sshrl.u32 s6, $0x3;
	s9 =	sshrl.u32 s30, $0x3  }
0xd: {  	s13 =	sadd.s32 s6, s5;
	s5 =	sadd.s32 $0x5600, s10;
	s6 =	sor.u32 $0x1C01, s31  }
0xe: {  	s7 =	sadd.s32 s7, s9;
	s9 =	smax.u32 s29, $0x1;
	s10 =	sshrl.u32 s14, $0x3  }
0xf: {  	s14 =	simm.s32 $0x0;
	s8 =	sadd.s32 $0x2DE00, s13;
	s13 =	simm.s32 $0x80  }
.LBB2_1:
0x10: {  	[spmem:s10], [sflag:s6] =	dma.local [hbm:s5], $0x2800  }
0x11: {  	_ =	swait.ge [sflag:s11], $0x2800  }
0x12: {  	[sflag:s11] =	ssyncset.done $0x0  }
0x13: {  	[sflag:s11] =	ssyncadd.s32 $0xFFFFD800  }
0x14: {  	[tilespmem:s3], [sflag:$0x1] =	stream.linear.gather [hbm4b:s7+s3], $0x2800, $0x38;
	[tilespmem:$0x1A800] =	vst v63  }
0x15: {  	_ =	swait.ge [sflag:s11], $0x2800  }
0x16: {  	[sflag:s11] =	ssyncset.done $0x0  }
0x17: {  	[sflag:s11] =	ssyncadd.s32 $0xFFFFD800  }
0x18: {  	[tilespmem:s12], [sflag:$0x1] =	stream.linear.gather [hbm4b:s4+s3], $0x4000, $0x38;
	[tilespmem:$0x1A800] =	vst v63  }
0x19: {  	_ =	swait.ge [sflag:s11], $0x4000  }
0x1a: {  	[sflag:s11] =	ssyncset.done $0x0  }
0x1b: {  	[sflag:s11] =	ssyncadd.s32 $0xFFFFC000  }
0x1c: {  	s15 =	simm.s32 $0x0;
	[bflag:$0x0] =	sbarrier.arrive $0xFFFF  }
0x1d: {  	[spmem:s2] =	stream.indirect.scatter.add.f32 [tilespmem:s12], [sflag:$0x1], $0x80, s15, s13, $0xb8;
	[tilespmem:$0x1A800] =	vst v63  }
0x1e: {  	_ =	swait.ge [sflag:s11], $0x4000  }
0x1f: {  	s15 =	simm.s32 $0x200;
	[sflag:s11] =	ssyncset.done $0x0  }
.LBB2_2:
0x20: {  	s16 =	sshra.s32 s15, $0x2;
	[sflag:s11] =	ssyncadd.s32 $0xFFFFC000;
	p0 =	sne.s32 s15, $0x9E00  }
0x21: {  	[spmem:s2] =	stream.indirect.scatter.add.f32 [tilespmem:s12], [sflag:$0x1], $0x80, s16, s13, $0xb8;
	[tilespmem:$0x1A800] =	vst v63  }
.Ltmp0:
0x22: {  	_ = 	snop;
	(pc) =	sbr.rel @p0 .LBB2_2-.Ltmp0, $4  }
0x23: {  	_ = 	snop  }
0x24: {  	s15 =	sadd.s32 $0x200, s15  }
0x25: {  	_ =	swait.ge [sflag:s11], $0x4000  }
0x26: {  	[sflag:s11] =	ssyncset.done $0x0  }
0x27: {  	s14 =	sadd.s32 $0x1, s14  }
0x28: {  	[sflag:s11] =	ssyncadd.s32 $0xFFFFC000;
	p0 =	sne.s32 s14, s9  }
.Ltmp1:
0x29: {  	[bflag:$0x0] =	sbarrier.arrive $0xFFFF;
	(pc) =	sbr.rel @p0 .LBB2_1-.Ltmp1, $4  }
0x2a: {  	[hbm:s8], [sflag:s6] =	dma.local [spmem:s10], $0x2800  }
0x2b: {  	_ =	swait.ge [sflag:s11], $0x2800  }
0x2c: {  	[sflag:s11] =	ssyncset.done $0x0  }
0x2d: {  	[sflag:s11] =	ssyncadd.s32 $0xFFFFD800  }
0x2e: {  	_ =	sfence.sel $0x180000  }
0x2f: {  	[bflag:$0x0] =	sbarrier.arrive $0xFFFF  }
0x30: {  	p0 =	sne.s32 s1, $0x0;
	_ =	strace $0x90000047  }
0x31: {  	s0 =	sadd.s32 @!p0 $0x100000, s0;
	[bflag:$0x2] =	sbarrier.arrive $0xFFFF  }
0x32: {  	[sflag:s0] =	ssyncadd.tile.s32 @!p0 $0x1;
	_ =	shalt  }
.Lfunc_end2:
_tile_overlayer_lowered:
.L_overlay_start_2:
0x33: {  	(tag) =	ssettag $0x2  }
0x34: {  	s0 =	rddreg [dreg:$0x0];
	s2 =	stileid.u32  }
0x35: {  	s1 =	rddreg [dreg:$0x1];
	p0 =	sne.s32 s2, $0x0  }
0x36: {  	s3 =	rddreg [dreg:$0x2];
	[bflag:$0x3] =	sbarrier.arrive $0xFFFF;
	s2 =	simm.s32 @!p0 $0x1C01  }
0x37: {  	[timem:s3], [sflag:s2] =	dma.local @!p0 [hbm:s0], s1  }
0x38: {  	s0 =	simm.s32 @!p0 $0x1  }
0x39: {  	_ =	swait.ge @!p0 [sflag:s0], s1  }
0x3a: {  	s1 =	ssub.s32 @!p0 $0x0, s1;
	[sflag:s0] =	ssyncset.done @!p0 $0x0  }
0x3b: {  	[sflag:s0] =	ssyncadd.s32 @!p0 s1  }
0x3c: {  	[bflag:$0x3] =	sbarrier.arrive $0xFFFF  }
0x3d: {  	_ =	shalt  }

// kernel: kernel.18.cloned.1.call-start
scs
__scs_entry_jumppad:
0x0: {  	(pc) =	sbr.rel $0x88, $3  }
0x1: {  	(tag) =	ssettag $0x0;
	lr =	simm.s32 $0x1  }
0x2: {  	[smem:$0x3F94] =	sst lr;
	_ =	strace $0xD0000000  }
0x3: {  	_ = 	snop  }
0x4: {  	_ = 	snop  }
0x5: {  	_ = 	snop  }
0x6: {  	_ = 	snop  }
0x7: {  	_ = 	snop  }
__scs_overlays_trampoline_lowered:
0x8: {  	[smem:$0x3FA3] =	sst s0  }
0x9: {  	[smem:$0x3FA4] =	sst s1  }
0xa: {  	[smem:$0x3FA5] =	sst s2  }
0xb: {  	[smem:$0x3FA6] =	sst s3  }
0xc: {  	[smem:$0x3FA7] =	sst s4  }
0xd: {  	[smem:$0x3FA8] =	sst s5  }
0xe: {  	[smem:$0x3FA9] =	sst s6  }
0xf: {  	[smem:$0x3FAA] =	sst s7  }
0x10: {  	[smem:$0x3FAB] =	sst s8  }
0x11: {  	[smem:$0x3FAC] =	sst s9;
	s0 =	simm.s32 @!p0 $0x0  }
0x12: {  	s1 =	sld [smem:$0x3F92];
	s0 =	simm.s32 @p0 $0x1  }
0x13: {  	[smem:$0x3FAD] =	sst s0;
	s0 =	simm.s32 @!p1 $0x0  }
0x14: {  	s2 =	sld [smem:$0x3F91];
	s0 =	simm.s32 @p1 $0x1  }
0x15: {  	[smem:$0x3FAE] =	sst s0;
	s0 =	simm.s32 @!p2 $0x0  }
0x16: {  	s3 =	sld [smem:$0x3FDB];
	s0 =	simm.s32 @p2 $0x1  }
0x17: {  	s4 =	simm.s32 $0x1BF5;
	[smem:$0x3FB0] =	sst s0  }
0x18: {  	s0 =	sld [smem:$0x3F93];
	_ =	swait.ge [sflag:s4], $0x0  }
0x19: {  	s7 =	sld [smem:$0x3F94]  }
0x1a: {  	s8 =	sadd.s32 $0xFFFFE003, lr  }
0x1b: {  	s9 =	sadd.s32 $0xFFFFFEF7, lr;
	s5 =	simm.s32 $0xFFFFFFFF;
	p2 =	slt.u32 s8, $0xFFFFF086  }
0x1c: {  	p1 =	slt.u32 s9, $0xF7A;
	s5 =	simm.s32 @!p2 $0x0  }
0x1d: {  	s5 =	simm.s32 @p1 $0x1;
	p0 =	seq.s32 s7, s2  }
0x1e: {  	s7 =	smul.u32 @!p0 $0xF7A, s2;
	p2 =	seq.s32 @!p0 s5, $0x0  }
0x1f: {  	s9 =	smul.u32 $0xF7A, s1;
	s8 =	simm.s32 @!p0 $0x1BF5;
	p2 =	por !p2, p0  }
0x20: {  	[sflag:s8] =	ssyncset.s32 @!p0 $0xFFFFF086;
	s6 =	sadd.s32 @!p0 s3, s7;
	s7 =	simm.s32 @!p0 $0x108  }
0x21: {  	s3 =	sadd.s32 s3, s9;
	s6 =	sadd.s32 @!p0 $0x88, s6;
	s7 =	simm.s32 @p2 $0x1082  }
0x22: {  	[simem:s7], [sflag:s8] =	dma.local @!p0 [hbm:s6], $0xF7A  }
0x23: {  	s9 =	sor.u32 $0xD0000000, s2;
	s6 =	simm.s32 $0x108;
	_ =	swait.ge @!p0 [sflag:s8], $0x0  }
0x24: {  	s3 =	sadd.s32 $0x88, s3;
	s6 =	simm.s32 @!p1 $0x1082;
	[sflag:s4] =	ssyncset.s32 $0xFFFFF086  }
0x25: {  	[simem:s6], [sflag:s4] =	dma.local [hbm:s3], $0xF7A  }
0x26: {  	[smem:$0x3F94] =	sst s1;
	(tag) =	ssettag s2;
	_ =	strace s9  }
0x27: {  	s1 =	sld [smem:$0x3FA4]  }
0x28: {  	s2 =	sld [smem:$0x3FA5]  }
0x29: {  	s4 =	sld [smem:$0x3FA7]  }
0x2a: {  	p0 =	seq.s32 s5, $0x0;
	s5 =	sld [smem:$0x3FA8]  }
0x2b: {  	s6 =	sld [smem:$0x3FA9]  }
0x2c: {  	s7 =	sld [smem:$0x3FAA]  }
0x2d: {  	s3 =	simm.s32 $0x108;
	s8 =	sld [smem:$0x3FAB]  }
0x2e: {  	s3 =	simm.s32 @!p0 $0x1082;
	s9 =	sld [smem:$0x3FAC]  }
0x2f: {  	lr =	sadd.s32 s0, s3;
	s0 =	sld [smem:$0x3FA3]  }
0x30: {  	s3 =	sld [smem:$0x3FA6]  }
0x31: {  	[smem:$0x3FAF] =	sst s10  }
0x32: {  	s10 =	sld [smem:$0x3FAD];
	_ =	sdelay $0x3  }
0x33: {  	p0 =	seq.s32 s10, $0x1;
	s10 =	sld [smem:$0x3FAF];
	_ =	sdelay $0x3  }
0x34: {  	[smem:$0x3FAF] =	sst s10  }
0x35: {  	s10 =	sld [smem:$0x3FAE];
	_ =	sdelay $0x3  }
0x36: {  	p1 =	seq.s32 s10, $0x1;
	s10 =	sld [smem:$0x3FAF];
	_ =	sdelay $0x3  }
0x37: {  	[smem:$0x3FAF] =	sst s10  }
0x38: {  	s10 =	sld [smem:$0x3FB0]  }
0x39: {  	_ = 	snop;
	(pc) =	sbr.ind lr, $3  }
0x3a: {  	_ = 	snop  }
0x3b: {  	_ = 	snop  }
0x3c: {  	p2 =	seq.s32 s10, $0x1;
	s10 =	sld [smem:$0x3FAF]  }
0x3d: {  	_ =	shalt  }
0x3e: {  	_ =	shalt  }
0x3f: {  	_ =	shalt  }
0x40: {  	_ =	shalt  }
0x41: {  	_ =	shalt  }
0x42: {  	_ =	shalt  }
0x43: {  	_ =	shalt  }
0x44: {  	_ =	shalt  }
0x45: {  	_ =	shalt  }
0x46: {  	_ =	shalt  }
0x47: {  	_ =	shalt  }
0x48: {  	_ =	shalt  }
0x49: {  	_ =	shalt  }
0x4a: {  	_ =	shalt  }
0x4b: {  	_ =	shalt  }
0x4c: {  	_ =	shalt  }
0x4d: {  	_ =	shalt  }
0x4e: {  	_ =	shalt  }
0x4f: {  	_ =	shalt  }
0x50: {  	_ =	shalt  }
0x51: {  	_ =	shalt  }
0x52: {  	_ =	shalt  }
0x53: {  	_ =	shalt  }
0x54: {  	_ =	shalt  }
0x55: {  	_ =	shalt  }
0x56: {  	_ =	shalt  }
0x57: {  	_ =	shalt  }
0x58: {  	_ =	shalt  }
0x59: {  	_ =	shalt  }
0x5a: {  	_ =	shalt  }
0x5b: {  	_ =	shalt  }
0x5c: {  	_ =	shalt  }
0x5d: {  	_ =	shalt  }
0x5e: {  	_ =	shalt  }
0x5f: {  	_ =	shalt  }
0x60: {  	_ =	shalt  }
0x61: {  	_ =	shalt  }
0x62: {  	_ =	shalt  }
0x63: {  	_ =	shalt  }
0x64: {  	_ =	shalt  }
0x65: {  	_ =	shalt  }
0x66: {  	_ =	shalt  }
0x67: {  	_ =	shalt  }
0x68: {  	_ =	shalt  }
0x69: {  	_ =	shalt  }
0x6a: {  	_ =	shalt  }
0x6b: {  	_ =	shalt  }
0x6c: {  	_ =	shalt  }
0x6d: {  	_ =	shalt  }
0x6e: {  	_ =	shalt  }
0x6f: {  	_ =	shalt  }
0x70: {  	_ =	shalt  }
0x71: {  	_ =	shalt  }
0x72: {  	_ =	shalt  }
0x73: {  	_ =	shalt  }
0x74: {  	_ =	shalt  }
0x75: {  	_ =	shalt  }
0x76: {  	_ =	shalt  }
0x77: {  	_ =	shalt  }
0x78: {  	_ =	shalt  }
0x79: {  	_ =	shalt  }
0x7a: {  	_ =	shalt  }
0x7b: {  	_ =	shalt  }
0x7c: {  	_ =	shalt  }
0x7d: {  	_ =	shalt  }
0x7e: {  	_ =	shalt  }
0x7f: {  	_ =	shalt  }
0x80: {  	_ =	shalt  }
0x81: {  	_ =	shalt  }
0x82: {  	_ =	shalt  }
0x83: {  	_ =	shalt  }
0x84: {  	_ =	shalt  }
0x85: {  	_ =	shalt  }
0x86: {  	_ =	shalt  }
0x87: {  	_ =	shalt  }
.Lfunc_end0:
.L_simem_size_0:
called_computation.1_lowered:
.L_overlay_start_0:
0x88: {  	s2 =	sld [smem:$0x3FD9]  }
0x89: {  	s3 =	sld [smem:$0x3FFE];
	_ =	sdelay $0x1  }
0x8a: {  	s1 =	srdreg.scid  }
0x8b: {  	s0 =	sand.u32 $0x1, s1  }
0x8c: {  	s16 =	sshll.u32 s0, $0xA;
	s2 =	sadd.s32 s3, s2  }
0x8d: {  	s2 =	sadd.s32 s2, s16  }
0x8e: {  	[smem:$0x3FBB] =	sst s2  }
0x8f: {  	_ = 	snop  }
0x90: {  	(tm) =	ssettm $0x1  }
0x91: {  	s17 =	sld [smem:$0x3FFB];
	_ =	sdelay $0x3  }
0x92: {  	_ =	strace s17  }
0x93: {  	s2 =	sld [smem:$0x3FFC];
	_ =	sdelay $0x3  }
0x94: {  	_ =	strace s2  }
0x95: {  	s2 =	sld [smem:$0x3FFD];
	_ =	sdelay $0x3  }
0x96: {  	_ =	strace s2  }
0x97: {  	_ =	strace $0x8FFFFFFF  }
0x98: {  	s18 =	sld [smem:$0x3FDB];
	_ =	sdelay $0x1  }
0x99: {  	s19 =	simm.s32 $_scs_section_size  }
0x9a: {  	s4 =	simm.s32 $_size__tile_overlayer_lowered;
	s5 =	simm.s32 $_tile_overlayer_lowered  }
0x9b: {  	s22 =	simm.s32 $0x1BFF;
	s21 =	sshll.u32 s5, $0x1;
	s2 =	sadd.s32 s19, s18  }
0x9c: {  	s6 =	simm.s32 $0x0;
	s20 =	sshll.u32 s4, $0x1;
	s4 =	sadd.s32 s21, s2  }
0x9d: {  	[timem:s6], [sflag:s22] =	dma.local [hbm:s4], s20  }
0x9e: {  	_ =	swait.ge [sflag:s22], s20  }
0x9f: {  	s3 =	ssub.s32 $0x0, s20;
	[sflag:s22] =	ssyncset.done $0x0  }
0xa0: {  	[sflag:s22] =	ssyncadd.s32 s3;
	_ =	sdelay $0x1  }
0xa1: {  	s23 =	simm.s32 $0x1B8B  }
0xa2: {  	_ =	swait.ge [sflag:s23], $0x1  }
0xa3: {  	[sflag:s23] =	ssyncset.done $0x0  }
0xa4: {  	s25 =	simm.s32 $0x1B8E;
	s24 =	sld [smem:$0x3FFE];
	[sflag:s23] =	ssyncadd.s32 $0xFFFFFFFF  }
0xa5: {  	s26 =	simm.s32 $execute0_lowered;
	[smem:$0x3FD2] =	sst s25  }
0xa6: {  	s4 =	sshll.u32 s26, $0x1;
	_ =	strace $0x80000049;
	[dreg:$0x1] =	wrdreg $0xFFFFFFFF  }
0xa7: {  	s28 =	simm.s32 $_size_execute0_lowered;
	s2 =	sadd.s32 s2, s4;
	[dreg:$0x0] =	wrdreg $0x0  }
0xa8: {  	s4 =	sshll.u32 s28, $0x1;
	[dreg:$0x2] =	wrdreg s2  }
0xa9: {  	[dreg:$0x3] =	wrdreg s4  }
0xaa: {  	[dreg:$0x4] =	wrdreg $0xC0  }
0xab: {  	_ =	task [dreg:s6], $0x5FFFF  }
0xac: {  	[dreg:$0x1] =	wrdreg $0xFFFFFFFF  }
0xad: {  	[dreg:$0x0] =	wrdreg $0x60  }
0xae: {  	[dreg:$0x2] =	wrdreg s24  }
0xaf: {  	[dreg:$0x3] =	wrdreg $0x90000  }
0xb0: {  	[dreg:$0x4] =	wrdreg $0x9  }
0xb1: {  	_ =	task.clear_ibuf [dreg:s6], $0x5FFFF;
	_ =	strace $0x90000049  }
0xb2: {  	s29 =	simm.s32 $0x9;
	_ =	strace $0x8000004B  }
0xb3: {  	_ =	swait.ge [sflag:s29], $0x1  }
0xb4: {  	[sflag:s29] =	ssyncadd.s32 $0xFFFFFFFF  }
0xb5: {  	_ =	strace $0x9000004B  }
0xb6: {  	_ =	sfence  }
0xb7: {  	s30 =	sld [smem:$0x0];
	_ =	sdelay $0x2  }
0xb8: {  	s31 =	sshll.u32 s1, $0xD;
	s1 =	sshrl.u32 s1, $0x2  }
0xb9: {  	s3 =	sand.u32 $0x4000, s31;
	s1 =	sadd.s32 s1, s30  }
0xba: {  	s0 =	sor.u32 s3, s0;
	s1 =	sshll.u32 s1, $0x11  }
0xbb: {  	s0 =	sor.u32 s1, s0  }
0xbc: {  	s0 =	sadd.s32 $0x8F2B, s0  }
0xbd: {  	[sflag:s0] =	ssyncadd.remote.s32 $0x1  }
0xbe: {  	_ =	sfence.sel $0xFFFF  }
0xbf: {  	[dreg:$0x0] =	wrdreg $0xFFFFFFFF;
	(pc) =	sbr.abs _section_cstart, $3  }
0xc0: {  	[dreg:$0x1] =	wrdreg $0xFFFFFFFF  }
0xc1: {  	_ =	task.clear_ibuf [dreg:s6], $0x2FFFF;
	_ =	strace $0x9FFFFFFF  }
0xc2: {  	(tm) =	ssettm $0x7FFFFFFF  }
0xc3: {  	_ =	shalt  }
tec
execute0_lowered:
.L_overlay_start_1:
0x0: {  	(tag) =	ssettag $0x1  }
0x1: {  	s0 =	srdreg.scid  }
0x2: {  	s1 =	rddreg [dreg:$0x0];
	s9 =	stileid.u32  }
0x3: {  	s2 =	rddreg [dreg:$0x1];
	s3 =	simm.s32 $0x0;
	s14 =	simm.s32 $0x100  }
0x4: {  	s15 =	simm.s32 $0x880;
	s16 =	simm.s32 $0x180;
	s17 =	simm.s32 $0x900  }
0x5: {  	s18 =	simm.s32 $0x200;
	s19 =	simm.s32 $0x980;
	[smem:$0x7FF] =	sst s3  }
0x6: {  	s20 =	simm.s32 $0x280;
	_ =	strace $0x8000004A;
	[dreg:$0x5] =	wrdreg s14  }
0x7: {  	s21 =	simm.s32 $0xA00;
	s22 =	simm.s32 $0x300;
	[dreg:$0x6] =	wrdreg s15  }
0x8: {  	s23 =	simm.s32 $0xA80;
	s24 =	simm.s32 $0x380;
	[dreg:$0x7] =	wrdreg s16  }
0x9: {  	s28 =	simm.s32 $0x680;
	s29 =	simm.s32 $0xE00;
	[dreg:$0x8] =	wrdreg s17  }
0xa: {  	s30 =	simm.s32 $0x700;
	s5 =	smul.u32 $0x2800, s9;
	[dreg:$0x9] =	wrdreg s18  }
0xb: {  	s31 =	simm.s32 $0xE80;
	s25 =	smul.u32 $0x14000, s9;
	[dreg:$0xa] =	wrdreg s19  }
0xc: {  	s0 =	sand.u32 $0x1, s0;
	s26 =	smul.u32 $0x50000, s9;
	[dreg:$0xb] =	wrdreg s20  }
0xd: {  	s13 =	sshll.u32 s9, $0x6;
	s4 =	smul.u32 $0x28000, s0;
	[dreg:$0xc] =	wrdreg s21  }
0xe: {  	s9 =	simm.s32 $0x0;
	s7 =	smul.u32 $0x140000, s0;
	[dreg:$0xd] =	wrdreg s22  }
0xf: {  	s0 =	ssub.s32 $0x2, s0;
	s14 =	simm.s32 $0x1;
	[dreg:$0xe] =	wrdreg s23  }
0x10: {  	s15 =	simm.s32 $0x5000;
	s16 =	simm.s32 $0x2;
	[dreg:$0xf] =	wrdreg s24  }
0x11: {  	s17 =	simm.s32 $0x3;
	s18 =	simm.s32 $0xB80;
	s19 =	simm.s32 $0x480  }
0x12: {  	s20 =	simm.s32 $0xC00;
	s21 =	simm.s32 $0x500;
	s22 =	simm.s32 $0xC80  }
0x13: {  	s23 =	simm.s32 $0x580;
	s24 =	simm.s32 $0xD00;
	s8 =	sshrl.u32 s25, $0x3  }
0x14: {  	s10 =	sshrl.u32 s0, $0x1;
	s4 =	sadd.s32 s5, s4;
	s5 =	sadd.s32 s25, s7  }
0x15: {  	s8 =	sadd.s32 s8, s1;
	s7 =	sshrl.u32 s26, $0x2;
	s0 =	ssub.s32 s0, s10  }
0x16: {  	s10 =	simm.s32 $0x4;
	s25 =	simm.s32 $0xB00;
	s26 =	simm.s32 $0x400  }
0x17: {  	s6 =	sshrl.u32 s4, $0x3;
	s4 =	sadd.s32 $0x2D600, s1;
	s5 =	sshrl.u32 s5, $0x3  }
0x18: {  	s11 =	sadd.s32 s7, s2;
	s8 =	sadd.s32 $0x5600, s8;
	[dreg:$0x10] =	wrdreg s25  }
0x19: {  	s7 =	sor.u32 $0x1C04, s13;
	s0 =	smax.u32 s0, $0x1;
	[dreg:$0x11] =	wrdreg s26  }
0x1a: {  	s13 =	simm.s32 $0x1000;
	s25 =	simm.s32 $0x600;
	[dreg:$0x12] =	wrdreg s8  }
0x1b: {  	s26 =	simm.s32 $0xD80;
	s6 =	sadd.s32 s6, s1;
	[dreg:$0x15] =	wrdreg s0  }
0x1c: {  	s1 =	sadd.s32 s5, s1;
	s8 =	sshrl.u32 s11, $0x3;
	[dreg:$0x13] =	wrdreg s7  }
0x1d: {  	s11 =	simm.s32 $0x800;
	s12 =	sadd.s32 $0x87E00, s6;
	[dreg:$0x16] =	wrdreg s8  }
0x1e: {  	s0 =	simm.s32 $0xF00;
	s6 =	sadd.s32 $0x7DE00, s6;
	[dreg:$0x3] =	wrdreg s12  }
0x1f: {  	s5 =	simm.s32 $0xF80;
	s1 =	sadd.s32 $0x91E00, s1;
	[dreg:$0x4] =	wrdreg s6  }
0x20: {  	[dreg:$0x14] =	wrdreg s1;
	s12 =	simm.s32 $0x80;
	s1 =	simm.s32 $0x780  }
.LBB2_1:
0x21: {  	[dreg:$0x17] =	wrdreg s9  }
0x22: {  	s6 =	rddreg [dreg:$0x12]  }
0x23: {  	[spmem:s8], [sflag:s7] =	dma.local [hbm:s6], $0x2800  }
0x24: {  	_ =	swait.ge [sflag:s10], $0x2800  }
0x25: {  	[sflag:s10] =	ssyncset.done $0x0  }
0x26: {  	[sflag:s10] =	ssyncadd.s32 $0xFFFFD800  }
0x27: {  	[bflag:$0x0] =	sbarrier.arrive $0xFFFF  }
0x28: {  	s7 =	rddreg [dreg:$0x4]  }
0x29: {  	s6 =	sadd.s32 $0x0, s7  }
0x2a: {  	[tilespmem:s3], [sflag:$0x4] =	stream.linear.gather [hbm4b:s6+s3], $0x800, $0x38;
	[tilespmem:$0x1D000] =	vst v63  }
0x2b: {  	_ =	swait.ge [sflag:s10], $0x800  }
0x2c: {  	s8 =	rddreg [dreg:$0x3];
	[sflag:s10] =	ssyncset.done $0x0  }
0x2d: {  	[sflag:s10] =	ssyncadd.s32 $0xFFFFF800;
	s6 =	sadd.s32 $0x0, s8  }
0x2e: {  	[tilespmem:s11], [sflag:$0x4] =	stream.linear.gather [hbm4b:s6+s3], $0x800, $0x38;
	[tilespmem:$0x1D000] =	vst v63  }
0x2f: {  	_ =	swait.ge [sflag:s10], $0x800  }
0x30: {  	[sflag:s10] =	ssyncset.done $0x0  }
0x31: {  	[sflag:s10] =	ssyncadd.s32 $0xFFFFF800  }
0x32: {  	[tilespmem:s13], [sflag:$0x1] =	stream.indirect.gather [hbm4b:s4+s12], $0x80, s3, s12, $0xb8;
	[tilespmem:$0x1D000] =	vst v63  }
0x33: {  	_ =	swait.ge [sflag:s14], $0x4000  }
0x34: {  	[sflag:s14] =	ssyncset.done $0x0  }
0x35: {  	[sflag:s14] =	ssyncadd.s32 $0xFFFFC000  }
0x36: {  	[tilespmem:s15], [sflag:$0x1] =	stream.indirect.gather [hbm4b:s4+s12], $0x80, s12, s12, $0xb8;
	[tilespmem:$0x1D000] =	vst v63  }
0x37: {  	_ = 	snop  }
0x38: {  	[spmem:s2] =	stream.indirect.scatter.add.f32 [tilespmem:s13], [sflag:$0x2], $0x80, s11, s12, $0xb8;
	[tilespmem:$0x1D000] =	vst v63  }
0x39: {  	_ =	swait.ge [sflag:s14], $0x4000  }
0x3a: {  	[sflag:s14] =	ssyncset.done $0x0  }
0x3b: {  	[sflag:s14] =	ssyncadd.s32 $0xFFFFC000  }
0x3c: {  	_ =	swait.ge [sflag:s16], $0x4000  }
0x3d: {  	[sflag:s16] =	ssyncset.done $0x0  }
0x3e: {  	s9 =	rddreg [dreg:$0x5];
	[sflag:s16] =	ssyncadd.s32 $0xFFFFC000  }
0x3f: {  	[tilespmem:s13], [sflag:$0x1] =	stream.indirect.gather [hbm4b:s4+s12], $0x80, s9, s12, $0xb8;
	[tilespmem:$0x1D000] =	vst v63  }
0x40: {  	s7 =	rddreg [dreg:$0x6]  }
0x41: {  	[spmem:s2] =	stream.indirect.scatter.add.f32 [tilespmem:s15], [sflag:$0x3], $0x80, s7, s12, $0xb8;
	[tilespmem:$0x1D000] =	vst v63  }
0x42: {  	_ =	swait.ge [sflag:s14], $0x4000  }
0x43: {  	[sflag:s14] =	ssyncset.done $0x0  }
0x44: {  	[sflag:s14] =	ssyncadd.s32 $0xFFFFC000  }
0x45: {  	_ =	swait.ge [sflag:s17], $0x4000  }
0x46: {  	[sflag:s17] =	ssyncset.done $0x0  }
0x47: {  	s9 =	rddreg [dreg:$0x7];
	[sflag:s17] =	ssyncadd.s32 $0xFFFFC000  }
0x48: {  	[tilespmem:s15], [sflag:$0x1] =	stream.indirect.gather [hbm4b:s4+s12], $0x80, s9, s12, $0xb8;
	[tilespmem:$0x1D000] =	vst v63  }
0x49: {  	s7 =	rddreg [dreg:$0x8]  }
0x4a: {  	[spmem:s2] =	stream.indirect.scatter.add.f32 [tilespmem:s13], [sflag:$0x2], $0x80, s7, s12, $0xb8;
	[tilespmem:$0x1D000] =	vst v63  }
0x4b: {  	_ =	swait.ge [sflag:s14], $0x4000  }
0x4c: {  	[sflag:s14] =	ssyncset.done $0x0  }
0x4d: {  	[sflag:s14] =	ssyncadd.s32 $0xFFFFC000  }
0x4e: {  	_ =	swait.ge [sflag:s16], $0x4000  }
0x4f: {  	[sflag:s16] =	ssyncset.done $0x0  }
0x50: {  	s9 =	rddreg [dreg:$0x9];
	[sflag:s16] =	ssyncadd.s32 $0xFFFFC000  }
0x51: {  	[tilespmem:s13], [sflag:$0x1] =	stream.indirect.gather [hbm4b:s4+s12], $0x80, s9, s12, $0xb8;
	[tilespmem:$0x1D000] =	vst v63  }
0x52: {  	s7 =	rddreg [dreg:$0xa]  }
0x53: {  	[spmem:s2] =	stream.indirect.scatter.add.f32 [tilespmem:s15], [sflag:$0x3], $0x80, s7, s12, $0xb8;
	[tilespmem:$0x1D000] =	vst v63  }
0x54: {  	_ =	swait.ge [sflag:s14], $0x4000  }
0x55: {  	[sflag:s14] =	ssyncset.done $0x0  }
0x56: {  	[sflag:s14] =	ssyncadd.s32 $0xFFFFC000  }
0x57: {  	_ =	swait.ge [sflag:s17], $0x4000  }
0x58: {  	[sflag:s17] =	ssyncset.done $0x0  }
0x59: {  	s9 =	rddreg [dreg:$0xb];
	[sflag:s17] =	ssyncadd.s32 $0xFFFFC000  }
0x5a: {  	[tilespmem:s15], [sflag:$0x1] =	stream.indirect.gather [hbm4b:s4+s12], $0x80, s9, s12, $0xb8;
	[tilespmem:$0x1D000] =	vst v63  }
0x5b: {  	s7 =	rddreg [dreg:$0xc]  }
0x5c: {  	[spmem:s2] =	stream.indirect.scatter.add.f32 [tilespmem:s13], [sflag:$0x2], $0x80, s7, s12, $0xb8;
	[tilespmem:$0x1D000] =	vst v63  }
0x5d: {  	_ =	swait.ge [sflag:s14], $0x4000  }
0x5e: {  	[sflag:s14] =	ssyncset.done $0x0  }
0x5f: {  	[sflag:s14] =	ssyncadd.s32 $0xFFFFC000  }
0x60: {  	_ =	swait.ge [sflag:s16], $0x4000  }
0x61: {  	[sflag:s16] =	ssyncset.done $0x0  }
0x62: {  	s9 =	rddreg [dreg:$0xd];
	[sflag:s16] =	ssyncadd.s32 $0xFFFFC000  }
0x63: {  	[tilespmem:s13], [sflag:$0x1] =	stream.indirect.gather [hbm4b:s4+s12], $0x80, s9, s12, $0xb8;
	[tilespmem:$0x1D000] =	vst v63  }
0x64: {  	s7 =	rddreg [dreg:$0xe]  }
0x65: {  	[spmem:s2] =	stream.indirect.scatter.add.f32 [tilespmem:s15], [sflag:$0x3], $0x80, s7, s12, $0xb8;
	[tilespmem:$0x1D000] =	vst v63  }
0x66: {  	_ =	swait.ge [sflag:s14], $0x4000  }
0x67: {  	[sflag:s14] =	ssyncset.done $0x0  }
0x68: {  	[sflag:s14] =	ssyncadd.s32 $0xFFFFC000  }
0x69: {  	_ =	swait.ge [sflag:s17], $0x4000  }
0x6a: {  	[sflag:s17] =	ssyncset.done $0x0  }
0x6b: {  	s9 =	rddreg [dreg:$0xf];
	[sflag:s17] =	ssyncadd.s32 $0xFFFFC000  }
0x6c: {  	[tilespmem:s15], [sflag:$0x1] =	stream.indirect.gather [hbm4b:s4+s12], $0x80, s9, s12, $0xb8;
	[tilespmem:$0x1D000] =	vst v63  }
0x6d: {  	s7 =	rddreg [dreg:$0x10]  }
0x6e: {  	[spmem:s2] =	stream.indirect.scatter.add.f32 [tilespmem:s13], [sflag:$0x2], $0x80, s7, s12, $0xb8;
	[tilespmem:$0x1D000] =	vst v63  }
0x6f: {  	_ =	swait.ge [sflag:s14], $0x4000  }
0x70: {  	[sflag:s14] =	ssyncset.done $0x0  }
0x71: {  	[sflag:s14] =	ssyncadd.s32 $0xFFFFC000  }
0x72: {  	_ =	swait.ge [sflag:s16], $0x4000  }
0x73: {  	[sflag:s16] =	ssyncset.done $0x0  }
0x74: {  	s9 =	rddreg [dreg:$0x11];
	[sflag:s16] =	ssyncadd.s32 $0xFFFFC000  }
0x75: {  	[tilespmem:s13], [sflag:$0x1] =	stream.indirect.gather [hbm4b:s4+s12], $0x80, s9, s12, $0xb8;
	[tilespmem:$0x1D000] =	vst v63  }
0x76: {  	_ = 	snop  }
0x77: {  	[spmem:s2] =	stream.indirect.scatter.add.f32 [tilespmem:s15], [sflag:$0x3], $0x80, s18, s12, $0xb8;
	[tilespmem:$0x1D000] =	vst v63  }
0x78: {  	_ =	swait.ge [sflag:s14], $0x4000  }
0x79: {  	[sflag:s14] =	ssyncset.done $0x0  }
0x7a: {  	[sflag:s14] =	ssyncadd.s32 $0xFFFFC000  }
0x7b: {  	_ =	swait.ge [sflag:s17], $0x4000  }
0x7c: {  	[sflag:s17] =	ssyncset.done $0x0  }
0x7d: {  	[sflag:s17] =	ssyncadd.s32 $0xFFFFC000  }
0x7e: {  	[tilespmem:s15], [sflag:$0x1] =	stream.indirect.gather [hbm4b:s4+s12], $0x80, s19, s12, $0xb8;
	[tilespmem:$0x1D000] =	vst v63  }
0x7f: {  	_ = 	snop  }
0x80: {  	[spmem:s2] =	stream.indirect.scatter.add.f32 [tilespmem:s13], [sflag:$0x2], $0x80, s20, s12, $0xb8;
	[tilespmem:$0x1D000] =	vst v63  }
0x81: {  	_ =	swait.ge [sflag:s14], $0x4000  }
0x82: {  	[sflag:s14] =	ssyncset.done $0x0  }
0x83: {  	[sflag:s14] =	ssyncadd.s32 $0xFFFFC000  }
0x84: {  	_ =	swait.ge [sflag:s16], $0x4000  }
0x85: {  	[sflag:s16] =	ssyncset.done $0x0  }
0x86: {  	[sflag:s16] =	ssyncadd.s32 $0xFFFFC000  }
0x87: {  	[tilespmem:s13], [sflag:$0x1] =	stream.indirect.gather [hbm4b:s4+s12], $0x80, s21, s12, $0xb8;
	[tilespmem:$0x1D000] =	vst v63  }
0x88: {  	_ = 	snop  }
0x89: {  	[spmem:s2] =	stream.indirect.scatter.add.f32 [tilespmem:s15], [sflag:$0x3], $0x80, s22, s12, $0xb8;
	[tilespmem:$0x1D000] =	vst v63  }
0x8a: {  	_ =	swait.ge [sflag:s14], $0x4000  }
0x8b: {  	[sflag:s14] =	ssyncset.done $0x0  }
0x8c: {  	[sflag:s14] =	ssyncadd.s32 $0xFFFFC000  }
0x8d: {  	_ =	swait.ge [sflag:s17], $0x4000  }
0x8e: {  	[sflag:s17] =	ssyncset.done $0x0  }
0x8f: {  	[sflag:s17] =	ssyncadd.s32 $0xFFFFC000  }
0x90: {  	[tilespmem:s15], [sflag:$0x1] =	stream.indirect.gather [hbm4b:s4+s12], $0x80, s23, s12, $0xb8;
	[tilespmem:$0x1D000] =	vst v63  }
0x91: {  	_ = 	snop  }
0x92: {  	[spmem:s2] =	stream.indirect.scatter.add.f32 [tilespmem:s13], [sflag:$0x2], $0x80, s24, s12, $0xb8;
	[tilespmem:$0x1D000] =	vst v63  }
0x93: {  	_ =	swait.ge [sflag:s14], $0x4000  }
0x94: {  	[sflag:s14] =	ssyncset.done $0x0  }
0x95: {  	[sflag:s14] =	ssyncadd.s32 $0xFFFFC000  }
0x96: {  	_ =	swait.ge [sflag:s16], $0x4000  }
0x97: {  	[sflag:s16] =	ssyncset.done $0x0  }
0x98: {  	[sflag:s16] =	ssyncadd.s32 $0xFFFFC000  }
0x99: {  	[tilespmem:s13], [sflag:$0x1] =	stream.indirect.gather [hbm4b:s4+s12], $0x80, s25, s12, $0xb8;
	[tilespmem:$0x1D000] =	vst v63  }
0x9a: {  	_ = 	snop  }
0x9b: {  	[spmem:s2] =	stream.indirect.scatter.add.f32 [tilespmem:s15], [sflag:$0x3], $0x80, s26, s12, $0xb8;
	[tilespmem:$0x1D000] =	vst v63  }
0x9c: {  	_ =	swait.ge [sflag:s14], $0x4000  }
0x9d: {  	[sflag:s14] =	ssyncset.done $0x0  }
0x9e: {  	[sflag:s14] =	ssyncadd.s32 $0xFFFFC000  }
0x9f: {  	_ =	swait.ge [sflag:s17], $0x4000  }
0xa0: {  	[sflag:s17] =	ssyncset.done $0x0  }
0xa1: {  	[sflag:s17] =	ssyncadd.s32 $0xFFFFC000  }
0xa2: {  	[tilespmem:s15], [sflag:$0x1] =	stream.indirect.gather [hbm4b:s4+s12], $0x80, s28, s12, $0xb8;
	[tilespmem:$0x1D000] =	vst v63  }
0xa3: {  	_ = 	snop  }
0xa4: {  	[spmem:s2] =	stream.indirect.scatter.add.f32 [tilespmem:s13], [sflag:$0x2], $0x80, s29, s12, $0xb8;
	[tilespmem:$0x1D000] =	vst v63  }
0xa5: {  	_ =	swait.ge [sflag:s14], $0x4000  }
0xa6: {  	[sflag:s14] =	ssyncset.done $0x0  }
0xa7: {  	[sflag:s14] =	ssyncadd.s32 $0xFFFFC000  }
0xa8: {  	_ =	swait.ge [sflag:s16], $0x4000  }
0xa9: {  	[sflag:s16] =	ssyncset.done $0x0  }
0xaa: {  	[sflag:s16] =	ssyncadd.s32 $0xFFFFC000  }
0xab: {  	[tilespmem:s13], [sflag:$0x1] =	stream.indirect.gather [hbm4b:s4+s12], $0x80, s30, s12, $0xb8;
	[tilespmem:$0x1D000] =	vst v63  }
0xac: {  	_ = 	snop  }
0xad: {  	[spmem:s2] =	stream.indirect.scatter.add.f32 [tilespmem:s15], [sflag:$0x3], $0x80, s31, s12, $0xb8;
	[tilespmem:$0x1D000] =	vst v63  }
0xae: {  	_ =	swait.ge [sflag:s14], $0x4000  }
0xaf: {  	[sflag:s14] =	ssyncset.done $0x0  }
0xb0: {  	[sflag:s14] =	ssyncadd.s32 $0xFFFFC000  }
0xb1: {  	_ =	swait.ge [sflag:s17], $0x4000  }
0xb2: {  	[sflag:s17] =	ssyncset.done $0x0  }
0xb3: {  	[sflag:s17] =	ssyncadd.s32 $0xFFFFC000  }
0xb4: {  	[tilespmem:s15], [sflag:$0x1] =	stream.indirect.gather [hbm4b:s4+s12], $0x80, s1, s12, $0xb8;
	[tilespmem:$0x1D000] =	vst v63  }
0xb5: {  	_ = 	snop  }
0xb6: {  	[spmem:s2] =	stream.indirect.scatter.add.f32 [tilespmem:s13], [sflag:$0x2], $0x80, s0, s12, $0xb8;
	[tilespmem:$0x1D000] =	vst v63  }
0xb7: {  	_ =	swait.ge [sflag:s14], $0x4000  }
0xb8: {  	[sflag:s14] =	ssyncset.done $0x0  }
0xb9: {  	[sflag:s14] =	ssyncadd.s32 $0xFFFFC000  }
0xba: {  	_ =	swait.ge [sflag:s16], $0x4000  }
0xbb: {  	[sflag:s16] =	ssyncset.done $0x0  }
0xbc: {  	[sflag:s16] =	ssyncadd.s32 $0xFFFFC000  }
0xbd: {  	[spmem:s2] =	stream.indirect.scatter.add.f32 [tilespmem:s15], [sflag:$0x3], $0x80, s5, s12, $0xb8;
	[tilespmem:$0x1D000] =	vst v63  }
0xbe: {  	s8 =	simm.s32 $0x100;
	_ =	swait.ge [sflag:s17], $0x4000  }
0xbf: {  	s6 =	simm.s32 $0x200;
	s9 =	rddreg [dreg:$0x4];
	[sflag:s17] =	ssyncset.done $0x0  }
.LBB2_2:
0xc0: {  	[sflag:s17] =	ssyncadd.s32 $0xFFFFC000;
	s9 =	sadd.s32 s8, s9  }
0xc1: {  	[tilespmem:s3], [sflag:$0x4] =	stream.linear.gather [hbm4b:s9+s3], $0x800, $0x38;
	[tilespmem:$0x1D000] =	vst v63  }
0xc2: {  	_ =	swait.ge [sflag:s10], $0x800  }
0xc3: {  	s9 =	rddreg [dreg:$0x3];
	[sflag:s10] =	ssyncset.done $0x0  }
0xc4: {  	[sflag:s10] =	ssyncadd.s32 $0xFFFFF800;
	s9 =	sadd.s32 s8, s9  }
0xc5: {  	[tilespmem:s11], [sflag:$0x4] =	stream.linear.gather [hbm4b:s9+s3], $0x800, $0x38;
	[tilespmem:$0x1D000] =	vst v63  }
0xc6: {  	_ =	swait.ge [sflag:s10], $0x800  }
0xc7: {  	[sflag:s10] =	ssyncset.done $0x0  }
0xc8: {  	[sflag:s10] =	ssyncadd.s32 $0xFFFFF800  }
0xc9: {  	[tilespmem:s13], [sflag:$0x1] =	stream.indirect.gather [hbm4b:s4+s12], $0x80, s3, s12, $0xb8;
	[tilespmem:$0x1D000] =	vst v63  }
0xca: {  	_ =	swait.ge [sflag:s14], $0x4000  }
0xcb: {  	[sflag:s14] =	ssyncset.done $0x0  }
0xcc: {  	[sflag:s14] =	ssyncadd.s32 $0xFFFFC000  }
0xcd: {  	[tilespmem:s15], [sflag:$0x1] =	stream.indirect.gather [hbm4b:s4+s12], $0x80, s12, s12, $0xb8;
	[tilespmem:$0x1D000] =	vst v63  }
0xce: {  	_ = 	snop  }
0xcf: {  	[spmem:s2] =	stream.indirect.scatter.add.f32 [tilespmem:s13], [sflag:$0x2], $0x80, s11, s12, $0xb8;
	[tilespmem:$0x1D000] =	vst v63  }
0xd0: {  	_ =	swait.ge [sflag:s14], $0x4000  }
0xd1: {  	[sflag:s14] =	ssyncset.done $0x0  }
0xd2: {  	[sflag:s14] =	ssyncadd.s32 $0xFFFFC000  }
0xd3: {  	_ =	swait.ge [sflag:s16], $0x4000  }
0xd4: {  	s7 =	smov.u32 s6;
	[sflag:s16] =	ssyncset.done $0x0  }
0xd5: {  	s8 =	smov.u32 s7;
	s7 =	rddreg [dreg:$0x5];
	[sflag:s16] =	ssyncadd.s32 $0xFFFFC000  }
0xd6: {  	[tilespmem:s13], [sflag:$0x1] =	stream.indirect.gather [hbm4b:s4+s12], $0x80, s7, s12, $0xb8;
	[tilespmem:$0x1D000] =	vst v63  }
0xd7: {  	s9 =	rddreg [dreg:$0x6]  }
0xd8: {  	[spmem:s2] =	stream.indirect.scatter.add.f32 [tilespmem:s15], [sflag:$0x3], $0x80, s9, s12, $0xb8;
	[tilespmem:$0x1D000] =	vst v63  }
0xd9: {  	_ =	swait.ge [sflag:s14], $0x4000  }
0xda: {  	[sflag:s14] =	ssyncset.done $0x0  }
0xdb: {  	[sflag:s14] =	ssyncadd.s32 $0xFFFFC000  }
0xdc: {  	_ =	swait.ge [sflag:s17], $0x4000  }
0xdd: {  	[sflag:s17] =	ssyncset.done $0x0  }
0xde: {  	s7 =	rddreg [dreg:$0x7];
	[sflag:s17] =	ssyncadd.s32 $0xFFFFC000  }
0xdf: {  	[tilespmem:s15], [sflag:$0x1] =	stream.indirect.gather [hbm4b:s4+s12], $0x80, s7, s12, $0xb8;
	[tilespmem:$0x1D000] =	vst v63  }
0xe0: {  	s9 =	rddreg [dreg:$0x8]  }
0xe1: {  	[spmem:s2] =	stream.indirect.scatter.add.f32 [tilespmem:s13], [sflag:$0x2], $0x80, s9, s12, $0xb8;
	[tilespmem:$0x1D000] =	vst v63  }
0xe2: {  	_ =	swait.ge [sflag:s14], $0x4000  }
0xe3: {  	[sflag:s14] =	ssyncset.done $0x0  }
0xe4: {  	[sflag:s14] =	ssyncadd.s32 $0xFFFFC000  }
0xe5: {  	_ =	swait.ge [sflag:s16], $0x4000  }
0xe6: {  	[sflag:s16] =	ssyncset.done $0x0  }
0xe7: {  	s7 =	rddreg [dreg:$0x9];
	[sflag:s16] =	ssyncadd.s32 $0xFFFFC000  }
0xe8: {  	[tilespmem:s13], [sflag:$0x1] =	stream.indirect.gather [hbm4b:s4+s12], $0x80, s7, s12, $0xb8;
	[tilespmem:$0x1D000] =	vst v63  }
0xe9: {  	s9 =	rddreg [dreg:$0xa]  }
0xea: {  	[spmem:s2] =	stream.indirect.scatter.add.f32 [tilespmem:s15], [sflag:$0x3], $0x80, s9, s12, $0xb8;
	[tilespmem:$0x1D000] =	vst v63  }
0xeb: {  	_ =	swait.ge [sflag:s14], $0x4000  }
0xec: {  	[sflag:s14] =	ssyncset.done $0x0  }
0xed: {  	[sflag:s14] =	ssyncadd.s32 $0xFFFFC000  }
0xee: {  	_ =	swait.ge [sflag:s17], $0x4000  }
0xef: {  	[sflag:s17] =	ssyncset.done $0x0  }
0xf0: {  	s7 =	rddreg [dreg:$0xb];
	[sflag:s17] =	ssyncadd.s32 $0xFFFFC000  }
0xf1: {  	[tilespmem:s15], [sflag:$0x1] =	stream.indirect.gather [hbm4b:s4+s12], $0x80, s7, s12, $0xb8;
	[tilespmem:$0x1D000] =	vst v63  }
0xf2: {  	s9 =	rddreg [dreg:$0xc]  }
0xf3: {  	[spmem:s2] =	stream.indirect.scatter.add.f32 [tilespmem:s13], [sflag:$0x2], $0x80, s9, s12, $0xb8;
	[tilespmem:$0x1D000] =	vst v63  }
0xf4: {  	_ =	swait.ge [sflag:s14], $0x4000  }
0xf5: {  	[sflag:s14] =	ssyncset.done $0x0  }
0xf6: {  	[sflag:s14] =	ssyncadd.s32 $0xFFFFC000  }
0xf7: {  	_ =	swait.ge [sflag:s16], $0x4000  }
0xf8: {  	[sflag:s16] =	ssyncset.done $0x0  }
0xf9: {  	s7 =	rddreg [dreg:$0xd];
	[sflag:s16] =	ssyncadd.s32 $0xFFFFC000  }
0xfa: {  	[tilespmem:s13], [sflag:$0x1] =	stream.indirect.gather [hbm4b:s4+s12], $0x80, s7, s12, $0xb8;
	[tilespmem:$0x1D000] =	vst v63  }
0xfb: {  	s9 =	rddreg [dreg:$0xe]  }
0xfc: {  	[spmem:s2] =	stream.indirect.scatter.add.f32 [tilespmem:s15], [sflag:$0x3], $0x80, s9, s12, $0xb8;
	[tilespmem:$0x1D000] =	vst v63  }
0xfd: {  	_ =	swait.ge [sflag:s14], $0x4000  }
0xfe: {  	[sflag:s14] =	ssyncset.done $0x0  }
0xff: {  	[sflag:s14] =	ssyncadd.s32 $0xFFFFC000  }
0x100: {  	_ =	swait.ge [sflag:s17], $0x4000  }
0x101: {  	[sflag:s17] =	ssyncset.done $0x0  }
0x102: {  	s7 =	rddreg [dreg:$0xf];
	[sflag:s17] =	ssyncadd.s32 $0xFFFFC000  }
0x103: {  	[tilespmem:s15], [sflag:$0x1] =	stream.indirect.gather [hbm4b:s4+s12], $0x80, s7, s12, $0xb8;
	[tilespmem:$0x1D000] =	vst v63  }
0x104: {  	s9 =	rddreg [dreg:$0x10]  }
0x105: {  	[spmem:s2] =	stream.indirect.scatter.add.f32 [tilespmem:s13], [sflag:$0x2], $0x80, s9, s12, $0xb8;
	[tilespmem:$0x1D000] =	vst v63  }
0x106: {  	_ =	swait.ge [sflag:s14], $0x4000  }
0x107: {  	[sflag:s14] =	ssyncset.done $0x0  }
0x108: {  	[sflag:s14] =	ssyncadd.s32 $0xFFFFC000  }
0x109: {  	_ =	swait.ge [sflag:s16], $0x4000  }
0x10a: {  	[sflag:s16] =	ssyncset.done $0x0  }
0x10b: {  	s9 =	rddreg [dreg:$0x11];
	[sflag:s16] =	ssyncadd.s32 $0xFFFFC000  }
0x10c: {  	[tilespmem:s13], [sflag:$0x1] =	stream.indirect.gather [hbm4b:s4+s12], $0x80, s9, s12, $0xb8;
	[tilespmem:$0x1D000] =	vst v63  }
0x10d: {  	_ = 	snop  }
0x10e: {  	[spmem:s2] =	stream.indirect.scatter.add.f32 [tilespmem:s15], [sflag:$0x3], $0x80, s18, s12, $0xb8;
	[tilespmem:$0x1D000] =	vst v63  }
0x10f: {  	_ =	swait.ge [sflag:s14], $0x4000  }
0x110: {  	[sflag:s14] =	ssyncset.done $0x0  }
0x111: {  	[sflag:s14] =	ssyncadd.s32 $0xFFFFC000  }
0x112: {  	_ =	swait.ge [sflag:s17], $0x4000  }
0x113: {  	[sflag:s17] =	ssyncset.done $0x0  }
0x114: {  	[sflag:s17] =	ssyncadd.s32 $0xFFFFC000  }
0x115: {  	[tilespmem:s15], [sflag:$0x1] =	stream.indirect.gather [hbm4b:s4+s12], $0x80, s19, s12, $0xb8;
	[tilespmem:$0x1D000] =	vst v63  }
0x116: {  	_ = 	snop  }
0x117: {  	[spmem:s2] =	stream.indirect.scatter.add.f32 [tilespmem:s13], [sflag:$0x2], $0x80, s20, s12, $0xb8;
	[tilespmem:$0x1D000] =	vst v63  }
0x118: {  	_ =	swait.ge [sflag:s14], $0x4000  }
0x119: {  	[sflag:s14] =	ssyncset.done $0x0  }
0x11a: {  	[sflag:s14] =	ssyncadd.s32 $0xFFFFC000  }
0x11b: {  	_ =	swait.ge [sflag:s16], $0x4000  }
0x11c: {  	[sflag:s16] =	ssyncset.done $0x0  }
0x11d: {  	[sflag:s16] =	ssyncadd.s32 $0xFFFFC000  }
0x11e: {  	[tilespmem:s13], [sflag:$0x1] =	stream.indirect.gather [hbm4b:s4+s12], $0x80, s21, s12, $0xb8;
	[tilespmem:$0x1D000] =	vst v63  }
0x11f: {  	_ = 	snop  }
0x120: {  	[spmem:s2] =	stream.indirect.scatter.add.f32 [tilespmem:s15], [sflag:$0x3], $0x80, s22, s12, $0xb8;
	[tilespmem:$0x1D000] =	vst v63  }
0x121: {  	_ =	swait.ge [sflag:s14], $0x4000  }
0x122: {  	[sflag:s14] =	ssyncset.done $0x0  }
0x123: {  	[sflag:s14] =	ssyncadd.s32 $0xFFFFC000  }
0x124: {  	_ =	swait.ge [sflag:s17], $0x4000  }
0x125: {  	[sflag:s17] =	ssyncset.done $0x0  }
0x126: {  	[sflag:s17] =	ssyncadd.s32 $0xFFFFC000  }
0x127: {  	[tilespmem:s15], [sflag:$0x1] =	stream.indirect.gather [hbm4b:s4+s12], $0x80, s23, s12, $0xb8;
	[tilespmem:$0x1D000] =	vst v63  }
0x128: {  	_ = 	snop  }
0x129: {  	[spmem:s2] =	stream.indirect.scatter.add.f32 [tilespmem:s13], [sflag:$0x2], $0x80, s24, s12, $0xb8;
	[tilespmem:$0x1D000] =	vst v63  }
0x12a: {  	_ =	swait.ge [sflag:s14], $0x4000  }
0x12b: {  	[sflag:s14] =	ssyncset.done $0x0  }
0x12c: {  	[sflag:s14] =	ssyncadd.s32 $0xFFFFC000  }
0x12d: {  	_ =	swait.ge [sflag:s16], $0x4000  }
0x12e: {  	[sflag:s16] =	ssyncset.done $0x0  }
0x12f: {  	[sflag:s16] =	ssyncadd.s32 $0xFFFFC000  }
0x130: {  	[tilespmem:s13], [sflag:$0x1] =	stream.indirect.gather [hbm4b:s4+s12], $0x80, s25, s12, $0xb8;
	[tilespmem:$0x1D000] =	vst v63  }
0x131: {  	_ = 	snop  }
0x132: {  	[spmem:s2] =	stream.indirect.scatter.add.f32 [tilespmem:s15], [sflag:$0x3], $0x80, s26, s12, $0xb8;
	[tilespmem:$0x1D000] =	vst v63  }
0x133: {  	_ =	swait.ge [sflag:s14], $0x4000  }
0x134: {  	[sflag:s14] =	ssyncset.done $0x0  }
0x135: {  	[sflag:s14] =	ssyncadd.s32 $0xFFFFC000  }
0x136: {  	_ =	swait.ge [sflag:s17], $0x4000  }
0x137: {  	[sflag:s17] =	ssyncset.done $0x0  }
0x138: {  	[sflag:s17] =	ssyncadd.s32 $0xFFFFC000  }
0x139: {  	[tilespmem:s15], [sflag:$0x1] =	stream.indirect.gather [hbm4b:s4+s12], $0x80, s28, s12, $0xb8;
	[tilespmem:$0x1D000] =	vst v63  }
0x13a: {  	_ = 	snop  }
0x13b: {  	[spmem:s2] =	stream.indirect.scatter.add.f32 [tilespmem:s13], [sflag:$0x2], $0x80, s29, s12, $0xb8;
	[tilespmem:$0x1D000] =	vst v63  }
0x13c: {  	_ =	swait.ge [sflag:s14], $0x4000  }
0x13d: {  	[sflag:s14] =	ssyncset.done $0x0  }
0x13e: {  	[sflag:s14] =	ssyncadd.s32 $0xFFFFC000  }
0x13f: {  	_ =	swait.ge [sflag:s16], $0x4000  }
0x140: {  	[sflag:s16] =	ssyncset.done $0x0  }
0x141: {  	[sflag:s16] =	ssyncadd.s32 $0xFFFFC000  }
0x142: {  	[tilespmem:s13], [sflag:$0x1] =	stream.indirect.gather [hbm4b:s4+s12], $0x80, s30, s12, $0xb8;
	[tilespmem:$0x1D000] =	vst v63  }
0x143: {  	_ = 	snop  }
0x144: {  	[spmem:s2] =	stream.indirect.scatter.add.f32 [tilespmem:s15], [sflag:$0x3], $0x80, s31, s12, $0xb8;
	[tilespmem:$0x1D000] =	vst v63  }
0x145: {  	_ =	swait.ge [sflag:s14], $0x4000  }
0x146: {  	[sflag:s14] =	ssyncset.done $0x0  }
0x147: {  	[sflag:s14] =	ssyncadd.s32 $0xFFFFC000  }
0x148: {  	_ =	swait.ge [sflag:s17], $0x4000  }
0x149: {  	[sflag:s17] =	ssyncset.done $0x0  }
0x14a: {  	[sflag:s17] =	ssyncadd.s32 $0xFFFFC000  }
0x14b: {  	[tilespmem:s15], [sflag:$0x1] =	stream.indirect.gather [hbm4b:s4+s12], $0x80, s1, s12, $0xb8;
	[tilespmem:$0x1D000] =	vst v63  }
0x14c: {  	_ = 	snop  }
0x14d: {  	[spmem:s2] =	stream.indirect.scatter.add.f32 [tilespmem:s13], [sflag:$0x2], $0x80, s0, s12, $0xb8;
	[tilespmem:$0x1D000] =	vst v63  }
0x14e: {  	_ =	swait.ge [sflag:s14], $0x4000  }
0x14f: {  	[sflag:s14] =	ssyncset.done $0x0  }
0x150: {  	[sflag:s14] =	ssyncadd.s32 $0xFFFFC000  }
0x151: {  	p0 =	sne.s32 s6, $0x400;
	_ =	swait.ge [sflag:s16], $0x4000  }
.Ltmp0:
0x152: {  	[sflag:s16] =	ssyncset.done $0x0;
	(pc) =	sbr.rel @p0 .LBB2_2-.Ltmp0, $4  }
0x153: {  	[sflag:s16] =	ssyncadd.s32 $0xFFFFC000  }
0x154: {  	[spmem:s2] =	stream.indirect.scatter.add.f32 [tilespmem:s15], [sflag:$0x3], $0x80, s5, s12, $0xb8;
	[tilespmem:$0x1D000] =	vst v63  }
0x155: {  	_ =	swait.ge [sflag:s17], $0x4000  }
0x156: {  	s6 =	sadd.s32 $0x100, s6;
	s9 =	rddreg [dreg:$0x4];
	[sflag:s17] =	ssyncset.done $0x0  }
0x157: {  	[sflag:s17] =	ssyncadd.s32 $0xFFFFC000;
	s6 =	sadd.s32 s8, s9  }
0x158: {  	[tilespmem:s3], [sflag:$0x4] =	stream.linear.gather [hbm4b:s6+s3], $0x800, $0x38;
	[tilespmem:$0x1D000] =	vst v63  }
0x159: {  	_ =	swait.ge [sflag:s10], $0x800  }
0x15a: {  	s7 =	rddreg [dreg:$0x3];
	[sflag:s10] =	ssyncset.done $0x0  }
0x15b: {  	[sflag:s10] =	ssyncadd.s32 $0xFFFFF800;
	s6 =	sadd.s32 s8, s7  }
0x15c: {  	[tilespmem:s11], [sflag:$0x4] =	stream.linear.gather [hbm4b:s6+s3], $0x800, $0x38;
	[tilespmem:$0x1D000] =	vst v63  }
0x15d: {  	_ =	swait.ge [sflag:s10], $0x800  }
0x15e: {  	[sflag:s10] =	ssyncset.done $0x0  }
0x15f: {  	[sflag:s10] =	ssyncadd.s32 $0xFFFFF800  }
0x160: {  	[tilespmem:s13], [sflag:$0x1] =	stream.indirect.gather [hbm4b:s4+s12], $0x80, s3, s12, $0xb8;
	[tilespmem:$0x1D000] =	vst v63  }
0x161: {  	_ =	swait.ge [sflag:s14], $0x4000  }
0x162: {  	[sflag:s14] =	ssyncset.done $0x0  }
0x163: {  	[sflag:s14] =	ssyncadd.s32 $0xFFFFC000  }
0x164: {  	[tilespmem:s15], [sflag:$0x1] =	stream.indirect.gather [hbm4b:s4+s12], $0x80, s12, s12, $0xb8;
	[tilespmem:$0x1D000] =	vst v63  }
0x165: {  	_ = 	snop  }
0x166: {  	[spmem:s2] =	stream.indirect.scatter.add.f32 [tilespmem:s13], [sflag:$0x2], $0x80, s11, s12, $0xb8;
	[tilespmem:$0x1D000] =	vst v63  }
0x167: {  	_ =	swait.ge [sflag:s14], $0x4000  }
0x168: {  	[sflag:s14] =	ssyncset.done $0x0  }
0x169: {  	[sflag:s14] =	ssyncadd.s32 $0xFFFFC000  }
0x16a: {  	_ =	swait.ge [sflag:s16], $0x4000  }
0x16b: {  	[sflag:s16] =	ssyncset.done $0x0  }
0x16c: {  	s9 =	rddreg [dreg:$0x5];
	[sflag:s16] =	ssyncadd.s32 $0xFFFFC000  }
0x16d: {  	[tilespmem:s13], [sflag:$0x1] =	stream.indirect.gather [hbm4b:s4+s12], $0x80, s9, s12, $0xb8;
	[tilespmem:$0x1D000] =	vst v63  }
0x16e: {  	s7 =	rddreg [dreg:$0x6]  }
0x16f: {  	[spmem:s2] =	stream.indirect.scatter.add.f32 [tilespmem:s15], [sflag:$0x3], $0x80, s7, s12, $0xb8;
	[tilespmem:$0x1D000] =	vst v63  }
0x170: {  	_ =	swait.ge [sflag:s14], $0x4000  }
0x171: {  	[sflag:s14] =	ssyncset.done $0x0  }
0x172: {  	[sflag:s14] =	ssyncadd.s32 $0xFFFFC000  }
0x173: {  	_ =	swait.ge [sflag:s17], $0x4000  }
0x174: {  	[sflag:s17] =	ssyncset.done $0x0  }
0x175: {  	s8 =	rddreg [dreg:$0x7];
	[sflag:s17] =	ssyncadd.s32 $0xFFFFC000  }
0x176: {  	[tilespmem:s15], [sflag:$0x1] =	stream.indirect.gather [hbm4b:s4+s12], $0x80, s8, s12, $0xb8;
	[tilespmem:$0x1D000] =	vst v63  }
0x177: {  	s9 =	rddreg [dreg:$0x8]  }
0x178: {  	[spmem:s2] =	stream.indirect.scatter.add.f32 [tilespmem:s13], [sflag:$0x2], $0x80, s9, s12, $0xb8;
	[tilespmem:$0x1D000] =	vst v63  }
0x179: {  	_ =	swait.ge [sflag:s14], $0x4000  }
0x17a: {  	[sflag:s14] =	ssyncset.done $0x0  }
0x17b: {  	[sflag:s14] =	ssyncadd.s32 $0xFFFFC000  }
0x17c: {  	_ =	swait.ge [sflag:s16], $0x4000  }
0x17d: {  	[sflag:s16] =	ssyncset.done $0x0  }
0x17e: {  	s8 =	rddreg [dreg:$0x9];
	[sflag:s16] =	ssyncadd.s32 $0xFFFFC000  }
0x17f: {  	[tilespmem:s13], [sflag:$0x1] =	stream.indirect.gather [hbm4b:s4+s12], $0x80, s8, s12, $0xb8;
	[tilespmem:$0x1D000] =	vst v63  }
0x180: {  	s9 =	rddreg [dreg:$0xa]  }
0x181: {  	[spmem:s2] =	stream.indirect.scatter.add.f32 [tilespmem:s15], [sflag:$0x3], $0x80, s9, s12, $0xb8;
	[tilespmem:$0x1D000] =	vst v63  }
0x182: {  	_ =	swait.ge [sflag:s14], $0x4000  }
0x183: {  	[sflag:s14] =	ssyncset.done $0x0  }
0x184: {  	[sflag:s14] =	ssyncadd.s32 $0xFFFFC000  }
0x185: {  	_ =	swait.ge [sflag:s17], $0x4000  }
0x186: {  	[sflag:s17] =	ssyncset.done $0x0  }
0x187: {  	s8 =	rddreg [dreg:$0xb];
	[sflag:s17] =	ssyncadd.s32 $0xFFFFC000  }
0x188: {  	[tilespmem:s15], [sflag:$0x1] =	stream.indirect.gather [hbm4b:s4+s12], $0x80, s8, s12, $0xb8;
	[tilespmem:$0x1D000] =	vst v63  }
0x189: {  	s9 =	rddreg [dreg:$0xc]  }
0x18a: {  	[spmem:s2] =	stream.indirect.scatter.add.f32 [tilespmem:s13], [sflag:$0x2], $0x80, s9, s12, $0xb8;
	[tilespmem:$0x1D000] =	vst v63  }
0x18b: {  	_ =	swait.ge [sflag:s14], $0x4000  }
0x18c: {  	[sflag:s14] =	ssyncset.done $0x0  }
0x18d: {  	[sflag:s14] =	ssyncadd.s32 $0xFFFFC000  }
0x18e: {  	_ =	swait.ge [sflag:s16], $0x4000  }
0x18f: {  	[sflag:s16] =	ssyncset.done $0x0  }
0x190: {  	s8 =	rddreg [dreg:$0xd];
	[sflag:s16] =	ssyncadd.s32 $0xFFFFC000  }
0x191: {  	[tilespmem:s13], [sflag:$0x1] =	stream.indirect.gather [hbm4b:s4+s12], $0x80, s8, s12, $0xb8;
	[tilespmem:$0x1D000] =	vst v63  }
0x192: {  	s9 =	rddreg [dreg:$0xe]  }
0x193: {  	[spmem:s2] =	stream.indirect.scatter.add.f32 [tilespmem:s15], [sflag:$0x3], $0x80, s9, s12, $0xb8;
	[tilespmem:$0x1D000] =	vst v63  }
0x194: {  	_ =	swait.ge [sflag:s14], $0x4000  }
0x195: {  	[sflag:s14] =	ssyncset.done $0x0  }
0x196: {  	[sflag:s14] =	ssyncadd.s32 $0xFFFFC000  }
0x197: {  	_ =	swait.ge [sflag:s17], $0x4000  }
0x198: {  	[sflag:s17] =	ssyncset.done $0x0  }
0x199: {  	s8 =	rddreg [dreg:$0xf];
	[sflag:s17] =	ssyncadd.s32 $0xFFFFC000  }
0x19a: {  	[tilespmem:s15], [sflag:$0x1] =	stream.indirect.gather [hbm4b:s4+s12], $0x80, s8, s12, $0xb8;
	[tilespmem:$0x1D000] =	vst v63  }
0x19b: {  	s9 =	rddreg [dreg:$0x10]  }
0x19c: {  	[spmem:s2] =	stream.indirect.scatter.add.f32 [tilespmem:s13], [sflag:$0x2], $0x80, s9, s12, $0xb8;
	[tilespmem:$0x1D000] =	vst v63  }
0x19d: {  	_ =	swait.ge [sflag:s14], $0x4000  }
0x19e: {  	[sflag:s14] =	ssyncset.done $0x0  }
0x19f: {  	[sflag:s14] =	ssyncadd.s32 $0xFFFFC000  }
0x1a0: {  	_ =	swait.ge [sflag:s16], $0x4000  }
0x1a1: {  	[sflag:s16] =	ssyncset.done $0x0  }
0x1a2: {  	s8 =	rddreg [dreg:$0x11];
	[sflag:s16] =	ssyncadd.s32 $0xFFFFC000  }
0x1a3: {  	[tilespmem:s13], [sflag:$0x1] =	stream.indirect.gather [hbm4b:s4+s12], $0x80, s8, s12, $0xb8;
	[tilespmem:$0x1D000] =	vst v63  }
0x1a4: {  	_ = 	snop  }
0x1a5: {  	[spmem:s2] =	stream.indirect.scatter.add.f32 [tilespmem:s15], [sflag:$0x3], $0x80, s18, s12, $0xb8;
	[tilespmem:$0x1D000] =	vst v63  }
0x1a6: {  	_ =	swait.ge [sflag:s14], $0x4000  }
0x1a7: {  	[sflag:s14] =	ssyncset.done $0x0  }
0x1a8: {  	[sflag:s14] =	ssyncadd.s32 $0xFFFFC000  }
0x1a9: {  	_ =	swait.ge [sflag:s17], $0x4000  }
0x1aa: {  	[sflag:s17] =	ssyncset.done $0x0  }
0x1ab: {  	[sflag:s17] =	ssyncadd.s32 $0xFFFFC000  }
0x1ac: {  	[tilespmem:s15], [sflag:$0x1] =	stream.indirect.gather [hbm4b:s4+s12], $0x80, s19, s12, $0xb8;
	[tilespmem:$0x1D000] =	vst v63  }
0x1ad: {  	_ = 	snop  }
0x1ae: {  	[spmem:s2] =	stream.indirect.scatter.add.f32 [tilespmem:s13], [sflag:$0x2], $0x80, s20, s12, $0xb8;
	[tilespmem:$0x1D000] =	vst v63  }
0x1af: {  	_ =	swait.ge [sflag:s14], $0x4000  }
0x1b0: {  	[sflag:s14] =	ssyncset.done $0x0  }
0x1b1: {  	[sflag:s14] =	ssyncadd.s32 $0xFFFFC000  }
0x1b2: {  	_ =	swait.ge [sflag:s16], $0x4000  }
0x1b3: {  	[sflag:s16] =	ssyncset.done $0x0  }
0x1b4: {  	[sflag:s16] =	ssyncadd.s32 $0xFFFFC000  }
0x1b5: {  	[tilespmem:s13], [sflag:$0x1] =	stream.indirect.gather [hbm4b:s4+s12], $0x80, s21, s12, $0xb8;
	[tilespmem:$0x1D000] =	vst v63  }
0x1b6: {  	_ = 	snop  }
0x1b7: {  	[spmem:s2] =	stream.indirect.scatter.add.f32 [tilespmem:s15], [sflag:$0x3], $0x80, s22, s12, $0xb8;
	[tilespmem:$0x1D000] =	vst v63  }
0x1b8: {  	_ =	swait.ge [sflag:s14], $0x4000  }
0x1b9: {  	[sflag:s14] =	ssyncset.done $0x0  }
0x1ba: {  	[sflag:s14] =	ssyncadd.s32 $0xFFFFC000  }
0x1bb: {  	_ =	swait.ge [sflag:s17], $0x4000  }
0x1bc: {  	[sflag:s17] =	ssyncset.done $0x0  }
0x1bd: {  	[sflag:s17] =	ssyncadd.s32 $0xFFFFC000  }
0x1be: {  	[tilespmem:s15], [sflag:$0x1] =	stream.indirect.gather [hbm4b:s4+s12], $0x80, s23, s12, $0xb8;
	[tilespmem:$0x1D000] =	vst v63  }
0x1bf: {  	_ = 	snop  }
0x1c0: {  	[spmem:s2] =	stream.indirect.scatter.add.f32 [tilespmem:s13], [sflag:$0x2], $0x80, s24, s12, $0xb8;
	[tilespmem:$0x1D000] =	vst v63  }
0x1c1: {  	_ =	swait.ge [sflag:s14], $0x4000  }
0x1c2: {  	[sflag:s14] =	ssyncset.done $0x0  }
0x1c3: {  	[sflag:s14] =	ssyncadd.s32 $0xFFFFC000  }
0x1c4: {  	_ =	swait.ge [sflag:s16], $0x4000  }
0x1c5: {  	[sflag:s16] =	ssyncset.done $0x0  }
0x1c6: {  	[sflag:s16] =	ssyncadd.s32 $0xFFFFC000  }
0x1c7: {  	[tilespmem:s13], [sflag:$0x1] =	stream.indirect.gather [hbm4b:s4+s12], $0x80, s25, s12, $0xb8;
	[tilespmem:$0x1D000] =	vst v63  }
0x1c8: {  	_ = 	snop  }
0x1c9: {  	[spmem:s2] =	stream.indirect.scatter.add.f32 [tilespmem:s15], [sflag:$0x3], $0x80, s26, s12, $0xb8;
	[tilespmem:$0x1D000] =	vst v63  }
0x1ca: {  	_ =	swait.ge [sflag:s14], $0x4000  }
0x1cb: {  	[sflag:s14] =	ssyncset.done $0x0  }
0x1cc: {  	[sflag:s14] =	ssyncadd.s32 $0xFFFFC000  }
0x1cd: {  	_ =	swait.ge [sflag:s17], $0x4000  }
0x1ce: {  	[sflag:s17] =	ssyncset.done $0x0  }
0x1cf: {  	[sflag:s17] =	ssyncadd.s32 $0xFFFFC000  }
0x1d0: {  	[tilespmem:s15], [sflag:$0x1] =	stream.indirect.gather [hbm4b:s4+s12], $0x80, s28, s12, $0xb8;
	[tilespmem:$0x1D000] =	vst v63  }
0x1d1: {  	_ = 	snop  }
0x1d2: {  	[spmem:s2] =	stream.indirect.scatter.add.f32 [tilespmem:s13], [sflag:$0x2], $0x80, s29, s12, $0xb8;
	[tilespmem:$0x1D000] =	vst v63  }
0x1d3: {  	_ =	swait.ge [sflag:s14], $0x4000  }
0x1d4: {  	[sflag:s14] =	ssyncset.done $0x0  }
0x1d5: {  	[sflag:s14] =	ssyncadd.s32 $0xFFFFC000  }
0x1d6: {  	_ =	swait.ge [sflag:s16], $0x4000  }
0x1d7: {  	[sflag:s16] =	ssyncset.done $0x0  }
0x1d8: {  	[sflag:s16] =	ssyncadd.s32 $0xFFFFC000  }
0x1d9: {  	[tilespmem:s13], [sflag:$0x1] =	stream.indirect.gather [hbm4b:s4+s12], $0x80, s30, s12, $0xb8;
	[tilespmem:$0x1D000] =	vst v63  }
0x1da: {  	_ = 	snop  }
0x1db: {  	[spmem:s2] =	stream.indirect.scatter.add.f32 [tilespmem:s15], [sflag:$0x3], $0x80, s31, s12, $0xb8;
	[tilespmem:$0x1D000] =	vst v63  }
0x1dc: {  	_ =	swait.ge [sflag:s14], $0x4000  }
0x1dd: {  	[sflag:s14] =	ssyncset.done $0x0  }
0x1de: {  	[sflag:s14] =	ssyncadd.s32 $0xFFFFC000  }
0x1df: {  	_ =	swait.ge [sflag:s17], $0x4000  }
0x1e0: {  	[sflag:s17] =	ssyncset.done $0x0  }
0x1e1: {  	[sflag:s17] =	ssyncadd.s32 $0xFFFFC000  }
0x1e2: {  	[tilespmem:s15], [sflag:$0x1] =	stream.indirect.gather [hbm4b:s4+s12], $0x80, s1, s12, $0xb8;
	[tilespmem:$0x1D000] =	vst v63  }
0x1e3: {  	_ = 	snop  }
0x1e4: {  	[spmem:s2] =	stream.indirect.scatter.add.f32 [tilespmem:s13], [sflag:$0x2], $0x80, s0, s12, $0xb8;
	[tilespmem:$0x1D000] =	vst v63  }
0x1e5: {  	_ =	swait.ge [sflag:s14], $0x4000  }
0x1e6: {  	[sflag:s14] =	ssyncset.done $0x0  }
0x1e7: {  	[sflag:s14] =	ssyncadd.s32 $0xFFFFC000  }
0x1e8: {  	_ =	swait.ge [sflag:s16], $0x4000  }
0x1e9: {  	[sflag:s16] =	ssyncset.done $0x0  }
0x1ea: {  	[sflag:s16] =	ssyncadd.s32 $0xFFFFC000  }
0x1eb: {  	[spmem:s2] =	stream.indirect.scatter.add.f32 [tilespmem:s15], [sflag:$0x3], $0x80, s5, s12, $0xb8;
	[tilespmem:$0x1D000] =	vst v63  }
0x1ec: {  	_ =	swait.ge [sflag:s17], $0x4000  }
0x1ed: {  	[sflag:s17] =	ssyncset.done $0x0  }
0x1ee: {  	[sflag:s17] =	ssyncadd.s32 $0xFFFFC000  }
0x1ef: {  	[bflag:$0x0] =	sbarrier.arrive $0xFFFF  }
0x1f0: {  	s7 =	rddreg [dreg:$0x13]  }
0x1f1: {  	s9 =	rddreg [dreg:$0x14]  }
0x1f2: {  	s8 =	rddreg [dreg:$0x16]  }
0x1f3: {  	[hbm:s9], [sflag:s7] =	dma.local [spmem:s8], $0x2800  }
0x1f4: {  	_ =	swait.ge [sflag:s10], $0x2800  }
0x1f5: {  	s6 =	rddreg [dreg:$0x17]  }
0x1f6: {  	s9 =	sadd.s32 $0x1, s6;
	s6 =	rddreg [dreg:$0x15]  }
0x1f7: {  	p0 =	sne.s32 s9, s6  }
.Ltmp1:
0x1f8: {  	_ = 	snop;
	(pc) =	sbr.rel @p0 .LBB2_1-.Ltmp1, $3  }
0x1f9: {  	_ =	sdelay $0x1  }
0x1fa: {  	[sflag:s10] =	ssyncset.done $0x0  }
0x1fb: {  	[sflag:s10] =	ssyncadd.s32 $0xFFFFD800  }
0x1fc: {  	_ =	sfence.sel $0x180000  }
0x1fd: {  	[bflag:$0x0] =	sbarrier.arrive $0xFFFF  }
0x1fe: {  	_ =	strace $0x9000004A  }
0x1ff: {  	s0 =	stileid.u32;
	[bflag:$0x2] =	sbarrier.arrive $0xFFFF  }
0x200: {  	p0 =	sne.s32 s0, $0x0;
	s0 =	rddreg [dreg:$0x2]  }
0x201: {  	s0 =	sadd.s32 @!p0 $0x100000, s0  }
0x202: {  	[sflag:s0] =	ssyncadd.tile.s32 @!p0 $0x1;
	_ =	shalt  }
.Lfunc_end2:
_tile_overlayer_lowered:
.L_overlay_start_2:
0x203: {  	(tag) =	ssettag $0x2  }
0x204: {  	s0 =	rddreg [dreg:$0x0];
	s2 =	stileid.u32  }
0x205: {  	s1 =	rddreg [dreg:$0x1];
	p0 =	sne.s32 s2, $0x0  }
0x206: {  	s3 =	rddreg [dreg:$0x2];
	[bflag:$0x3] =	sbarrier.arrive $0xFFFF;
	s2 =	simm.s32 @!p0 $0x1C04  }
0x207: {  	[timem:s3], [sflag:s2] =	dma.local @!p0 [hbm:s0], s1  }
0x208: {  	s0 =	simm.s32 @!p0 $0x4  }
0x209: {  	_ =	swait.ge @!p0 [sflag:s0], s1  }
0x20a: {  	s1 =	ssub.s32 @!p0 $0x0, s1;
	[sflag:s0] =	ssyncset.done @!p0 $0x0  }
0x20b: {  	[sflag:s0] =	ssyncadd.s32 @!p0 s1  }
0x20c: {  	[bflag:$0x3] =	sbarrier.arrive $0xFFFF  }
0x20d: {  	_ =	shalt  }

// kernel: kernel.21.cloned.1.call-start
scs
__scs_entry_jumppad:
0x0: {  	(pc) =	sbr.rel $0x88, $3  }
0x1: {  	(tag) =	ssettag $0x0;
	lr =	simm.s32 $0x1  }
0x2: {  	[smem:$0x3F94] =	sst lr;
	_ =	strace $0xD0000000  }
0x3: {  	_ = 	snop  }
0x4: {  	_ = 	snop  }
0x5: {  	_ = 	snop  }
0x6: {  	_ = 	snop  }
0x7: {  	_ = 	snop  }
__scs_overlays_trampoline_lowered:
0x8: {  	[smem:$0x3FA3] =	sst s0  }
0x9: {  	[smem:$0x3FA4] =	sst s1  }
0xa: {  	[smem:$0x3FA5] =	sst s2  }
0xb: {  	[smem:$0x3FA6] =	sst s3  }
0xc: {  	[smem:$0x3FA7] =	sst s4  }
0xd: {  	[smem:$0x3FA8] =	sst s5  }
0xe: {  	[smem:$0x3FA9] =	sst s6  }
0xf: {  	[smem:$0x3FAA] =	sst s7  }
0x10: {  	[smem:$0x3FAB] =	sst s8  }
0x11: {  	[smem:$0x3FAC] =	sst s9;
	s0 =	simm.s32 @!p0 $0x0  }
0x12: {  	s1 =	sld [smem:$0x3F92];
	s0 =	simm.s32 @p0 $0x1  }
0x13: {  	[smem:$0x3FAD] =	sst s0;
	s0 =	simm.s32 @!p1 $0x0  }
0x14: {  	s2 =	sld [smem:$0x3F91];
	s0 =	simm.s32 @p1 $0x1  }
0x15: {  	[smem:$0x3FAE] =	sst s0;
	s0 =	simm.s32 @!p2 $0x0  }
0x16: {  	s3 =	sld [smem:$0x3FDB];
	s0 =	simm.s32 @p2 $0x1  }
0x17: {  	s4 =	simm.s32 $0x1BF5;
	[smem:$0x3FB0] =	sst s0  }
0x18: {  	s0 =	sld [smem:$0x3F93];
	_ =	swait.ge [sflag:s4], $0x0  }
0x19: {  	s7 =	sld [smem:$0x3F94]  }
0x1a: {  	s8 =	sadd.s32 $0xFFFFE003, lr  }
0x1b: {  	s9 =	sadd.s32 $0xFFFFFEF7, lr;
	s5 =	simm.s32 $0xFFFFFFFF;
	p2 =	slt.u32 s8, $0xFFFFF086  }
0x1c: {  	p1 =	slt.u32 s9, $0xF7A;
	s5 =	simm.s32 @!p2 $0x0  }
0x1d: {  	s5 =	simm.s32 @p1 $0x1;
	p0 =	seq.s32 s7, s2  }
0x1e: {  	s7 =	smul.u32 @!p0 $0xF7A, s2;
	p2 =	seq.s32 @!p0 s5, $0x0  }
0x1f: {  	s9 =	smul.u32 $0xF7A, s1;
	s8 =	simm.s32 @!p0 $0x1BF5;
	p2 =	por !p2, p0  }
0x20: {  	[sflag:s8] =	ssyncset.s32 @!p0 $0xFFFFF086;
	s6 =	sadd.s32 @!p0 s3, s7;
	s7 =	simm.s32 @!p0 $0x108  }
0x21: {  	s3 =	sadd.s32 s3, s9;
	s6 =	sadd.s32 @!p0 $0x88, s6;
	s7 =	simm.s32 @p2 $0x1082  }
0x22: {  	[simem:s7], [sflag:s8] =	dma.local @!p0 [hbm:s6], $0xF7A  }
0x23: {  	s9 =	sor.u32 $0xD0000000, s2;
	s6 =	simm.s32 $0x108;
	_ =	swait.ge @!p0 [sflag:s8], $0x0  }
0x24: {  	s3 =	sadd.s32 $0x88, s3;
	s6 =	simm.s32 @!p1 $0x1082;
	[sflag:s4] =	ssyncset.s32 $0xFFFFF086  }
0x25: {  	[simem:s6], [sflag:s4] =	dma.local [hbm:s3], $0xF7A  }
0x26: {  	[smem:$0x3F94] =	sst s1;
	(tag) =	ssettag s2;
	_ =	strace s9  }
0x27: {  	s1 =	sld [smem:$0x3FA4]  }
0x28: {  	s2 =	sld [smem:$0x3FA5]  }
0x29: {  	s4 =	sld [smem:$0x3FA7]  }
0x2a: {  	p0 =	seq.s32 s5, $0x0;
	s5 =	sld [smem:$0x3FA8]  }
0x2b: {  	s6 =	sld [smem:$0x3FA9]  }
0x2c: {  	s7 =	sld [smem:$0x3FAA]  }
0x2d: {  	s3 =	simm.s32 $0x108;
	s8 =	sld [smem:$0x3FAB]  }
0x2e: {  	s3 =	simm.s32 @!p0 $0x1082;
	s9 =	sld [smem:$0x3FAC]  }
0x2f: {  	lr =	sadd.s32 s0, s3;
	s0 =	sld [smem:$0x3FA3]  }
0x30: {  	s3 =	sld [smem:$0x3FA6]  }
0x31: {  	[smem:$0x3FAF] =	sst s10  }
0x32: {  	s10 =	sld [smem:$0x3FAD];
	_ =	sdelay $0x3  }
0x33: {  	p0 =	seq.s32 s10, $0x1;
	s10 =	sld [smem:$0x3FAF];
	_ =	sdelay $0x3  }
0x34: {  	[smem:$0x3FAF] =	sst s10  }
0x35: {  	s10 =	sld [smem:$0x3FAE];
	_ =	sdelay $0x3  }
0x36: {  	p1 =	seq.s32 s10, $0x1;
	s10 =	sld [smem:$0x3FAF];
	_ =	sdelay $0x3  }
0x37: {  	[smem:$0x3FAF] =	sst s10  }
0x38: {  	s10 =	sld [smem:$0x3FB0]  }
0x39: {  	_ = 	snop;
	(pc) =	sbr.ind lr, $3  }
0x3a: {  	_ = 	snop  }
0x3b: {  	_ = 	snop  }
0x3c: {  	p2 =	seq.s32 s10, $0x1;
	s10 =	sld [smem:$0x3FAF]  }
0x3d: {  	_ =	shalt  }
0x3e: {  	_ =	shalt  }
0x3f: {  	_ =	shalt  }
0x40: {  	_ =	shalt  }
0x41: {  	_ =	shalt  }
0x42: {  	_ =	shalt  }
0x43: {  	_ =	shalt  }
0x44: {  	_ =	shalt  }
0x45: {  	_ =	shalt  }
0x46: {  	_ =	shalt  }
0x47: {  	_ =	shalt  }
0x48: {  	_ =	shalt  }
0x49: {  	_ =	shalt  }
0x4a: {  	_ =	shalt  }
0x4b: {  	_ =	shalt  }
0x4c: {  	_ =	shalt  }
0x4d: {  	_ =	shalt  }
0x4e: {  	_ =	shalt  }
0x4f: {  	_ =	shalt  }
0x50: {  	_ =	shalt  }
0x51: {  	_ =	shalt  }
0x52: {  	_ =	shalt  }
0x53: {  	_ =	shalt  }
0x54: {  	_ =	shalt  }
0x55: {  	_ =	shalt  }
0x56: {  	_ =	shalt  }
0x57: {  	_ =	shalt  }
0x58: {  	_ =	shalt  }
0x59: {  	_ =	shalt  }
0x5a: {  	_ =	shalt  }
0x5b: {  	_ =	shalt  }
0x5c: {  	_ =	shalt  }
0x5d: {  	_ =	shalt  }
0x5e: {  	_ =	shalt  }
0x5f: {  	_ =	shalt  }
0x60: {  	_ =	shalt  }
0x61: {  	_ =	shalt  }
0x62: {  	_ =	shalt  }
0x63: {  	_ =	shalt  }
0x64: {  	_ =	shalt  }
0x65: {  	_ =	shalt  }
0x66: {  	_ =	shalt  }
0x67: {  	_ =	shalt  }
0x68: {  	_ =	shalt  }
0x69: {  	_ =	shalt  }
0x6a: {  	_ =	shalt  }
0x6b: {  	_ =	shalt  }
0x6c: {  	_ =	shalt  }
0x6d: {  	_ =	shalt  }
0x6e: {  	_ =	shalt  }
0x6f: {  	_ =	shalt  }
0x70: {  	_ =	shalt  }
0x71: {  	_ =	shalt  }
0x72: {  	_ =	shalt  }
0x73: {  	_ =	shalt  }
0x74: {  	_ =	shalt  }
0x75: {  	_ =	shalt  }
0x76: {  	_ =	shalt  }
0x77: {  	_ =	shalt  }
0x78: {  	_ =	shalt  }
0x79: {  	_ =	shalt  }
0x7a: {  	_ =	shalt  }
0x7b: {  	_ =	shalt  }
0x7c: {  	_ =	shalt  }
0x7d: {  	_ =	shalt  }
0x7e: {  	_ =	shalt  }
0x7f: {  	_ =	shalt  }
0x80: {  	_ =	shalt  }
0x81: {  	_ =	shalt  }
0x82: {  	_ =	shalt  }
0x83: {  	_ =	shalt  }
0x84: {  	_ =	shalt  }
0x85: {  	_ =	shalt  }
0x86: {  	_ =	shalt  }
0x87: {  	_ =	shalt  }
.Lfunc_end0:
.L_simem_size_0:
called_computation.2_lowered:
.L_overlay_start_0:
0x88: {  	s2 =	sld [smem:$0x3FD9]  }
0x89: {  	s3 =	sld [smem:$0x3FFE];
	_ =	sdelay $0x1  }
0x8a: {  	s1 =	srdreg.scid  }
0x8b: {  	s0 =	sand.u32 $0x1, s1  }
0x8c: {  	s16 =	sshll.u32 s0, $0xA;
	s2 =	sadd.s32 s3, s2  }
0x8d: {  	s2 =	sadd.s32 s2, s16  }
0x8e: {  	[smem:$0x3FBB] =	sst s2  }
0x8f: {  	_ = 	snop  }
0x90: {  	(tm) =	ssettm $0x1  }
0x91: {  	s17 =	sld [smem:$0x3FFB];
	_ =	sdelay $0x3  }
0x92: {  	_ =	strace s17  }
0x93: {  	s2 =	sld [smem:$0x3FFC];
	_ =	sdelay $0x3  }
0x94: {  	_ =	strace s2  }
0x95: {  	s2 =	sld [smem:$0x3FFD];
	_ =	sdelay $0x3  }
0x96: {  	_ =	strace s2  }
0x97: {  	_ =	strace $0x8FFFFFFF  }
0x98: {  	s18 =	sld [smem:$0x3FDB];
	_ =	sdelay $0x1  }
0x99: {  	s19 =	simm.s32 $_scs_section_size  }
0x9a: {  	s4 =	simm.s32 $_size__tile_overlayer_lowered;
	s5 =	simm.s32 $_tile_overlayer_lowered  }
0x9b: {  	s22 =	simm.s32 $0x1BFF;
	s21 =	sshll.u32 s5, $0x1;
	s2 =	sadd.s32 s19, s18  }
0x9c: {  	s6 =	simm.s32 $0x0;
	s20 =	sshll.u32 s4, $0x1;
	s4 =	sadd.s32 s21, s2  }
0x9d: {  	[timem:s6], [sflag:s22] =	dma.local [hbm:s4], s20  }
0x9e: {  	_ =	swait.ge [sflag:s22], s20  }
0x9f: {  	s3 =	ssub.s32 $0x0, s20;
	[sflag:s22] =	ssyncset.done $0x0  }
0xa0: {  	[sflag:s22] =	ssyncadd.s32 s3;
	_ =	sdelay $0x1  }
0xa1: {  	s23 =	simm.s32 $0x1B8B  }
0xa2: {  	_ =	swait.ge [sflag:s23], $0x1  }
0xa3: {  	[sflag:s23] =	ssyncset.done $0x0  }
0xa4: {  	s25 =	simm.s32 $0x1B8E;
	s24 =	sld [smem:$0x3FFE];
	[sflag:s23] =	ssyncadd.s32 $0xFFFFFFFF  }
0xa5: {  	s26 =	simm.s32 $execute0_lowered;
	[smem:$0x3FD2] =	sst s25  }
0xa6: {  	s4 =	sshll.u32 s26, $0x1;
	_ =	strace $0x8000004C;
	[dreg:$0x1] =	wrdreg $0xFFFFFFFF  }
0xa7: {  	s28 =	simm.s32 $_size_execute0_lowered;
	s2 =	sadd.s32 s2, s4;
	[dreg:$0x0] =	wrdreg $0x0  }
0xa8: {  	s4 =	sshll.u32 s28, $0x1;
	[dreg:$0x2] =	wrdreg s2  }
0xa9: {  	[dreg:$0x3] =	wrdreg s4  }
0xaa: {  	[dreg:$0x4] =	wrdreg $0xC0  }
0xab: {  	_ =	task [dreg:s6], $0x5FFFF  }
0xac: {  	[dreg:$0x1] =	wrdreg $0xFFFFFFFF  }
0xad: {  	[dreg:$0x0] =	wrdreg $0x60  }
0xae: {  	[dreg:$0x2] =	wrdreg s24  }
0xaf: {  	[dreg:$0x3] =	wrdreg $0x90000  }
0xb0: {  	[dreg:$0x4] =	wrdreg $0x9  }
0xb1: {  	_ =	task.clear_ibuf [dreg:s6], $0x5FFFF;
	_ =	strace $0x9000004C  }
0xb2: {  	s29 =	simm.s32 $0x9;
	_ =	strace $0x8000004E  }
0xb3: {  	_ =	swait.ge [sflag:s29], $0x1  }
0xb4: {  	[sflag:s29] =	ssyncadd.s32 $0xFFFFFFFF  }
0xb5: {  	_ =	strace $0x9000004E  }
0xb6: {  	_ =	sfence  }
0xb7: {  	s30 =	sld [smem:$0x0];
	_ =	sdelay $0x2  }
0xb8: {  	s31 =	sshll.u32 s1, $0xD;
	s1 =	sshrl.u32 s1, $0x2  }
0xb9: {  	s3 =	sand.u32 $0x4000, s31;
	s1 =	sadd.s32 s1, s30  }
0xba: {  	s0 =	sor.u32 s3, s0;
	s1 =	sshll.u32 s1, $0x11  }
0xbb: {  	s0 =	sor.u32 s1, s0  }
0xbc: {  	s0 =	sadd.s32 $0x8F2B, s0  }
0xbd: {  	[sflag:s0] =	ssyncadd.remote.s32 $0x1  }
0xbe: {  	_ =	sfence.sel $0xFFFF  }
0xbf: {  	[dreg:$0x0] =	wrdreg $0xFFFFFFFF;
	(pc) =	sbr.abs _section_cstart, $3  }
0xc0: {  	[dreg:$0x1] =	wrdreg $0xFFFFFFFF  }
0xc1: {  	_ =	task.clear_ibuf [dreg:s6], $0x2FFFF;
	_ =	strace $0x9FFFFFFF  }
0xc2: {  	(tm) =	ssettm $0x7FFFFFFF  }
0xc3: {  	_ =	shalt  }
tec
execute0_lowered:
.L_overlay_start_1:
0x0: {  	(tag) =	ssettag $0x1  }
0x1: {  	s0 =	srdreg.scid  }
0x2: {  	s1 =	rddreg [dreg:$0x0];
	s9 =	stileid.u32  }
0x3: {  	s2 =	rddreg [dreg:$0x1];
	s3 =	simm.s32 $0x0;
	s14 =	simm.s32 $0x100  }
0x4: {  	s15 =	simm.s32 $0x880;
	s16 =	simm.s32 $0x180;
	s17 =	simm.s32 $0x900  }
0x5: {  	s18 =	simm.s32 $0x200;
	s19 =	simm.s32 $0x980;
	[smem:$0x7FF] =	sst s3  }
0x6: {  	s20 =	simm.s32 $0x280;
	_ =	strace $0x8000004D;
	[dreg:$0x5] =	wrdreg s14  }
0x7: {  	s21 =	simm.s32 $0xA00;
	s22 =	simm.s32 $0x300;
	[dreg:$0x6] =	wrdreg s15  }
0x8: {  	s23 =	simm.s32 $0xA80;
	s24 =	simm.s32 $0x380;
	[dreg:$0x7] =	wrdreg s16  }
0x9: {  	s28 =	simm.s32 $0x680;
	s29 =	simm.s32 $0xE00;
	[dreg:$0x8] =	wrdreg s17  }
0xa: {  	s30 =	simm.s32 $0x700;
	s5 =	smul.u32 $0x2800, s9;
	[dreg:$0x9] =	wrdreg s18  }
0xb: {  	s31 =	simm.s32 $0xE80;
	s25 =	smul.u32 $0x14000, s9;
	[dreg:$0xa] =	wrdreg s19  }
0xc: {  	s0 =	sand.u32 $0x1, s0;
	s26 =	smul.u32 $0x50000, s9;
	[dreg:$0xb] =	wrdreg s20  }
0xd: {  	s13 =	sshll.u32 s9, $0x6;
	s4 =	smul.u32 $0x28000, s0;
	[dreg:$0xc] =	wrdreg s21  }
0xe: {  	s9 =	simm.s32 $0x0;
	s7 =	smul.u32 $0x140000, s0;
	[dreg:$0xd] =	wrdreg s22  }
0xf: {  	s0 =	ssub.s32 $0x2, s0;
	s14 =	simm.s32 $0x1;
	[dreg:$0xe] =	wrdreg s23  }
0x10: {  	s15 =	simm.s32 $0x5000;
	s16 =	simm.s32 $0x2;
	[dreg:$0xf] =	wrdreg s24  }
0x11: {  	s17 =	simm.s32 $0x3;
	s18 =	simm.s32 $0xB80;
	s19 =	simm.s32 $0x480  }
0x12: {  	s20 =	simm.s32 $0xC00;
	s21 =	simm.s32 $0x500;
	s22 =	simm.s32 $0xC80  }
0x13: {  	s23 =	simm.s32 $0x580;
	s24 =	simm.s32 $0xD00;
	s8 =	sshrl.u32 s25, $0x3  }
0x14: {  	s10 =	sshrl.u32 s0, $0x1;
	s4 =	sadd.s32 s5, s4;
	s5 =	sadd.s32 s25, s7  }
0x15: {  	s8 =	sadd.s32 s8, s1;
	s7 =	sshrl.u32 s26, $0x2;
	s0 =	ssub.s32 s0, s10  }
0x16: {  	s10 =	simm.s32 $0x4;
	s25 =	simm.s32 $0xB00;
	s26 =	simm.s32 $0x400  }
0x17: {  	s6 =	sshrl.u32 s4, $0x3;
	s4 =	sadd.s32 $0x2D600, s1;
	s5 =	sshrl.u32 s5, $0x3  }
0x18: {  	s11 =	sadd.s32 s7, s2;
	s8 =	sadd.s32 $0x5600, s8;
	[dreg:$0x10] =	wrdreg s25  }
0x19: {  	s7 =	sor.u32 $0x1C04, s13;
	s0 =	smax.u32 s0, $0x1;
	[dreg:$0x11] =	wrdreg s26  }
0x1a: {  	s13 =	simm.s32 $0x1000;
	s25 =	simm.s32 $0x600;
	[dreg:$0x12] =	wrdreg s8  }
0x1b: {  	s26 =	simm.s32 $0xD80;
	s6 =	sadd.s32 s6, s1;
	[dreg:$0x15] =	wrdreg s0  }
0x1c: {  	s1 =	sadd.s32 s5, s1;
	s8 =	sshrl.u32 s11, $0x3;
	[dreg:$0x13] =	wrdreg s7  }
0x1d: {  	s11 =	simm.s32 $0x800;
	s12 =	sadd.s32 $0x87E00, s6;
	[dreg:$0x16] =	wrdreg s8  }
0x1e: {  	s0 =	simm.s32 $0xF00;
	s6 =	sadd.s32 $0x7DE00, s6;
	[dreg:$0x3] =	wrdreg s12  }
0x1f: {  	s5 =	simm.s32 $0xF80;
	s1 =	sadd.s32 $0x91E00, s1;
	[dreg:$0x4] =	wrdreg s6  }
0x20: {  	[dreg:$0x14] =	wrdreg s1;
	s12 =	simm.s32 $0x80;
	s1 =	simm.s32 $0x780  }
.LBB2_1:
0x21: {  	[dreg:$0x17] =	wrdreg s9  }
0x22: {  	s6 =	rddreg [dreg:$0x12]  }
0x23: {  	[spmem:s8], [sflag:s7] =	dma.local [hbm:s6], $0x2800  }
0x24: {  	_ =	swait.ge [sflag:s10], $0x2800  }
0x25: {  	[sflag:s10] =	ssyncset.done $0x0  }
0x26: {  	[sflag:s10] =	ssyncadd.s32 $0xFFFFD800  }
0x27: {  	[bflag:$0x0] =	sbarrier.arrive $0xFFFF  }
0x28: {  	s7 =	rddreg [dreg:$0x4]  }
0x29: {  	s6 =	sadd.s32 $0x0, s7  }
0x2a: {  	[tilespmem:s3], [sflag:$0x4] =	stream.linear.gather [hbm4b:s6+s3], $0x800, $0x38;
	[tilespmem:$0x1D000] =	vst v63  }
0x2b: {  	_ =	swait.ge [sflag:s10], $0x800  }
0x2c: {  	s8 =	rddreg [dreg:$0x3];
	[sflag:s10] =	ssyncset.done $0x0  }
0x2d: {  	[sflag:s10] =	ssyncadd.s32 $0xFFFFF800;
	s6 =	sadd.s32 $0x0, s8  }
0x2e: {  	[tilespmem:s11], [sflag:$0x4] =	stream.linear.gather [hbm4b:s6+s3], $0x800, $0x38;
	[tilespmem:$0x1D000] =	vst v63  }
0x2f: {  	_ =	swait.ge [sflag:s10], $0x800  }
0x30: {  	[sflag:s10] =	ssyncset.done $0x0  }
0x31: {  	[sflag:s10] =	ssyncadd.s32 $0xFFFFF800  }
0x32: {  	[tilespmem:s13], [sflag:$0x1] =	stream.indirect.gather [hbm4b:s4+s12], $0x80, s3, s12, $0xb8;
	[tilespmem:$0x1D000] =	vst v63  }
0x33: {  	_ =	swait.ge [sflag:s14], $0x4000  }
0x34: {  	[sflag:s14] =	ssyncset.done $0x0  }
0x35: {  	[sflag:s14] =	ssyncadd.s32 $0xFFFFC000  }
0x36: {  	[tilespmem:s15], [sflag:$0x1] =	stream.indirect.gather [hbm4b:s4+s12], $0x80, s12, s12, $0xb8;
	[tilespmem:$0x1D000] =	vst v63  }
0x37: {  	_ = 	snop  }
0x38: {  	[spmem:s2] =	stream.indirect.scatter.add.f32 [tilespmem:s13], [sflag:$0x2], $0x80, s11, s12, $0xb8;
	[tilespmem:$0x1D000] =	vst v63  }
0x39: {  	_ =	swait.ge [sflag:s14], $0x4000  }
0x3a: {  	[sflag:s14] =	ssyncset.done $0x0  }
0x3b: {  	[sflag:s14] =	ssyncadd.s32 $0xFFFFC000  }
0x3c: {  	_ =	swait.ge [sflag:s16], $0x4000  }
0x3d: {  	[sflag:s16] =	ssyncset.done $0x0  }
0x3e: {  	s9 =	rddreg [dreg:$0x5];
	[sflag:s16] =	ssyncadd.s32 $0xFFFFC000  }
0x3f: {  	[tilespmem:s13], [sflag:$0x1] =	stream.indirect.gather [hbm4b:s4+s12], $0x80, s9, s12, $0xb8;
	[tilespmem:$0x1D000] =	vst v63  }
0x40: {  	s7 =	rddreg [dreg:$0x6]  }
0x41: {  	[spmem:s2] =	stream.indirect.scatter.add.f32 [tilespmem:s15], [sflag:$0x3], $0x80, s7, s12, $0xb8;
	[tilespmem:$0x1D000] =	vst v63  }
0x42: {  	_ =	swait.ge [sflag:s14], $0x4000  }
0x43: {  	[sflag:s14] =	ssyncset.done $0x0  }
0x44: {  	[sflag:s14] =	ssyncadd.s32 $0xFFFFC000  }
0x45: {  	_ =	swait.ge [sflag:s17], $0x4000  }
0x46: {  	[sflag:s17] =	ssyncset.done $0x0  }
0x47: {  	s9 =	rddreg [dreg:$0x7];
	[sflag:s17] =	ssyncadd.s32 $0xFFFFC000  }
0x48: {  	[tilespmem:s15], [sflag:$0x1] =	stream.indirect.gather [hbm4b:s4+s12], $0x80, s9, s12, $0xb8;
	[tilespmem:$0x1D000] =	vst v63  }
0x49: {  	s7 =	rddreg [dreg:$0x8]  }
0x4a: {  	[spmem:s2] =	stream.indirect.scatter.add.f32 [tilespmem:s13], [sflag:$0x2], $0x80, s7, s12, $0xb8;
	[tilespmem:$0x1D000] =	vst v63  }
0x4b: {  	_ =	swait.ge [sflag:s14], $0x4000  }
0x4c: {  	[sflag:s14] =	ssyncset.done $0x0  }
0x4d: {  	[sflag:s14] =	ssyncadd.s32 $0xFFFFC000  }
0x4e: {  	_ =	swait.ge [sflag:s16], $0x4000  }
0x4f: {  	[sflag:s16] =	ssyncset.done $0x0  }
0x50: {  	s9 =	rddreg [dreg:$0x9];
	[sflag:s16] =	ssyncadd.s32 $0xFFFFC000  }
0x51: {  	[tilespmem:s13], [sflag:$0x1] =	stream.indirect.gather [hbm4b:s4+s12], $0x80, s9, s12, $0xb8;
	[tilespmem:$0x1D000] =	vst v63  }
0x52: {  	s7 =	rddreg [dreg:$0xa]  }
0x53: {  	[spmem:s2] =	stream.indirect.scatter.add.f32 [tilespmem:s15], [sflag:$0x3], $0x80, s7, s12, $0xb8;
	[tilespmem:$0x1D000] =	vst v63  }
0x54: {  	_ =	swait.ge [sflag:s14], $0x4000  }
0x55: {  	[sflag:s14] =	ssyncset.done $0x0  }
0x56: {  	[sflag:s14] =	ssyncadd.s32 $0xFFFFC000  }
0x57: {  	_ =	swait.ge [sflag:s17], $0x4000  }
0x58: {  	[sflag:s17] =	ssyncset.done $0x0  }
0x59: {  	s9 =	rddreg [dreg:$0xb];
	[sflag:s17] =	ssyncadd.s32 $0xFFFFC000  }
0x5a: {  	[tilespmem:s15], [sflag:$0x1] =	stream.indirect.gather [hbm4b:s4+s12], $0x80, s9, s12, $0xb8;
	[tilespmem:$0x1D000] =	vst v63  }
0x5b: {  	s7 =	rddreg [dreg:$0xc]  }
0x5c: {  	[spmem:s2] =	stream.indirect.scatter.add.f32 [tilespmem:s13], [sflag:$0x2], $0x80, s7, s12, $0xb8;
	[tilespmem:$0x1D000] =	vst v63  }
0x5d: {  	_ =	swait.ge [sflag:s14], $0x4000  }
0x5e: {  	[sflag:s14] =	ssyncset.done $0x0  }
0x5f: {  	[sflag:s14] =	ssyncadd.s32 $0xFFFFC000  }
0x60: {  	_ =	swait.ge [sflag:s16], $0x4000  }
0x61: {  	[sflag:s16] =	ssyncset.done $0x0  }
0x62: {  	s9 =	rddreg [dreg:$0xd];
	[sflag:s16] =	ssyncadd.s32 $0xFFFFC000  }
0x63: {  	[tilespmem:s13], [sflag:$0x1] =	stream.indirect.gather [hbm4b:s4+s12], $0x80, s9, s12, $0xb8;
	[tilespmem:$0x1D000] =	vst v63  }
0x64: {  	s7 =	rddreg [dreg:$0xe]  }
0x65: {  	[spmem:s2] =	stream.indirect.scatter.add.f32 [tilespmem:s15], [sflag:$0x3], $0x80, s7, s12, $0xb8;
	[tilespmem:$0x1D000] =	vst v63  }
0x66: {  	_ =	swait.ge [sflag:s14], $0x4000  }
0x67: {  	[sflag:s14] =	ssyncset.done $0x0  }
0x68: {  	[sflag:s14] =	ssyncadd.s32 $0xFFFFC000  }
0x69: {  	_ =	swait.ge [sflag:s17], $0x4000  }
0x6a: {  	[sflag:s17] =	ssyncset.done $0x0  }
0x6b: {  	s9 =	rddreg [dreg:$0xf];
	[sflag:s17] =	ssyncadd.s32 $0xFFFFC000  }
0x6c: {  	[tilespmem:s15], [sflag:$0x1] =	stream.indirect.gather [hbm4b:s4+s12], $0x80, s9, s12, $0xb8;
	[tilespmem:$0x1D000] =	vst v63  }
0x6d: {  	s7 =	rddreg [dreg:$0x10]  }
0x6e: {  	[spmem:s2] =	stream.indirect.scatter.add.f32 [tilespmem:s13], [sflag:$0x2], $0x80, s7, s12, $0xb8;
	[tilespmem:$0x1D000] =	vst v63  }
0x6f: {  	_ =	swait.ge [sflag:s14], $0x4000  }
0x70: {  	[sflag:s14] =	ssyncset.done $0x0  }
0x71: {  	[sflag:s14] =	ssyncadd.s32 $0xFFFFC000  }
0x72: {  	_ =	swait.ge [sflag:s16], $0x4000  }
0x73: {  	[sflag:s16] =	ssyncset.done $0x0  }
0x74: {  	s9 =	rddreg [dreg:$0x11];
	[sflag:s16] =	ssyncadd.s32 $0xFFFFC000  }
0x75: {  	[tilespmem:s13], [sflag:$0x1] =	stream.indirect.gather [hbm4b:s4+s12], $0x80, s9, s12, $0xb8;
	[tilespmem:$0x1D000] =	vst v63  }
0x76: {  	_ = 	snop  }
0x77: {  	[spmem:s2] =	stream.indirect.scatter.add.f32 [tilespmem:s15], [sflag:$0x3], $0x80, s18, s12, $0xb8;
	[tilespmem:$0x1D000] =	vst v63  }
0x78: {  	_ =	swait.ge [sflag:s14], $0x4000  }
0x79: {  	[sflag:s14] =	ssyncset.done $0x0  }
0x7a: {  	[sflag:s14] =	ssyncadd.s32 $0xFFFFC000  }
0x7b: {  	_ =	swait.ge [sflag:s17], $0x4000  }
0x7c: {  	[sflag:s17] =	ssyncset.done $0x0  }
0x7d: {  	[sflag:s17] =	ssyncadd.s32 $0xFFFFC000  }
0x7e: {  	[tilespmem:s15], [sflag:$0x1] =	stream.indirect.gather [hbm4b:s4+s12], $0x80, s19, s12, $0xb8;
	[tilespmem:$0x1D000] =	vst v63  }
0x7f: {  	_ = 	snop  }
0x80: {  	[spmem:s2] =	stream.indirect.scatter.add.f32 [tilespmem:s13], [sflag:$0x2], $0x80, s20, s12, $0xb8;
	[tilespmem:$0x1D000] =	vst v63  }
0x81: {  	_ =	swait.ge [sflag:s14], $0x4000  }
0x82: {  	[sflag:s14] =	ssyncset.done $0x0  }
0x83: {  	[sflag:s14] =	ssyncadd.s32 $0xFFFFC000  }
0x84: {  	_ =	swait.ge [sflag:s16], $0x4000  }
0x85: {  	[sflag:s16] =	ssyncset.done $0x0  }
0x86: {  	[sflag:s16] =	ssyncadd.s32 $0xFFFFC000  }
0x87: {  	[tilespmem:s13], [sflag:$0x1] =	stream.indirect.gather [hbm4b:s4+s12], $0x80, s21, s12, $0xb8;
	[tilespmem:$0x1D000] =	vst v63  }
0x88: {  	_ = 	snop  }
0x89: {  	[spmem:s2] =	stream.indirect.scatter.add.f32 [tilespmem:s15], [sflag:$0x3], $0x80, s22, s12, $0xb8;
	[tilespmem:$0x1D000] =	vst v63  }
0x8a: {  	_ =	swait.ge [sflag:s14], $0x4000  }
0x8b: {  	[sflag:s14] =	ssyncset.done $0x0  }
0x8c: {  	[sflag:s14] =	ssyncadd.s32 $0xFFFFC000  }
0x8d: {  	_ =	swait.ge [sflag:s17], $0x4000  }
0x8e: {  	[sflag:s17] =	ssyncset.done $0x0  }
0x8f: {  	[sflag:s17] =	ssyncadd.s32 $0xFFFFC000  }
0x90: {  	[tilespmem:s15], [sflag:$0x1] =	stream.indirect.gather [hbm4b:s4+s12], $0x80, s23, s12, $0xb8;
	[tilespmem:$0x1D000] =	vst v63  }
0x91: {  	_ = 	snop  }
0x92: {  	[spmem:s2] =	stream.indirect.scatter.add.f32 [tilespmem:s13], [sflag:$0x2], $0x80, s24, s12, $0xb8;
	[tilespmem:$0x1D000] =	vst v63  }
0x93: {  	_ =	swait.ge [sflag:s14], $0x4000  }
0x94: {  	[sflag:s14] =	ssyncset.done $0x0  }
0x95: {  	[sflag:s14] =	ssyncadd.s32 $0xFFFFC000  }
0x96: {  	_ =	swait.ge [sflag:s16], $0x4000  }
0x97: {  	[sflag:s16] =	ssyncset.done $0x0  }
0x98: {  	[sflag:s16] =	ssyncadd.s32 $0xFFFFC000  }
0x99: {  	[tilespmem:s13], [sflag:$0x1] =	stream.indirect.gather [hbm4b:s4+s12], $0x80, s25, s12, $0xb8;
	[tilespmem:$0x1D000] =	vst v63  }
0x9a: {  	_ = 	snop  }
0x9b: {  	[spmem:s2] =	stream.indirect.scatter.add.f32 [tilespmem:s15], [sflag:$0x3], $0x80, s26, s12, $0xb8;
	[tilespmem:$0x1D000] =	vst v63  }
0x9c: {  	_ =	swait.ge [sflag:s14], $0x4000  }
0x9d: {  	[sflag:s14] =	ssyncset.done $0x0  }
0x9e: {  	[sflag:s14] =	ssyncadd.s32 $0xFFFFC000  }
0x9f: {  	_ =	swait.ge [sflag:s17], $0x4000  }
0xa0: {  	[sflag:s17] =	ssyncset.done $0x0  }
0xa1: {  	[sflag:s17] =	ssyncadd.s32 $0xFFFFC000  }
0xa2: {  	[tilespmem:s15], [sflag:$0x1] =	stream.indirect.gather [hbm4b:s4+s12], $0x80, s28, s12, $0xb8;
	[tilespmem:$0x1D000] =	vst v63  }
0xa3: {  	_ = 	snop  }
0xa4: {  	[spmem:s2] =	stream.indirect.scatter.add.f32 [tilespmem:s13], [sflag:$0x2], $0x80, s29, s12, $0xb8;
	[tilespmem:$0x1D000] =	vst v63  }
0xa5: {  	_ =	swait.ge [sflag:s14], $0x4000  }
0xa6: {  	[sflag:s14] =	ssyncset.done $0x0  }
0xa7: {  	[sflag:s14] =	ssyncadd.s32 $0xFFFFC000  }
0xa8: {  	_ =	swait.ge [sflag:s16], $0x4000  }
0xa9: {  	[sflag:s16] =	ssyncset.done $0x0  }
0xaa: {  	[sflag:s16] =	ssyncadd.s32 $0xFFFFC000  }
0xab: {  	[tilespmem:s13], [sflag:$0x1] =	stream.indirect.gather [hbm4b:s4+s12], $0x80, s30, s12, $0xb8;
	[tilespmem:$0x1D000] =	vst v63  }
0xac: {  	_ = 	snop  }
0xad: {  	[spmem:s2] =	stream.indirect.scatter.add.f32 [tilespmem:s15], [sflag:$0x3], $0x80, s31, s12, $0xb8;
	[tilespmem:$0x1D000] =	vst v63  }
0xae: {  	_ =	swait.ge [sflag:s14], $0x4000  }
0xaf: {  	[sflag:s14] =	ssyncset.done $0x0  }
0xb0: {  	[sflag:s14] =	ssyncadd.s32 $0xFFFFC000  }
0xb1: {  	_ =	swait.ge [sflag:s17], $0x4000  }
0xb2: {  	[sflag:s17] =	ssyncset.done $0x0  }
0xb3: {  	[sflag:s17] =	ssyncadd.s32 $0xFFFFC000  }
0xb4: {  	[tilespmem:s15], [sflag:$0x1] =	stream.indirect.gather [hbm4b:s4+s12], $0x80, s1, s12, $0xb8;
	[tilespmem:$0x1D000] =	vst v63  }
0xb5: {  	_ = 	snop  }
0xb6: {  	[spmem:s2] =	stream.indirect.scatter.add.f32 [tilespmem:s13], [sflag:$0x2], $0x80, s0, s12, $0xb8;
	[tilespmem:$0x1D000] =	vst v63  }
0xb7: {  	_ =	swait.ge [sflag:s14], $0x4000  }
0xb8: {  	[sflag:s14] =	ssyncset.done $0x0  }
0xb9: {  	[sflag:s14] =	ssyncadd.s32 $0xFFFFC000  }
0xba: {  	_ =	swait.ge [sflag:s16], $0x4000  }
0xbb: {  	[sflag:s16] =	ssyncset.done $0x0  }
0xbc: {  	[sflag:s16] =	ssyncadd.s32 $0xFFFFC000  }
0xbd: {  	[spmem:s2] =	stream.indirect.scatter.add.f32 [tilespmem:s15], [sflag:$0x3], $0x80, s5, s12, $0xb8;
	[tilespmem:$0x1D000] =	vst v63  }
0xbe: {  	s8 =	simm.s32 $0x100;
	_ =	swait.ge [sflag:s17], $0x4000  }
0xbf: {  	s6 =	simm.s32 $0x200;
	s9 =	rddreg [dreg:$0x4];
	[sflag:s17] =	ssyncset.done $0x0  }
.LBB2_2:
0xc0: {  	[sflag:s17] =	ssyncadd.s32 $0xFFFFC000;
	s9 =	sadd.s32 s8, s9  }
0xc1: {  	[tilespmem:s3], [sflag:$0x4] =	stream.linear.gather [hbm4b:s9+s3], $0x800, $0x38;
	[tilespmem:$0x1D000] =	vst v63  }
0xc2: {  	_ =	swait.ge [sflag:s10], $0x800  }
0xc3: {  	s9 =	rddreg [dreg:$0x3];
	[sflag:s10] =	ssyncset.done $0x0  }
0xc4: {  	[sflag:s10] =	ssyncadd.s32 $0xFFFFF800;
	s9 =	sadd.s32 s8, s9  }
0xc5: {  	[tilespmem:s11], [sflag:$0x4] =	stream.linear.gather [hbm4b:s9+s3], $0x800, $0x38;
	[tilespmem:$0x1D000] =	vst v63  }
0xc6: {  	_ =	swait.ge [sflag:s10], $0x800  }
0xc7: {  	[sflag:s10] =	ssyncset.done $0x0  }
0xc8: {  	[sflag:s10] =	ssyncadd.s32 $0xFFFFF800  }
0xc9: {  	[tilespmem:s13], [sflag:$0x1] =	stream.indirect.gather [hbm4b:s4+s12], $0x80, s3, s12, $0xb8;
	[tilespmem:$0x1D000] =	vst v63  }
0xca: {  	_ =	swait.ge [sflag:s14], $0x4000  }
0xcb: {  	[sflag:s14] =	ssyncset.done $0x0  }
0xcc: {  	[sflag:s14] =	ssyncadd.s32 $0xFFFFC000  }
0xcd: {  	[tilespmem:s15], [sflag:$0x1] =	stream.indirect.gather [hbm4b:s4+s12], $0x80, s12, s12, $0xb8;
	[tilespmem:$0x1D000] =	vst v63  }
0xce: {  	_ = 	snop  }
0xcf: {  	[spmem:s2] =	stream.indirect.scatter.add.f32 [tilespmem:s13], [sflag:$0x2], $0x80, s11, s12, $0xb8;
	[tilespmem:$0x1D000] =	vst v63  }
0xd0: {  	_ =	swait.ge [sflag:s14], $0x4000  }
0xd1: {  	[sflag:s14] =	ssyncset.done $0x0  }
0xd2: {  	[sflag:s14] =	ssyncadd.s32 $0xFFFFC000  }
0xd3: {  	_ =	swait.ge [sflag:s16], $0x4000  }
0xd4: {  	s7 =	smov.u32 s6;
	[sflag:s16] =	ssyncset.done $0x0  }
0xd5: {  	s8 =	smov.u32 s7;
	s7 =	rddreg [dreg:$0x5];
	[sflag:s16] =	ssyncadd.s32 $0xFFFFC000  }
0xd6: {  	[tilespmem:s13], [sflag:$0x1] =	stream.indirect.gather [hbm4b:s4+s12], $0x80, s7, s12, $0xb8;
	[tilespmem:$0x1D000] =	vst v63  }
0xd7: {  	s9 =	rddreg [dreg:$0x6]  }
0xd8: {  	[spmem:s2] =	stream.indirect.scatter.add.f32 [tilespmem:s15], [sflag:$0x3], $0x80, s9, s12, $0xb8;
	[tilespmem:$0x1D000] =	vst v63  }
0xd9: {  	_ =	swait.ge [sflag:s14], $0x4000  }
0xda: {  	[sflag:s14] =	ssyncset.done $0x0  }
0xdb: {  	[sflag:s14] =	ssyncadd.s32 $0xFFFFC000  }
0xdc: {  	_ =	swait.ge [sflag:s17], $0x4000  }
0xdd: {  	[sflag:s17] =	ssyncset.done $0x0  }
0xde: {  	s7 =	rddreg [dreg:$0x7];
	[sflag:s17] =	ssyncadd.s32 $0xFFFFC000  }
0xdf: {  	[tilespmem:s15], [sflag:$0x1] =	stream.indirect.gather [hbm4b:s4+s12], $0x80, s7, s12, $0xb8;
	[tilespmem:$0x1D000] =	vst v63  }
0xe0: {  	s9 =	rddreg [dreg:$0x8]  }
0xe1: {  	[spmem:s2] =	stream.indirect.scatter.add.f32 [tilespmem:s13], [sflag:$0x2], $0x80, s9, s12, $0xb8;
	[tilespmem:$0x1D000] =	vst v63  }
0xe2: {  	_ =	swait.ge [sflag:s14], $0x4000  }
0xe3: {  	[sflag:s14] =	ssyncset.done $0x0  }
0xe4: {  	[sflag:s14] =	ssyncadd.s32 $0xFFFFC000  }
0xe5: {  	_ =	swait.ge [sflag:s16], $0x4000  }
0xe6: {  	[sflag:s16] =	ssyncset.done $0x0  }
0xe7: {  	s7 =	rddreg [dreg:$0x9];
	[sflag:s16] =	ssyncadd.s32 $0xFFFFC000  }
0xe8: {  	[tilespmem:s13], [sflag:$0x1] =	stream.indirect.gather [hbm4b:s4+s12], $0x80, s7, s12, $0xb8;
	[tilespmem:$0x1D000] =	vst v63  }
0xe9: {  	s9 =	rddreg [dreg:$0xa]  }
0xea: {  	[spmem:s2] =	stream.indirect.scatter.add.f32 [tilespmem:s15], [sflag:$0x3], $0x80, s9, s12, $0xb8;
	[tilespmem:$0x1D000] =	vst v63  }
0xeb: {  	_ =	swait.ge [sflag:s14], $0x4000  }
0xec: {  	[sflag:s14] =	ssyncset.done $0x0  }
0xed: {  	[sflag:s14] =	ssyncadd.s32 $0xFFFFC000  }
0xee: {  	_ =	swait.ge [sflag:s17], $0x4000  }
0xef: {  	[sflag:s17] =	ssyncset.done $0x0  }
0xf0: {  	s7 =	rddreg [dreg:$0xb];
	[sflag:s17] =	ssyncadd.s32 $0xFFFFC000  }
0xf1: {  	[tilespmem:s15], [sflag:$0x1] =	stream.indirect.gather [hbm4b:s4+s12], $0x80, s7, s12, $0xb8;
	[tilespmem:$0x1D000] =	vst v63  }
0xf2: {  	s9 =	rddreg [dreg:$0xc]  }
0xf3: {  	[spmem:s2] =	stream.indirect.scatter.add.f32 [tilespmem:s13], [sflag:$0x2], $0x80, s9, s12, $0xb8;
	[tilespmem:$0x1D000] =	vst v63  }
0xf4: {  	_ =	swait.ge [sflag:s14], $0x4000  }
0xf5: {  	[sflag:s14] =	ssyncset.done $0x0  }
0xf6: {  	[sflag:s14] =	ssyncadd.s32 $0xFFFFC000  }
0xf7: {  	_ =	swait.ge [sflag:s16], $0x4000  }
0xf8: {  	[sflag:s16] =	ssyncset.done $0x0  }
0xf9: {  	s7 =	rddreg [dreg:$0xd];
	[sflag:s16] =	ssyncadd.s32 $0xFFFFC000  }
0xfa: {  	[tilespmem:s13], [sflag:$0x1] =	stream.indirect.gather [hbm4b:s4+s12], $0x80, s7, s12, $0xb8;
	[tilespmem:$0x1D000] =	vst v63  }
0xfb: {  	s9 =	rddreg [dreg:$0xe]  }
0xfc: {  	[spmem:s2] =	stream.indirect.scatter.add.f32 [tilespmem:s15], [sflag:$0x3], $0x80, s9, s12, $0xb8;
	[tilespmem:$0x1D000] =	vst v63  }
0xfd: {  	_ =	swait.ge [sflag:s14], $0x4000  }
0xfe: {  	[sflag:s14] =	ssyncset.done $0x0  }
0xff: {  	[sflag:s14] =	ssyncadd.s32 $0xFFFFC000  }
0x100: {  	_ =	swait.ge [sflag:s17], $0x4000  }
0x101: {  	[sflag:s17] =	ssyncset.done $0x0  }
0x102: {  	s7 =	rddreg [dreg:$0xf];
	[sflag:s17] =	ssyncadd.s32 $0xFFFFC000  }
0x103: {  	[tilespmem:s15], [sflag:$0x1] =	stream.indirect.gather [hbm4b:s4+s12], $0x80, s7, s12, $0xb8;
	[tilespmem:$0x1D000] =	vst v63  }
0x104: {  	s9 =	rddreg [dreg:$0x10]  }
0x105: {  	[spmem:s2] =	stream.indirect.scatter.add.f32 [tilespmem:s13], [sflag:$0x2], $0x80, s9, s12, $0xb8;
	[tilespmem:$0x1D000] =	vst v63  }
0x106: {  	_ =	swait.ge [sflag:s14], $0x4000  }
0x107: {  	[sflag:s14] =	ssyncset.done $0x0  }
0x108: {  	[sflag:s14] =	ssyncadd.s32 $0xFFFFC000  }
0x109: {  	_ =	swait.ge [sflag:s16], $0x4000  }
0x10a: {  	[sflag:s16] =	ssyncset.done $0x0  }
0x10b: {  	s9 =	rddreg [dreg:$0x11];
	[sflag:s16] =	ssyncadd.s32 $0xFFFFC000  }
0x10c: {  	[tilespmem:s13], [sflag:$0x1] =	stream.indirect.gather [hbm4b:s4+s12], $0x80, s9, s12, $0xb8;
	[tilespmem:$0x1D000] =	vst v63  }
0x10d: {  	_ = 	snop  }
0x10e: {  	[spmem:s2] =	stream.indirect.scatter.add.f32 [tilespmem:s15], [sflag:$0x3], $0x80, s18, s12, $0xb8;
	[tilespmem:$0x1D000] =	vst v63  }
0x10f: {  	_ =	swait.ge [sflag:s14], $0x4000  }
0x110: {  	[sflag:s14] =	ssyncset.done $0x0  }
0x111: {  	[sflag:s14] =	ssyncadd.s32 $0xFFFFC000  }
0x112: {  	_ =	swait.ge [sflag:s17], $0x4000  }
0x113: {  	[sflag:s17] =	ssyncset.done $0x0  }
0x114: {  	[sflag:s17] =	ssyncadd.s32 $0xFFFFC000  }
0x115: {  	[tilespmem:s15], [sflag:$0x1] =	stream.indirect.gather [hbm4b:s4+s12], $0x80, s19, s12, $0xb8;
	[tilespmem:$0x1D000] =	vst v63  }
0x116: {  	_ = 	snop  }
0x117: {  	[spmem:s2] =	stream.indirect.scatter.add.f32 [tilespmem:s13], [sflag:$0x2], $0x80, s20, s12, $0xb8;
	[tilespmem:$0x1D000] =	vst v63  }
0x118: {  	_ =	swait.ge [sflag:s14], $0x4000  }
0x119: {  	[sflag:s14] =	ssyncset.done $0x0  }
0x11a: {  	[sflag:s14] =	ssyncadd.s32 $0xFFFFC000  }
0x11b: {  	_ =	swait.ge [sflag:s16], $0x4000  }
0x11c: {  	[sflag:s16] =	ssyncset.done $0x0  }
0x11d: {  	[sflag:s16] =	ssyncadd.s32 $0xFFFFC000  }
0x11e: {  	[tilespmem:s13], [sflag:$0x1] =	stream.indirect.gather [hbm4b:s4+s12], $0x80, s21, s12, $0xb8;
	[tilespmem:$0x1D000] =	vst v63  }
0x11f: {  	_ = 	snop  }
0x120: {  	[spmem:s2] =	stream.indirect.scatter.add.f32 [tilespmem:s15], [sflag:$0x3], $0x80, s22, s12, $0xb8;
	[tilespmem:$0x1D000] =	vst v63  }
0x121: {  	_ =	swait.ge [sflag:s14], $0x4000  }
0x122: {  	[sflag:s14] =	ssyncset.done $0x0  }
0x123: {  	[sflag:s14] =	ssyncadd.s32 $0xFFFFC000  }
0x124: {  	_ =	swait.ge [sflag:s17], $0x4000  }
0x125: {  	[sflag:s17] =	ssyncset.done $0x0  }
0x126: {  	[sflag:s17] =	ssyncadd.s32 $0xFFFFC000  }
0x127: {  	[tilespmem:s15], [sflag:$0x1] =	stream.indirect.gather [hbm4b:s4+s12], $0x80, s23, s12, $0xb8;
	[tilespmem:$0x1D000] =	vst v63  }
0x128: {  	_ = 	snop  }
0x129: {  	[spmem:s2] =	stream.indirect.scatter.add.f32 [tilespmem:s13], [sflag:$0x2], $0x80, s24, s12, $0xb8;
	[tilespmem:$0x1D000] =	vst v63  }
0x12a: {  	_ =	swait.ge [sflag:s14], $0x4000  }
0x12b: {  	[sflag:s14] =	ssyncset.done $0x0  }
0x12c: {  	[sflag:s14] =	ssyncadd.s32 $0xFFFFC000  }
0x12d: {  	_ =	swait.ge [sflag:s16], $0x4000  }
0x12e: {  	[sflag:s16] =	ssyncset.done $0x0  }
0x12f: {  	[sflag:s16] =	ssyncadd.s32 $0xFFFFC000  }
0x130: {  	[tilespmem:s13], [sflag:$0x1] =	stream.indirect.gather [hbm4b:s4+s12], $0x80, s25, s12, $0xb8;
	[tilespmem:$0x1D000] =	vst v63  }
0x131: {  	_ = 	snop  }
0x132: {  	[spmem:s2] =	stream.indirect.scatter.add.f32 [tilespmem:s15], [sflag:$0x3], $0x80, s26, s12, $0xb8;
	[tilespmem:$0x1D000] =	vst v63  }
0x133: {  	_ =	swait.ge [sflag:s14], $0x4000  }
0x134: {  	[sflag:s14] =	ssyncset.done $0x0  }
0x135: {  	[sflag:s14] =	ssyncadd.s32 $0xFFFFC000  }
0x136: {  	_ =	swait.ge [sflag:s17], $0x4000  }
0x137: {  	[sflag:s17] =	ssyncset.done $0x0  }
0x138: {  	[sflag:s17] =	ssyncadd.s32 $0xFFFFC000  }
0x139: {  	[tilespmem:s15], [sflag:$0x1] =	stream.indirect.gather [hbm4b:s4+s12], $0x80, s28, s12, $0xb8;
	[tilespmem:$0x1D000] =	vst v63  }
0x13a: {  	_ = 	snop  }
0x13b: {  	[spmem:s2] =	stream.indirect.scatter.add.f32 [tilespmem:s13], [sflag:$0x2], $0x80, s29, s12, $0xb8;
	[tilespmem:$0x1D000] =	vst v63  }
0x13c: {  	_ =	swait.ge [sflag:s14], $0x4000  }
0x13d: {  	[sflag:s14] =	ssyncset.done $0x0  }
0x13e: {  	[sflag:s14] =	ssyncadd.s32 $0xFFFFC000  }
0x13f: {  	_ =	swait.ge [sflag:s16], $0x4000  }
0x140: {  	[sflag:s16] =	ssyncset.done $0x0  }
0x141: {  	[sflag:s16] =	ssyncadd.s32 $0xFFFFC000  }
0x142: {  	[tilespmem:s13], [sflag:$0x1] =	stream.indirect.gather [hbm4b:s4+s12], $0x80, s30, s12, $0xb8;
	[tilespmem:$0x1D000] =	vst v63  }
0x143: {  	_ = 	snop  }
0x144: {  	[spmem:s2] =	stream.indirect.scatter.add.f32 [tilespmem:s15], [sflag:$0x3], $0x80, s31, s12, $0xb8;
	[tilespmem:$0x1D000] =	vst v63  }
0x145: {  	_ =	swait.ge [sflag:s14], $0x4000  }
0x146: {  	[sflag:s14] =	ssyncset.done $0x0  }
0x147: {  	[sflag:s14] =	ssyncadd.s32 $0xFFFFC000  }
0x148: {  	_ =	swait.ge [sflag:s17], $0x4000  }
0x149: {  	[sflag:s17] =	ssyncset.done $0x0  }
0x14a: {  	[sflag:s17] =	ssyncadd.s32 $0xFFFFC000  }
0x14b: {  	[tilespmem:s15], [sflag:$0x1] =	stream.indirect.gather [hbm4b:s4+s12], $0x80, s1, s12, $0xb8;
	[tilespmem:$0x1D000] =	vst v63  }
0x14c: {  	_ = 	snop  }
0x14d: {  	[spmem:s2] =	stream.indirect.scatter.add.f32 [tilespmem:s13], [sflag:$0x2], $0x80, s0, s12, $0xb8;
	[tilespmem:$0x1D000] =	vst v63  }
0x14e: {  	_ =	swait.ge [sflag:s14], $0x4000  }
0x14f: {  	[sflag:s14] =	ssyncset.done $0x0  }
0x150: {  	[sflag:s14] =	ssyncadd.s32 $0xFFFFC000  }
0x151: {  	p0 =	sne.s32 s6, $0x400;
	_ =	swait.ge [sflag:s16], $0x4000  }
.Ltmp0:
0x152: {  	[sflag:s16] =	ssyncset.done $0x0;
	(pc) =	sbr.rel @p0 .LBB2_2-.Ltmp0, $4  }
0x153: {  	[sflag:s16] =	ssyncadd.s32 $0xFFFFC000  }
0x154: {  	[spmem:s2] =	stream.indirect.scatter.add.f32 [tilespmem:s15], [sflag:$0x3], $0x80, s5, s12, $0xb8;
	[tilespmem:$0x1D000] =	vst v63  }
0x155: {  	_ =	swait.ge [sflag:s17], $0x4000  }
0x156: {  	s6 =	sadd.s32 $0x100, s6;
	s9 =	rddreg [dreg:$0x4];
	[sflag:s17] =	ssyncset.done $0x0  }
0x157: {  	[sflag:s17] =	ssyncadd.s32 $0xFFFFC000;
	s6 =	sadd.s32 s8, s9  }
0x158: {  	[tilespmem:s3], [sflag:$0x4] =	stream.linear.gather [hbm4b:s6+s3], $0x800, $0x38;
	[tilespmem:$0x1D000] =	vst v63  }
0x159: {  	_ =	swait.ge [sflag:s10], $0x800  }
0x15a: {  	s7 =	rddreg [dreg:$0x3];
	[sflag:s10] =	ssyncset.done $0x0  }
0x15b: {  	[sflag:s10] =	ssyncadd.s32 $0xFFFFF800;
	s6 =	sadd.s32 s8, s7  }
0x15c: {  	[tilespmem:s11], [sflag:$0x4] =	stream.linear.gather [hbm4b:s6+s3], $0x800, $0x38;
	[tilespmem:$0x1D000] =	vst v63  }
0x15d: {  	_ =	swait.ge [sflag:s10], $0x800  }
0x15e: {  	[sflag:s10] =	ssyncset.done $0x0  }
0x15f: {  	[sflag:s10] =	ssyncadd.s32 $0xFFFFF800  }
0x160: {  	[tilespmem:s13], [sflag:$0x1] =	stream.indirect.gather [hbm4b:s4+s12], $0x80, s3, s12, $0xb8;
	[tilespmem:$0x1D000] =	vst v63  }
0x161: {  	_ =	swait.ge [sflag:s14], $0x4000  }
0x162: {  	[sflag:s14] =	ssyncset.done $0x0  }
0x163: {  	[sflag:s14] =	ssyncadd.s32 $0xFFFFC000  }
0x164: {  	[tilespmem:s15], [sflag:$0x1] =	stream.indirect.gather [hbm4b:s4+s12], $0x80, s12, s12, $0xb8;
	[tilespmem:$0x1D000] =	vst v63  }
0x165: {  	_ = 	snop  }
0x166: {  	[spmem:s2] =	stream.indirect.scatter.add.f32 [tilespmem:s13], [sflag:$0x2], $0x80, s11, s12, $0xb8;
	[tilespmem:$0x1D000] =	vst v63  }
0x167: {  	_ =	swait.ge [sflag:s14], $0x4000  }
0x168: {  	[sflag:s14] =	ssyncset.done $0x0  }
0x169: {  	[sflag:s14] =	ssyncadd.s32 $0xFFFFC000  }
0x16a: {  	_ =	swait.ge [sflag:s16], $0x4000  }
0x16b: {  	[sflag:s16] =	ssyncset.done $0x0  }
0x16c: {  	s9 =	rddreg [dreg:$0x5];
	[sflag:s16] =	ssyncadd.s32 $0xFFFFC000  }
0x16d: {  	[tilespmem:s13], [sflag:$0x1] =	stream.indirect.gather [hbm4b:s4+s12], $0x80, s9, s12, $0xb8;
	[tilespmem:$0x1D000] =	vst v63  }
0x16e: {  	s7 =	rddreg [dreg:$0x6]  }
0x16f: {  	[spmem:s2] =	stream.indirect.scatter.add.f32 [tilespmem:s15], [sflag:$0x3], $0x80, s7, s12, $0xb8;
	[tilespmem:$0x1D000] =	vst v63  }
0x170: {  	_ =	swait.ge [sflag:s14], $0x4000  }
0x171: {  	[sflag:s14] =	ssyncset.done $0x0  }
0x172: {  	[sflag:s14] =	ssyncadd.s32 $0xFFFFC000  }
0x173: {  	_ =	swait.ge [sflag:s17], $0x4000  }
0x174: {  	[sflag:s17] =	ssyncset.done $0x0  }
0x175: {  	s8 =	rddreg [dreg:$0x7];
	[sflag:s17] =	ssyncadd.s32 $0xFFFFC000  }
0x176: {  	[tilespmem:s15], [sflag:$0x1] =	stream.indirect.gather [hbm4b:s4+s12], $0x80, s8, s12, $0xb8;
	[tilespmem:$0x1D000] =	vst v63  }
0x177: {  	s9 =	rddreg [dreg:$0x8]  }
0x178: {  	[spmem:s2] =	stream.indirect.scatter.add.f32 [tilespmem:s13], [sflag:$0x2], $0x80, s9, s12, $0xb8;
	[tilespmem:$0x1D000] =	vst v63  }
0x179: {  	_ =	swait.ge [sflag:s14], $0x4000  }
0x17a: {  	[sflag:s14] =	ssyncset.done $0x0  }
0x17b: {  	[sflag:s14] =	ssyncadd.s32 $0xFFFFC000  }
0x17c: {  	_ =	swait.ge [sflag:s16], $0x4000  }
0x17d: {  	[sflag:s16] =	ssyncset.done $0x0  }
0x17e: {  	s8 =	rddreg [dreg:$0x9];
	[sflag:s16] =	ssyncadd.s32 $0xFFFFC000  }
0x17f: {  	[tilespmem:s13], [sflag:$0x1] =	stream.indirect.gather [hbm4b:s4+s12], $0x80, s8, s12, $0xb8;
	[tilespmem:$0x1D000] =	vst v63  }
0x180: {  	s9 =	rddreg [dreg:$0xa]  }
0x181: {  	[spmem:s2] =	stream.indirect.scatter.add.f32 [tilespmem:s15], [sflag:$0x3], $0x80, s9, s12, $0xb8;
	[tilespmem:$0x1D000] =	vst v63  }
0x182: {  	_ =	swait.ge [sflag:s14], $0x4000  }
0x183: {  	[sflag:s14] =	ssyncset.done $0x0  }
0x184: {  	[sflag:s14] =	ssyncadd.s32 $0xFFFFC000  }
0x185: {  	_ =	swait.ge [sflag:s17], $0x4000  }
0x186: {  	[sflag:s17] =	ssyncset.done $0x0  }
0x187: {  	s8 =	rddreg [dreg:$0xb];
	[sflag:s17] =	ssyncadd.s32 $0xFFFFC000  }
0x188: {  	[tilespmem:s15], [sflag:$0x1] =	stream.indirect.gather [hbm4b:s4+s12], $0x80, s8, s12, $0xb8;
	[tilespmem:$0x1D000] =	vst v63  }
0x189: {  	s9 =	rddreg [dreg:$0xc]  }
0x18a: {  	[spmem:s2] =	stream.indirect.scatter.add.f32 [tilespmem:s13], [sflag:$0x2], $0x80, s9, s12, $0xb8;
	[tilespmem:$0x1D000] =	vst v63  }
0x18b: {  	_ =	swait.ge [sflag:s14], $0x4000  }
0x18c: {  	[sflag:s14] =	ssyncset.done $0x0  }
0x18d: {  	[sflag:s14] =	ssyncadd.s32 $0xFFFFC000  }
0x18e: {  	_ =	swait.ge [sflag:s16], $0x4000  }
0x18f: {  	[sflag:s16] =	ssyncset.done $0x0  }
0x190: {  	s8 =	rddreg [dreg:$0xd];
	[sflag:s16] =	ssyncadd.s32 $0xFFFFC000  }
0x191: {  	[tilespmem:s13], [sflag:$0x1] =	stream.indirect.gather [hbm4b:s4+s12], $0x80, s8, s12, $0xb8;
	[tilespmem:$0x1D000] =	vst v63  }
0x192: {  	s9 =	rddreg [dreg:$0xe]  }
0x193: {  	[spmem:s2] =	stream.indirect.scatter.add.f32 [tilespmem:s15], [sflag:$0x3], $0x80, s9, s12, $0xb8;
	[tilespmem:$0x1D000] =	vst v63  }
0x194: {  	_ =	swait.ge [sflag:s14], $0x4000  }
0x195: {  	[sflag:s14] =	ssyncset.done $0x0  }
0x196: {  	[sflag:s14] =	ssyncadd.s32 $0xFFFFC000  }
0x197: {  	_ =	swait.ge [sflag:s17], $0x4000  }
0x198: {  	[sflag:s17] =	ssyncset.done $0x0  }
0x199: {  	s8 =	rddreg [dreg:$0xf];
	[sflag:s17] =	ssyncadd.s32 $0xFFFFC000  }
0x19a: {  	[tilespmem:s15], [sflag:$0x1] =	stream.indirect.gather [hbm4b:s4+s12], $0x80, s8, s12, $0xb8;
	[tilespmem:$0x1D000] =	vst v63  }
0x19b: {  	s9 =	rddreg [dreg:$0x10]  }
0x19c: {  	[spmem:s2] =	stream.indirect.scatter.add.f32 [tilespmem:s13], [sflag:$0x2], $0x80, s9, s12, $0xb8;
	[tilespmem:$0x1D000] =	vst v63  }
0x19d: {  	_ =	swait.ge [sflag:s14], $0x4000  }
0x19e: {  	[sflag:s14] =	ssyncset.done $0x0  }
0x19f: {  	[sflag:s14] =	ssyncadd.s32 $0xFFFFC000  }
0x1a0: {  	_ =	swait.ge [sflag:s16], $0x4000  }
0x1a1: {  	[sflag:s16] =	ssyncset.done $0x0  }
0x1a2: {  	s8 =	rddreg [dreg:$0x11];
	[sflag:s16] =	ssyncadd.s32 $0xFFFFC000  }
0x1a3: {  	[tilespmem:s13], [sflag:$0x1] =	stream.indirect.gather [hbm4b:s4+s12], $0x80, s8, s12, $0xb8;
	[tilespmem:$0x1D000] =	vst v63  }
0x1a4: {  	_ = 	snop  }
0x1a5: {  	[spmem:s2] =	stream.indirect.scatter.add.f32 [tilespmem:s15], [sflag:$0x3], $0x80, s18, s12, $0xb8;
	[tilespmem:$0x1D000] =	vst v63  }
0x1a6: {  	_ =	swait.ge [sflag:s14], $0x4000  }
0x1a7: {  	[sflag:s14] =	ssyncset.done $0x0  }
0x1a8: {  	[sflag:s14] =	ssyncadd.s32 $0xFFFFC000  }
0x1a9: {  	_ =	swait.ge [sflag:s17], $0x4000  }
0x1aa: {  	[sflag:s17] =	ssyncset.done $0x0  }
0x1ab: {  	[sflag:s17] =	ssyncadd.s32 $0xFFFFC000  }
0x1ac: {  	[tilespmem:s15], [sflag:$0x1] =	stream.indirect.gather [hbm4b:s4+s12], $0x80, s19, s12, $0xb8;
	[tilespmem:$0x1D000] =	vst v63  }
0x1ad: {  	_ = 	snop  }
0x1ae: {  	[spmem:s2] =	stream.indirect.scatter.add.f32 [tilespmem:s13], [sflag:$0x2], $0x80, s20, s12, $0xb8;
	[tilespmem:$0x1D000] =	vst v63  }
0x1af: {  	_ =	swait.ge [sflag:s14], $0x4000  }
0x1b0: {  	[sflag:s14] =	ssyncset.done $0x0  }
0x1b1: {  	[sflag:s14] =	ssyncadd.s32 $0xFFFFC000  }
0x1b2: {  	_ =	swait.ge [sflag:s16], $0x4000  }
0x1b3: {  	[sflag:s16] =	ssyncset.done $0x0  }
0x1b4: {  	[sflag:s16] =	ssyncadd.s32 $0xFFFFC000  }
0x1b5: {  	[tilespmem:s13], [sflag:$0x1] =	stream.indirect.gather [hbm4b:s4+s12], $0x80, s21, s12, $0xb8;
	[tilespmem:$0x1D000] =	vst v63  }
0x1b6: {  	_ = 	snop  }
0x1b7: {  	[spmem:s2] =	stream.indirect.scatter.add.f32 [tilespmem:s15], [sflag:$0x3], $0x80, s22, s12, $0xb8;
	[tilespmem:$0x1D000] =	vst v63  }
0x1b8: {  	_ =	swait.ge [sflag:s14], $0x4000  }
0x1b9: {  	[sflag:s14] =	ssyncset.done $0x0  }
0x1ba: {  	[sflag:s14] =	ssyncadd.s32 $0xFFFFC000  }
0x1bb: {  	_ =	swait.ge [sflag:s17], $0x4000  }
0x1bc: {  	[sflag:s17] =	ssyncset.done $0x0  }
0x1bd: {  	[sflag:s17] =	ssyncadd.s32 $0xFFFFC000  }
0x1be: {  	[tilespmem:s15], [sflag:$0x1] =	stream.indirect.gather [hbm4b:s4+s12], $0x80, s23, s12, $0xb8;
	[tilespmem:$0x1D000] =	vst v63  }
0x1bf: {  	_ = 	snop  }
0x1c0: {  	[spmem:s2] =	stream.indirect.scatter.add.f32 [tilespmem:s13], [sflag:$0x2], $0x80, s24, s12, $0xb8;
	[tilespmem:$0x1D000] =	vst v63  }
0x1c1: {  	_ =	swait.ge [sflag:s14], $0x4000  }
0x1c2: {  	[sflag:s14] =	ssyncset.done $0x0  }
0x1c3: {  	[sflag:s14] =	ssyncadd.s32 $0xFFFFC000  }
0x1c4: {  	_ =	swait.ge [sflag:s16], $0x4000  }
0x1c5: {  	[sflag:s16] =	ssyncset.done $0x0  }
0x1c6: {  	[sflag:s16] =	ssyncadd.s32 $0xFFFFC000  }
0x1c7: {  	[tilespmem:s13], [sflag:$0x1] =	stream.indirect.gather [hbm4b:s4+s12], $0x80, s25, s12, $0xb8;
	[tilespmem:$0x1D000] =	vst v63  }
0x1c8: {  	_ = 	snop  }
0x1c9: {  	[spmem:s2] =	stream.indirect.scatter.add.f32 [tilespmem:s15], [sflag:$0x3], $0x80, s26, s12, $0xb8;
	[tilespmem:$0x1D000] =	vst v63  }
0x1ca: {  	_ =	swait.ge [sflag:s14], $0x4000  }
0x1cb: {  	[sflag:s14] =	ssyncset.done $0x0  }
0x1cc: {  	[sflag:s14] =	ssyncadd.s32 $0xFFFFC000  }
0x1cd: {  	_ =	swait.ge [sflag:s17], $0x4000  }
0x1ce: {  	[sflag:s17] =	ssyncset.done $0x0  }
0x1cf: {  	[sflag:s17] =	ssyncadd.s32 $0xFFFFC000  }
0x1d0: {  	[tilespmem:s15], [sflag:$0x1] =	stream.indirect.gather [hbm4b:s4+s12], $0x80, s28, s12, $0xb8;
	[tilespmem:$0x1D000] =	vst v63  }
0x1d1: {  	_ = 	snop  }
0x1d2: {  	[spmem:s2] =	stream.indirect.scatter.add.f32 [tilespmem:s13], [sflag:$0x2], $0x80, s29, s12, $0xb8;
	[tilespmem:$0x1D000] =	vst v63  }
0x1d3: {  	_ =	swait.ge [sflag:s14], $0x4000  }
0x1d4: {  	[sflag:s14] =	ssyncset.done $0x0  }
0x1d5: {  	[sflag:s14] =	ssyncadd.s32 $0xFFFFC000  }
0x1d6: {  	_ =	swait.ge [sflag:s16], $0x4000  }
0x1d7: {  	[sflag:s16] =	ssyncset.done $0x0  }
0x1d8: {  	[sflag:s16] =	ssyncadd.s32 $0xFFFFC000  }
0x1d9: {  	[tilespmem:s13], [sflag:$0x1] =	stream.indirect.gather [hbm4b:s4+s12], $0x80, s30, s12, $0xb8;
	[tilespmem:$0x1D000] =	vst v63  }
0x1da: {  	_ = 	snop  }
0x1db: {  	[spmem:s2] =	stream.indirect.scatter.add.f32 [tilespmem:s15], [sflag:$0x3], $0x80, s31, s12, $0xb8;
	[tilespmem:$0x1D000] =	vst v63  }
0x1dc: {  	_ =	swait.ge [sflag:s14], $0x4000  }
0x1dd: {  	[sflag:s14] =	ssyncset.done $0x0  }
0x1de: {  	[sflag:s14] =	ssyncadd.s32 $0xFFFFC000  }
0x1df: {  	_ =	swait.ge [sflag:s17], $0x4000  }
0x1e0: {  	[sflag:s17] =	ssyncset.done $0x0  }
0x1e1: {  	[sflag:s17] =	ssyncadd.s32 $0xFFFFC000  }
0x1e2: {  	[tilespmem:s15], [sflag:$0x1] =	stream.indirect.gather [hbm4b:s4+s12], $0x80, s1, s12, $0xb8;
	[tilespmem:$0x1D000] =	vst v63  }
0x1e3: {  	_ = 	snop  }
0x1e4: {  	[spmem:s2] =	stream.indirect.scatter.add.f32 [tilespmem:s13], [sflag:$0x2], $0x80, s0, s12, $0xb8;
	[tilespmem:$0x1D000] =	vst v63  }
0x1e5: {  	_ =	swait.ge [sflag:s14], $0x4000  }
0x1e6: {  	[sflag:s14] =	ssyncset.done $0x0  }
0x1e7: {  	[sflag:s14] =	ssyncadd.s32 $0xFFFFC000  }
0x1e8: {  	_ =	swait.ge [sflag:s16], $0x4000  }
0x1e9: {  	[sflag:s16] =	ssyncset.done $0x0  }
0x1ea: {  	[sflag:s16] =	ssyncadd.s32 $0xFFFFC000  }
0x1eb: {  	[spmem:s2] =	stream.indirect.scatter.add.f32 [tilespmem:s15], [sflag:$0x3], $0x80, s5, s12, $0xb8;
	[tilespmem:$0x1D000] =	vst v63  }
0x1ec: {  	_ =	swait.ge [sflag:s17], $0x4000  }
0x1ed: {  	[sflag:s17] =	ssyncset.done $0x0  }
0x1ee: {  	[sflag:s17] =	ssyncadd.s32 $0xFFFFC000  }
0x1ef: {  	[bflag:$0x0] =	sbarrier.arrive $0xFFFF  }
0x1f0: {  	s7 =	rddreg [dreg:$0x13]  }
0x1f1: {  	s9 =	rddreg [dreg:$0x14]  }
0x1f2: {  	s8 =	rddreg [dreg:$0x16]  }
0x1f3: {  	[hbm:s9], [sflag:s7] =	dma.local [spmem:s8], $0x2800  }
0x1f4: {  	_ =	swait.ge [sflag:s10], $0x2800  }
0x1f5: {  	s6 =	rddreg [dreg:$0x17]  }
0x1f6: {  	s9 =	sadd.s32 $0x1, s6;
	s6 =	rddreg [dreg:$0x15]  }
0x1f7: {  	p0 =	sne.s32 s9, s6  }
.Ltmp1:
0x1f8: {  	_ = 	snop;
	(pc) =	sbr.rel @p0 .LBB2_1-.Ltmp1, $3  }
0x1f9: {  	_ =	sdelay $0x1  }
0x1fa: {  	[sflag:s10] =	ssyncset.done $0x0  }
0x1fb: {  	[sflag:s10] =	ssyncadd.s32 $0xFFFFD800  }
0x1fc: {  	_ =	sfence.sel $0x180000  }
0x1fd: {  	[bflag:$0x0] =	sbarrier.arrive $0xFFFF  }
0x1fe: {  	_ =	strace $0x9000004D  }
0x1ff: {  	s0 =	stileid.u32;
	[bflag:$0x2] =	sbarrier.arrive $0xFFFF  }
0x200: {  	p0 =	sne.s32 s0, $0x0;
	s0 =	rddreg [dreg:$0x2]  }
0x201: {  	s0 =	sadd.s32 @!p0 $0x100000, s0  }
0x202: {  	[sflag:s0] =	ssyncadd.tile.s32 @!p0 $0x1;
	_ =	shalt  }
.Lfunc_end2:
_tile_overlayer_lowered:
.L_overlay_start_2:
0x203: {  	(tag) =	ssettag $0x2  }
0x204: {  	s0 =	rddreg [dreg:$0x0];
	s2 =	stileid.u32  }
0x205: {  	s1 =	rddreg [dreg:$0x1];
	p0 =	sne.s32 s2, $0x0  }
0x206: {  	s3 =	rddreg [dreg:$0x2];
	[bflag:$0x3] =	sbarrier.arrive $0xFFFF;
	s2 =	simm.s32 @!p0 $0x1C04  }
0x207: {  	[timem:s3], [sflag:s2] =	dma.local @!p0 [hbm:s0], s1  }
0x208: {  	s0 =	simm.s32 @!p0 $0x4  }
0x209: {  	_ =	swait.ge @!p0 [sflag:s0], s1  }
0x20a: {  	s1 =	ssub.s32 @!p0 $0x0, s1;
	[sflag:s0] =	ssyncset.done @!p0 $0x0  }
0x20b: {  	[sflag:s0] =	ssyncadd.s32 @!p0 s1  }
0x20c: {  	[bflag:$0x3] =	sbarrier.arrive $0xFFFF  }
0x20d: {  	_ =	shalt  }

// kernel: kernel.24.cloned.1.call-start
scs
__scs_entry_jumppad:
0x0: {  	(pc) =	sbr.rel $0x88, $3  }
0x1: {  	(tag) =	ssettag $0x0;
	lr =	simm.s32 $0x1  }
0x2: {  	[smem:$0x3F94] =	sst lr;
	_ =	strace $0xD0000000  }
0x3: {  	_ = 	snop  }
0x4: {  	_ = 	snop  }
0x5: {  	_ = 	snop  }
0x6: {  	_ = 	snop  }
0x7: {  	_ = 	snop  }
__scs_overlays_trampoline_lowered:
0x8: {  	[smem:$0x3FA3] =	sst s0  }
0x9: {  	[smem:$0x3FA4] =	sst s1  }
0xa: {  	[smem:$0x3FA5] =	sst s2  }
0xb: {  	[smem:$0x3FA6] =	sst s3  }
0xc: {  	[smem:$0x3FA7] =	sst s4  }
0xd: {  	[smem:$0x3FA8] =	sst s5  }
0xe: {  	[smem:$0x3FA9] =	sst s6  }
0xf: {  	[smem:$0x3FAA] =	sst s7  }
0x10: {  	[smem:$0x3FAB] =	sst s8  }
0x11: {  	[smem:$0x3FAC] =	sst s9;
	s0 =	simm.s32 @!p0 $0x0  }
0x12: {  	s1 =	sld [smem:$0x3F92];
	s0 =	simm.s32 @p0 $0x1  }
0x13: {  	[smem:$0x3FAD] =	sst s0;
	s0 =	simm.s32 @!p1 $0x0  }
0x14: {  	s2 =	sld [smem:$0x3F91];
	s0 =	simm.s32 @p1 $0x1  }
0x15: {  	[smem:$0x3FAE] =	sst s0;
	s0 =	simm.s32 @!p2 $0x0  }
0x16: {  	s3 =	sld [smem:$0x3FDB];
	s0 =	simm.s32 @p2 $0x1  }
0x17: {  	s4 =	simm.s32 $0x1BF5;
	[smem:$0x3FB0] =	sst s0  }
0x18: {  	s0 =	sld [smem:$0x3F93];
	_ =	swait.ge [sflag:s4], $0x0  }
0x19: {  	s7 =	sld [smem:$0x3F94]  }
0x1a: {  	s8 =	sadd.s32 $0xFFFFE003, lr  }
0x1b: {  	s9 =	sadd.s32 $0xFFFFFEF7, lr;
	s5 =	simm.s32 $0xFFFFFFFF;
	p2 =	slt.u32 s8, $0xFFFFF086  }
0x1c: {  	p1 =	slt.u32 s9, $0xF7A;
	s5 =	simm.s32 @!p2 $0x0  }
0x1d: {  	s5 =	simm.s32 @p1 $0x1;
	p0 =	seq.s32 s7, s2  }
0x1e: {  	s7 =	smul.u32 @!p0 $0xF7A, s2;
	p2 =	seq.s32 @!p0 s5, $0x0  }
0x1f: {  	s9 =	smul.u32 $0xF7A, s1;
	s8 =	simm.s32 @!p0 $0x1BF5;
	p2 =	por !p2, p0  }
0x20: {  	[sflag:s8] =	ssyncset.s32 @!p0 $0xFFFFF086;
	s6 =	sadd.s32 @!p0 s3, s7;
	s7 =	simm.s32 @!p0 $0x108  }
0x21: {  	s3 =	sadd.s32 s3, s9;
	s6 =	sadd.s32 @!p0 $0x88, s6;
	s7 =	simm.s32 @p2 $0x1082  }
0x22: {  	[simem:s7], [sflag:s8] =	dma.local @!p0 [hbm:s6], $0xF7A  }
0x23: {  	s9 =	sor.u32 $0xD0000000, s2;
	s6 =	simm.s32 $0x108;
	_ =	swait.ge @!p0 [sflag:s8], $0x0  }
0x24: {  	s3 =	sadd.s32 $0x88, s3;
	s6 =	simm.s32 @!p1 $0x1082;
	[sflag:s4] =	ssyncset.s32 $0xFFFFF086  }
0x25: {  	[simem:s6], [sflag:s4] =	dma.local [hbm:s3], $0xF7A  }
0x26: {  	[smem:$0x3F94] =	sst s1;
	(tag) =	ssettag s2;
	_ =	strace s9  }
0x27: {  	s1 =	sld [smem:$0x3FA4]  }
0x28: {  	s2 =	sld [smem:$0x3FA5]  }
0x29: {  	s4 =	sld [smem:$0x3FA7]  }
0x2a: {  	p0 =	seq.s32 s5, $0x0;
	s5 =	sld [smem:$0x3FA8]  }
0x2b: {  	s6 =	sld [smem:$0x3FA9]  }
0x2c: {  	s7 =	sld [smem:$0x3FAA]  }
0x2d: {  	s3 =	simm.s32 $0x108;
	s8 =	sld [smem:$0x3FAB]  }
0x2e: {  	s3 =	simm.s32 @!p0 $0x1082;
	s9 =	sld [smem:$0x3FAC]  }
0x2f: {  	lr =	sadd.s32 s0, s3;
	s0 =	sld [smem:$0x3FA3]  }
0x30: {  	s3 =	sld [smem:$0x3FA6]  }
0x31: {  	[smem:$0x3FAF] =	sst s10  }
0x32: {  	s10 =	sld [smem:$0x3FAD];
	_ =	sdelay $0x3  }
0x33: {  	p0 =	seq.s32 s10, $0x1;
	s10 =	sld [smem:$0x3FAF];
	_ =	sdelay $0x3  }
0x34: {  	[smem:$0x3FAF] =	sst s10  }
0x35: {  	s10 =	sld [smem:$0x3FAE];
	_ =	sdelay $0x3  }
0x36: {  	p1 =	seq.s32 s10, $0x1;
	s10 =	sld [smem:$0x3FAF];
	_ =	sdelay $0x3  }
0x37: {  	[smem:$0x3FAF] =	sst s10  }
0x38: {  	s10 =	sld [smem:$0x3FB0]  }
0x39: {  	_ = 	snop;
	(pc) =	sbr.ind lr, $3  }
0x3a: {  	_ = 	snop  }
0x3b: {  	_ = 	snop  }
0x3c: {  	p2 =	seq.s32 s10, $0x1;
	s10 =	sld [smem:$0x3FAF]  }
0x3d: {  	_ =	shalt  }
0x3e: {  	_ =	shalt  }
0x3f: {  	_ =	shalt  }
0x40: {  	_ =	shalt  }
0x41: {  	_ =	shalt  }
0x42: {  	_ =	shalt  }
0x43: {  	_ =	shalt  }
0x44: {  	_ =	shalt  }
0x45: {  	_ =	shalt  }
0x46: {  	_ =	shalt  }
0x47: {  	_ =	shalt  }
0x48: {  	_ =	shalt  }
0x49: {  	_ =	shalt  }
0x4a: {  	_ =	shalt  }
0x4b: {  	_ =	shalt  }
0x4c: {  	_ =	shalt  }
0x4d: {  	_ =	shalt  }
0x4e: {  	_ =	shalt  }
0x4f: {  	_ =	shalt  }
0x50: {  	_ =	shalt  }
0x51: {  	_ =	shalt  }
0x52: {  	_ =	shalt  }
0x53: {  	_ =	shalt  }
0x54: {  	_ =	shalt  }
0x55: {  	_ =	shalt  }
0x56: {  	_ =	shalt  }
0x57: {  	_ =	shalt  }
0x58: {  	_ =	shalt  }
0x59: {  	_ =	shalt  }
0x5a: {  	_ =	shalt  }
0x5b: {  	_ =	shalt  }
0x5c: {  	_ =	shalt  }
0x5d: {  	_ =	shalt  }
0x5e: {  	_ =	shalt  }
0x5f: {  	_ =	shalt  }
0x60: {  	_ =	shalt  }
0x61: {  	_ =	shalt  }
0x62: {  	_ =	shalt  }
0x63: {  	_ =	shalt  }
0x64: {  	_ =	shalt  }
0x65: {  	_ =	shalt  }
0x66: {  	_ =	shalt  }
0x67: {  	_ =	shalt  }
0x68: {  	_ =	shalt  }
0x69: {  	_ =	shalt  }
0x6a: {  	_ =	shalt  }
0x6b: {  	_ =	shalt  }
0x6c: {  	_ =	shalt  }
0x6d: {  	_ =	shalt  }
0x6e: {  	_ =	shalt  }
0x6f: {  	_ =	shalt  }
0x70: {  	_ =	shalt  }
0x71: {  	_ =	shalt  }
0x72: {  	_ =	shalt  }
0x73: {  	_ =	shalt  }
0x74: {  	_ =	shalt  }
0x75: {  	_ =	shalt  }
0x76: {  	_ =	shalt  }
0x77: {  	_ =	shalt  }
0x78: {  	_ =	shalt  }
0x79: {  	_ =	shalt  }
0x7a: {  	_ =	shalt  }
0x7b: {  	_ =	shalt  }
0x7c: {  	_ =	shalt  }
0x7d: {  	_ =	shalt  }
0x7e: {  	_ =	shalt  }
0x7f: {  	_ =	shalt  }
0x80: {  	_ =	shalt  }
0x81: {  	_ =	shalt  }
0x82: {  	_ =	shalt  }
0x83: {  	_ =	shalt  }
0x84: {  	_ =	shalt  }
0x85: {  	_ =	shalt  }
0x86: {  	_ =	shalt  }
0x87: {  	_ =	shalt  }
.Lfunc_end0:
.L_simem_size_0:
called_computation.3_lowered:
.L_overlay_start_0:
0x88: {  	s2 =	sld [smem:$0x3FD9]  }
0x89: {  	s3 =	sld [smem:$0x3FFE];
	_ =	sdelay $0x1  }
0x8a: {  	s1 =	srdreg.scid  }
0x8b: {  	s0 =	sand.u32 $0x1, s1  }
0x8c: {  	s16 =	sshll.u32 s0, $0xA;
	s2 =	sadd.s32 s3, s2  }
0x8d: {  	s2 =	sadd.s32 s2, s16  }
0x8e: {  	[smem:$0x3FBB] =	sst s2  }
0x8f: {  	_ = 	snop  }
0x90: {  	(tm) =	ssettm $0x1  }
0x91: {  	s17 =	sld [smem:$0x3FFB];
	_ =	sdelay $0x3  }
0x92: {  	_ =	strace s17  }
0x93: {  	s2 =	sld [smem:$0x3FFC];
	_ =	sdelay $0x3  }
0x94: {  	_ =	strace s2  }
0x95: {  	s2 =	sld [smem:$0x3FFD];
	_ =	sdelay $0x3  }
0x96: {  	_ =	strace s2  }
0x97: {  	_ =	strace $0x8FFFFFFF  }
0x98: {  	s18 =	sld [smem:$0x3FDB];
	_ =	sdelay $0x1  }
0x99: {  	s19 =	simm.s32 $_scs_section_size  }
0x9a: {  	s4 =	simm.s32 $_size__tile_overlayer_lowered;
	s5 =	simm.s32 $_tile_overlayer_lowered  }
0x9b: {  	s22 =	simm.s32 $0x1BFF;
	s21 =	sshll.u32 s5, $0x1;
	s2 =	sadd.s32 s19, s18  }
0x9c: {  	s6 =	simm.s32 $0x0;
	s20 =	sshll.u32 s4, $0x1;
	s4 =	sadd.s32 s21, s2  }
0x9d: {  	[timem:s6], [sflag:s22] =	dma.local [hbm:s4], s20  }
0x9e: {  	_ =	swait.ge [sflag:s22], s20  }
0x9f: {  	s3 =	ssub.s32 $0x0, s20;
	[sflag:s22] =	ssyncset.done $0x0  }
0xa0: {  	[sflag:s22] =	ssyncadd.s32 s3;
	_ =	sdelay $0x1  }
0xa1: {  	s23 =	simm.s32 $0x1B8B  }
0xa2: {  	_ =	swait.ge [sflag:s23], $0x1  }
0xa3: {  	[sflag:s23] =	ssyncset.done $0x0  }
0xa4: {  	s25 =	simm.s32 $0x1B8E;
	s24 =	sld [smem:$0x3FFE];
	[sflag:s23] =	ssyncadd.s32 $0xFFFFFFFF  }
0xa5: {  	s26 =	simm.s32 $execute0_lowered;
	[smem:$0x3FD2] =	sst s25  }
0xa6: {  	s4 =	sshll.u32 s26, $0x1;
	_ =	strace $0x8000004F;
	[dreg:$0x1] =	wrdreg $0xFFFFFFFF  }
0xa7: {  	s28 =	simm.s32 $_size_execute0_lowered;
	s2 =	sadd.s32 s2, s4;
	[dreg:$0x0] =	wrdreg $0x0  }
0xa8: {  	s4 =	sshll.u32 s28, $0x1;
	[dreg:$0x2] =	wrdreg s2  }
0xa9: {  	[dreg:$0x3] =	wrdreg s4  }
0xaa: {  	[dreg:$0x4] =	wrdreg $0xC0  }
0xab: {  	_ =	task [dreg:s6], $0x5FFFF  }
0xac: {  	[dreg:$0x1] =	wrdreg $0xFFFFFFFF  }
0xad: {  	[dreg:$0x0] =	wrdreg $0x60  }
0xae: {  	[dreg:$0x2] =	wrdreg s24  }
0xaf: {  	[dreg:$0x3] =	wrdreg $0x90000  }
0xb0: {  	[dreg:$0x4] =	wrdreg $0x9  }
0xb1: {  	_ =	task.clear_ibuf [dreg:s6], $0x5FFFF;
	_ =	strace $0x9000004F  }
0xb2: {  	s29 =	simm.s32 $0x9;
	_ =	strace $0x80000051  }
0xb3: {  	_ =	swait.ge [sflag:s29], $0x1  }
0xb4: {  	[sflag:s29] =	ssyncadd.s32 $0xFFFFFFFF  }
0xb5: {  	_ =	strace $0x90000051  }
0xb6: {  	_ =	sfence  }
0xb7: {  	s30 =	sld [smem:$0x0];
	_ =	sdelay $0x2  }
0xb8: {  	s31 =	sshll.u32 s1, $0xD;
	s1 =	sshrl.u32 s1, $0x2  }
0xb9: {  	s3 =	sand.u32 $0x4000, s31;
	s1 =	sadd.s32 s1, s30  }
0xba: {  	s0 =	sor.u32 s3, s0;
	s1 =	sshll.u32 s1, $0x11  }
0xbb: {  	s0 =	sor.u32 s1, s0  }
0xbc: {  	s0 =	sadd.s32 $0x8F2B, s0  }
0xbd: {  	[sflag:s0] =	ssyncadd.remote.s32 $0x1  }
0xbe: {  	_ =	sfence.sel $0xFFFF  }
0xbf: {  	[dreg:$0x0] =	wrdreg $0xFFFFFFFF;
	(pc) =	sbr.abs _section_cstart, $3  }
0xc0: {  	[dreg:$0x1] =	wrdreg $0xFFFFFFFF  }
0xc1: {  	_ =	task.clear_ibuf [dreg:s6], $0x2FFFF;
	_ =	strace $0x9FFFFFFF  }
0xc2: {  	(tm) =	ssettm $0x7FFFFFFF  }
0xc3: {  	_ =	shalt  }
tec
execute0_lowered:
.L_overlay_start_1:
0x0: {  	(tag) =	ssettag $0x1  }
0x1: {  	s0 =	srdreg.scid  }
0x2: {  	s1 =	rddreg [dreg:$0x0];
	s9 =	stileid.u32  }
0x3: {  	s2 =	rddreg [dreg:$0x1];
	s3 =	simm.s32 $0x0;
	s14 =	simm.s32 $0x100  }
0x4: {  	s15 =	simm.s32 $0x880;
	s16 =	simm.s32 $0x180;
	s17 =	simm.s32 $0x900  }
0x5: {  	s18 =	simm.s32 $0x200;
	s19 =	simm.s32 $0x980;
	[smem:$0x7FF] =	sst s3  }
0x6: {  	s20 =	simm.s32 $0x280;
	_ =	strace $0x80000050;
	[dreg:$0x5] =	wrdreg s14  }
0x7: {  	s21 =	simm.s32 $0xA00;
	s22 =	simm.s32 $0x300;
	[dreg:$0x6] =	wrdreg s15  }
0x8: {  	s23 =	simm.s32 $0xA80;
	s24 =	simm.s32 $0x380;
	[dreg:$0x7] =	wrdreg s16  }
0x9: {  	s28 =	simm.s32 $0x680;
	s29 =	simm.s32 $0xE00;
	[dreg:$0x8] =	wrdreg s17  }
0xa: {  	s30 =	simm.s32 $0x700;
	s5 =	smul.u32 $0x2800, s9;
	[dreg:$0x9] =	wrdreg s18  }
0xb: {  	s31 =	simm.s32 $0xE80;
	s25 =	smul.u32 $0x14000, s9;
	[dreg:$0xa] =	wrdreg s19  }
0xc: {  	s0 =	sand.u32 $0x1, s0;
	s26 =	smul.u32 $0x50000, s9;
	[dreg:$0xb] =	wrdreg s20  }
0xd: {  	s13 =	sshll.u32 s9, $0x6;
	s4 =	smul.u32 $0x28000, s0;
	[dreg:$0xc] =	wrdreg s21  }
0xe: {  	s9 =	simm.s32 $0x0;
	s7 =	smul.u32 $0x140000, s0;
	[dreg:$0xd] =	wrdreg s22  }
0xf: {  	s0 =	ssub.s32 $0x2, s0;
	s14 =	simm.s32 $0x1;
	[dreg:$0xe] =	wrdreg s23  }
0x10: {  	s15 =	simm.s32 $0x5000;
	s16 =	simm.s32 $0x2;
	[dreg:$0xf] =	wrdreg s24  }
0x11: {  	s17 =	simm.s32 $0x3;
	s18 =	simm.s32 $0xB80;
	s19 =	simm.s32 $0x480  }
0x12: {  	s20 =	simm.s32 $0xC00;
	s21 =	simm.s32 $0x500;
	s22 =	simm.s32 $0xC80  }
0x13: {  	s23 =	simm.s32 $0x580;
	s24 =	simm.s32 $0xD00;
	s8 =	sshrl.u32 s25, $0x3  }
0x14: {  	s10 =	sshrl.u32 s0, $0x1;
	s4 =	sadd.s32 s5, s4;
	s5 =	sadd.s32 s25, s7  }
0x15: {  	s8 =	sadd.s32 s8, s1;
	s7 =	sshrl.u32 s26, $0x2;
	s0 =	ssub.s32 s0, s10  }
0x16: {  	s10 =	simm.s32 $0x4;
	s25 =	simm.s32 $0xB00;
	s26 =	simm.s32 $0x400  }
0x17: {  	s6 =	sshrl.u32 s4, $0x3;
	s4 =	sadd.s32 $0x2D600, s1;
	s5 =	sshrl.u32 s5, $0x3  }
0x18: {  	s11 =	sadd.s32 s7, s2;
	s8 =	sadd.s32 $0x5600, s8;
	[dreg:$0x10] =	wrdreg s25  }
0x19: {  	s7 =	sor.u32 $0x1C04, s13;
	s0 =	smax.u32 s0, $0x1;
	[dreg:$0x11] =	wrdreg s26  }
0x1a: {  	s13 =	simm.s32 $0x1000;
	s25 =	simm.s32 $0x600;
	[dreg:$0x12] =	wrdreg s8  }
0x1b: {  	s26 =	simm.s32 $0xD80;
	s6 =	sadd.s32 s6, s1;
	[dreg:$0x15] =	wrdreg s0  }
0x1c: {  	s1 =	sadd.s32 s5, s1;
	s8 =	sshrl.u32 s11, $0x3;
	[dreg:$0x13] =	wrdreg s7  }
0x1d: {  	s11 =	simm.s32 $0x800;
	s12 =	sadd.s32 $0x87E00, s6;
	[dreg:$0x16] =	wrdreg s8  }
0x1e: {  	s0 =	simm.s32 $0xF00;
	s6 =	sadd.s32 $0x7DE00, s6;
	[dreg:$0x3] =	wrdreg s12  }
0x1f: {  	s5 =	simm.s32 $0xF80;
	s1 =	sadd.s32 $0x91E00, s1;
	[dreg:$0x4] =	wrdreg s6  }
0x20: {  	[dreg:$0x14] =	wrdreg s1;
	s12 =	simm.s32 $0x80;
	s1 =	simm.s32 $0x780  }
.LBB2_1:
0x21: {  	[dreg:$0x17] =	wrdreg s9  }
0x22: {  	s6 =	rddreg [dreg:$0x12]  }
0x23: {  	[spmem:s8], [sflag:s7] =	dma.local [hbm:s6], $0x2800  }
0x24: {  	_ =	swait.ge [sflag:s10], $0x2800  }
0x25: {  	[sflag:s10] =	ssyncset.done $0x0  }
0x26: {  	[sflag:s10] =	ssyncadd.s32 $0xFFFFD800  }
0x27: {  	[bflag:$0x0] =	sbarrier.arrive $0xFFFF  }
0x28: {  	s7 =	rddreg [dreg:$0x4]  }
0x29: {  	s6 =	sadd.s32 $0x0, s7  }
0x2a: {  	[tilespmem:s3], [sflag:$0x4] =	stream.linear.gather [hbm4b:s6+s3], $0x800, $0x38;
	[tilespmem:$0x1D000] =	vst v63  }
0x2b: {  	_ =	swait.ge [sflag:s10], $0x800  }
0x2c: {  	s8 =	rddreg [dreg:$0x3];
	[sflag:s10] =	ssyncset.done $0x0  }
0x2d: {  	[sflag:s10] =	ssyncadd.s32 $0xFFFFF800;
	s6 =	sadd.s32 $0x0, s8  }
0x2e: {  	[tilespmem:s11], [sflag:$0x4] =	stream.linear.gather [hbm4b:s6+s3], $0x800, $0x38;
	[tilespmem:$0x1D000] =	vst v63  }
0x2f: {  	_ =	swait.ge [sflag:s10], $0x800  }
0x30: {  	[sflag:s10] =	ssyncset.done $0x0  }
0x31: {  	[sflag:s10] =	ssyncadd.s32 $0xFFFFF800  }
0x32: {  	[tilespmem:s13], [sflag:$0x1] =	stream.indirect.gather [hbm4b:s4+s12], $0x80, s3, s12, $0xb8;
	[tilespmem:$0x1D000] =	vst v63  }
0x33: {  	_ =	swait.ge [sflag:s14], $0x4000  }
0x34: {  	[sflag:s14] =	ssyncset.done $0x0  }
0x35: {  	[sflag:s14] =	ssyncadd.s32 $0xFFFFC000  }
0x36: {  	[tilespmem:s15], [sflag:$0x1] =	stream.indirect.gather [hbm4b:s4+s12], $0x80, s12, s12, $0xb8;
	[tilespmem:$0x1D000] =	vst v63  }
0x37: {  	_ = 	snop  }
0x38: {  	[spmem:s2] =	stream.indirect.scatter.add.f32 [tilespmem:s13], [sflag:$0x2], $0x80, s11, s12, $0xb8;
	[tilespmem:$0x1D000] =	vst v63  }
0x39: {  	_ =	swait.ge [sflag:s14], $0x4000  }
0x3a: {  	[sflag:s14] =	ssyncset.done $0x0  }
0x3b: {  	[sflag:s14] =	ssyncadd.s32 $0xFFFFC000  }
0x3c: {  	_ =	swait.ge [sflag:s16], $0x4000  }
0x3d: {  	[sflag:s16] =	ssyncset.done $0x0  }
0x3e: {  	s9 =	rddreg [dreg:$0x5];
	[sflag:s16] =	ssyncadd.s32 $0xFFFFC000  }
0x3f: {  	[tilespmem:s13], [sflag:$0x1] =	stream.indirect.gather [hbm4b:s4+s12], $0x80, s9, s12, $0xb8;
	[tilespmem:$0x1D000] =	vst v63  }
0x40: {  	s7 =	rddreg [dreg:$0x6]  }
0x41: {  	[spmem:s2] =	stream.indirect.scatter.add.f32 [tilespmem:s15], [sflag:$0x3], $0x80, s7, s12, $0xb8;
	[tilespmem:$0x1D000] =	vst v63  }
0x42: {  	_ =	swait.ge [sflag:s14], $0x4000  }
0x43: {  	[sflag:s14] =	ssyncset.done $0x0  }
0x44: {  	[sflag:s14] =	ssyncadd.s32 $0xFFFFC000  }
0x45: {  	_ =	swait.ge [sflag:s17], $0x4000  }
0x46: {  	[sflag:s17] =	ssyncset.done $0x0  }
0x47: {  	s9 =	rddreg [dreg:$0x7];
	[sflag:s17] =	ssyncadd.s32 $0xFFFFC000  }
0x48: {  	[tilespmem:s15], [sflag:$0x1] =	stream.indirect.gather [hbm4b:s4+s12], $0x80, s9, s12, $0xb8;
	[tilespmem:$0x1D000] =	vst v63  }
0x49: {  	s7 =	rddreg [dreg:$0x8]  }
0x4a: {  	[spmem:s2] =	stream.indirect.scatter.add.f32 [tilespmem:s13], [sflag:$0x2], $0x80, s7, s12, $0xb8;
	[tilespmem:$0x1D000] =	vst v63  }
0x4b: {  	_ =	swait.ge [sflag:s14], $0x4000  }
0x4c: {  	[sflag:s14] =	ssyncset.done $0x0  }
0x4d: {  	[sflag:s14] =	ssyncadd.s32 $0xFFFFC000  }
0x4e: {  	_ =	swait.ge [sflag:s16], $0x4000  }
0x4f: {  	[sflag:s16] =	ssyncset.done $0x0  }
0x50: {  	s9 =	rddreg [dreg:$0x9];
	[sflag:s16] =	ssyncadd.s32 $0xFFFFC000  }
0x51: {  	[tilespmem:s13], [sflag:$0x1] =	stream.indirect.gather [hbm4b:s4+s12], $0x80, s9, s12, $0xb8;
	[tilespmem:$0x1D000] =	vst v63  }
0x52: {  	s7 =	rddreg [dreg:$0xa]  }
0x53: {  	[spmem:s2] =	stream.indirect.scatter.add.f32 [tilespmem:s15], [sflag:$0x3], $0x80, s7, s12, $0xb8;
	[tilespmem:$0x1D000] =	vst v63  }
0x54: {  	_ =	swait.ge [sflag:s14], $0x4000  }
0x55: {  	[sflag:s14] =	ssyncset.done $0x0  }
0x56: {  	[sflag:s14] =	ssyncadd.s32 $0xFFFFC000  }
0x57: {  	_ =	swait.ge [sflag:s17], $0x4000  }
0x58: {  	[sflag:s17] =	ssyncset.done $0x0  }
0x59: {  	s9 =	rddreg [dreg:$0xb];
	[sflag:s17] =	ssyncadd.s32 $0xFFFFC000  }
0x5a: {  	[tilespmem:s15], [sflag:$0x1] =	stream.indirect.gather [hbm4b:s4+s12], $0x80, s9, s12, $0xb8;
	[tilespmem:$0x1D000] =	vst v63  }
0x5b: {  	s7 =	rddreg [dreg:$0xc]  }
0x5c: {  	[spmem:s2] =	stream.indirect.scatter.add.f32 [tilespmem:s13], [sflag:$0x2], $0x80, s7, s12, $0xb8;
	[tilespmem:$0x1D000] =	vst v63  }
0x5d: {  	_ =	swait.ge [sflag:s14], $0x4000  }
0x5e: {  	[sflag:s14] =	ssyncset.done $0x0  }
0x5f: {  	[sflag:s14] =	ssyncadd.s32 $0xFFFFC000  }
0x60: {  	_ =	swait.ge [sflag:s16], $0x4000  }
0x61: {  	[sflag:s16] =	ssyncset.done $0x0  }
0x62: {  	s9 =	rddreg [dreg:$0xd];
	[sflag:s16] =	ssyncadd.s32 $0xFFFFC000  }
0x63: {  	[tilespmem:s13], [sflag:$0x1] =	stream.indirect.gather [hbm4b:s4+s12], $0x80, s9, s12, $0xb8;
	[tilespmem:$0x1D000] =	vst v63  }
0x64: {  	s7 =	rddreg [dreg:$0xe]  }
0x65: {  	[spmem:s2] =	stream.indirect.scatter.add.f32 [tilespmem:s15], [sflag:$0x3], $0x80, s7, s12, $0xb8;
	[tilespmem:$0x1D000] =	vst v63  }
0x66: {  	_ =	swait.ge [sflag:s14], $0x4000  }
0x67: {  	[sflag:s14] =	ssyncset.done $0x0  }
0x68: {  	[sflag:s14] =	ssyncadd.s32 $0xFFFFC000  }
0x69: {  	_ =	swait.ge [sflag:s17], $0x4000  }
0x6a: {  	[sflag:s17] =	ssyncset.done $0x0  }
0x6b: {  	s9 =	rddreg [dreg:$0xf];
	[sflag:s17] =	ssyncadd.s32 $0xFFFFC000  }
0x6c: {  	[tilespmem:s15], [sflag:$0x1] =	stream.indirect.gather [hbm4b:s4+s12], $0x80, s9, s12, $0xb8;
	[tilespmem:$0x1D000] =	vst v63  }
0x6d: {  	s7 =	rddreg [dreg:$0x10]  }
0x6e: {  	[spmem:s2] =	stream.indirect.scatter.add.f32 [tilespmem:s13], [sflag:$0x2], $0x80, s7, s12, $0xb8;
	[tilespmem:$0x1D000] =	vst v63  }
0x6f: {  	_ =	swait.ge [sflag:s14], $0x4000  }
0x70: {  	[sflag:s14] =	ssyncset.done $0x0  }
0x71: {  	[sflag:s14] =	ssyncadd.s32 $0xFFFFC000  }
0x72: {  	_ =	swait.ge [sflag:s16], $0x4000  }
0x73: {  	[sflag:s16] =	ssyncset.done $0x0  }
0x74: {  	s9 =	rddreg [dreg:$0x11];
	[sflag:s16] =	ssyncadd.s32 $0xFFFFC000  }
0x75: {  	[tilespmem:s13], [sflag:$0x1] =	stream.indirect.gather [hbm4b:s4+s12], $0x80, s9, s12, $0xb8;
	[tilespmem:$0x1D000] =	vst v63  }
0x76: {  	_ = 	snop  }
0x77: {  	[spmem:s2] =	stream.indirect.scatter.add.f32 [tilespmem:s15], [sflag:$0x3], $0x80, s18, s12, $0xb8;
	[tilespmem:$0x1D000] =	vst v63  }
0x78: {  	_ =	swait.ge [sflag:s14], $0x4000  }
0x79: {  	[sflag:s14] =	ssyncset.done $0x0  }
0x7a: {  	[sflag:s14] =	ssyncadd.s32 $0xFFFFC000  }
0x7b: {  	_ =	swait.ge [sflag:s17], $0x4000  }
0x7c: {  	[sflag:s17] =	ssyncset.done $0x0  }
0x7d: {  	[sflag:s17] =	ssyncadd.s32 $0xFFFFC000  }
0x7e: {  	[tilespmem:s15], [sflag:$0x1] =	stream.indirect.gather [hbm4b:s4+s12], $0x80, s19, s12, $0xb8;
	[tilespmem:$0x1D000] =	vst v63  }
0x7f: {  	_ = 	snop  }
0x80: {  	[spmem:s2] =	stream.indirect.scatter.add.f32 [tilespmem:s13], [sflag:$0x2], $0x80, s20, s12, $0xb8;
	[tilespmem:$0x1D000] =	vst v63  }
0x81: {  	_ =	swait.ge [sflag:s14], $0x4000  }
0x82: {  	[sflag:s14] =	ssyncset.done $0x0  }
0x83: {  	[sflag:s14] =	ssyncadd.s32 $0xFFFFC000  }
0x84: {  	_ =	swait.ge [sflag:s16], $0x4000  }
0x85: {  	[sflag:s16] =	ssyncset.done $0x0  }
0x86: {  	[sflag:s16] =	ssyncadd.s32 $0xFFFFC000  }
0x87: {  	[tilespmem:s13], [sflag:$0x1] =	stream.indirect.gather [hbm4b:s4+s12], $0x80, s21, s12, $0xb8;
	[tilespmem:$0x1D000] =	vst v63  }
0x88: {  	_ = 	snop  }
0x89: {  	[spmem:s2] =	stream.indirect.scatter.add.f32 [tilespmem:s15], [sflag:$0x3], $0x80, s22, s12, $0xb8;
	[tilespmem:$0x1D000] =	vst v63  }
0x8a: {  	_ =	swait.ge [sflag:s14], $0x4000  }
0x8b: {  	[sflag:s14] =	ssyncset.done $0x0  }
0x8c: {  	[sflag:s14] =	ssyncadd.s32 $0xFFFFC000  }
0x8d: {  	_ =	swait.ge [sflag:s17], $0x4000  }
0x8e: {  	[sflag:s17] =	ssyncset.done $0x0  }
0x8f: {  	[sflag:s17] =	ssyncadd.s32 $0xFFFFC000  }
0x90: {  	[tilespmem:s15], [sflag:$0x1] =	stream.indirect.gather [hbm4b:s4+s12], $0x80, s23, s12, $0xb8;
	[tilespmem:$0x1D000] =	vst v63  }
0x91: {  	_ = 	snop  }
0x92: {  	[spmem:s2] =	stream.indirect.scatter.add.f32 [tilespmem:s13], [sflag:$0x2], $0x80, s24, s12, $0xb8;
	[tilespmem:$0x1D000] =	vst v63  }
0x93: {  	_ =	swait.ge [sflag:s14], $0x4000  }
0x94: {  	[sflag:s14] =	ssyncset.done $0x0  }
0x95: {  	[sflag:s14] =	ssyncadd.s32 $0xFFFFC000  }
0x96: {  	_ =	swait.ge [sflag:s16], $0x4000  }
0x97: {  	[sflag:s16] =	ssyncset.done $0x0  }
0x98: {  	[sflag:s16] =	ssyncadd.s32 $0xFFFFC000  }
0x99: {  	[tilespmem:s13], [sflag:$0x1] =	stream.indirect.gather [hbm4b:s4+s12], $0x80, s25, s12, $0xb8;
	[tilespmem:$0x1D000] =	vst v63  }
0x9a: {  	_ = 	snop  }
0x9b: {  	[spmem:s2] =	stream.indirect.scatter.add.f32 [tilespmem:s15], [sflag:$0x3], $0x80, s26, s12, $0xb8;
	[tilespmem:$0x1D000] =	vst v63  }
0x9c: {  	_ =	swait.ge [sflag:s14], $0x4000  }
0x9d: {  	[sflag:s14] =	ssyncset.done $0x0  }
0x9e: {  	[sflag:s14] =	ssyncadd.s32 $0xFFFFC000  }
0x9f: {  	_ =	swait.ge [sflag:s17], $0x4000  }
0xa0: {  	[sflag:s17] =	ssyncset.done $0x0  }
0xa1: {  	[sflag:s17] =	ssyncadd.s32 $0xFFFFC000  }
0xa2: {  	[tilespmem:s15], [sflag:$0x1] =	stream.indirect.gather [hbm4b:s4+s12], $0x80, s28, s12, $0xb8;
	[tilespmem:$0x1D000] =	vst v63  }
0xa3: {  	_ = 	snop  }
0xa4: {  	[spmem:s2] =	stream.indirect.scatter.add.f32 [tilespmem:s13], [sflag:$0x2], $0x80, s29, s12, $0xb8;
	[tilespmem:$0x1D000] =	vst v63  }
0xa5: {  	_ =	swait.ge [sflag:s14], $0x4000  }
0xa6: {  	[sflag:s14] =	ssyncset.done $0x0  }
0xa7: {  	[sflag:s14] =	ssyncadd.s32 $0xFFFFC000  }
0xa8: {  	_ =	swait.ge [sflag:s16], $0x4000  }
0xa9: {  	[sflag:s16] =	ssyncset.done $0x0  }
0xaa: {  	[sflag:s16] =	ssyncadd.s32 $0xFFFFC000  }
0xab: {  	[tilespmem:s13], [sflag:$0x1] =	stream.indirect.gather [hbm4b:s4+s12], $0x80, s30, s12, $0xb8;
	[tilespmem:$0x1D000] =	vst v63  }
0xac: {  	_ = 	snop  }
0xad: {  	[spmem:s2] =	stream.indirect.scatter.add.f32 [tilespmem:s15], [sflag:$0x3], $0x80, s31, s12, $0xb8;
	[tilespmem:$0x1D000] =	vst v63  }
0xae: {  	_ =	swait.ge [sflag:s14], $0x4000  }
0xaf: {  	[sflag:s14] =	ssyncset.done $0x0  }
0xb0: {  	[sflag:s14] =	ssyncadd.s32 $0xFFFFC000  }
0xb1: {  	_ =	swait.ge [sflag:s17], $0x4000  }
0xb2: {  	[sflag:s17] =	ssyncset.done $0x0  }
0xb3: {  	[sflag:s17] =	ssyncadd.s32 $0xFFFFC000  }
0xb4: {  	[tilespmem:s15], [sflag:$0x1] =	stream.indirect.gather [hbm4b:s4+s12], $0x80, s1, s12, $0xb8;
	[tilespmem:$0x1D000] =	vst v63  }
0xb5: {  	_ = 	snop  }
0xb6: {  	[spmem:s2] =	stream.indirect.scatter.add.f32 [tilespmem:s13], [sflag:$0x2], $0x80, s0, s12, $0xb8;
	[tilespmem:$0x1D000] =	vst v63  }
0xb7: {  	_ =	swait.ge [sflag:s14], $0x4000  }
0xb8: {  	[sflag:s14] =	ssyncset.done $0x0  }
0xb9: {  	[sflag:s14] =	ssyncadd.s32 $0xFFFFC000  }
0xba: {  	_ =	swait.ge [sflag:s16], $0x4000  }
0xbb: {  	[sflag:s16] =	ssyncset.done $0x0  }
0xbc: {  	[sflag:s16] =	ssyncadd.s32 $0xFFFFC000  }
0xbd: {  	[spmem:s2] =	stream.indirect.scatter.add.f32 [tilespmem:s15], [sflag:$0x3], $0x80, s5, s12, $0xb8;
	[tilespmem:$0x1D000] =	vst v63  }
0xbe: {  	s8 =	simm.s32 $0x100;
	_ =	swait.ge [sflag:s17], $0x4000  }
0xbf: {  	s6 =	simm.s32 $0x200;
	s9 =	rddreg [dreg:$0x4];
	[sflag:s17] =	ssyncset.done $0x0  }
.LBB2_2:
0xc0: {  	[sflag:s17] =	ssyncadd.s32 $0xFFFFC000;
	s9 =	sadd.s32 s8, s9  }
0xc1: {  	[tilespmem:s3], [sflag:$0x4] =	stream.linear.gather [hbm4b:s9+s3], $0x800, $0x38;
	[tilespmem:$0x1D000] =	vst v63  }
0xc2: {  	_ =	swait.ge [sflag:s10], $0x800  }
0xc3: {  	s9 =	rddreg [dreg:$0x3];
	[sflag:s10] =	ssyncset.done $0x0  }
0xc4: {  	[sflag:s10] =	ssyncadd.s32 $0xFFFFF800;
	s9 =	sadd.s32 s8, s9  }
0xc5: {  	[tilespmem:s11], [sflag:$0x4] =	stream.linear.gather [hbm4b:s9+s3], $0x800, $0x38;
	[tilespmem:$0x1D000] =	vst v63  }
0xc6: {  	_ =	swait.ge [sflag:s10], $0x800  }
0xc7: {  	[sflag:s10] =	ssyncset.done $0x0  }
0xc8: {  	[sflag:s10] =	ssyncadd.s32 $0xFFFFF800  }
0xc9: {  	[tilespmem:s13], [sflag:$0x1] =	stream.indirect.gather [hbm4b:s4+s12], $0x80, s3, s12, $0xb8;
	[tilespmem:$0x1D000] =	vst v63  }
0xca: {  	_ =	swait.ge [sflag:s14], $0x4000  }
0xcb: {  	[sflag:s14] =	ssyncset.done $0x0  }
0xcc: {  	[sflag:s14] =	ssyncadd.s32 $0xFFFFC000  }
0xcd: {  	[tilespmem:s15], [sflag:$0x1] =	stream.indirect.gather [hbm4b:s4+s12], $0x80, s12, s12, $0xb8;
	[tilespmem:$0x1D000] =	vst v63  }
0xce: {  	_ = 	snop  }
0xcf: {  	[spmem:s2] =	stream.indirect.scatter.add.f32 [tilespmem:s13], [sflag:$0x2], $0x80, s11, s12, $0xb8;
	[tilespmem:$0x1D000] =	vst v63  }
0xd0: {  	_ =	swait.ge [sflag:s14], $0x4000  }
0xd1: {  	[sflag:s14] =	ssyncset.done $0x0  }
0xd2: {  	[sflag:s14] =	ssyncadd.s32 $0xFFFFC000  }
0xd3: {  	_ =	swait.ge [sflag:s16], $0x4000  }
0xd4: {  	s7 =	smov.u32 s6;
	[sflag:s16] =	ssyncset.done $0x0  }
0xd5: {  	s8 =	smov.u32 s7;
	s7 =	rddreg [dreg:$0x5];
	[sflag:s16] =	ssyncadd.s32 $0xFFFFC000  }
0xd6: {  	[tilespmem:s13], [sflag:$0x1] =	stream.indirect.gather [hbm4b:s4+s12], $0x80, s7, s12, $0xb8;
	[tilespmem:$0x1D000] =	vst v63  }
0xd7: {  	s9 =	rddreg [dreg:$0x6]  }
0xd8: {  	[spmem:s2] =	stream.indirect.scatter.add.f32 [tilespmem:s15], [sflag:$0x3], $0x80, s9, s12, $0xb8;
	[tilespmem:$0x1D000] =	vst v63  }
0xd9: {  	_ =	swait.ge [sflag:s14], $0x4000  }
0xda: {  	[sflag:s14] =	ssyncset.done $0x0  }
0xdb: {  	[sflag:s14] =	ssyncadd.s32 $0xFFFFC000  }
0xdc: {  	_ =	swait.ge [sflag:s17], $0x4000  }
0xdd: {  	[sflag:s17] =	ssyncset.done $0x0  }
0xde: {  	s7 =	rddreg [dreg:$0x7];
	[sflag:s17] =	ssyncadd.s32 $0xFFFFC000  }
0xdf: {  	[tilespmem:s15], [sflag:$0x1] =	stream.indirect.gather [hbm4b:s4+s12], $0x80, s7, s12, $0xb8;
	[tilespmem:$0x1D000] =	vst v63  }
0xe0: {  	s9 =	rddreg [dreg:$0x8]  }
0xe1: {  	[spmem:s2] =	stream.indirect.scatter.add.f32 [tilespmem:s13], [sflag:$0x2], $0x80, s9, s12, $0xb8;
	[tilespmem:$0x1D000] =	vst v63  }
0xe2: {  	_ =	swait.ge [sflag:s14], $0x4000  }
0xe3: {  	[sflag:s14] =	ssyncset.done $0x0  }
0xe4: {  	[sflag:s14] =	ssyncadd.s32 $0xFFFFC000  }
0xe5: {  	_ =	swait.ge [sflag:s16], $0x4000  }
0xe6: {  	[sflag:s16] =	ssyncset.done $0x0  }
0xe7: {  	s7 =	rddreg [dreg:$0x9];
	[sflag:s16] =	ssyncadd.s32 $0xFFFFC000  }
0xe8: {  	[tilespmem:s13], [sflag:$0x1] =	stream.indirect.gather [hbm4b:s4+s12], $0x80, s7, s12, $0xb8;
	[tilespmem:$0x1D000] =	vst v63  }
0xe9: {  	s9 =	rddreg [dreg:$0xa]  }
0xea: {  	[spmem:s2] =	stream.indirect.scatter.add.f32 [tilespmem:s15], [sflag:$0x3], $0x80, s9, s12, $0xb8;
	[tilespmem:$0x1D000] =	vst v63  }
0xeb: {  	_ =	swait.ge [sflag:s14], $0x4000  }
0xec: {  	[sflag:s14] =	ssyncset.done $0x0  }
0xed: {  	[sflag:s14] =	ssyncadd.s32 $0xFFFFC000  }
0xee: {  	_ =	swait.ge [sflag:s17], $0x4000  }
0xef: {  	[sflag:s17] =	ssyncset.done $0x0  }
0xf0: {  	s7 =	rddreg [dreg:$0xb];
	[sflag:s17] =	ssyncadd.s32 $0xFFFFC000  }
0xf1: {  	[tilespmem:s15], [sflag:$0x1] =	stream.indirect.gather [hbm4b:s4+s12], $0x80, s7, s12, $0xb8;
	[tilespmem:$0x1D000] =	vst v63  }
0xf2: {  	s9 =	rddreg [dreg:$0xc]  }
0xf3: {  	[spmem:s2] =	stream.indirect.scatter.add.f32 [tilespmem:s13], [sflag:$0x2], $0x80, s9, s12, $0xb8;
	[tilespmem:$0x1D000] =	vst v63  }
0xf4: {  	_ =	swait.ge [sflag:s14], $0x4000  }
0xf5: {  	[sflag:s14] =	ssyncset.done $0x0  }
0xf6: {  	[sflag:s14] =	ssyncadd.s32 $0xFFFFC000  }
0xf7: {  	_ =	swait.ge [sflag:s16], $0x4000  }
0xf8: {  	[sflag:s16] =	ssyncset.done $0x0  }
0xf9: {  	s7 =	rddreg [dreg:$0xd];
	[sflag:s16] =	ssyncadd.s32 $0xFFFFC000  }
0xfa: {  	[tilespmem:s13], [sflag:$0x1] =	stream.indirect.gather [hbm4b:s4+s12], $0x80, s7, s12, $0xb8;
	[tilespmem:$0x1D000] =	vst v63  }
0xfb: {  	s9 =	rddreg [dreg:$0xe]  }
0xfc: {  	[spmem:s2] =	stream.indirect.scatter.add.f32 [tilespmem:s15], [sflag:$0x3], $0x80, s9, s12, $0xb8;
	[tilespmem:$0x1D000] =	vst v63  }
0xfd: {  	_ =	swait.ge [sflag:s14], $0x4000  }
0xfe: {  	[sflag:s14] =	ssyncset.done $0x0  }
0xff: {  	[sflag:s14] =	ssyncadd.s32 $0xFFFFC000  }
0x100: {  	_ =	swait.ge [sflag:s17], $0x4000  }
0x101: {  	[sflag:s17] =	ssyncset.done $0x0  }
0x102: {  	s7 =	rddreg [dreg:$0xf];
	[sflag:s17] =	ssyncadd.s32 $0xFFFFC000  }
0x103: {  	[tilespmem:s15], [sflag:$0x1] =	stream.indirect.gather [hbm4b:s4+s12], $0x80, s7, s12, $0xb8;
	[tilespmem:$0x1D000] =	vst v63  }
0x104: {  	s9 =	rddreg [dreg:$0x10]  }
0x105: {  	[spmem:s2] =	stream.indirect.scatter.add.f32 [tilespmem:s13], [sflag:$0x2], $0x80, s9, s12, $0xb8;
	[tilespmem:$0x1D000] =	vst v63  }
0x106: {  	_ =	swait.ge [sflag:s14], $0x4000  }
0x107: {  	[sflag:s14] =	ssyncset.done $0x0  }
0x108: {  	[sflag:s14] =	ssyncadd.s32 $0xFFFFC000  }
0x109: {  	_ =	swait.ge [sflag:s16], $0x4000  }
0x10a: {  	[sflag:s16] =	ssyncset.done $0x0  }
0x10b: {  	s9 =	rddreg [dreg:$0x11];
	[sflag:s16] =	ssyncadd.s32 $0xFFFFC000  }
0x10c: {  	[tilespmem:s13], [sflag:$0x1] =	stream.indirect.gather [hbm4b:s4+s12], $0x80, s9, s12, $0xb8;
	[tilespmem:$0x1D000] =	vst v63  }
0x10d: {  	_ = 	snop  }
0x10e: {  	[spmem:s2] =	stream.indirect.scatter.add.f32 [tilespmem:s15], [sflag:$0x3], $0x80, s18, s12, $0xb8;
	[tilespmem:$0x1D000] =	vst v63  }
0x10f: {  	_ =	swait.ge [sflag:s14], $0x4000  }
0x110: {  	[sflag:s14] =	ssyncset.done $0x0  }
0x111: {  	[sflag:s14] =	ssyncadd.s32 $0xFFFFC000  }
0x112: {  	_ =	swait.ge [sflag:s17], $0x4000  }
0x113: {  	[sflag:s17] =	ssyncset.done $0x0  }
0x114: {  	[sflag:s17] =	ssyncadd.s32 $0xFFFFC000  }
0x115: {  	[tilespmem:s15], [sflag:$0x1] =	stream.indirect.gather [hbm4b:s4+s12], $0x80, s19, s12, $0xb8;
	[tilespmem:$0x1D000] =	vst v63  }
0x116: {  	_ = 	snop  }
0x117: {  	[spmem:s2] =	stream.indirect.scatter.add.f32 [tilespmem:s13], [sflag:$0x2], $0x80, s20, s12, $0xb8;
	[tilespmem:$0x1D000] =	vst v63  }
0x118: {  	_ =	swait.ge [sflag:s14], $0x4000  }
0x119: {  	[sflag:s14] =	ssyncset.done $0x0  }
0x11a: {  	[sflag:s14] =	ssyncadd.s32 $0xFFFFC000  }
0x11b: {  	_ =	swait.ge [sflag:s16], $0x4000  }
0x11c: {  	[sflag:s16] =	ssyncset.done $0x0  }
0x11d: {  	[sflag:s16] =	ssyncadd.s32 $0xFFFFC000  }
0x11e: {  	[tilespmem:s13], [sflag:$0x1] =	stream.indirect.gather [hbm4b:s4+s12], $0x80, s21, s12, $0xb8;
	[tilespmem:$0x1D000] =	vst v63  }
0x11f: {  	_ = 	snop  }
0x120: {  	[spmem:s2] =	stream.indirect.scatter.add.f32 [tilespmem:s15], [sflag:$0x3], $0x80, s22, s12, $0xb8;
	[tilespmem:$0x1D000] =	vst v63  }
0x121: {  	_ =	swait.ge [sflag:s14], $0x4000  }
0x122: {  	[sflag:s14] =	ssyncset.done $0x0  }
0x123: {  	[sflag:s14] =	ssyncadd.s32 $0xFFFFC000  }
0x124: {  	_ =	swait.ge [sflag:s17], $0x4000  }
0x125: {  	[sflag:s17] =	ssyncset.done $0x0  }
0x126: {  	[sflag:s17] =	ssyncadd.s32 $0xFFFFC000  }
0x127: {  	[tilespmem:s15], [sflag:$0x1] =	stream.indirect.gather [hbm4b:s4+s12], $0x80, s23, s12, $0xb8;
	[tilespmem:$0x1D000] =	vst v63  }
0x128: {  	_ = 	snop  }
0x129: {  	[spmem:s2] =	stream.indirect.scatter.add.f32 [tilespmem:s13], [sflag:$0x2], $0x80, s24, s12, $0xb8;
	[tilespmem:$0x1D000] =	vst v63  }
0x12a: {  	_ =	swait.ge [sflag:s14], $0x4000  }
0x12b: {  	[sflag:s14] =	ssyncset.done $0x0  }
0x12c: {  	[sflag:s14] =	ssyncadd.s32 $0xFFFFC000  }
0x12d: {  	_ =	swait.ge [sflag:s16], $0x4000  }
0x12e: {  	[sflag:s16] =	ssyncset.done $0x0  }
0x12f: {  	[sflag:s16] =	ssyncadd.s32 $0xFFFFC000  }
0x130: {  	[tilespmem:s13], [sflag:$0x1] =	stream.indirect.gather [hbm4b:s4+s12], $0x80, s25, s12, $0xb8;
	[tilespmem:$0x1D000] =	vst v63  }
0x131: {  	_ = 	snop  }
0x132: {  	[spmem:s2] =	stream.indirect.scatter.add.f32 [tilespmem:s15], [sflag:$0x3], $0x80, s26, s12, $0xb8;
	[tilespmem:$0x1D000] =	vst v63  }
0x133: {  	_ =	swait.ge [sflag:s14], $0x4000  }
0x134: {  	[sflag:s14] =	ssyncset.done $0x0  }
0x135: {  	[sflag:s14] =	ssyncadd.s32 $0xFFFFC000  }
0x136: {  	_ =	swait.ge [sflag:s17], $0x4000  }
0x137: {  	[sflag:s17] =	ssyncset.done $0x0  }
0x138: {  	[sflag:s17] =	ssyncadd.s32 $0xFFFFC000  }
0x139: {  	[tilespmem:s15], [sflag:$0x1] =	stream.indirect.gather [hbm4b:s4+s12], $0x80, s28, s12, $0xb8;
	[tilespmem:$0x1D000] =	vst v63  }
0x13a: {  	_ = 	snop  }
0x13b: {  	[spmem:s2] =	stream.indirect.scatter.add.f32 [tilespmem:s13], [sflag:$0x2], $0x80, s29, s12, $0xb8;
	[tilespmem:$0x1D000] =	vst v63  }
0x13c: {  	_ =	swait.ge [sflag:s14], $0x4000  }
0x13d: {  	[sflag:s14] =	ssyncset.done $0x0  }
0x13e: {  	[sflag:s14] =	ssyncadd.s32 $0xFFFFC000  }
0x13f: {  	_ =	swait.ge [sflag:s16], $0x4000  }
0x140: {  	[sflag:s16] =	ssyncset.done $0x0  }
0x141: {  	[sflag:s16] =	ssyncadd.s32 $0xFFFFC000  }
0x142: {  	[tilespmem:s13], [sflag:$0x1] =	stream.indirect.gather [hbm4b:s4+s12], $0x80, s30, s12, $0xb8;
	[tilespmem:$0x1D000] =	vst v63  }
0x143: {  	_ = 	snop  }
0x144: {  	[spmem:s2] =	stream.indirect.scatter.add.f32 [tilespmem:s15], [sflag:$0x3], $0x80, s31, s12, $0xb8;
	[tilespmem:$0x1D000] =	vst v63  }
0x145: {  	_ =	swait.ge [sflag:s14], $0x4000  }
0x146: {  	[sflag:s14] =	ssyncset.done $0x0  }
0x147: {  	[sflag:s14] =	ssyncadd.s32 $0xFFFFC000  }
0x148: {  	_ =	swait.ge [sflag:s17], $0x4000  }
0x149: {  	[sflag:s17] =	ssyncset.done $0x0  }
0x14a: {  	[sflag:s17] =	ssyncadd.s32 $0xFFFFC000  }
0x14b: {  	[tilespmem:s15], [sflag:$0x1] =	stream.indirect.gather [hbm4b:s4+s12], $0x80, s1, s12, $0xb8;
	[tilespmem:$0x1D000] =	vst v63  }
0x14c: {  	_ = 	snop  }
0x14d: {  	[spmem:s2] =	stream.indirect.scatter.add.f32 [tilespmem:s13], [sflag:$0x2], $0x80, s0, s12, $0xb8;
	[tilespmem:$0x1D000] =	vst v63  }
0x14e: {  	_ =	swait.ge [sflag:s14], $0x4000  }
0x14f: {  	[sflag:s14] =	ssyncset.done $0x0  }
0x150: {  	[sflag:s14] =	ssyncadd.s32 $0xFFFFC000  }
0x151: {  	p0 =	sne.s32 s6, $0x400;
	_ =	swait.ge [sflag:s16], $0x4000  }
.Ltmp0:
0x152: {  	[sflag:s16] =	ssyncset.done $0x0;
	(pc) =	sbr.rel @p0 .LBB2_2-.Ltmp0, $4  }
0x153: {  	[sflag:s16] =	ssyncadd.s32 $0xFFFFC000  }
0x154: {  	[spmem:s2] =	stream.indirect.scatter.add.f32 [tilespmem:s15], [sflag:$0x3], $0x80, s5, s12, $0xb8;
	[tilespmem:$0x1D000] =	vst v63  }
0x155: {  	_ =	swait.ge [sflag:s17], $0x4000  }
0x156: {  	s6 =	sadd.s32 $0x100, s6;
	s9 =	rddreg [dreg:$0x4];
	[sflag:s17] =	ssyncset.done $0x0  }
0x157: {  	[sflag:s17] =	ssyncadd.s32 $0xFFFFC000;
	s6 =	sadd.s32 s8, s9  }
0x158: {  	[tilespmem:s3], [sflag:$0x4] =	stream.linear.gather [hbm4b:s6+s3], $0x800, $0x38;
	[tilespmem:$0x1D000] =	vst v63  }
0x159: {  	_ =	swait.ge [sflag:s10], $0x800  }
0x15a: {  	s7 =	rddreg [dreg:$0x3];
	[sflag:s10] =	ssyncset.done $0x0  }
0x15b: {  	[sflag:s10] =	ssyncadd.s32 $0xFFFFF800;
	s6 =	sadd.s32 s8, s7  }
0x15c: {  	[tilespmem:s11], [sflag:$0x4] =	stream.linear.gather [hbm4b:s6+s3], $0x800, $0x38;
	[tilespmem:$0x1D000] =	vst v63  }
0x15d: {  	_ =	swait.ge [sflag:s10], $0x800  }
0x15e: {  	[sflag:s10] =	ssyncset.done $0x0  }
0x15f: {  	[sflag:s10] =	ssyncadd.s32 $0xFFFFF800  }
0x160: {  	[tilespmem:s13], [sflag:$0x1] =	stream.indirect.gather [hbm4b:s4+s12], $0x80, s3, s12, $0xb8;
	[tilespmem:$0x1D000] =	vst v63  }
0x161: {  	_ =	swait.ge [sflag:s14], $0x4000  }
0x162: {  	[sflag:s14] =	ssyncset.done $0x0  }
0x163: {  	[sflag:s14] =	ssyncadd.s32 $0xFFFFC000  }
0x164: {  	[tilespmem:s15], [sflag:$0x1] =	stream.indirect.gather [hbm4b:s4+s12], $0x80, s12, s12, $0xb8;
	[tilespmem:$0x1D000] =	vst v63  }
0x165: {  	_ = 	snop  }
0x166: {  	[spmem:s2] =	stream.indirect.scatter.add.f32 [tilespmem:s13], [sflag:$0x2], $0x80, s11, s12, $0xb8;
	[tilespmem:$0x1D000] =	vst v63  }
0x167: {  	_ =	swait.ge [sflag:s14], $0x4000  }
0x168: {  	[sflag:s14] =	ssyncset.done $0x0  }
0x169: {  	[sflag:s14] =	ssyncadd.s32 $0xFFFFC000  }
0x16a: {  	_ =	swait.ge [sflag:s16], $0x4000  }
0x16b: {  	[sflag:s16] =	ssyncset.done $0x0  }
0x16c: {  	s9 =	rddreg [dreg:$0x5];
	[sflag:s16] =	ssyncadd.s32 $0xFFFFC000  }
0x16d: {  	[tilespmem:s13], [sflag:$0x1] =	stream.indirect.gather [hbm4b:s4+s12], $0x80, s9, s12, $0xb8;
	[tilespmem:$0x1D000] =	vst v63  }
0x16e: {  	s7 =	rddreg [dreg:$0x6]  }
0x16f: {  	[spmem:s2] =	stream.indirect.scatter.add.f32 [tilespmem:s15], [sflag:$0x3], $0x80, s7, s12, $0xb8;
	[tilespmem:$0x1D000] =	vst v63  }
0x170: {  	_ =	swait.ge [sflag:s14], $0x4000  }
0x171: {  	[sflag:s14] =	ssyncset.done $0x0  }
0x172: {  	[sflag:s14] =	ssyncadd.s32 $0xFFFFC000  }
0x173: {  	_ =	swait.ge [sflag:s17], $0x4000  }
0x174: {  	[sflag:s17] =	ssyncset.done $0x0  }
0x175: {  	s8 =	rddreg [dreg:$0x7];
	[sflag:s17] =	ssyncadd.s32 $0xFFFFC000  }
0x176: {  	[tilespmem:s15], [sflag:$0x1] =	stream.indirect.gather [hbm4b:s4+s12], $0x80, s8, s12, $0xb8;
	[tilespmem:$0x1D000] =	vst v63  }
0x177: {  	s9 =	rddreg [dreg:$0x8]  }
0x178: {  	[spmem:s2] =	stream.indirect.scatter.add.f32 [tilespmem:s13], [sflag:$0x2], $0x80, s9, s12, $0xb8;
	[tilespmem:$0x1D000] =	vst v63  }
0x179: {  	_ =	swait.ge [sflag:s14], $0x4000  }
0x17a: {  	[sflag:s14] =	ssyncset.done $0x0  }
0x17b: {  	[sflag:s14] =	ssyncadd.s32 $0xFFFFC000  }
0x17c: {  	_ =	swait.ge [sflag:s16], $0x4000  }
0x17d: {  	[sflag:s16] =	ssyncset.done $0x0  }
0x17e: {  	s8 =	rddreg [dreg:$0x9];
	[sflag:s16] =	ssyncadd.s32 $0xFFFFC000  }
0x17f: {  	[tilespmem:s13], [sflag:$0x1] =	stream.indirect.gather [hbm4b:s4+s12], $0x80, s8, s12, $0xb8;
	[tilespmem:$0x1D000] =	vst v63  }
0x180: {  	s9 =	rddreg [dreg:$0xa]  }
0x181: {  	[spmem:s2] =	stream.indirect.scatter.add.f32 [tilespmem:s15], [sflag:$0x3], $0x80, s9, s12, $0xb8;
	[tilespmem:$0x1D000] =	vst v63  }
0x182: {  	_ =	swait.ge [sflag:s14], $0x4000  }
0x183: {  	[sflag:s14] =	ssyncset.done $0x0  }
0x184: {  	[sflag:s14] =	ssyncadd.s32 $0xFFFFC000  }
0x185: {  	_ =	swait.ge [sflag:s17], $0x4000  }
0x186: {  	[sflag:s17] =	ssyncset.done $0x0  }
0x187: {  	s8 =	rddreg [dreg:$0xb];
	[sflag:s17] =	ssyncadd.s32 $0xFFFFC000  }
0x188: {  	[tilespmem:s15], [sflag:$0x1] =	stream.indirect.gather [hbm4b:s4+s12], $0x80, s8, s12, $0xb8;
	[tilespmem:$0x1D000] =	vst v63  }
0x189: {  	s9 =	rddreg [dreg:$0xc]  }
0x18a: {  	[spmem:s2] =	stream.indirect.scatter.add.f32 [tilespmem:s13], [sflag:$0x2], $0x80, s9, s12, $0xb8;
	[tilespmem:$0x1D000] =	vst v63  }
0x18b: {  	_ =	swait.ge [sflag:s14], $0x4000  }
0x18c: {  	[sflag:s14] =	ssyncset.done $0x0  }
0x18d: {  	[sflag:s14] =	ssyncadd.s32 $0xFFFFC000  }
0x18e: {  	_ =	swait.ge [sflag:s16], $0x4000  }
0x18f: {  	[sflag:s16] =	ssyncset.done $0x0  }
0x190: {  	s8 =	rddreg [dreg:$0xd];
	[sflag:s16] =	ssyncadd.s32 $0xFFFFC000  }
0x191: {  	[tilespmem:s13], [sflag:$0x1] =	stream.indirect.gather [hbm4b:s4+s12], $0x80, s8, s12, $0xb8;
	[tilespmem:$0x1D000] =	vst v63  }
0x192: {  	s9 =	rddreg [dreg:$0xe]  }
0x193: {  	[spmem:s2] =	stream.indirect.scatter.add.f32 [tilespmem:s15], [sflag:$0x3], $0x80, s9, s12, $0xb8;
	[tilespmem:$0x1D000] =	vst v63  }
0x194: {  	_ =	swait.ge [sflag:s14], $0x4000  }
0x195: {  	[sflag:s14] =	ssyncset.done $0x0  }
0x196: {  	[sflag:s14] =	ssyncadd.s32 $0xFFFFC000  }
0x197: {  	_ =	swait.ge [sflag:s17], $0x4000  }
0x198: {  	[sflag:s17] =	ssyncset.done $0x0  }
0x199: {  	s8 =	rddreg [dreg:$0xf];
	[sflag:s17] =	ssyncadd.s32 $0xFFFFC000  }
0x19a: {  	[tilespmem:s15], [sflag:$0x1] =	stream.indirect.gather [hbm4b:s4+s12], $0x80, s8, s12, $0xb8;
	[tilespmem:$0x1D000] =	vst v63  }
0x19b: {  	s9 =	rddreg [dreg:$0x10]  }
0x19c: {  	[spmem:s2] =	stream.indirect.scatter.add.f32 [tilespmem:s13], [sflag:$0x2], $0x80, s9, s12, $0xb8;
	[tilespmem:$0x1D000] =	vst v63  }
0x19d: {  	_ =	swait.ge [sflag:s14], $0x4000  }
0x19e: {  	[sflag:s14] =	ssyncset.done $0x0  }
0x19f: {  	[sflag:s14] =	ssyncadd.s32 $0xFFFFC000  }
0x1a0: {  	_ =	swait.ge [sflag:s16], $0x4000  }
0x1a1: {  	[sflag:s16] =	ssyncset.done $0x0  }
0x1a2: {  	s8 =	rddreg [dreg:$0x11];
	[sflag:s16] =	ssyncadd.s32 $0xFFFFC000  }
0x1a3: {  	[tilespmem:s13], [sflag:$0x1] =	stream.indirect.gather [hbm4b:s4+s12], $0x80, s8, s12, $0xb8;
	[tilespmem:$0x1D000] =	vst v63  }
0x1a4: {  	_ = 	snop  }
0x1a5: {  	[spmem:s2] =	stream.indirect.scatter.add.f32 [tilespmem:s15], [sflag:$0x3], $0x80, s18, s12, $0xb8;
	[tilespmem:$0x1D000] =	vst v63  }
0x1a6: {  	_ =	swait.ge [sflag:s14], $0x4000  }
0x1a7: {  	[sflag:s14] =	ssyncset.done $0x0  }
0x1a8: {  	[sflag:s14] =	ssyncadd.s32 $0xFFFFC000  }
0x1a9: {  	_ =	swait.ge [sflag:s17], $0x4000  }
0x1aa: {  	[sflag:s17] =	ssyncset.done $0x0  }
0x1ab: {  	[sflag:s17] =	ssyncadd.s32 $0xFFFFC000  }
0x1ac: {  	[tilespmem:s15], [sflag:$0x1] =	stream.indirect.gather [hbm4b:s4+s12], $0x80, s19, s12, $0xb8;
	[tilespmem:$0x1D000] =	vst v63  }
0x1ad: {  	_ = 	snop  }
0x1ae: {  	[spmem:s2] =	stream.indirect.scatter.add.f32 [tilespmem:s13], [sflag:$0x2], $0x80, s20, s12, $0xb8;
	[tilespmem:$0x1D000] =	vst v63  }
0x1af: {  	_ =	swait.ge [sflag:s14], $0x4000  }
0x1b0: {  	[sflag:s14] =	ssyncset.done $0x0  }
0x1b1: {  	[sflag:s14] =	ssyncadd.s32 $0xFFFFC000  }
0x1b2: {  	_ =	swait.ge [sflag:s16], $0x4000  }
0x1b3: {  	[sflag:s16] =	ssyncset.done $0x0  }
0x1b4: {  	[sflag:s16] =	ssyncadd.s32 $0xFFFFC000  }
0x1b5: {  	[tilespmem:s13], [sflag:$0x1] =	stream.indirect.gather [hbm4b:s4+s12], $0x80, s21, s12, $0xb8;
	[tilespmem:$0x1D000] =	vst v63  }
0x1b6: {  	_ = 	snop  }
0x1b7: {  	[spmem:s2] =	stream.indirect.scatter.add.f32 [tilespmem:s15], [sflag:$0x3], $0x80, s22, s12, $0xb8;
	[tilespmem:$0x1D000] =	vst v63  }
0x1b8: {  	_ =	swait.ge [sflag:s14], $0x4000  }
0x1b9: {  	[sflag:s14] =	ssyncset.done $0x0  }
0x1ba: {  	[sflag:s14] =	ssyncadd.s32 $0xFFFFC000  }
0x1bb: {  	_ =	swait.ge [sflag:s17], $0x4000  }
0x1bc: {  	[sflag:s17] =	ssyncset.done $0x0  }
0x1bd: {  	[sflag:s17] =	ssyncadd.s32 $0xFFFFC000  }
0x1be: {  	[tilespmem:s15], [sflag:$0x1] =	stream.indirect.gather [hbm4b:s4+s12], $0x80, s23, s12, $0xb8;
	[tilespmem:$0x1D000] =	vst v63  }
0x1bf: {  	_ = 	snop  }
0x1c0: {  	[spmem:s2] =	stream.indirect.scatter.add.f32 [tilespmem:s13], [sflag:$0x2], $0x80, s24, s12, $0xb8;
	[tilespmem:$0x1D000] =	vst v63  }
0x1c1: {  	_ =	swait.ge [sflag:s14], $0x4000  }
0x1c2: {  	[sflag:s14] =	ssyncset.done $0x0  }
0x1c3: {  	[sflag:s14] =	ssyncadd.s32 $0xFFFFC000  }
0x1c4: {  	_ =	swait.ge [sflag:s16], $0x4000  }
0x1c5: {  	[sflag:s16] =	ssyncset.done $0x0  }
0x1c6: {  	[sflag:s16] =	ssyncadd.s32 $0xFFFFC000  }
0x1c7: {  	[tilespmem:s13], [sflag:$0x1] =	stream.indirect.gather [hbm4b:s4+s12], $0x80, s25, s12, $0xb8;
	[tilespmem:$0x1D000] =	vst v63  }
0x1c8: {  	_ = 	snop  }
0x1c9: {  	[spmem:s2] =	stream.indirect.scatter.add.f32 [tilespmem:s15], [sflag:$0x3], $0x80, s26, s12, $0xb8;
	[tilespmem:$0x1D000] =	vst v63  }
0x1ca: {  	_ =	swait.ge [sflag:s14], $0x4000  }
0x1cb: {  	[sflag:s14] =	ssyncset.done $0x0  }
0x1cc: {  	[sflag:s14] =	ssyncadd.s32 $0xFFFFC000  }
0x1cd: {  	_ =	swait.ge [sflag:s17], $0x4000  }
0x1ce: {  	[sflag:s17] =	ssyncset.done $0x0  }
0x1cf: {  	[sflag:s17] =	ssyncadd.s32 $0xFFFFC000  }
0x1d0: {  	[tilespmem:s15], [sflag:$0x1] =	stream.indirect.gather [hbm4b:s4+s12], $0x80, s28, s12, $0xb8;
	[tilespmem:$0x1D000] =	vst v63  }
0x1d1: {  	_ = 	snop  }
0x1d2: {  	[spmem:s2] =	stream.indirect.scatter.add.f32 [tilespmem:s13], [sflag:$0x2], $0x80, s29, s12, $0xb8;
	[tilespmem:$0x1D000] =	vst v63  }
0x1d3: {  	_ =	swait.ge [sflag:s14], $0x4000  }
0x1d4: {  	[sflag:s14] =	ssyncset.done $0x0  }
0x1d5: {  	[sflag:s14] =	ssyncadd.s32 $0xFFFFC000  }
0x1d6: {  	_ =	swait.ge [sflag:s16], $0x4000  }
0x1d7: {  	[sflag:s16] =	ssyncset.done $0x0  }
0x1d8: {  	[sflag:s16] =	ssyncadd.s32 $0xFFFFC000  }
0x1d9: {  	[tilespmem:s13], [sflag:$0x1] =	stream.indirect.gather [hbm4b:s4+s12], $0x80, s30, s12, $0xb8;
	[tilespmem:$0x1D000] =	vst v63  }
0x1da: {  	_ = 	snop  }
0x1db: {  	[spmem:s2] =	stream.indirect.scatter.add.f32 [tilespmem:s15], [sflag:$0x3], $0x80, s31, s12, $0xb8;
	[tilespmem:$0x1D000] =	vst v63  }
0x1dc: {  	_ =	swait.ge [sflag:s14], $0x4000  }
0x1dd: {  	[sflag:s14] =	ssyncset.done $0x0  }
0x1de: {  	[sflag:s14] =	ssyncadd.s32 $0xFFFFC000  }
0x1df: {  	_ =	swait.ge [sflag:s17], $0x4000  }
0x1e0: {  	[sflag:s17] =	ssyncset.done $0x0  }
0x1e1: {  	[sflag:s17] =	ssyncadd.s32 $0xFFFFC000  }
0x1e2: {  	[tilespmem:s15], [sflag:$0x1] =	stream.indirect.gather [hbm4b:s4+s12], $0x80, s1, s12, $0xb8;
	[tilespmem:$0x1D000] =	vst v63  }
0x1e3: {  	_ = 	snop  }
0x1e4: {  	[spmem:s2] =	stream.indirect.scatter.add.f32 [tilespmem:s13], [sflag:$0x2], $0x80, s0, s12, $0xb8;
	[tilespmem:$0x1D000] =	vst v63  }
0x1e5: {  	_ =	swait.ge [sflag:s14], $0x4000  }
0x1e6: {  	[sflag:s14] =	ssyncset.done $0x0  }
0x1e7: {  	[sflag:s14] =	ssyncadd.s32 $0xFFFFC000  }
0x1e8: {  	_ =	swait.ge [sflag:s16], $0x4000  }
0x1e9: {  	[sflag:s16] =	ssyncset.done $0x0  }
0x1ea: {  	[sflag:s16] =	ssyncadd.s32 $0xFFFFC000  }
0x1eb: {  	[spmem:s2] =	stream.indirect.scatter.add.f32 [tilespmem:s15], [sflag:$0x3], $0x80, s5, s12, $0xb8;
	[tilespmem:$0x1D000] =	vst v63  }
0x1ec: {  	_ =	swait.ge [sflag:s17], $0x4000  }
0x1ed: {  	[sflag:s17] =	ssyncset.done $0x0  }
0x1ee: {  	[sflag:s17] =	ssyncadd.s32 $0xFFFFC000  }
0x1ef: {  	[bflag:$0x0] =	sbarrier.arrive $0xFFFF  }
0x1f0: {  	s7 =	rddreg [dreg:$0x13]  }
0x1f1: {  	s9 =	rddreg [dreg:$0x14]  }
0x1f2: {  	s8 =	rddreg [dreg:$0x16]  }
0x1f3: {  	[hbm:s9], [sflag:s7] =	dma.local [spmem:s8], $0x2800  }
0x1f4: {  	_ =	swait.ge [sflag:s10], $0x2800  }
0x1f5: {  	s6 =	rddreg [dreg:$0x17]  }
0x1f6: {  	s9 =	sadd.s32 $0x1, s6;
	s6 =	rddreg [dreg:$0x15]  }
0x1f7: {  	p0 =	sne.s32 s9, s6  }
.Ltmp1:
0x1f8: {  	_ = 	snop;
	(pc) =	sbr.rel @p0 .LBB2_1-.Ltmp1, $3  }
0x1f9: {  	_ =	sdelay $0x1  }
0x1fa: {  	[sflag:s10] =	ssyncset.done $0x0  }
0x1fb: {  	[sflag:s10] =	ssyncadd.s32 $0xFFFFD800  }
0x1fc: {  	_ =	sfence.sel $0x180000  }
0x1fd: {  	[bflag:$0x0] =	sbarrier.arrive $0xFFFF  }
0x1fe: {  	_ =	strace $0x90000050  }
0x1ff: {  	s0 =	stileid.u32;
	[bflag:$0x2] =	sbarrier.arrive $0xFFFF  }
0x200: {  	p0 =	sne.s32 s0, $0x0;
	s0 =	rddreg [dreg:$0x2]  }
0x201: {  	s0 =	sadd.s32 @!p0 $0x100000, s0  }
0x202: {  	[sflag:s0] =	ssyncadd.tile.s32 @!p0 $0x1;
	_ =	shalt  }
.Lfunc_end2:
_tile_overlayer_lowered:
.L_overlay_start_2:
0x203: {  	(tag) =	ssettag $0x2  }
0x204: {  	s0 =	rddreg [dreg:$0x0];
	s2 =	stileid.u32  }
0x205: {  	s1 =	rddreg [dreg:$0x1];
	p0 =	sne.s32 s2, $0x0  }
0x206: {  	s3 =	rddreg [dreg:$0x2];
	[bflag:$0x3] =	sbarrier.arrive $0xFFFF;
	s2 =	simm.s32 @!p0 $0x1C04  }
0x207: {  	[timem:s3], [sflag:s2] =	dma.local @!p0 [hbm:s0], s1  }
0x208: {  	s0 =	simm.s32 @!p0 $0x4  }
0x209: {  	_ =	swait.ge @!p0 [sflag:s0], s1  }
0x20a: {  	s1 =	ssub.s32 @!p0 $0x0, s1;
	[sflag:s0] =	ssyncset.done @!p0 $0x0  }
0x20b: {  	[sflag:s0] =	ssyncadd.s32 @!p0 s1  }
0x20c: {  	[bflag:$0x3] =	sbarrier.arrive $0xFFFF  }
0x20d: {  	_ =	shalt  }

</sc_bundles>
